<compile_context>
chip_gen: v7x
topology: tpu7x:2x2x1
jax: 0.10.2.dev20260603
libtpu: 0.0.44.dev20260713+nightly
codegen_flags: <defaults>
</compile_context>

<pallas_src>
import functools

import jax
import jax.numpy as jnp
from jax import lax
from jax.experimental import pallas as pl
from jax.experimental.pallas import tpu as pltpu
from jax.experimental.pallas import tpu_sc as plsc

_INFO = plsc.get_sparse_core_info()
_NC = _INFO.num_cores
_NS = _INFO.num_subcores
_NW = _NC * _NS
_L = _INFO.num_lanes
_WIN = 128
_D = 8


def _make_sc_call(B, EMB, V):
    b_per_w = B // _NW
    n_groups = b_per_w // _L
    tr = EMB // 8
    mesh = plsc.VectorSubcoreMesh(core_axis_name="c", subcore_axis_name="s")

    @functools.partial(
        pl.kernel,
        out_type=jax.ShapeDtypeStruct((B,), jnp.float32),
        mesh=mesh,
        compiler_params=pltpu.CompilerParams(needs_layout_passes=False),
        scratch_types=[
            pltpu.VMEM((b_per_w,), jnp.int32),
            pltpu.VMEM((b_per_w,), jnp.int32),
            pltpu.VMEM((_D, tr, 8, _WIN), jnp.float32),
            pltpu.VMEM((_D, tr, 8, _WIN), jnp.float32),
            pltpu.VMEM((b_per_w,), jnp.float32),
            pltpu.VMEM((_L,), jnp.float32),
            pltpu.VMEM((_L,), jnp.float32),
        ] + [pltpu.SemaphoreType.DMA] * _D,
    )
    def sc_call(xr, user_t, movie_t, wb, out,
                idx_u, idx_m, win_u, win_m, out_v, w_v, b_v,
                *sems):
        wid = lax.axis_index("s") * _NC + lax.axis_index("c")
        base = wid * b_per_w

        pltpu.sync_copy(xr.at[0, wid], idx_u)
        pltpu.sync_copy(xr.at[1, wid], idx_m)
        pltpu.sync_copy(wb.at[0], w_v)
        pltpu.sync_copy(wb.at[1], b_v)

        def fire(iu, im, parity):
            sem = sems[parity]
            ou = pl.multiple_of(iu - lax.rem(iu, _WIN), _WIN)
            om = pl.multiple_of(im - lax.rem(im, _WIN), _WIN)
            pltpu.async_copy(
                user_t.at[:, :, pl.ds(ou, _WIN)], win_u.at[parity], sem)
            pltpu.async_copy(
                movie_t.at[:, :, pl.ds(om, _WIN)], win_m.at[parity], sem)

        def wait(parity):
            sem = sems[parity]
            pltpu.make_async_copy(
                user_t.at[:, :, pl.ds(0, _WIN)], win_u.at[parity], sem).wait()
            pltpu.make_async_copy(
                movie_t.at[:, :, pl.ds(0, _WIN)], win_m.at[parity], sem).wait()

        w = w_v[...]
        b = b_v[...]
        lanes = lax.iota(jnp.int32, _L)
        tc_lo = lanes // 8
        tc_hi = tc_lo + 2
        ec = lax.rem(lanes, 8)

        def pick(v, lane):
            return jnp.sum(jnp.where(lanes == lane, v, 0))

        iuv0 = idx_u[pl.ds(0, _L)]
        imv0 = idx_m[pl.ds(0, _L)]
        for k in range(_D - 1):
            fire(pick(iuv0, k), pick(imv0, k), k % _D)

        def group(g, carry):
            i0 = g * _L
            iuv = idx_u[pl.ds(i0, _L)]
            imv = idx_m[pl.ds(i0, _L)]
            i1 = jnp.minimum(i0 + _L, b_per_w - _L)
            iuv_n = idx_u[pl.ds(i1, _L)]
            imv_n = idx_m[pl.ds(i1, _L)]
            res = jnp.zeros((_L,), jnp.float32)
            cur_u = [pick(iuv, k) for k in range(_D - 1)]
            cur_m = [pick(imv, k) for k in range(_D - 1)]
            for j in range(_L):
                p = j % _D
                ja = j + _D - 1
                if ja < _L:
                    nxt_iu = pick(iuv, ja)
                    nxt_im = pick(imv, ja)
                else:
                    nxt_iu = pick(iuv_n, ja - _L)
                    nxt_im = pick(imv_n, ja - _L)
                fire(nxt_iu, nxt_im, ja % _D)
                wait(p)
                cu = jnp.full((_L,), lax.rem(cur_u[0], _WIN), jnp.int32)
                cm = jnp.full((_L,), lax.rem(cur_m[0], _WIN), jnp.int32)
                u_lo = plsc.load_gather(win_u.at[p], [tc_lo, ec, cu])
                u_hi = plsc.load_gather(win_u.at[p], [tc_hi, ec, cu])
                m_lo = plsc.load_gather(win_m.at[p], [tc_lo, ec, cm])
                m_hi = plsc.load_gather(win_m.at[p], [tc_hi, ec, cm])
                prod = u_lo * m_lo + u_hi * m_hi
                s = jnp.sum(prod)
                res = jnp.where(lanes == j, s, res)
                cur_u = cur_u[1:] + [nxt_iu]
                cur_m = cur_m[1:] + [nxt_im]
            z = res * w + b
            out_v[pl.ds(i0, _L)] = 1.0 / (1.0 + jnp.exp(-z))
            return carry

        lax.fori_loop(0, n_groups, group, 0)
        for k in range(_D - 1):
            wait((b_per_w + k) % _D)

        pltpu.sync_copy(out_v, out.at[pl.ds(base, b_per_w)])

    return sc_call


def kernel(x, user_table, movie_table, W_fc, b_fc):
    B = x.shape[1]
    V, EMB = user_table.shape
    xr = x.astype(jnp.int32).reshape(2, _NW, B // _NW)
    ut = user_table.T.reshape(EMB // 8, 8, V)
    mt = movie_table.T.reshape(EMB // 8, 8, V)
    wb = jnp.stack([
        jnp.broadcast_to(W_fc.reshape(()), (_L,)),
        jnp.broadcast_to(b_fc.reshape(()), (_L,)),
    ]).astype(jnp.float32)
    out = _make_sc_call(B, EMB, V)(xr, ut, mt, wb)
    return out.reshape(B, 1)

# --- scband reference (transcript-rebuilt; emitter-appended) ---
"""Pipeline reference for scband-user-movie-embedding-61263413510426 (READ-ONLY COPY).

The authoritative reference and input builder live on the scoring server;
editing this copy changes nothing except your own understanding.
"""

import jax, jax.numpy as jnp
import numpy as np

LEN_USERS = 1000000
LEN_MOVIES = 1000000
EMB = 32
B = 16384


def setup_inputs(seed: int = 0) -> dict:
    key = jax.random.key(seed)
    k1, k2, k3, k4 = jax.random.split(key, 4)
    x = jax.random.randint(k1, (2, B), 0, LEN_USERS)
    user_table = jax.random.normal(k2, (LEN_USERS, EMB), dtype=jnp.float32) * 0.05
    movie_table = jax.random.normal(k3, (LEN_MOVIES, EMB), dtype=jnp.float32) * 0.05
    W_fc = jax.random.normal(k4, (1, 1), dtype=jnp.float32) * 0.05
    b_fc = jnp.zeros((1,), dtype=jnp.float32)
    return {"x": x, "user_table": user_table, "movie_table": movie_table, "W_fc": W_fc, "b_fc": b_fc}


def reference(x, user_table, movie_table, W_fc, b_fc):
    # get_embedding: user/movie embedding lookups (modality=() -> plain movie embedding)
    uemb = jnp.take(user_table, x[0], axis=0)   # [B, EMB]
    memb = jnp.take(movie_table, x[1], axis=0)  # [B, EMB]
    # Dot(axes=1): elementwise product summed over embedding dim -> [B, 1]
    m_u = jnp.sum(memb * uemb, axis=1, keepdims=True)
    # Dense(1, sigmoid)
    out = jax.nn.sigmoid(m_u @ W_fc + b_fc)
    return out

if __name__ == "__main__":
    import jax
    _d = setup_inputs()
    print(jax.jit(kernel)(*tuple(_d.values())))

</pallas_src>

<mosaic_0001>
#map = affine_map<(d0, d1) -> (0, 0, 0)>
#map1 = affine_map<(d0, d1) -> (0, 0)>
#map2 = affine_map<(d0, d1) -> (0)>
module attributes {stable_mosaic.version = 14 : i64} {
  func.func @sc_call(%arg0: i32, %arg1: i32, %arg2: memref<2x32x512xi32, #tpu.memory_space<hbm>>, %arg3: memref<4x8x1000000xf32, #tpu.memory_space<hbm>>, %arg4: memref<4x8x1000000xf32, #tpu.memory_space<hbm>>, %arg5: memref<2x16xf32, #tpu.memory_space<hbm>>, %arg6: memref<16384xf32, #tpu.memory_space<hbm>>, %arg7: memref<512xi32, #tpu.memory_space<vmem>>, %arg8: memref<512xi32, #tpu.memory_space<vmem>>, %arg9: memref<8x4x8x128xf32, #tpu.memory_space<vmem>>, %arg10: memref<8x4x8x128xf32, #tpu.memory_space<vmem>>, %arg11: memref<512xf32, #tpu.memory_space<vmem>>, %arg12: memref<16xf32, #tpu.memory_space<vmem>>, %arg13: memref<16xf32, #tpu.memory_space<vmem>>, %arg14: memref<!tpu.dma_semaphore, #tpu.memory_space<semaphore_mem>>, %arg15: memref<!tpu.dma_semaphore, #tpu.memory_space<semaphore_mem>>, %arg16: memref<!tpu.dma_semaphore, #tpu.memory_space<semaphore_mem>>, %arg17: memref<!tpu.dma_semaphore, #tpu.memory_space<semaphore_mem>>, %arg18: memref<!tpu.dma_semaphore, #tpu.memory_space<semaphore_mem>>, %arg19: memref<!tpu.dma_semaphore, #tpu.memory_space<semaphore_mem>>, %arg20: memref<!tpu.dma_semaphore, #tpu.memory_space<semaphore_mem>>, %arg21: memref<!tpu.dma_semaphore, #tpu.memory_space<semaphore_mem>>) attributes {dimension_semantics = [#tpu.dimension_semantics<core_parallel>, #tpu.dimension_semantics<subcore_parallel>], iteration_bounds = array<i64: 2, 16>, scalar_prefetch = 0 : i64, scratch_operands = 15 : i64, tpu.core_type = #tpu.core_type<sc_vector_subcore>, window_params = [{transform_indices = #map}, {transform_indices = #map}, {transform_indices = #map}, {transform_indices = #map1}, {transform_indices = #map2}]} {
    %mul3A = arith.constant 2 : i32
    %mul3A_0 = arith.muli %arg1, %mul3A : i32
    %add3A = arith.addi %mul3A_0, %arg0 : i32
    %mul3A_1 = arith.constant 512 : i32
    %mul3A_2 = arith.muli %add3A, %mul3A_1 : i32
    %run_scoped3A = arith.constant 0 : i32
    "tpu.region"() ({
      %run_scoped3A_741 = tpu.sem_alloc : memref<!tpu.dma_semaphore, #tpu.memory_space<semaphore_mem>>
      %dma_start3A_742 = arith.constant 0 : i32
      %dma_start3A_743 = tpu.memref_slice %arg2[%run_scoped3A, %add3A, %dma_start3A_742] : memref<2x32x512xi32, #tpu.memory_space<hbm>> -> memref<1x1x512xi32, #tpu.memory_space<hbm>>
      %dma_start3A_744 = tpu.memref_squeeze %dma_start3A_743 : memref<1x1x512xi32, #tpu.memory_space<hbm>> -> memref<512xi32, #tpu.memory_space<hbm>>
      %dma_start3A_745 = arith.constant 0 : i32
      %dma_start3A_746 = tpu.memref_slice %arg2[%run_scoped3A, %add3A, %dma_start3A_745] : memref<2x32x512xi32, #tpu.memory_space<hbm>> -> memref<1x1x512xi32, #tpu.memory_space<hbm>>
      %dma_start3A_747 = tpu.memref_squeeze %dma_start3A_746 : memref<1x1x512xi32, #tpu.memory_space<hbm>> -> memref<512xi32, #tpu.memory_space<hbm>>
      tpu.enqueue_dma source(%dma_start3A_747 : memref<512xi32, #tpu.memory_space<hbm>>) target(%arg7 : memref<512xi32, #tpu.memory_space<vmem>>) target_semaphore(%run_scoped3A_741 : memref<!tpu.dma_semaphore, #tpu.memory_space<semaphore_mem>>)
      %dma_wait3A_748 = arith.constant 0 : i32
      %dma_wait3A_749 = tpu.memref_slice %arg2[%run_scoped3A, %add3A, %dma_wait3A_748] : memref<2x32x512xi32, #tpu.memory_space<hbm>> -> memref<1x1x512xi32, #tpu.memory_space<hbm>>
      %dma_wait3A_750 = tpu.memref_squeeze %dma_wait3A_749 : memref<1x1x512xi32, #tpu.memory_space<hbm>> -> memref<512xi32, #tpu.memory_space<hbm>>
      %dma_wait3A_751 = arith.constant 0 : i32
      %dma_wait3A_752 = tpu.memref_slice %arg2[%run_scoped3A, %add3A, %dma_wait3A_751] : memref<2x32x512xi32, #tpu.memory_space<hbm>> -> memref<1x1x512xi32, #tpu.memory_space<hbm>>
      %dma_wait3A_753 = tpu.memref_squeeze %dma_wait3A_752 : memref<1x1x512xi32, #tpu.memory_space<hbm>> -> memref<512xi32, #tpu.memory_space<hbm>>
      tpu.wait_dma2 semaphore(%run_scoped3A_741 : memref<!tpu.dma_semaphore, #tpu.memory_space<semaphore_mem>>) src(%dma_wait3A_753 : memref<512xi32, #tpu.memory_space<hbm>>) dst(%arg7 : memref<512xi32, #tpu.memory_space<vmem>>)
      tpu.yield
    }) : () -> ()
    %run_scoped3A_3 = arith.constant 1 : i32
    "tpu.region"() ({
      %run_scoped3A_741 = tpu.sem_alloc : memref<!tpu.dma_semaphore, #tpu.memory_space<semaphore_mem>>
      %dma_start3A_742 = arith.constant 0 : i32
      %dma_start3A_743 = tpu.memref_slice %arg2[%run_scoped3A_3, %add3A, %dma_start3A_742] : memref<2x32x512xi32, #tpu.memory_space<hbm>> -> memref<1x1x512xi32, #tpu.memory_space<hbm>>
      %dma_start3A_744 = tpu.memref_squeeze %dma_start3A_743 : memref<1x1x512xi32, #tpu.memory_space<hbm>> -> memref<512xi32, #tpu.memory_space<hbm>>
      %dma_start3A_745 = arith.constant 0 : i32
      %dma_start3A_746 = tpu.memref_slice %arg2[%run_scoped3A_3, %add3A, %dma_start3A_745] : memref<2x32x512xi32, #tpu.memory_space<hbm>> -> memref<1x1x512xi32, #tpu.memory_space<hbm>>
      %dma_start3A_747 = tpu.memref_squeeze %dma_start3A_746 : memref<1x1x512xi32, #tpu.memory_space<hbm>> -> memref<512xi32, #tpu.memory_space<hbm>>
      tpu.enqueue_dma source(%dma_start3A_747 : memref<512xi32, #tpu.memory_space<hbm>>) target(%arg8 : memref<512xi32, #tpu.memory_space<vmem>>) target_semaphore(%run_scoped3A_741 : memref<!tpu.dma_semaphore, #tpu.memory_space<semaphore_mem>>)
      %dma_wait3A_748 = arith.constant 0 : i32
      %dma_wait3A_749 = tpu.memref_slice %arg2[%run_scoped3A_3, %add3A, %dma_wait3A_748] : memref<2x32x512xi32, #tpu.memory_space<hbm>> -> memref<1x1x512xi32, #tpu.memory_space<hbm>>
      %dma_wait3A_750 = tpu.memref_squeeze %dma_wait3A_749 : memref<1x1x512xi32, #tpu.memory_space<hbm>> -> memref<512xi32, #tpu.memory_space<hbm>>
      %dma_wait3A_751 = arith.constant 0 : i32
      %dma_wait3A_752 = tpu.memref_slice %arg2[%run_scoped3A_3, %add3A, %dma_wait3A_751] : memref<2x32x512xi32, #tpu.memory_space<hbm>> -> memref<1x1x512xi32, #tpu.memory_space<hbm>>
      %dma_wait3A_753 = tpu.memref_squeeze %dma_wait3A_752 : memref<1x1x512xi32, #tpu.memory_space<hbm>> -> memref<512xi32, #tpu.memory_space<hbm>>
      tpu.wait_dma2 semaphore(%run_scoped3A_741 : memref<!tpu.dma_semaphore, #tpu.memory_space<semaphore_mem>>) src(%dma_wait3A_753 : memref<512xi32, #tpu.memory_space<hbm>>) dst(%arg8 : memref<512xi32, #tpu.memory_space<vmem>>)
      tpu.yield
    }) : () -> ()
    %run_scoped3A_4 = arith.constant 0 : i32
    "tpu.region"() ({
      %run_scoped3A_741 = tpu.sem_alloc : memref<!tpu.dma_semaphore, #tpu.memory_space<semaphore_mem>>
      %dma_start3A_742 = arith.constant 0 : i32
      %dma_start3A_743 = tpu.memref_slice %arg5[%run_scoped3A_4, %dma_start3A_742] : memref<2x16xf32, #tpu.memory_space<hbm>> -> memref<1x16xf32, #tpu.memory_space<hbm>>
      %dma_start3A_744 = tpu.memref_squeeze %dma_start3A_743 : memref<1x16xf32, #tpu.memory_space<hbm>> -> memref<16xf32, #tpu.memory_space<hbm>>
      %dma_start3A_745 = arith.constant 0 : i32
      %dma_start3A_746 = tpu.memref_slice %arg5[%run_scoped3A_4, %dma_start3A_745] : memref<2x16xf32, #tpu.memory_space<hbm>> -> memref<1x16xf32, #tpu.memory_space<hbm>>
      %dma_start3A_747 = tpu.memref_squeeze %dma_start3A_746 : memref<1x16xf32, #tpu.memory_space<hbm>> -> memref<16xf32, #tpu.memory_space<hbm>>
      tpu.enqueue_dma source(%dma_start3A_747 : memref<16xf32, #tpu.memory_space<hbm>>) target(%arg12 : memref<16xf32, #tpu.memory_space<vmem>>) target_semaphore(%run_scoped3A_741 : memref<!tpu.dma_semaphore, #tpu.memory_space<semaphore_mem>>)
      %dma_wait3A_748 = arith.constant 0 : i32
      %dma_wait3A_749 = tpu.memref_slice %arg5[%run_scoped3A_4, %dma_wait3A_748] : memref<2x16xf32, #tpu.memory_space<hbm>> -> memref<1x16xf32, #tpu.memory_space<hbm>>
      %dma_wait3A_750 = tpu.memref_squeeze %dma_wait3A_749 : memref<1x16xf32, #tpu.memory_space<hbm>> -> memref<16xf32, #tpu.memory_space<hbm>>
      %dma_wait3A_751 = arith.constant 0 : i32
      %dma_wait3A_752 = tpu.memref_slice %arg5[%run_scoped3A_4, %dma_wait3A_751] : memref<2x16xf32, #tpu.memory_space<hbm>> -> memref<1x16xf32, #tpu.memory_space<hbm>>
      %dma_wait3A_753 = tpu.memref_squeeze %dma_wait3A_752 : memref<1x16xf32, #tpu.memory_space<hbm>> -> memref<16xf32, #tpu.memory_space<hbm>>
      tpu.wait_dma2 semaphore(%run_scoped3A_741 : memref<!tpu.dma_semaphore, #tpu.memory_space<semaphore_mem>>) src(%dma_wait3A_753 : memref<16xf32, #tpu.memory_space<hbm>>) dst(%arg12 : memref<16xf32, #tpu.memory_space<vmem>>)
      tpu.yield
    }) : () -> ()
    %run_scoped3A_5 = arith.constant 1 : i32
    "tpu.region"() ({
      %run_scoped3A_741 = tpu.sem_alloc : memref<!tpu.dma_semaphore, #tpu.memory_space<semaphore_mem>>
      %dma_start3A_742 = arith.constant 0 : i32
      %dma_start3A_743 = tpu.memref_slice %arg5[%run_scoped3A_5, %dma_start3A_742] : memref<2x16xf32, #tpu.memory_space<hbm>> -> memref<1x16xf32, #tpu.memory_space<hbm>>
      %dma_start3A_744 = tpu.memref_squeeze %dma_start3A_743 : memref<1x16xf32, #tpu.memory_space<hbm>> -> memref<16xf32, #tpu.memory_space<hbm>>
      %dma_start3A_745 = arith.constant 0 : i32
      %dma_start3A_746 = tpu.memref_slice %arg5[%run_scoped3A_5, %dma_start3A_745] : memref<2x16xf32, #tpu.memory_space<hbm>> -> memref<1x16xf32, #tpu.memory_space<hbm>>
      %dma_start3A_747 = tpu.memref_squeeze %dma_start3A_746 : memref<1x16xf32, #tpu.memory_space<hbm>> -> memref<16xf32, #tpu.memory_space<hbm>>
      tpu.enqueue_dma source(%dma_start3A_747 : memref<16xf32, #tpu.memory_space<hbm>>) target(%arg13 : memref<16xf32, #tpu.memory_space<vmem>>) target_semaphore(%run_scoped3A_741 : memref<!tpu.dma_semaphore, #tpu.memory_space<semaphore_mem>>)
      %dma_wait3A_748 = arith.constant 0 : i32
      %dma_wait3A_749 = tpu.memref_slice %arg5[%run_scoped3A_5, %dma_wait3A_748] : memref<2x16xf32, #tpu.memory_space<hbm>> -> memref<1x16xf32, #tpu.memory_space<hbm>>
      %dma_wait3A_750 = tpu.memref_squeeze %dma_wait3A_749 : memref<1x16xf32, #tpu.memory_space<hbm>> -> memref<16xf32, #tpu.memory_space<hbm>>
      %dma_wait3A_751 = arith.constant 0 : i32
      %dma_wait3A_752 = tpu.memref_slice %arg5[%run_scoped3A_5, %dma_wait3A_751] : memref<2x16xf32, #tpu.memory_space<hbm>> -> memref<1x16xf32, #tpu.memory_space<hbm>>
      %dma_wait3A_753 = tpu.memref_squeeze %dma_wait3A_752 : memref<1x16xf32, #tpu.memory_space<hbm>> -> memref<16xf32, #tpu.memory_space<hbm>>
      tpu.wait_dma2 semaphore(%run_scoped3A_741 : memref<!tpu.dma_semaphore, #tpu.memory_space<semaphore_mem>>) src(%dma_wait3A_753 : memref<16xf32, #tpu.memory_space<hbm>>) dst(%arg13 : memref<16xf32, #tpu.memory_space<vmem>>)
      tpu.yield
    }) : () -> ()
    %get3A = arith.constant 0 : index
    %get3A_6 = tpu.vector_load %arg12[%get3A] {strides = array<i32>} : memref<16xf32, #tpu.memory_space<vmem>>, vector<16xf32>,
    %get3A_7 = arith.constant 0 : index
    %get3A_8 = tpu.vector_load %arg13[%get3A_7] {strides = array<i32>} : memref<16xf32, #tpu.memory_space<vmem>>, vector<16xf32>,
    %iota3A = tpu.iota {dimensions = array<i32: 0>} : vector<16xi32>
    %jit3A = arith.constant 8 : i32
    %div3A = vector.broadcast %jit3A : i32 to vector<16xi32>
    %div3A_9 = arith.divsi %iota3A, %div3A : vector<16xi32>
    %sign3A = arith.constant 0 : i32
    %sign3A_10 = vector.broadcast %sign3A : i32 to vector<16xi32>
    %sign3A_11 = arith.cmpi sgt, %iota3A, %sign3A_10 : vector<16xi32>
    %sign3A_12 = arith.extui %sign3A_11 : vector<16xi1> to vector<16xi32>
    %sign3A_13 = arith.constant 0 : i32
    %sign3A_14 = vector.broadcast %sign3A_13 : i32 to vector<16xi32>
    %sign3A_15 = arith.cmpi slt, %iota3A, %sign3A_14 : vector<16xi32>
    %sign3A_16 = arith.extui %sign3A_15 : vector<16xi1> to vector<16xi32>
    %sign3A_17 = arith.subi %sign3A_12, %sign3A_16 : vector<16xi32>
    %sign3A_18 = arith.constant 0 : i32
    %sign3A_19 = arith.cmpi sgt, %jit3A, %sign3A_18 : i32
    %sign3A_20 = arith.extui %sign3A_19 : i1 to i32
    %sign3A_21 = arith.constant 0 : i32
    %sign3A_22 = arith.cmpi slt, %jit3A, %sign3A_21 : i32
    %sign3A_23 = arith.extui %sign3A_22 : i1 to i32
    %sign3A_24 = arith.subi %sign3A_20, %sign3A_23 : i32
    %ne3A = vector.broadcast %sign3A_24 : i32 to vector<16xi32>
    %ne3A_25 = arith.cmpi ne, %sign3A_17, %ne3A : vector<16xi32>
    %rem3A = vector.broadcast %jit3A : i32 to vector<16xi32>
    %rem3A_26 = arith.remsi %iota3A, %rem3A : vector<16xi32>
    %ne3A_27 = arith.constant 0 : i32
    %ne3A_28 = vector.broadcast %ne3A_27 : i32 to vector<16xi32>
    %ne3A_29 = arith.cmpi ne, %rem3A_26, %ne3A_28 : vector<16xi32>
    %and3A = arith.andi %ne3A_25, %ne3A_29 : vector<16xi1>
    %sub3A = arith.constant 1 : i32
    %sub3A_30 = vector.broadcast %sub3A : i32 to vector<16xi32>
    %sub3A_31 = arith.subi %div3A_9, %sub3A_30 : vector<16xi32>
    %select_n3A = arith.select %and3A, %sub3A_31, %div3A_9 : vector<16xi1>, vector<16xi32>
    %add3A_32 = arith.constant 2 : i32
    %add3A_33 = vector.broadcast %add3A_32 : i32 to vector<16xi32>
    %add3A_34 = arith.addi %select_n3A, %add3A_33 : vector<16xi32>
    %rem3A_35 = arith.constant 8 : i32
    %rem3A_36 = vector.broadcast %rem3A_35 : i32 to vector<16xi32>
    %rem3A_37 = arith.remsi %iota3A, %rem3A_36 : vector<16xi32>
    %get3A_38 = arith.constant 0 : index
    %get3A_39 = tpu.vector_load %arg7[%get3A_38] {strides = array<i32>} : memref<512xi32, #tpu.memory_space<vmem>>, vector<16xi32>,
    %get3A_40 = arith.constant 0 : index
    %get3A_41 = tpu.vector_load %arg8[%get3A_40] {strides = array<i32>} : memref<512xi32, #tpu.memory_space<vmem>>, vector<16xi32>,
    %eq3A = arith.constant 0 : i32
    %eq3A_42 = vector.broadcast %eq3A : i32 to vector<16xi32>
    %eq3A_43 = arith.cmpi eq, %iota3A, %eq3A_42 : vector<16xi32>
    %jit3A_44 = arith.constant 0 : i32
    %broadcast_in_dim3A = vector.broadcast %jit3A_44 : i32 to vector<16xi32>
    %select_n3A_45 = arith.select %eq3A_43, %get3A_39, %broadcast_in_dim3A : vector<16xi1>, vector<16xi32>
    %reduce_sum3A = arith.constant true
    %reduce_sum3A_46 = vector.broadcast %reduce_sum3A : i1 to vector<16xi1>
    %reduce_sum3A_47 = tpu.scan <sum>, %select_n3A_45 masked %reduce_sum3A_46 : vector<16xi32>, vector<16xi1> -> vector<16xi32>
    %reduce_sum3A_48 = vector.extract %reduce_sum3A_47[15] : i32 from vector<16xi32>
    %eq3A_49 = arith.constant 0 : i32
    %eq3A_50 = vector.broadcast %eq3A_49 : i32 to vector<16xi32>
    %eq3A_51 = arith.cmpi eq, %iota3A, %eq3A_50 : vector<16xi32>
    %jit3A_52 = arith.constant 0 : i32
    %broadcast_in_dim3A_53 = vector.broadcast %jit3A_52 : i32 to vector<16xi32>
    %select_n3A_54 = arith.select %eq3A_51, %get3A_41, %broadcast_in_dim3A_53 : vector<16xi1>, vector<16xi32>
    %reduce_sum3A_55 = arith.constant true
    %reduce_sum3A_56 = vector.broadcast %reduce_sum3A_55 : i1 to vector<16xi1>
    %reduce_sum3A_57 = tpu.scan <sum>, %select_n3A_54 masked %reduce_sum3A_56 : vector<16xi32>, vector<16xi1> -> vector<16xi32>
    %reduce_sum3A_58 = vector.extract %reduce_sum3A_57[15] : i32 from vector<16xi32>
    %rem3A_59 = arith.constant 128 : i32
    %rem3A_60 = arith.remsi %reduce_sum3A_48, %rem3A_59 : i32
    %sub3A_61 = arith.subi %reduce_sum3A_48, %rem3A_60 : i32
    %multiple_of3A = tpu.assume_multiple %sub3A_61, 128 : i32
    %rem3A_62 = arith.constant 128 : i32
    %rem3A_63 = arith.remsi %reduce_sum3A_58, %rem3A_62 : i32
    %sub3A_64 = arith.subi %reduce_sum3A_58, %rem3A_63 : i32
    %multiple_of3A_65 = tpu.assume_multiple %sub3A_64, 128 : i32
    %dma_start3A = arith.constant 0 : i32
    %dma_start3A_66 = arith.constant 0 : i32
    %dma_start3A_67 = arith.constant 0 : i32
    %dma_start3A_68 = arith.constant 0 : i32
    %dma_start3A_69 = tpu.memref_slice %arg9[%dma_start3A, %dma_start3A_66, %dma_start3A_67, %dma_start3A_68] : memref<8x4x8x128xf32, #tpu.memory_space<vmem>> -> memref<1x4x8x128xf32, #tpu.memory_space<vmem>>
    %dma_start3A_70 = tpu.memref_squeeze %dma_start3A_69 : memref<1x4x8x128xf32, #tpu.memory_space<vmem>> -> memref<4x8x128xf32, #tpu.memory_space<vmem>>
    %dma_start3A_71 = arith.constant 0 : i32
    %dma_start3A_72 = arith.constant 0 : i32
    %dma_start3A_73 = tpu.memref_slice %arg3[%dma_start3A_71, %dma_start3A_72, %multiple_of3A] : memref<4x8x1000000xf32, #tpu.memory_space<hbm>> -> memref<4x8x128xf32, #tpu.memory_space<hbm>>
    %dma_start3A_74 = arith.constant 0 : i32
    %dma_start3A_75 = arith.constant 0 : i32
    %dma_start3A_76 = arith.constant 0 : i32
    %dma_start3A_77 = tpu.memref_slice %arg9[%dma_start3A, %dma_start3A_74, %dma_start3A_75, %dma_start3A_76] : memref<8x4x8x128xf32, #tpu.memory_space<vmem>> -> memref<1x4x8x128xf32, #tpu.memory_space<vmem>>
    %dma_start3A_78 = tpu.memref_squeeze %dma_start3A_77 : memref<1x4x8x128xf32, #tpu.memory_space<vmem>> -> memref<4x8x128xf32, #tpu.memory_space<vmem>>
    %dma_start3A_79 = arith.constant 0 : i32
    %dma_start3A_80 = arith.constant 0 : i32
    %dma_start3A_81 = tpu.memref_slice %arg3[%dma_start3A_79, %dma_start3A_80, %multiple_of3A] : memref<4x8x1000000xf32, #tpu.memory_space<hbm>> -> memref<4x8x128xf32, #tpu.memory_space<hbm>>
    tpu.enqueue_dma source(%dma_start3A_81 : memref<4x8x128xf32, #tpu.memory_space<hbm>>) target(%dma_start3A_78 : memref<4x8x128xf32, #tpu.memory_space<vmem>>) target_semaphore(%arg14 : memref<!tpu.dma_semaphore, #tpu.memory_space<semaphore_mem>>)
    %dma_start3A_82 = arith.constant 0 : i32
    %dma_start3A_83 = arith.constant 0 : i32
    %dma_start3A_84 = arith.constant 0 : i32
    %dma_start3A_85 = arith.constant 0 : i32
    %dma_start3A_86 = tpu.memref_slice %arg10[%dma_start3A_82, %dma_start3A_83, %dma_start3A_84, %dma_start3A_85] : memref<8x4x8x128xf32, #tpu.memory_space<vmem>> -> memref<1x4x8x128xf32, #tpu.memory_space<vmem>>
    %dma_start3A_87 = tpu.memref_squeeze %dma_start3A_86 : memref<1x4x8x128xf32, #tpu.memory_space<vmem>> -> memref<4x8x128xf32, #tpu.memory_space<vmem>>
    %dma_start3A_88 = arith.constant 0 : i32
    %dma_start3A_89 = arith.constant 0 : i32
    %dma_start3A_90 = tpu.memref_slice %arg4[%dma_start3A_88, %dma_start3A_89, %multiple_of3A_65] : memref<4x8x1000000xf32, #tpu.memory_space<hbm>> -> memref<4x8x128xf32, #tpu.memory_space<hbm>>
    %dma_start3A_91 = arith.constant 0 : i32
    %dma_start3A_92 = arith.constant 0 : i32
    %dma_start3A_93 = arith.constant 0 : i32
    %dma_start3A_94 = tpu.memref_slice %arg10[%dma_start3A_82, %dma_start3A_91, %dma_start3A_92, %dma_start3A_93] : memref<8x4x8x128xf32, #tpu.memory_space<vmem>> -> memref<1x4x8x128xf32, #tpu.memory_space<vmem>>
    %dma_start3A_95 = tpu.memref_squeeze %dma_start3A_94 : memref<1x4x8x128xf32, #tpu.memory_space<vmem>> -> memref<4x8x128xf32, #tpu.memory_space<vmem>>
    %dma_start3A_96 = arith.constant 0 : i32
    %dma_start3A_97 = arith.constant 0 : i32
    %dma_start3A_98 = tpu.memref_slice %arg4[%dma_start3A_96, %dma_start3A_97, %multiple_of3A_65] : memref<4x8x1000000xf32, #tpu.memory_space<hbm>> -> memref<4x8x128xf32, #tpu.memory_space<hbm>>
    tpu.enqueue_dma source(%dma_start3A_98 : memref<4x8x128xf32, #tpu.memory_space<hbm>>) target(%dma_start3A_95 : memref<4x8x128xf32, #tpu.memory_space<vmem>>) target_semaphore(%arg14 : memref<!tpu.dma_semaphore, #tpu.memory_space<semaphore_mem>>)
    %eq3A_99 = arith.constant 1 : i32
    %eq3A_100 = vector.broadcast %eq3A_99 : i32 to vector<16xi32>
    %eq3A_101 = arith.cmpi eq, %iota3A, %eq3A_100 : vector<16xi32>
    %jit3A_102 = arith.constant 0 : i32
    %broadcast_in_dim3A_103 = vector.broadcast %jit3A_102 : i32 to vector<16xi32>
    %select_n3A_104 = arith.select %eq3A_101, %get3A_39, %broadcast_in_dim3A_103 : vector<16xi1>, vector<16xi32>
    %reduce_sum3A_105 = arith.constant true
    %reduce_sum3A_106 = vector.broadcast %reduce_sum3A_105 : i1 to vector<16xi1>
    %reduce_sum3A_107 = tpu.scan <sum>, %select_n3A_104 masked %reduce_sum3A_106 : vector<16xi32>, vector<16xi1> -> vector<16xi32>
    %reduce_sum3A_108 = vector.extract %reduce_sum3A_107[15] : i32 from vector<16xi32>
    %eq3A_109 = arith.constant 1 : i32
    %eq3A_110 = vector.broadcast %eq3A_109 : i32 to vector<16xi32>
    %eq3A_111 = arith.cmpi eq, %iota3A, %eq3A_110 : vector<16xi32>
    %jit3A_112 = arith.constant 0 : i32
    %broadcast_in_dim3A_113 = vector.broadcast %jit3A_112 : i32 to vector<16xi32>
    %select_n3A_114 = arith.select %eq3A_111, %get3A_41, %broadcast_in_dim3A_113 : vector<16xi1>, vector<16xi32>
    %reduce_sum3A_115 = arith.constant true
    %reduce_sum3A_116 = vector.broadcast %reduce_sum3A_115 : i1 to vector<16xi1>
    %reduce_sum3A_117 = tpu.scan <sum>, %select_n3A_114 masked %reduce_sum3A_116 : vector<16xi32>, vector<16xi1> -> vector<16xi32>
    %reduce_sum3A_118 = vector.extract %reduce_sum3A_117[15] : i32 from vector<16xi32>
    %rem3A_119 = arith.constant 128 : i32
    %rem3A_120 = arith.remsi %reduce_sum3A_108, %rem3A_119 : i32
    %sub3A_121 = arith.subi %reduce_sum3A_108, %rem3A_120 : i32
    %multiple_of3A_122 = tpu.assume_multiple %sub3A_121, 128 : i32
    %rem3A_123 = arith.constant 128 : i32
    %rem3A_124 = arith.remsi %reduce_sum3A_118, %rem3A_123 : i32
    %sub3A_125 = arith.subi %reduce_sum3A_118, %rem3A_124 : i32
    %multiple_of3A_126 = tpu.assume_multiple %sub3A_125, 128 : i32
    %dma_start3A_127 = arith.constant 1 : i32
    %dma_start3A_128 = arith.constant 0 : i32
    %dma_start3A_129 = arith.constant 0 : i32
    %dma_start3A_130 = arith.constant 0 : i32
    %dma_start3A_131 = tpu.memref_slice %arg9[%dma_start3A_127, %dma_start3A_128, %dma_start3A_129, %dma_start3A_130] : memref<8x4x8x128xf32, #tpu.memory_space<vmem>> -> memref<1x4x8x128xf32, #tpu.memory_space<vmem>>
    %dma_start3A_132 = tpu.memref_squeeze %dma_start3A_131 : memref<1x4x8x128xf32, #tpu.memory_space<vmem>> -> memref<4x8x128xf32, #tpu.memory_space<vmem>>
    %dma_start3A_133 = arith.constant 0 : i32
    %dma_start3A_134 = arith.constant 0 : i32
    %dma_start3A_135 = tpu.memref_slice %arg3[%dma_start3A_133, %dma_start3A_134, %multiple_of3A_122] : memref<4x8x1000000xf32, #tpu.memory_space<hbm>> -> memref<4x8x128xf32, #tpu.memory_space<hbm>>
    %dma_start3A_136 = arith.constant 0 : i32
    %dma_start3A_137 = arith.constant 0 : i32
    %dma_start3A_138 = arith.constant 0 : i32
    %dma_start3A_139 = tpu.memref_slice %arg9[%dma_start3A_127, %dma_start3A_136, %dma_start3A_137, %dma_start3A_138] : memref<8x4x8x128xf32, #tpu.memory_space<vmem>> -> memref<1x4x8x128xf32, #tpu.memory_space<vmem>>
    %dma_start3A_140 = tpu.memref_squeeze %dma_start3A_139 : memref<1x4x8x128xf32, #tpu.memory_space<vmem>> -> memref<4x8x128xf32, #tpu.memory_space<vmem>>
    %dma_start3A_141 = arith.constant 0 : i32
    %dma_start3A_142 = arith.constant 0 : i32
    %dma_start3A_143 = tpu.memref_slice %arg3[%dma_start3A_141, %dma_start3A_142, %multiple_of3A_122] : memref<4x8x1000000xf32, #tpu.memory_space<hbm>> -> memref<4x8x128xf32, #tpu.memory_space<hbm>>
    tpu.enqueue_dma source(%dma_start3A_143 : memref<4x8x128xf32, #tpu.memory_space<hbm>>) target(%dma_start3A_140 : memref<4x8x128xf32, #tpu.memory_space<vmem>>) target_semaphore(%arg15 : memref<!tpu.dma_semaphore, #tpu.memory_space<semaphore_mem>>)
    %dma_start3A_144 = arith.constant 1 : i32
    %dma_start3A_145 = arith.constant 0 : i32
    %dma_start3A_146 = arith.constant 0 : i32
    %dma_start3A_147 = arith.constant 0 : i32
    %dma_start3A_148 = tpu.memref_slice %arg10[%dma_start3A_144, %dma_start3A_145, %dma_start3A_146, %dma_start3A_147] : memref<8x4x8x128xf32, #tpu.memory_space<vmem>> -> memref<1x4x8x128xf32, #tpu.memory_space<vmem>>
    %dma_start3A_149 = tpu.memref_squeeze %dma_start3A_148 : memref<1x4x8x128xf32, #tpu.memory_space<vmem>> -> memref<4x8x128xf32, #tpu.memory_space<vmem>>
    %dma_start3A_150 = arith.constant 0 : i32
    %dma_start3A_151 = arith.constant 0 : i32
    %dma_start3A_152 = tpu.memref_slice %arg4[%dma_start3A_150, %dma_start3A_151, %multiple_of3A_126] : memref<4x8x1000000xf32, #tpu.memory_space<hbm>> -> memref<4x8x128xf32, #tpu.memory_space<hbm>>
    %dma_start3A_153 = arith.constant 0 : i32
    %dma_start3A_154 = arith.constant 0 : i32
    %dma_start3A_155 = arith.constant 0 : i32
    %dma_start3A_156 = tpu.memref_slice %arg10[%dma_start3A_144, %dma_start3A_153, %dma_start3A_154, %dma_start3A_155] : memref<8x4x8x128xf32, #tpu.memory_space<vmem>> -> memref<1x4x8x128xf32, #tpu.memory_space<vmem>>
    %dma_start3A_157 = tpu.memref_squeeze %dma_start3A_156 : memref<1x4x8x128xf32, #tpu.memory_space<vmem>> -> memref<4x8x128xf32, #tpu.memory_space<vmem>>
    %dma_start3A_158 = arith.constant 0 : i32
    %dma_start3A_159 = arith.constant 0 : i32
    %dma_start3A_160 = tpu.memref_slice %arg4[%dma_start3A_158, %dma_start3A_159, %multiple_of3A_126] : memref<4x8x1000000xf32, #tpu.memory_space<hbm>> -> memref<4x8x128xf32, #tpu.memory_space<hbm>>
    tpu.enqueue_dma source(%dma_start3A_160 : memref<4x8x128xf32, #tpu.memory_space<hbm>>) target(%dma_start3A_157 : memref<4x8x128xf32, #tpu.memory_space<vmem>>) target_semaphore(%arg15 : memref<!tpu.dma_semaphore, #tpu.memory_space<semaphore_mem>>)
    %eq3A_161 = arith.constant 2 : i32
    %eq3A_162 = vector.broadcast %eq3A_161 : i32 to vector<16xi32>
    %eq3A_163 = arith.cmpi eq, %iota3A, %eq3A_162 : vector<16xi32>
    %jit3A_164 = arith.constant 0 : i32
    %broadcast_in_dim3A_165 = vector.broadcast %jit3A_164 : i32 to vector<16xi32>
    %select_n3A_166 = arith.select %eq3A_163, %get3A_39, %broadcast_in_dim3A_165 : vector<16xi1>, vector<16xi32>
    %reduce_sum3A_167 = arith.constant true
    %reduce_sum3A_168 = vector.broadcast %reduce_sum3A_167 : i1 to vector<16xi1>
    %reduce_sum3A_169 = tpu.scan <sum>, %select_n3A_166 masked %reduce_sum3A_168 : vector<16xi32>, vector<16xi1> -> vector<16xi32>
    %reduce_sum3A_170 = vector.extract %reduce_sum3A_169[15] : i32 from vector<16xi32>
    %eq3A_171 = arith.constant 2 : i32
    %eq3A_172 = vector.broadcast %eq3A_171 : i32 to vector<16xi32>
    %eq3A_173 = arith.cmpi eq, %iota3A, %eq3A_172 : vector<16xi32>
    %jit3A_174 = arith.constant 0 : i32
    %broadcast_in_dim3A_175 = vector.broadcast %jit3A_174 : i32 to vector<16xi32>
    %select_n3A_176 = arith.select %eq3A_173, %get3A_41, %broadcast_in_dim3A_175 : vector<16xi1>, vector<16xi32>
    %reduce_sum3A_177 = arith.constant true
    %reduce_sum3A_178 = vector.broadcast %reduce_sum3A_177 : i1 to vector<16xi1>
    %reduce_sum3A_179 = tpu.scan <sum>, %select_n3A_176 masked %reduce_sum3A_178 : vector<16xi32>, vector<16xi1> -> vector<16xi32>
    %reduce_sum3A_180 = vector.extract %reduce_sum3A_179[15] : i32 from vector<16xi32>
    %rem3A_181 = arith.constant 128 : i32
    %rem3A_182 = arith.remsi %reduce_sum3A_170, %rem3A_181 : i32
    %sub3A_183 = arith.subi %reduce_sum3A_170, %rem3A_182 : i32
    %multiple_of3A_184 = tpu.assume_multiple %sub3A_183, 128 : i32
    %rem3A_185 = arith.constant 128 : i32
    %rem3A_186 = arith.remsi %reduce_sum3A_180, %rem3A_185 : i32
    %sub3A_187 = arith.subi %reduce_sum3A_180, %rem3A_186 : i32
    %multiple_of3A_188 = tpu.assume_multiple %sub3A_187, 128 : i32
    %dma_start3A_189 = arith.constant 2 : i32
    %dma_start3A_190 = arith.constant 0 : i32
    %dma_start3A_191 = arith.constant 0 : i32
    %dma_start3A_192 = arith.constant 0 : i32
    %dma_start3A_193 = tpu.memref_slice %arg9[%dma_start3A_189, %dma_start3A_190, %dma_start3A_191, %dma_start3A_192] : memref<8x4x8x128xf32, #tpu.memory_space<vmem>> -> memref<1x4x8x128xf32, #tpu.memory_space<vmem>>
    %dma_start3A_194 = tpu.memref_squeeze %dma_start3A_193 : memref<1x4x8x128xf32, #tpu.memory_space<vmem>> -> memref<4x8x128xf32, #tpu.memory_space<vmem>>
    %dma_start3A_195 = arith.constant 0 : i32
    %dma_start3A_196 = arith.constant 0 : i32
    %dma_start3A_197 = tpu.memref_slice %arg3[%dma_start3A_195, %dma_start3A_196, %multiple_of3A_184] : memref<4x8x1000000xf32, #tpu.memory_space<hbm>> -> memref<4x8x128xf32, #tpu.memory_space<hbm>>
    %dma_start3A_198 = arith.constant 0 : i32
    %dma_start3A_199 = arith.constant 0 : i32
    %dma_start3A_200 = arith.constant 0 : i32
    %dma_start3A_201 = tpu.memref_slice %arg9[%dma_start3A_189, %dma_start3A_198, %dma_start3A_199, %dma_start3A_200] : memref<8x4x8x128xf32, #tpu.memory_space<vmem>> -> memref<1x4x8x128xf32, #tpu.memory_space<vmem>>
    %dma_start3A_202 = tpu.memref_squeeze %dma_start3A_201 : memref<1x4x8x128xf32, #tpu.memory_space<vmem>> -> memref<4x8x128xf32, #tpu.memory_space<vmem>>
    %dma_start3A_203 = arith.constant 0 : i32
    %dma_start3A_204 = arith.constant 0 : i32
    %dma_start3A_205 = tpu.memref_slice %arg3[%dma_start3A_203, %dma_start3A_204, %multiple_of3A_184] : memref<4x8x1000000xf32, #tpu.memory_space<hbm>> -> memref<4x8x128xf32, #tpu.memory_space<hbm>>
    tpu.enqueue_dma source(%dma_start3A_205 : memref<4x8x128xf32, #tpu.memory_space<hbm>>) target(%dma_start3A_202 : memref<4x8x128xf32, #tpu.memory_space<vmem>>) target_semaphore(%arg16 : memref<!tpu.dma_semaphore, #tpu.memory_space<semaphore_mem>>)
    %dma_start3A_206 = arith.constant 2 : i32
    %dma_start3A_207 = arith.constant 0 : i32
    %dma_start3A_208 = arith.constant 0 : i32
    %dma_start3A_209 = arith.constant 0 : i32
    %dma_start3A_210 = tpu.memref_slice %arg10[%dma_start3A_206, %dma_start3A_207, %dma_start3A_208, %dma_start3A_209] : memref<8x4x8x128xf32, #tpu.memory_space<vmem>> -> memref<1x4x8x128xf32, #tpu.memory_space<vmem>>
    %dma_start3A_211 = tpu.memref_squeeze %dma_start3A_210 : memref<1x4x8x128xf32, #tpu.memory_space<vmem>> -> memref<4x8x128xf32, #tpu.memory_space<vmem>>
    %dma_start3A_212 = arith.constant 0 : i32
    %dma_start3A_213 = arith.constant 0 : i32
    %dma_start3A_214 = tpu.memref_slice %arg4[%dma_start3A_212, %dma_start3A_213, %multiple_of3A_188] : memref<4x8x1000000xf32, #tpu.memory_space<hbm>> -> memref<4x8x128xf32, #tpu.memory_space<hbm>>
    %dma_start3A_215 = arith.constant 0 : i32
    %dma_start3A_216 = arith.constant 0 : i32
    %dma_start3A_217 = arith.constant 0 : i32
    %dma_start3A_218 = tpu.memref_slice %arg10[%dma_start3A_206, %dma_start3A_215, %dma_start3A_216, %dma_start3A_217] : memref<8x4x8x128xf32, #tpu.memory_space<vmem>> -> memref<1x4x8x128xf32, #tpu.memory_space<vmem>>
    %dma_start3A_219 = tpu.memref_squeeze %dma_start3A_218 : memref<1x4x8x128xf32, #tpu.memory_space<vmem>> -> memref<4x8x128xf32, #tpu.memory_space<vmem>>
    %dma_start3A_220 = arith.constant 0 : i32
    %dma_start3A_221 = arith.constant 0 : i32
    %dma_start3A_222 = tpu.memref_slice %arg4[%dma_start3A_220, %dma_start3A_221, %multiple_of3A_188] : memref<4x8x1000000xf32, #tpu.memory_space<hbm>> -> memref<4x8x128xf32, #tpu.memory_space<hbm>>
    tpu.enqueue_dma source(%dma_start3A_222 : memref<4x8x128xf32, #tpu.memory_space<hbm>>) target(%dma_start3A_219 : memref<4x8x128xf32, #tpu.memory_space<vmem>>) target_semaphore(%arg16 : memref<!tpu.dma_semaphore, #tpu.memory_space<semaphore_mem>>)
    %eq3A_223 = arith.constant 3 : i32
    %eq3A_224 = vector.broadcast %eq3A_223 : i32 to vector<16xi32>
    %eq3A_225 = arith.cmpi eq, %iota3A, %eq3A_224 : vector<16xi32>
    %jit3A_226 = arith.constant 0 : i32
    %broadcast_in_dim3A_227 = vector.broadcast %jit3A_226 : i32 to vector<16xi32>
    %select_n3A_228 = arith.select %eq3A_225, %get3A_39, %broadcast_in_dim3A_227 : vector<16xi1>, vector<16xi32>
    %reduce_sum3A_229 = arith.constant true
    %reduce_sum3A_230 = vector.broadcast %reduce_sum3A_229 : i1 to vector<16xi1>
    %reduce_sum3A_231 = tpu.scan <sum>, %select_n3A_228 masked %reduce_sum3A_230 : vector<16xi32>, vector<16xi1> -> vector<16xi32>
    %reduce_sum3A_232 = vector.extract %reduce_sum3A_231[15] : i32 from vector<16xi32>
    %eq3A_233 = arith.constant 3 : i32
    %eq3A_234 = vector.broadcast %eq3A_233 : i32 to vector<16xi32>
    %eq3A_235 = arith.cmpi eq, %iota3A, %eq3A_234 : vector<16xi32>
    %jit3A_236 = arith.constant 0 : i32
    %broadcast_in_dim3A_237 = vector.broadcast %jit3A_236 : i32 to vector<16xi32>
    %select_n3A_238 = arith.select %eq3A_235, %get3A_41, %broadcast_in_dim3A_237 : vector<16xi1>, vector<16xi32>
    %reduce_sum3A_239 = arith.constant true
    %reduce_sum3A_240 = vector.broadcast %reduce_sum3A_239 : i1 to vector<16xi1>
    %reduce_sum3A_241 = tpu.scan <sum>, %select_n3A_238 masked %reduce_sum3A_240 : vector<16xi32>, vector<16xi1> -> vector<16xi32>
    %reduce_sum3A_242 = vector.extract %reduce_sum3A_241[15] : i32 from vector<16xi32>
    %rem3A_243 = arith.constant 128 : i32
    %rem3A_244 = arith.remsi %reduce_sum3A_232, %rem3A_243 : i32
    %sub3A_245 = arith.subi %reduce_sum3A_232, %rem3A_244 : i32
    %multiple_of3A_246 = tpu.assume_multiple %sub3A_245, 128 : i32
    %rem3A_247 = arith.constant 128 : i32
    %rem3A_248 = arith.remsi %reduce_sum3A_242, %rem3A_247 : i32
    %sub3A_249 = arith.subi %reduce_sum3A_242, %rem3A_248 : i32
    %multiple_of3A_250 = tpu.assume_multiple %sub3A_249, 128 : i32
    %dma_start3A_251 = arith.constant 3 : i32
    %dma_start3A_252 = arith.constant 0 : i32
    %dma_start3A_253 = arith.constant 0 : i32
    %dma_start3A_254 = arith.constant 0 : i32
    %dma_start3A_255 = tpu.memref_slice %arg9[%dma_start3A_251, %dma_start3A_252, %dma_start3A_253, %dma_start3A_254] : memref<8x4x8x128xf32, #tpu.memory_space<vmem>> -> memref<1x4x8x128xf32, #tpu.memory_space<vmem>>
    %dma_start3A_256 = tpu.memref_squeeze %dma_start3A_255 : memref<1x4x8x128xf32, #tpu.memory_space<vmem>> -> memref<4x8x128xf32, #tpu.memory_space<vmem>>
    %dma_start3A_257 = arith.constant 0 : i32
    %dma_start3A_258 = arith.constant 0 : i32
    %dma_start3A_259 = tpu.memref_slice %arg3[%dma_start3A_257, %dma_start3A_258, %multiple_of3A_246] : memref<4x8x1000000xf32, #tpu.memory_space<hbm>> -> memref<4x8x128xf32, #tpu.memory_space<hbm>>
    %dma_start3A_260 = arith.constant 0 : i32
    %dma_start3A_261 = arith.constant 0 : i32
    %dma_start3A_262 = arith.constant 0 : i32
    %dma_start3A_263 = tpu.memref_slice %arg9[%dma_start3A_251, %dma_start3A_260, %dma_start3A_261, %dma_start3A_262] : memref<8x4x8x128xf32, #tpu.memory_space<vmem>> -> memref<1x4x8x128xf32, #tpu.memory_space<vmem>>
    %dma_start3A_264 = tpu.memref_squeeze %dma_start3A_263 : memref<1x4x8x128xf32, #tpu.memory_space<vmem>> -> memref<4x8x128xf32, #tpu.memory_space<vmem>>
    %dma_start3A_265 = arith.constant 0 : i32
    %dma_start3A_266 = arith.constant 0 : i32
    %dma_start3A_267 = tpu.memref_slice %arg3[%dma_start3A_265, %dma_start3A_266, %multiple_of3A_246] : memref<4x8x1000000xf32, #tpu.memory_space<hbm>> -> memref<4x8x128xf32, #tpu.memory_space<hbm>>
    tpu.enqueue_dma source(%dma_start3A_267 : memref<4x8x128xf32, #tpu.memory_space<hbm>>) target(%dma_start3A_264 : memref<4x8x128xf32, #tpu.memory_space<vmem>>) target_semaphore(%arg17 : memref<!tpu.dma_semaphore, #tpu.memory_space<semaphore_mem>>)
    %dma_start3A_268 = arith.constant 3 : i32
    %dma_start3A_269 = arith.constant 0 : i32
    %dma_start3A_270 = arith.constant 0 : i32
    %dma_start3A_271 = arith.constant 0 : i32
    %dma_start3A_272 = tpu.memref_slice %arg10[%dma_start3A_268, %dma_start3A_269, %dma_start3A_270, %dma_start3A_271] : memref<8x4x8x128xf32, #tpu.memory_space<vmem>> -> memref<1x4x8x128xf32, #tpu.memory_space<vmem>>
    %dma_start3A_273 = tpu.memref_squeeze %dma_start3A_272 : memref<1x4x8x128xf32, #tpu.memory_space<vmem>> -> memref<4x8x128xf32, #tpu.memory_space<vmem>>
    %dma_start3A_274 = arith.constant 0 : i32
    %dma_start3A_275 = arith.constant 0 : i32
    %dma_start3A_276 = tpu.memref_slice %arg4[%dma_start3A_274, %dma_start3A_275, %multiple_of3A_250] : memref<4x8x1000000xf32, #tpu.memory_space<hbm>> -> memref<4x8x128xf32, #tpu.memory_space<hbm>>
    %dma_start3A_277 = arith.constant 0 : i32
    %dma_start3A_278 = arith.constant 0 : i32
    %dma_start3A_279 = arith.constant 0 : i32
    %dma_start3A_280 = tpu.memref_slice %arg10[%dma_start3A_268, %dma_start3A_277, %dma_start3A_278, %dma_start3A_279] : memref<8x4x8x128xf32, #tpu.memory_space<vmem>> -> memref<1x4x8x128xf32, #tpu.memory_space<vmem>>
    %dma_start3A_281 = tpu.memref_squeeze %dma_start3A_280 : memref<1x4x8x128xf32, #tpu.memory_space<vmem>> -> memref<4x8x128xf32, #tpu.memory_space<vmem>>
    %dma_start3A_282 = arith.constant 0 : i32
    %dma_start3A_283 = arith.constant 0 : i32
    %dma_start3A_284 = tpu.memref_slice %arg4[%dma_start3A_282, %dma_start3A_283, %multiple_of3A_250] : memref<4x8x1000000xf32, #tpu.memory_space<hbm>> -> memref<4x8x128xf32, #tpu.memory_space<hbm>>
    tpu.enqueue_dma source(%dma_start3A_284 : memref<4x8x128xf32, #tpu.memory_space<hbm>>) target(%dma_start3A_281 : memref<4x8x128xf32, #tpu.memory_space<vmem>>) target_semaphore(%arg17 : memref<!tpu.dma_semaphore, #tpu.memory_space<semaphore_mem>>)
    %eq3A_285 = arith.constant 4 : i32
    %eq3A_286 = vector.broadcast %eq3A_285 : i32 to vector<16xi32>
    %eq3A_287 = arith.cmpi eq, %iota3A, %eq3A_286 : vector<16xi32>
    %jit3A_288 = arith.constant 0 : i32
    %broadcast_in_dim3A_289 = vector.broadcast %jit3A_288 : i32 to vector<16xi32>
    %select_n3A_290 = arith.select %eq3A_287, %get3A_39, %broadcast_in_dim3A_289 : vector<16xi1>, vector<16xi32>
    %reduce_sum3A_291 = arith.constant true
    %reduce_sum3A_292 = vector.broadcast %reduce_sum3A_291 : i1 to vector<16xi1>
    %reduce_sum3A_293 = tpu.scan <sum>, %select_n3A_290 masked %reduce_sum3A_292 : vector<16xi32>, vector<16xi1> -> vector<16xi32>
    %reduce_sum3A_294 = vector.extract %reduce_sum3A_293[15] : i32 from vector<16xi32>
    %eq3A_295 = arith.constant 4 : i32
    %eq3A_296 = vector.broadcast %eq3A_295 : i32 to vector<16xi32>
    %eq3A_297 = arith.cmpi eq, %iota3A, %eq3A_296 : vector<16xi32>
    %jit3A_298 = arith.constant 0 : i32
    %broadcast_in_dim3A_299 = vector.broadcast %jit3A_298 : i32 to vector<16xi32>
    %select_n3A_300 = arith.select %eq3A_297, %get3A_41, %broadcast_in_dim3A_299 : vector<16xi1>, vector<16xi32>
    %reduce_sum3A_301 = arith.constant true
    %reduce_sum3A_302 = vector.broadcast %reduce_sum3A_301 : i1 to vector<16xi1>
    %reduce_sum3A_303 = tpu.scan <sum>, %select_n3A_300 masked %reduce_sum3A_302 : vector<16xi32>, vector<16xi1> -> vector<16xi32>
    %reduce_sum3A_304 = vector.extract %reduce_sum3A_303[15] : i32 from vector<16xi32>
    %rem3A_305 = arith.constant 128 : i32
    %rem3A_306 = arith.remsi %reduce_sum3A_294, %rem3A_305 : i32
    %sub3A_307 = arith.subi %reduce_sum3A_294, %rem3A_306 : i32
    %multiple_of3A_308 = tpu.assume_multiple %sub3A_307, 128 : i32
    %rem3A_309 = arith.constant 128 : i32
    %rem3A_310 = arith.remsi %reduce_sum3A_304, %rem3A_309 : i32
    %sub3A_311 = arith.subi %reduce_sum3A_304, %rem3A_310 : i32
    %multiple_of3A_312 = tpu.assume_multiple %sub3A_311, 128 : i32
    %dma_start3A_313 = arith.constant 4 : i32
    %dma_start3A_314 = arith.constant 0 : i32
    %dma_start3A_315 = arith.constant 0 : i32
    %dma_start3A_316 = arith.constant 0 : i32
    %dma_start3A_317 = tpu.memref_slice %arg9[%dma_start3A_313, %dma_start3A_314, %dma_start3A_315, %dma_start3A_316] : memref<8x4x8x128xf32, #tpu.memory_space<vmem>> -> memref<1x4x8x128xf32, #tpu.memory_space<vmem>>
    %dma_start3A_318 = tpu.memref_squeeze %dma_start3A_317 : memref<1x4x8x128xf32, #tpu.memory_space<vmem>> -> memref<4x8x128xf32, #tpu.memory_space<vmem>>
    %dma_start3A_319 = arith.constant 0 : i32
    %dma_start3A_320 = arith.constant 0 : i32
    %dma_start3A_321 = tpu.memref_slice %arg3[%dma_start3A_319, %dma_start3A_320, %multiple_of3A_308] : memref<4x8x1000000xf32, #tpu.memory_space<hbm>> -> memref<4x8x128xf32, #tpu.memory_space<hbm>>
    %dma_start3A_322 = arith.constant 0 : i32
    %dma_start3A_323 = arith.constant 0 : i32
    %dma_start3A_324 = arith.constant 0 : i32
    %dma_start3A_325 = tpu.memref_slice %arg9[%dma_start3A_313, %dma_start3A_322, %dma_start3A_323, %dma_start3A_324] : memref<8x4x8x128xf32, #tpu.memory_space<vmem>> -> memref<1x4x8x128xf32, #tpu.memory_space<vmem>>
    %dma_start3A_326 = tpu.memref_squeeze %dma_start3A_325 : memref<1x4x8x128xf32, #tpu.memory_space<vmem>> -> memref<4x8x128xf32, #tpu.memory_space<vmem>>
    %dma_start3A_327 = arith.constant 0 : i32
    %dma_start3A_328 = arith.constant 0 : i32
    %dma_start3A_329 = tpu.memref_slice %arg3[%dma_start3A_327, %dma_start3A_328, %multiple_of3A_308] : memref<4x8x1000000xf32, #tpu.memory_space<hbm>> -> memref<4x8x128xf32, #tpu.memory_space<hbm>>
    tpu.enqueue_dma source(%dma_start3A_329 : memref<4x8x128xf32, #tpu.memory_space<hbm>>) target(%dma_start3A_326 : memref<4x8x128xf32, #tpu.memory_space<vmem>>) target_semaphore(%arg18 : memref<!tpu.dma_semaphore, #tpu.memory_space<semaphore_mem>>)
    %dma_start3A_330 = arith.constant 4 : i32
    %dma_start3A_331 = arith.constant 0 : i32
    %dma_start3A_332 = arith.constant 0 : i32
    %dma_start3A_333 = arith.constant 0 : i32
    %dma_start3A_334 = tpu.memref_slice %arg10[%dma_start3A_330, %dma_start3A_331, %dma_start3A_332, %dma_start3A_333] : memref<8x4x8x128xf32, #tpu.memory_space<vmem>> -> memref<1x4x8x128xf32, #tpu.memory_space<vmem>>
    %dma_start3A_335 = tpu.memref_squeeze %dma_start3A_334 : memref<1x4x8x128xf32, #tpu.memory_space<vmem>> -> memref<4x8x128xf32, #tpu.memory_space<vmem>>
    %dma_start3A_336 = arith.constant 0 : i32
    %dma_start3A_337 = arith.constant 0 : i32
    %dma_start3A_338 = tpu.memref_slice %arg4[%dma_start3A_336, %dma_start3A_337, %multiple_of3A_312] : memref<4x8x1000000xf32, #tpu.memory_space<hbm>> -> memref<4x8x128xf32, #tpu.memory_space<hbm>>
    %dma_start3A_339 = arith.constant 0 : i32
    %dma_start3A_340 = arith.constant 0 : i32
    %dma_start3A_341 = arith.constant 0 : i32
    %dma_start3A_342 = tpu.memref_slice %arg10[%dma_start3A_330, %dma_start3A_339, %dma_start3A_340, %dma_start3A_341] : memref<8x4x8x128xf32, #tpu.memory_space<vmem>> -> memref<1x4x8x128xf32, #tpu.memory_space<vmem>>
    %dma_start3A_343 = tpu.memref_squeeze %dma_start3A_342 : memref<1x4x8x128xf32, #tpu.memory_space<vmem>> -> memref<4x8x128xf32, #tpu.memory_space<vmem>>
    %dma_start3A_344 = arith.constant 0 : i32
    %dma_start3A_345 = arith.constant 0 : i32
    %dma_start3A_346 = tpu.memref_slice %arg4[%dma_start3A_344, %dma_start3A_345, %multiple_of3A_312] : memref<4x8x1000000xf32, #tpu.memory_space<hbm>> -> memref<4x8x128xf32, #tpu.memory_space<hbm>>
    tpu.enqueue_dma source(%dma_start3A_346 : memref<4x8x128xf32, #tpu.memory_space<hbm>>) target(%dma_start3A_343 : memref<4x8x128xf32, #tpu.memory_space<vmem>>) target_semaphore(%arg18 : memref<!tpu.dma_semaphore, #tpu.memory_space<semaphore_mem>>)
    %eq3A_347 = arith.constant 5 : i32
    %eq3A_348 = vector.broadcast %eq3A_347 : i32 to vector<16xi32>
    %eq3A_349 = arith.cmpi eq, %iota3A, %eq3A_348 : vector<16xi32>
    %jit3A_350 = arith.constant 0 : i32
    %broadcast_in_dim3A_351 = vector.broadcast %jit3A_350 : i32 to vector<16xi32>
    %select_n3A_352 = arith.select %eq3A_349, %get3A_39, %broadcast_in_dim3A_351 : vector<16xi1>, vector<16xi32>
    %reduce_sum3A_353 = arith.constant true
    %reduce_sum3A_354 = vector.broadcast %reduce_sum3A_353 : i1 to vector<16xi1>
    %reduce_sum3A_355 = tpu.scan <sum>, %select_n3A_352 masked %reduce_sum3A_354 : vector<16xi32>, vector<16xi1> -> vector<16xi32>
    %reduce_sum3A_356 = vector.extract %reduce_sum3A_355[15] : i32 from vector<16xi32>
    %eq3A_357 = arith.constant 5 : i32
    %eq3A_358 = vector.broadcast %eq3A_357 : i32 to vector<16xi32>
    %eq3A_359 = arith.cmpi eq, %iota3A, %eq3A_358 : vector<16xi32>
    %jit3A_360 = arith.constant 0 : i32
    %broadcast_in_dim3A_361 = vector.broadcast %jit3A_360 : i32 to vector<16xi32>
    %select_n3A_362 = arith.select %eq3A_359, %get3A_41, %broadcast_in_dim3A_361 : vector<16xi1>, vector<16xi32>
    %reduce_sum3A_363 = arith.constant true
    %reduce_sum3A_364 = vector.broadcast %reduce_sum3A_363 : i1 to vector<16xi1>
    %reduce_sum3A_365 = tpu.scan <sum>, %select_n3A_362 masked %reduce_sum3A_364 : vector<16xi32>, vector<16xi1> -> vector<16xi32>
    %reduce_sum3A_366 = vector.extract %reduce_sum3A_365[15] : i32 from vector<16xi32>
    %rem3A_367 = arith.constant 128 : i32
    %rem3A_368 = arith.remsi %reduce_sum3A_356, %rem3A_367 : i32
    %sub3A_369 = arith.subi %reduce_sum3A_356, %rem3A_368 : i32
    %multiple_of3A_370 = tpu.assume_multiple %sub3A_369, 128 : i32
    %rem3A_371 = arith.constant 128 : i32
    %rem3A_372 = arith.remsi %reduce_sum3A_366, %rem3A_371 : i32
    %sub3A_373 = arith.subi %reduce_sum3A_366, %rem3A_372 : i32
    %multiple_of3A_374 = tpu.assume_multiple %sub3A_373, 128 : i32
    %dma_start3A_375 = arith.constant 5 : i32
    %dma_start3A_376 = arith.constant 0 : i32
    %dma_start3A_377 = arith.constant 0 : i32
    %dma_start3A_378 = arith.constant 0 : i32
    %dma_start3A_379 = tpu.memref_slice %arg9[%dma_start3A_375, %dma_start3A_376, %dma_start3A_377, %dma_start3A_378] : memref<8x4x8x128xf32, #tpu.memory_space<vmem>> -> memref<1x4x8x128xf32, #tpu.memory_space<vmem>>
    %dma_start3A_380 = tpu.memref_squeeze %dma_start3A_379 : memref<1x4x8x128xf32, #tpu.memory_space<vmem>> -> memref<4x8x128xf32, #tpu.memory_space<vmem>>
    %dma_start3A_381 = arith.constant 0 : i32
    %dma_start3A_382 = arith.constant 0 : i32
    %dma_start3A_383 = tpu.memref_slice %arg3[%dma_start3A_381, %dma_start3A_382, %multiple_of3A_370] : memref<4x8x1000000xf32, #tpu.memory_space<hbm>> -> memref<4x8x128xf32, #tpu.memory_space<hbm>>
    %dma_start3A_384 = arith.constant 0 : i32
    %dma_start3A_385 = arith.constant 0 : i32
    %dma_start3A_386 = arith.constant 0 : i32
    %dma_start3A_387 = tpu.memref_slice %arg9[%dma_start3A_375, %dma_start3A_384, %dma_start3A_385, %dma_start3A_386] : memref<8x4x8x128xf32, #tpu.memory_space<vmem>> -> memref<1x4x8x128xf32, #tpu.memory_space<vmem>>
    %dma_start3A_388 = tpu.memref_squeeze %dma_start3A_387 : memref<1x4x8x128xf32, #tpu.memory_space<vmem>> -> memref<4x8x128xf32, #tpu.memory_space<vmem>>
    %dma_start3A_389 = arith.constant 0 : i32
    %dma_start3A_390 = arith.constant 0 : i32
    %dma_start3A_391 = tpu.memref_slice %arg3[%dma_start3A_389, %dma_start3A_390, %multiple_of3A_370] : memref<4x8x1000000xf32, #tpu.memory_space<hbm>> -> memref<4x8x128xf32, #tpu.memory_space<hbm>>
    tpu.enqueue_dma source(%dma_start3A_391 : memref<4x8x128xf32, #tpu.memory_space<hbm>>) target(%dma_start3A_388 : memref<4x8x128xf32, #tpu.memory_space<vmem>>) target_semaphore(%arg19 : memref<!tpu.dma_semaphore, #tpu.memory_space<semaphore_mem>>)
    %dma_start3A_392 = arith.constant 5 : i32
    %dma_start3A_393 = arith.constant 0 : i32
    %dma_start3A_394 = arith.constant 0 : i32
    %dma_start3A_395 = arith.constant 0 : i32
    %dma_start3A_396 = tpu.memref_slice %arg10[%dma_start3A_392, %dma_start3A_393, %dma_start3A_394, %dma_start3A_395] : memref<8x4x8x128xf32, #tpu.memory_space<vmem>> -> memref<1x4x8x128xf32, #tpu.memory_space<vmem>>
    %dma_start3A_397 = tpu.memref_squeeze %dma_start3A_396 : memref<1x4x8x128xf32, #tpu.memory_space<vmem>> -> memref<4x8x128xf32, #tpu.memory_space<vmem>>
    %dma_start3A_398 = arith.constant 0 : i32
    %dma_start3A_399 = arith.constant 0 : i32
    %dma_start3A_400 = tpu.memref_slice %arg4[%dma_start3A_398, %dma_start3A_399, %multiple_of3A_374] : memref<4x8x1000000xf32, #tpu.memory_space<hbm>> -> memref<4x8x128xf32, #tpu.memory_space<hbm>>
    %dma_start3A_401 = arith.constant 0 : i32
    %dma_start3A_402 = arith.constant 0 : i32
    %dma_start3A_403 = arith.constant 0 : i32
    %dma_start3A_404 = tpu.memref_slice %arg10[%dma_start3A_392, %dma_start3A_401, %dma_start3A_402, %dma_start3A_403] : memref<8x4x8x128xf32, #tpu.memory_space<vmem>> -> memref<1x4x8x128xf32, #tpu.memory_space<vmem>>
    %dma_start3A_405 = tpu.memref_squeeze %dma_start3A_404 : memref<1x4x8x128xf32, #tpu.memory_space<vmem>> -> memref<4x8x128xf32, #tpu.memory_space<vmem>>
    %dma_start3A_406 = arith.constant 0 : i32
    %dma_start3A_407 = arith.constant 0 : i32
    %dma_start3A_408 = tpu.memref_slice %arg4[%dma_start3A_406, %dma_start3A_407, %multiple_of3A_374] : memref<4x8x1000000xf32, #tpu.memory_space<hbm>> -> memref<4x8x128xf32, #tpu.memory_space<hbm>>
    tpu.enqueue_dma source(%dma_start3A_408 : memref<4x8x128xf32, #tpu.memory_space<hbm>>) target(%dma_start3A_405 : memref<4x8x128xf32, #tpu.memory_space<vmem>>) target_semaphore(%arg19 : memref<!tpu.dma_semaphore, #tpu.memory_space<semaphore_mem>>)
    %eq3A_409 = arith.constant 6 : i32
    %eq3A_410 = vector.broadcast %eq3A_409 : i32 to vector<16xi32>
    %eq3A_411 = arith.cmpi eq, %iota3A, %eq3A_410 : vector<16xi32>
    %jit3A_412 = arith.constant 0 : i32
    %broadcast_in_dim3A_413 = vector.broadcast %jit3A_412 : i32 to vector<16xi32>
    %select_n3A_414 = arith.select %eq3A_411, %get3A_39, %broadcast_in_dim3A_413 : vector<16xi1>, vector<16xi32>
    %reduce_sum3A_415 = arith.constant true
    %reduce_sum3A_416 = vector.broadcast %reduce_sum3A_415 : i1 to vector<16xi1>
    %reduce_sum3A_417 = tpu.scan <sum>, %select_n3A_414 masked %reduce_sum3A_416 : vector<16xi32>, vector<16xi1> -> vector<16xi32>
    %reduce_sum3A_418 = vector.extract %reduce_sum3A_417[15] : i32 from vector<16xi32>
    %eq3A_419 = arith.constant 6 : i32
    %eq3A_420 = vector.broadcast %eq3A_419 : i32 to vector<16xi32>
    %eq3A_421 = arith.cmpi eq, %iota3A, %eq3A_420 : vector<16xi32>
    %jit3A_422 = arith.constant 0 : i32
    %broadcast_in_dim3A_423 = vector.broadcast %jit3A_422 : i32 to vector<16xi32>
    %select_n3A_424 = arith.select %eq3A_421, %get3A_41, %broadcast_in_dim3A_423 : vector<16xi1>, vector<16xi32>
    %reduce_sum3A_425 = arith.constant true
    %reduce_sum3A_426 = vector.broadcast %reduce_sum3A_425 : i1 to vector<16xi1>
    %reduce_sum3A_427 = tpu.scan <sum>, %select_n3A_424 masked %reduce_sum3A_426 : vector<16xi32>, vector<16xi1> -> vector<16xi32>
    %reduce_sum3A_428 = vector.extract %reduce_sum3A_427[15] : i32 from vector<16xi32>
    %rem3A_429 = arith.constant 128 : i32
    %rem3A_430 = arith.remsi %reduce_sum3A_418, %rem3A_429 : i32
    %sub3A_431 = arith.subi %reduce_sum3A_418, %rem3A_430 : i32
    %multiple_of3A_432 = tpu.assume_multiple %sub3A_431, 128 : i32
    %rem3A_433 = arith.constant 128 : i32
    %rem3A_434 = arith.remsi %reduce_sum3A_428, %rem3A_433 : i32
    %sub3A_435 = arith.subi %reduce_sum3A_428, %rem3A_434 : i32
    %multiple_of3A_436 = tpu.assume_multiple %sub3A_435, 128 : i32
    %dma_start3A_437 = arith.constant 6 : i32
    %dma_start3A_438 = arith.constant 0 : i32
    %dma_start3A_439 = arith.constant 0 : i32
    %dma_start3A_440 = arith.constant 0 : i32
    %dma_start3A_441 = tpu.memref_slice %arg9[%dma_start3A_437, %dma_start3A_438, %dma_start3A_439, %dma_start3A_440] : memref<8x4x8x128xf32, #tpu.memory_space<vmem>> -> memref<1x4x8x128xf32, #tpu.memory_space<vmem>>
    %dma_start3A_442 = tpu.memref_squeeze %dma_start3A_441 : memref<1x4x8x128xf32, #tpu.memory_space<vmem>> -> memref<4x8x128xf32, #tpu.memory_space<vmem>>
    %dma_start3A_443 = arith.constant 0 : i32
    %dma_start3A_444 = arith.constant 0 : i32
    %dma_start3A_445 = tpu.memref_slice %arg3[%dma_start3A_443, %dma_start3A_444, %multiple_of3A_432] : memref<4x8x1000000xf32, #tpu.memory_space<hbm>> -> memref<4x8x128xf32, #tpu.memory_space<hbm>>
    %dma_start3A_446 = arith.constant 0 : i32
    %dma_start3A_447 = arith.constant 0 : i32
    %dma_start3A_448 = arith.constant 0 : i32
    %dma_start3A_449 = tpu.memref_slice %arg9[%dma_start3A_437, %dma_start3A_446, %dma_start3A_447, %dma_start3A_448] : memref<8x4x8x128xf32, #tpu.memory_space<vmem>> -> memref<1x4x8x128xf32, #tpu.memory_space<vmem>>
    %dma_start3A_450 = tpu.memref_squeeze %dma_start3A_449 : memref<1x4x8x128xf32, #tpu.memory_space<vmem>> -> memref<4x8x128xf32, #tpu.memory_space<vmem>>
    %dma_start3A_451 = arith.constant 0 : i32
    %dma_start3A_452 = arith.constant 0 : i32
    %dma_start3A_453 = tpu.memref_slice %arg3[%dma_start3A_451, %dma_start3A_452, %multiple_of3A_432] : memref<4x8x1000000xf32, #tpu.memory_space<hbm>> -> memref<4x8x128xf32, #tpu.memory_space<hbm>>
    tpu.enqueue_dma source(%dma_start3A_453 : memref<4x8x128xf32, #tpu.memory_space<hbm>>) target(%dma_start3A_450 : memref<4x8x128xf32, #tpu.memory_space<vmem>>) target_semaphore(%arg20 : memref<!tpu.dma_semaphore, #tpu.memory_space<semaphore_mem>>)
    %dma_start3A_454 = arith.constant 6 : i32
    %dma_start3A_455 = arith.constant 0 : i32
    %dma_start3A_456 = arith.constant 0 : i32
    %dma_start3A_457 = arith.constant 0 : i32
    %dma_start3A_458 = tpu.memref_slice %arg10[%dma_start3A_454, %dma_start3A_455, %dma_start3A_456, %dma_start3A_457] : memref<8x4x8x128xf32, #tpu.memory_space<vmem>> -> memref<1x4x8x128xf32, #tpu.memory_space<vmem>>
    %dma_start3A_459 = tpu.memref_squeeze %dma_start3A_458 : memref<1x4x8x128xf32, #tpu.memory_space<vmem>> -> memref<4x8x128xf32, #tpu.memory_space<vmem>>
    %dma_start3A_460 = arith.constant 0 : i32
    %dma_start3A_461 = arith.constant 0 : i32
    %dma_start3A_462 = tpu.memref_slice %arg4[%dma_start3A_460, %dma_start3A_461, %multiple_of3A_436] : memref<4x8x1000000xf32, #tpu.memory_space<hbm>> -> memref<4x8x128xf32, #tpu.memory_space<hbm>>
    %dma_start3A_463 = arith.constant 0 : i32
    %dma_start3A_464 = arith.constant 0 : i32
    %dma_start3A_465 = arith.constant 0 : i32
    %dma_start3A_466 = tpu.memref_slice %arg10[%dma_start3A_454, %dma_start3A_463, %dma_start3A_464, %dma_start3A_465] : memref<8x4x8x128xf32, #tpu.memory_space<vmem>> -> memref<1x4x8x128xf32, #tpu.memory_space<vmem>>
    %dma_start3A_467 = tpu.memref_squeeze %dma_start3A_466 : memref<1x4x8x128xf32, #tpu.memory_space<vmem>> -> memref<4x8x128xf32, #tpu.memory_space<vmem>>
    %dma_start3A_468 = arith.constant 0 : i32
    %dma_start3A_469 = arith.constant 0 : i32
    %dma_start3A_470 = tpu.memref_slice %arg4[%dma_start3A_468, %dma_start3A_469, %multiple_of3A_436] : memref<4x8x1000000xf32, #tpu.memory_space<hbm>> -> memref<4x8x128xf32, #tpu.memory_space<hbm>>
    tpu.enqueue_dma source(%dma_start3A_470 : memref<4x8x128xf32, #tpu.memory_space<hbm>>) target(%dma_start3A_467 : memref<4x8x128xf32, #tpu.memory_space<vmem>>) target_semaphore(%arg20 : memref<!tpu.dma_semaphore, #tpu.memory_space<semaphore_mem>>)
    %scan3A = arith.constant 0 : i32
    %scan3A_471 = arith.constant 0 : i32
    %scan3A_472 = arith.constant 32 : i32
    %scan3A_473 = arith.addi %scan3A_471, %scan3A_472 : i32
    %scan3A_474 = arith.constant 1 : i32
    scf.for %scan3A_741 = %scan3A_471 to %scan3A_473 step %scan3A_474  : i32 {
      %mul3A_742 = arith.constant 16 : i32
      %mul3A_743 = arith.muli %scan3A_741, %mul3A_742 : i32
      %get3A_744 = arith.index_cast %mul3A_743 : i32 to index
      %get3A_745 = tpu.vector_load %arg7[%get3A_744] {strides = array<i32>} : memref<512xi32, #tpu.memory_space<vmem>>, vector<16xi32>,
      %get3A_746 = arith.index_cast %mul3A_743 : i32 to index
      %get3A_747 = tpu.vector_load %arg8[%get3A_746] {strides = array<i32>} : memref<512xi32, #tpu.memory_space<vmem>>, vector<16xi32>,
      %add3A_748 = arith.constant 16 : i32
      %add3A_749 = arith.addi %mul3A_743, %add3A_748 : i32
      %min3A = arith.constant 496 : i32
      %min3A_750 = arith.minsi %add3A_749, %min3A : i32
      %get3A_751 = arith.index_cast %min3A_750 : i32 to index
      %get3A_752 = tpu.vector_load %arg7[%get3A_751] {strides = array<i32>} : memref<512xi32, #tpu.memory_space<vmem>>, vector<16xi32>,
      %get3A_753 = arith.index_cast %min3A_750 : i32 to index
      %get3A_754 = tpu.vector_load %arg8[%get3A_753] {strides = array<i32>} : memref<512xi32, #tpu.memory_space<vmem>>, vector<16xi32>,
      %broadcast_in_dim3A_755 = arith.constant 0.000000e+00 : f32
      %broadcast_in_dim3A_756 = vector.broadcast %broadcast_in_dim3A_755 : f32 to vector<16xf32>
      %eq3A_757 = arith.constant 0 : i32
      %eq3A_758 = vector.broadcast %eq3A_757 : i32 to vector<16xi32>
      %eq3A_759 = arith.cmpi eq, %iota3A, %eq3A_758 : vector<16xi32>
      %jit3A_760 = arith.constant 0 : i32
      %broadcast_in_dim3A_761 = vector.broadcast %jit3A_760 : i32 to vector<16xi32>
      %select_n3A_762 = arith.select %eq3A_759, %get3A_745, %broadcast_in_dim3A_761 : vector<16xi1>, vector<16xi32>
      %reduce_sum3A_763 = arith.constant true
      %reduce_sum3A_764 = vector.broadcast %reduce_sum3A_763 : i1 to vector<16xi1>
      %reduce_sum3A_765 = tpu.scan <sum>, %select_n3A_762 masked %reduce_sum3A_764 : vector<16xi32>, vector<16xi1> -> vector<16xi32>
      %reduce_sum3A_766 = vector.extract %reduce_sum3A_765[15] : i32 from vector<16xi32>
      %eq3A_767 = arith.constant 1 : i32
      %eq3A_768 = vector.broadcast %eq3A_767 : i32 to vector<16xi32>
      %eq3A_769 = arith.cmpi eq, %iota3A, %eq3A_768 : vector<16xi32>
      %jit3A_770 = arith.constant 0 : i32
      %broadcast_in_dim3A_771 = vector.broadcast %jit3A_770 : i32 to vector<16xi32>
      %select_n3A_772 = arith.select %eq3A_769, %get3A_745, %broadcast_in_dim3A_771 : vector<16xi1>, vector<16xi32>
      %reduce_sum3A_773 = arith.constant true
      %reduce_sum3A_774 = vector.broadcast %reduce_sum3A_773 : i1 to vector<16xi1>
      %reduce_sum3A_775 = tpu.scan <sum>, %select_n3A_772 masked %reduce_sum3A_774 : vector<16xi32>, vector<16xi1> -> vector<16xi32>
      %reduce_sum3A_776 = vector.extract %reduce_sum3A_775[15] : i32 from vector<16xi32>
      %eq3A_777 = arith.constant 2 : i32
      %eq3A_778 = vector.broadcast %eq3A_777 : i32 to vector<16xi32>
      %eq3A_779 = arith.cmpi eq, %iota3A, %eq3A_778 : vector<16xi32>
      %jit3A_780 = arith.constant 0 : i32
      %broadcast_in_dim3A_781 = vector.broadcast %jit3A_780 : i32 to vector<16xi32>
      %select_n3A_782 = arith.select %eq3A_779, %get3A_745, %broadcast_in_dim3A_781 : vector<16xi1>, vector<16xi32>
      %reduce_sum3A_783 = arith.constant true
      %reduce_sum3A_784 = vector.broadcast %reduce_sum3A_783 : i1 to vector<16xi1>
      %reduce_sum3A_785 = tpu.scan <sum>, %select_n3A_782 masked %reduce_sum3A_784 : vector<16xi32>, vector<16xi1> -> vector<16xi32>
      %reduce_sum3A_786 = vector.extract %reduce_sum3A_785[15] : i32 from vector<16xi32>
      %eq3A_787 = arith.constant 3 : i32
      %eq3A_788 = vector.broadcast %eq3A_787 : i32 to vector<16xi32>
      %eq3A_789 = arith.cmpi eq, %iota3A, %eq3A_788 : vector<16xi32>
      %jit3A_790 = arith.constant 0 : i32
      %broadcast_in_dim3A_791 = vector.broadcast %jit3A_790 : i32 to vector<16xi32>
      %select_n3A_792 = arith.select %eq3A_789, %get3A_745, %broadcast_in_dim3A_791 : vector<16xi1>, vector<16xi32>
      %reduce_sum3A_793 = arith.constant true
      %reduce_sum3A_794 = vector.broadcast %reduce_sum3A_793 : i1 to vector<16xi1>
      %reduce_sum3A_795 = tpu.scan <sum>, %select_n3A_792 masked %reduce_sum3A_794 : vector<16xi32>, vector<16xi1> -> vector<16xi32>
      %reduce_sum3A_796 = vector.extract %reduce_sum3A_795[15] : i32 from vector<16xi32>
      %eq3A_797 = arith.constant 4 : i32
      %eq3A_798 = vector.broadcast %eq3A_797 : i32 to vector<16xi32>
      %eq3A_799 = arith.cmpi eq, %iota3A, %eq3A_798 : vector<16xi32>
      %jit3A_800 = arith.constant 0 : i32
      %broadcast_in_dim3A_801 = vector.broadcast %jit3A_800 : i32 to vector<16xi32>
      %select_n3A_802 = arith.select %eq3A_799, %get3A_745, %broadcast_in_dim3A_801 : vector<16xi1>, vector<16xi32>
      %reduce_sum3A_803 = arith.constant true
      %reduce_sum3A_804 = vector.broadcast %reduce_sum3A_803 : i1 to vector<16xi1>
      %reduce_sum3A_805 = tpu.scan <sum>, %select_n3A_802 masked %reduce_sum3A_804 : vector<16xi32>, vector<16xi1> -> vector<16xi32>
      %reduce_sum3A_806 = vector.extract %reduce_sum3A_805[15] : i32 from vector<16xi32>
      %eq3A_807 = arith.constant 5 : i32
      %eq3A_808 = vector.broadcast %eq3A_807 : i32 to vector<16xi32>
      %eq3A_809 = arith.cmpi eq, %iota3A, %eq3A_808 : vector<16xi32>
      %jit3A_810 = arith.constant 0 : i32
      %broadcast_in_dim3A_811 = vector.broadcast %jit3A_810 : i32 to vector<16xi32>
      %select_n3A_812 = arith.select %eq3A_809, %get3A_745, %broadcast_in_dim3A_811 : vector<16xi1>, vector<16xi32>
      %reduce_sum3A_813 = arith.constant true
      %reduce_sum3A_814 = vector.broadcast %reduce_sum3A_813 : i1 to vector<16xi1>
      %reduce_sum3A_815 = tpu.scan <sum>, %select_n3A_812 masked %reduce_sum3A_814 : vector<16xi32>, vector<16xi1> -> vector<16xi32>
      %reduce_sum3A_816 = vector.extract %reduce_sum3A_815[15] : i32 from vector<16xi32>
      %eq3A_817 = arith.constant 6 : i32
      %eq3A_818 = vector.broadcast %eq3A_817 : i32 to vector<16xi32>
      %eq3A_819 = arith.cmpi eq, %iota3A, %eq3A_818 : vector<16xi32>
      %jit3A_820 = arith.constant 0 : i32
      %broadcast_in_dim3A_821 = vector.broadcast %jit3A_820 : i32 to vector<16xi32>
      %select_n3A_822 = arith.select %eq3A_819, %get3A_745, %broadcast_in_dim3A_821 : vector<16xi1>, vector<16xi32>
      %reduce_sum3A_823 = arith.constant true
      %reduce_sum3A_824 = vector.broadcast %reduce_sum3A_823 : i1 to vector<16xi1>
      %reduce_sum3A_825 = tpu.scan <sum>, %select_n3A_822 masked %reduce_sum3A_824 : vector<16xi32>, vector<16xi1> -> vector<16xi32>
      %reduce_sum3A_826 = vector.extract %reduce_sum3A_825[15] : i32 from vector<16xi32>
      %eq3A_827 = arith.constant 0 : i32
      %eq3A_828 = vector.broadcast %eq3A_827 : i32 to vector<16xi32>
      %eq3A_829 = arith.cmpi eq, %iota3A, %eq3A_828 : vector<16xi32>
      %jit3A_830 = arith.constant 0 : i32
      %broadcast_in_dim3A_831 = vector.broadcast %jit3A_830 : i32 to vector<16xi32>
      %select_n3A_832 = arith.select %eq3A_829, %get3A_747, %broadcast_in_dim3A_831 : vector<16xi1>, vector<16xi32>
      %reduce_sum3A_833 = arith.constant true
      %reduce_sum3A_834 = vector.broadcast %reduce_sum3A_833 : i1 to vector<16xi1>
      %reduce_sum3A_835 = tpu.scan <sum>, %select_n3A_832 masked %reduce_sum3A_834 : vector<16xi32>, vector<16xi1> -> vector<16xi32>
      %reduce_sum3A_836 = vector.extract %reduce_sum3A_835[15] : i32 from vector<16xi32>
      %eq3A_837 = arith.constant 1 : i32
      %eq3A_838 = vector.broadcast %eq3A_837 : i32 to vector<16xi32>
      %eq3A_839 = arith.cmpi eq, %iota3A, %eq3A_838 : vector<16xi32>
      %jit3A_840 = arith.constant 0 : i32
      %broadcast_in_dim3A_841 = vector.broadcast %jit3A_840 : i32 to vector<16xi32>
      %select_n3A_842 = arith.select %eq3A_839, %get3A_747, %broadcast_in_dim3A_841 : vector<16xi1>, vector<16xi32>
      %reduce_sum3A_843 = arith.constant true
      %reduce_sum3A_844 = vector.broadcast %reduce_sum3A_843 : i1 to vector<16xi1>
      %reduce_sum3A_845 = tpu.scan <sum>, %select_n3A_842 masked %reduce_sum3A_844 : vector<16xi32>, vector<16xi1> -> vector<16xi32>
      %reduce_sum3A_846 = vector.extract %reduce_sum3A_845[15] : i32 from vector<16xi32>
      %eq3A_847 = arith.constant 2 : i32
      %eq3A_848 = vector.broadcast %eq3A_847 : i32 to vector<16xi32>
      %eq3A_849 = arith.cmpi eq, %iota3A, %eq3A_848 : vector<16xi32>
      %jit3A_850 = arith.constant 0 : i32
      %broadcast_in_dim3A_851 = vector.broadcast %jit3A_850 : i32 to vector<16xi32>
      %select_n3A_852 = arith.select %eq3A_849, %get3A_747, %broadcast_in_dim3A_851 : vector<16xi1>, vector<16xi32>
      %reduce_sum3A_853 = arith.constant true
      %reduce_sum3A_854 = vector.broadcast %reduce_sum3A_853 : i1 to vector<16xi1>
      %reduce_sum3A_855 = tpu.scan <sum>, %select_n3A_852 masked %reduce_sum3A_854 : vector<16xi32>, vector<16xi1> -> vector<16xi32>
      %reduce_sum3A_856 = vector.extract %reduce_sum3A_855[15] : i32 from vector<16xi32>
      %eq3A_857 = arith.constant 3 : i32
      %eq3A_858 = vector.broadcast %eq3A_857 : i32 to vector<16xi32>
      %eq3A_859 = arith.cmpi eq, %iota3A, %eq3A_858 : vector<16xi32>
      %jit3A_860 = arith.constant 0 : i32
      %broadcast_in_dim3A_861 = vector.broadcast %jit3A_860 : i32 to vector<16xi32>
      %select_n3A_862 = arith.select %eq3A_859, %get3A_747, %broadcast_in_dim3A_861 : vector<16xi1>, vector<16xi32>
      %reduce_sum3A_863 = arith.constant true
      %reduce_sum3A_864 = vector.broadcast %reduce_sum3A_863 : i1 to vector<16xi1>
      %reduce_sum3A_865 = tpu.scan <sum>, %select_n3A_862 masked %reduce_sum3A_864 : vector<16xi32>, vector<16xi1> -> vector<16xi32>
      %reduce_sum3A_866 = vector.extract %reduce_sum3A_865[15] : i32 from vector<16xi32>
      %eq3A_867 = arith.constant 4 : i32
      %eq3A_868 = vector.broadcast %eq3A_867 : i32 to vector<16xi32>
      %eq3A_869 = arith.cmpi eq, %iota3A, %eq3A_868 : vector<16xi32>
      %jit3A_870 = arith.constant 0 : i32
      %broadcast_in_dim3A_871 = vector.broadcast %jit3A_870 : i32 to vector<16xi32>
      %select_n3A_872 = arith.select %eq3A_869, %get3A_747, %broadcast_in_dim3A_871 : vector<16xi1>, vector<16xi32>
      %reduce_sum3A_873 = arith.constant true
      %reduce_sum3A_874 = vector.broadcast %reduce_sum3A_873 : i1 to vector<16xi1>
      %reduce_sum3A_875 = tpu.scan <sum>, %select_n3A_872 masked %reduce_sum3A_874 : vector<16xi32>, vector<16xi1> -> vector<16xi32>
      %reduce_sum3A_876 = vector.extract %reduce_sum3A_875[15] : i32 from vector<16xi32>
      %eq3A_877 = arith.constant 5 : i32
      %eq3A_878 = vector.broadcast %eq3A_877 : i32 to vector<16xi32>
      %eq3A_879 = arith.cmpi eq, %iota3A, %eq3A_878 : vector<16xi32>
      %jit3A_880 = arith.constant 0 : i32
      %broadcast_in_dim3A_881 = vector.broadcast %jit3A_880 : i32 to vector<16xi32>
      %select_n3A_882 = arith.select %eq3A_879, %get3A_747, %broadcast_in_dim3A_881 : vector<16xi1>, vector<16xi32>
      %reduce_sum3A_883 = arith.constant true
      %reduce_sum3A_884 = vector.broadcast %reduce_sum3A_883 : i1 to vector<16xi1>
      %reduce_sum3A_885 = tpu.scan <sum>, %select_n3A_882 masked %reduce_sum3A_884 : vector<16xi32>, vector<16xi1> -> vector<16xi32>
      %reduce_sum3A_886 = vector.extract %reduce_sum3A_885[15] : i32 from vector<16xi32>
      %eq3A_887 = arith.constant 6 : i32
      %eq3A_888 = vector.broadcast %eq3A_887 : i32 to vector<16xi32>
      %eq3A_889 = arith.cmpi eq, %iota3A, %eq3A_888 : vector<16xi32>
      %jit3A_890 = arith.constant 0 : i32
      %broadcast_in_dim3A_891 = vector.broadcast %jit3A_890 : i32 to vector<16xi32>
      %select_n3A_892 = arith.select %eq3A_889, %get3A_747, %broadcast_in_dim3A_891 : vector<16xi1>, vector<16xi32>
      %reduce_sum3A_893 = arith.constant true
      %reduce_sum3A_894 = vector.broadcast %reduce_sum3A_893 : i1 to vector<16xi1>
      %reduce_sum3A_895 = tpu.scan <sum>, %select_n3A_892 masked %reduce_sum3A_894 : vector<16xi32>, vector<16xi1> -> vector<16xi32>
      %reduce_sum3A_896 = vector.extract %reduce_sum3A_895[15] : i32 from vector<16xi32>
      %eq3A_897 = arith.constant 7 : i32
      %eq3A_898 = vector.broadcast %eq3A_897 : i32 to vector<16xi32>
      %eq3A_899 = arith.cmpi eq, %iota3A, %eq3A_898 : vector<16xi32>
      %jit3A_900 = arith.constant 0 : i32
      %broadcast_in_dim3A_901 = vector.broadcast %jit3A_900 : i32 to vector<16xi32>
      %select_n3A_902 = arith.select %eq3A_899, %get3A_745, %broadcast_in_dim3A_901 : vector<16xi1>, vector<16xi32>
      %reduce_sum3A_903 = arith.constant true
      %reduce_sum3A_904 = vector.broadcast %reduce_sum3A_903 : i1 to vector<16xi1>
      %reduce_sum3A_905 = tpu.scan <sum>, %select_n3A_902 masked %reduce_sum3A_904 : vector<16xi32>, vector<16xi1> -> vector<16xi32>
      %reduce_sum3A_906 = vector.extract %reduce_sum3A_905[15] : i32 from vector<16xi32>
      %eq3A_907 = arith.constant 7 : i32
      %eq3A_908 = vector.broadcast %eq3A_907 : i32 to vector<16xi32>
      %eq3A_909 = arith.cmpi eq, %iota3A, %eq3A_908 : vector<16xi32>
      %jit3A_910 = arith.constant 0 : i32
      %broadcast_in_dim3A_911 = vector.broadcast %jit3A_910 : i32 to vector<16xi32>
      %select_n3A_912 = arith.select %eq3A_909, %get3A_747, %broadcast_in_dim3A_911 : vector<16xi1>, vector<16xi32>
      %reduce_sum3A_913 = arith.constant true
      %reduce_sum3A_914 = vector.broadcast %reduce_sum3A_913 : i1 to vector<16xi1>
      %reduce_sum3A_915 = tpu.scan <sum>, %select_n3A_912 masked %reduce_sum3A_914 : vector<16xi32>, vector<16xi1> -> vector<16xi32>
      %reduce_sum3A_916 = vector.extract %reduce_sum3A_915[15] : i32 from vector<16xi32>
      %rem3A_917 = arith.constant 128 : i32
      %rem3A_918 = arith.remsi %reduce_sum3A_906, %rem3A_917 : i32
      %sub3A_919 = arith.subi %reduce_sum3A_906, %rem3A_918 : i32
      %multiple_of3A_920 = tpu.assume_multiple %sub3A_919, 128 : i32
      %rem3A_921 = arith.constant 128 : i32
      %rem3A_922 = arith.remsi %reduce_sum3A_916, %rem3A_921 : i32
      %sub3A_923 = arith.subi %reduce_sum3A_916, %rem3A_922 : i32
      %multiple_of3A_924 = tpu.assume_multiple %sub3A_923, 128 : i32
      %dma_start3A_925 = arith.constant 7 : i32
      %dma_start3A_926 = arith.constant 0 : i32
      %dma_start3A_927 = arith.constant 0 : i32
      %dma_start3A_928 = arith.constant 0 : i32
      %dma_start3A_929 = tpu.memref_slice %arg9[%dma_start3A_925, %dma_start3A_926, %dma_start3A_927, %dma_start3A_928] : memref<8x4x8x128xf32, #tpu.memory_space<vmem>> -> memref<1x4x8x128xf32, #tpu.memory_space<vmem>>
      %dma_start3A_930 = tpu.memref_squeeze %dma_start3A_929 : memref<1x4x8x128xf32, #tpu.memory_space<vmem>> -> memref<4x8x128xf32, #tpu.memory_space<vmem>>
      %dma_start3A_931 = arith.constant 0 : i32
      %dma_start3A_932 = arith.constant 0 : i32
      %dma_start3A_933 = tpu.memref_slice %arg3[%dma_start3A_931, %dma_start3A_932, %multiple_of3A_920] : memref<4x8x1000000xf32, #tpu.memory_space<hbm>> -> memref<4x8x128xf32, #tpu.memory_space<hbm>>
      %dma_start3A_934 = arith.constant 0 : i32
      %dma_start3A_935 = arith.constant 0 : i32
      %dma_start3A_936 = arith.constant 0 : i32
      %dma_start3A_937 = tpu.memref_slice %arg9[%dma_start3A_925, %dma_start3A_934, %dma_start3A_935, %dma_start3A_936] : memref<8x4x8x128xf32, #tpu.memory_space<vmem>> -> memref<1x4x8x128xf32, #tpu.memory_space<vmem>>
      %dma_start3A_938 = tpu.memref_squeeze %dma_start3A_937 : memref<1x4x8x128xf32, #tpu.memory_space<vmem>> -> memref<4x8x128xf32, #tpu.memory_space<vmem>>
      %dma_start3A_939 = arith.constant 0 : i32
      %dma_start3A_940 = arith.constant 0 : i32
      %dma_start3A_941 = tpu.memref_slice %arg3[%dma_start3A_939, %dma_start3A_940, %multiple_of3A_920] : memref<4x8x1000000xf32, #tpu.memory_space<hbm>> -> memref<4x8x128xf32, #tpu.memory_space<hbm>>
      tpu.enqueue_dma source(%dma_start3A_941 : memref<4x8x128xf32, #tpu.memory_space<hbm>>) target(%dma_start3A_938 : memref<4x8x128xf32, #tpu.memory_space<vmem>>) target_semaphore(%arg21 : memref<!tpu.dma_semaphore, #tpu.memory_space<semaphore_mem>>)
      %dma_start3A_942 = arith.constant 7 : i32
      %dma_start3A_943 = arith.constant 0 : i32
      %dma_start3A_944 = arith.constant 0 : i32
      %dma_start3A_945 = arith.constant 0 : i32
      %dma_start3A_946 = tpu.memref_slice %arg10[%dma_start3A_942, %dma_start3A_943, %dma_start3A_944, %dma_start3A_945] : memref<8x4x8x128xf32, #tpu.memory_space<vmem>> -> memref<1x4x8x128xf32, #tpu.memory_space<vmem>>
      %dma_start3A_947 = tpu.memref_squeeze %dma_start3A_946 : memref<1x4x8x128xf32, #tpu.memory_space<vmem>> -> memref<4x8x128xf32, #tpu.memory_space<vmem>>
      %dma_start3A_948 = arith.constant 0 : i32
      %dma_start3A_949 = arith.constant 0 : i32
      %dma_start3A_950 = tpu.memref_slice %arg4[%dma_start3A_948, %dma_start3A_949, %multiple_of3A_924] : memref<4x8x1000000xf32, #tpu.memory_space<hbm>> -> memref<4x8x128xf32, #tpu.memory_space<hbm>>
      %dma_start3A_951 = arith.constant 0 : i32
      %dma_start3A_952 = arith.constant 0 : i32
      %dma_start3A_953 = arith.constant 0 : i32
      %dma_start3A_954 = tpu.memref_slice %arg10[%dma_start3A_942, %dma_start3A_951, %dma_start3A_952, %dma_start3A_953] : memref<8x4x8x128xf32, #tpu.memory_space<vmem>> -> memref<1x4x8x128xf32, #tpu.memory_space<vmem>>
      %dma_start3A_955 = tpu.memref_squeeze %dma_start3A_954 : memref<1x4x8x128xf32, #tpu.memory_space<vmem>> -> memref<4x8x128xf32, #tpu.memory_space<vmem>>
      %dma_start3A_956 = arith.constant 0 : i32
      %dma_start3A_957 = arith.constant 0 : i32
      %dma_start3A_958 = tpu.memref_slice %arg4[%dma_start3A_956, %dma_start3A_957, %multiple_of3A_924] : memref<4x8x1000000xf32, #tpu.memory_space<hbm>> -> memref<4x8x128xf32, #tpu.memory_space<hbm>>
      tpu.enqueue_dma source(%dma_start3A_958 : memref<4x8x128xf32, #tpu.memory_space<hbm>>) target(%dma_start3A_955 : memref<4x8x128xf32, #tpu.memory_space<vmem>>) target_semaphore(%arg21 : memref<!tpu.dma_semaphore, #tpu.memory_space<semaphore_mem>>)
      %dma_wait3A_959 = arith.constant 0 : i32
      %dma_wait3A_960 = arith.constant 0 : i32
      %dma_wait3A_961 = arith.constant 0 : i32
      %dma_wait3A_962 = arith.constant 0 : i32
      %dma_wait3A_963 = tpu.memref_slice %arg9[%dma_wait3A_959, %dma_wait3A_960, %dma_wait3A_961, %dma_wait3A_962] : memref<8x4x8x128xf32, #tpu.memory_space<vmem>> -> memref<1x4x8x128xf32, #tpu.memory_space<vmem>>
      %dma_wait3A_964 = tpu.memref_squeeze %dma_wait3A_963 : memref<1x4x8x128xf32, #tpu.memory_space<vmem>> -> memref<4x8x128xf32, #tpu.memory_space<vmem>>
      %dma_wait3A_965 = arith.constant 0 : i32
      %dma_wait3A_966 = arith.constant 0 : i32
      %dma_wait3A_967 = arith.constant 0 : i32
      %dma_wait3A_968 = tpu.memref_slice %arg3[%dma_wait3A_965, %dma_wait3A_966, %dma_wait3A_967] : memref<4x8x1000000xf32, #tpu.memory_space<hbm>> -> memref<4x8x128xf32, #tpu.memory_space<hbm>>
      %dma_wait3A_969 = arith.constant 0 : i32
      %dma_wait3A_970 = arith.constant 0 : i32
      %dma_wait3A_971 = arith.constant 0 : i32
      %dma_wait3A_972 = tpu.memref_slice %arg9[%dma_wait3A_959, %dma_wait3A_969, %dma_wait3A_970, %dma_wait3A_971] : memref<8x4x8x128xf32, #tpu.memory_space<vmem>> -> memref<1x4x8x128xf32, #tpu.memory_space<vmem>>
      %dma_wait3A_973 = tpu.memref_squeeze %dma_wait3A_972 : memref<1x4x8x128xf32, #tpu.memory_space<vmem>> -> memref<4x8x128xf32, #tpu.memory_space<vmem>>
      %dma_wait3A_974 = arith.constant 0 : i32
      %dma_wait3A_975 = arith.constant 0 : i32
      %dma_wait3A_976 = arith.constant 0 : i32
      %dma_wait3A_977 = tpu.memref_slice %arg3[%dma_wait3A_974, %dma_wait3A_975, %dma_wait3A_976] : memref<4x8x1000000xf32, #tpu.memory_space<hbm>> -> memref<4x8x128xf32, #tpu.memory_space<hbm>>
      tpu.wait_dma2 semaphore(%arg14 : memref<!tpu.dma_semaphore, #tpu.memory_space<semaphore_mem>>) src(%dma_wait3A_977 : memref<4x8x128xf32, #tpu.memory_space<hbm>>) dst(%dma_wait3A_973 : memref<4x8x128xf32, #tpu.memory_space<vmem>>)
      %dma_wait3A_978 = arith.constant 0 : i32
      %dma_wait3A_979 = arith.constant 0 : i32
      %dma_wait3A_980 = arith.constant 0 : i32
      %dma_wait3A_981 = arith.constant 0 : i32
      %dma_wait3A_982 = tpu.memref_slice %arg10[%dma_wait3A_978, %dma_wait3A_979, %dma_wait3A_980, %dma_wait3A_981] : memref<8x4x8x128xf32, #tpu.memory_space<vmem>> -> memref<1x4x8x128xf32, #tpu.memory_space<vmem>>
      %dma_wait3A_983 = tpu.memref_squeeze %dma_wait3A_982 : memref<1x4x8x128xf32, #tpu.memory_space<vmem>> -> memref<4x8x128xf32, #tpu.memory_space<vmem>>
      %dma_wait3A_984 = arith.constant 0 : i32
      %dma_wait3A_985 = arith.constant 0 : i32
      %dma_wait3A_986 = arith.constant 0 : i32
      %dma_wait3A_987 = tpu.memref_slice %arg4[%dma_wait3A_984, %dma_wait3A_985, %dma_wait3A_986] : memref<4x8x1000000xf32, #tpu.memory_space<hbm>> -> memref<4x8x128xf32, #tpu.memory_space<hbm>>
      %dma_wait3A_988 = arith.constant 0 : i32
      %dma_wait3A_989 = arith.constant 0 : i32
      %dma_wait3A_990 = arith.constant 0 : i32
      %dma_wait3A_991 = tpu.memref_slice %arg10[%dma_wait3A_978, %dma_wait3A_988, %dma_wait3A_989, %dma_wait3A_990] : memref<8x4x8x128xf32, #tpu.memory_space<vmem>> -> memref<1x4x8x128xf32, #tpu.memory_space<vmem>>
      %dma_wait3A_992 = tpu.memref_squeeze %dma_wait3A_991 : memref<1x4x8x128xf32, #tpu.memory_space<vmem>> -> memref<4x8x128xf32, #tpu.memory_space<vmem>>
      %dma_wait3A_993 = arith.constant 0 : i32
      %dma_wait3A_994 = arith.constant 0 : i32
      %dma_wait3A_995 = arith.constant 0 : i32
      %dma_wait3A_996 = tpu.memref_slice %arg4[%dma_wait3A_993, %dma_wait3A_994, %dma_wait3A_995] : memref<4x8x1000000xf32, #tpu.memory_space<hbm>> -> memref<4x8x128xf32, #tpu.memory_space<hbm>>
      tpu.wait_dma2 semaphore(%arg14 : memref<!tpu.dma_semaphore, #tpu.memory_space<semaphore_mem>>) src(%dma_wait3A_996 : memref<4x8x128xf32, #tpu.memory_space<hbm>>) dst(%dma_wait3A_992 : memref<4x8x128xf32, #tpu.memory_space<vmem>>)
      %rem3A_997 = arith.constant 128 : i32
      %rem3A_998 = arith.remsi %reduce_sum3A_766, %rem3A_997 : i32
      %broadcast_in_dim3A_999 = vector.broadcast %rem3A_998 : i32 to vector<16xi32>
      %rem3A_1000 = arith.constant 128 : i32
      %rem3A_1001 = arith.remsi %reduce_sum3A_836, %rem3A_1000 : i32
      %broadcast_in_dim3A_1002 = vector.broadcast %rem3A_1001 : i32 to vector<16xi32>
      %gather3A = arith.constant 0 : i32
      %gather3A_1003 = arith.constant 0 : i32
      %gather3A_1004 = arith.constant 0 : i32
      %gather3A_1005 = arith.constant 0 : i32
      %gather3A_1006 = tpu.memref_slice %arg9[%gather3A, %gather3A_1003, %gather3A_1004, %gather3A_1005] : memref<8x4x8x128xf32, #tpu.memory_space<vmem>> -> memref<1x4x8x128xf32, #tpu.memory_space<vmem>>
      %gather3A_1007 = tpu.memref_squeeze %gather3A_1006 : memref<1x4x8x128xf32, #tpu.memory_space<vmem>> -> memref<4x8x128xf32, #tpu.memory_space<vmem>>
      %gather3A_1008 = tpu.vector_load_idx %gather3A_1007[%select_n3A, %rem3A_37, %broadcast_in_dim3A_999] : memref<4x8x128xf32, #tpu.memory_space<vmem>>[vector<16xi32>, vector<16xi32>, vector<16xi32>], vector<16xf32>,
      %gather3A_1009 = arith.constant 0 : i32
      %gather3A_1010 = arith.constant 0 : i32
      %gather3A_1011 = arith.constant 0 : i32
      %gather3A_1012 = arith.constant 0 : i32
      %gather3A_1013 = tpu.memref_slice %arg9[%gather3A_1009, %gather3A_1010, %gather3A_1011, %gather3A_1012] : memref<8x4x8x128xf32, #tpu.memory_space<vmem>> -> memref<1x4x8x128xf32, #tpu.memory_space<vmem>>
      %gather3A_1014 = tpu.memref_squeeze %gather3A_1013 : memref<1x4x8x128xf32, #tpu.memory_space<vmem>> -> memref<4x8x128xf32, #tpu.memory_space<vmem>>
      %gather3A_1015 = tpu.vector_load_idx %gather3A_1014[%add3A_34, %rem3A_37, %broadcast_in_dim3A_999] : memref<4x8x128xf32, #tpu.memory_space<vmem>>[vector<16xi32>, vector<16xi32>, vector<16xi32>], vector<16xf32>,
      %gather3A_1016 = arith.constant 0 : i32
      %gather3A_1017 = arith.constant 0 : i32
      %gather3A_1018 = arith.constant 0 : i32
      %gather3A_1019 = arith.constant 0 : i32
      %gather3A_1020 = tpu.memref_slice %arg10[%gather3A_1016, %gather3A_1017, %gather3A_1018, %gather3A_1019] : memref<8x4x8x128xf32, #tpu.memory_space<vmem>> -> memref<1x4x8x128xf32, #tpu.memory_space<vmem>>
      %gather3A_1021 = tpu.memref_squeeze %gather3A_1020 : memref<1x4x8x128xf32, #tpu.memory_space<vmem>> -> memref<4x8x128xf32, #tpu.memory_space<vmem>>
      %gather3A_1022 = tpu.vector_load_idx %gather3A_1021[%select_n3A, %rem3A_37, %broadcast_in_dim3A_1002] : memref<4x8x128xf32, #tpu.memory_space<vmem>>[vector<16xi32>, vector<16xi32>, vector<16xi32>], vector<16xf32>,
      %gather3A_1023 = arith.constant 0 : i32
      %gather3A_1024 = arith.constant 0 : i32
      %gather3A_1025 = arith.constant 0 : i32
      %gather3A_1026 = arith.constant 0 : i32
      %gather3A_1027 = tpu.memref_slice %arg10[%gather3A_1023, %gather3A_1024, %gather3A_1025, %gather3A_1026] : memref<8x4x8x128xf32, #tpu.memory_space<vmem>> -> memref<1x4x8x128xf32, #tpu.memory_space<vmem>>
      %gather3A_1028 = tpu.memref_squeeze %gather3A_1027 : memref<1x4x8x128xf32, #tpu.memory_space<vmem>> -> memref<4x8x128xf32, #tpu.memory_space<vmem>>
      %gather3A_1029 = tpu.vector_load_idx %gather3A_1028[%add3A_34, %rem3A_37, %broadcast_in_dim3A_1002] : memref<4x8x128xf32, #tpu.memory_space<vmem>>[vector<16xi32>, vector<16xi32>, vector<16xi32>], vector<16xf32>,
      %mul3A_1030 = arith.mulf %gather3A_1008, %gather3A_1022 : vector<16xf32>
      %mul3A_1031 = arith.mulf %gather3A_1015, %gather3A_1029 : vector<16xf32>
      %add3A_1032 = arith.addf %mul3A_1030, %mul3A_1031 : vector<16xf32>
      %reduce_sum3A_1033 = arith.constant true
      %reduce_sum3A_1034 = vector.broadcast %reduce_sum3A_1033 : i1 to vector<16xi1>
      %reduce_sum3A_1035 = tpu.scan <sum>, %add3A_1032 masked %reduce_sum3A_1034 : vector<16xf32>, vector<16xi1> -> vector<16xf32>
      %reduce_sum3A_1036 = vector.extract %reduce_sum3A_1035[15] : f32 from vector<16xf32>
      %eq3A_1037 = arith.constant 0 : i32
      %eq3A_1038 = vector.broadcast %eq3A_1037 : i32 to vector<16xi32>
      %eq3A_1039 = arith.cmpi eq, %iota3A, %eq3A_1038 : vector<16xi32>
      %broadcast_in_dim3A_1040 = vector.broadcast %reduce_sum3A_1036 : f32 to vector<16xf32>
      %select_n3A_1041 = arith.select %eq3A_1039, %broadcast_in_dim3A_1040, %broadcast_in_dim3A_756 : vector<16xi1>, vector<16xf32>
      %eq3A_1042 = arith.constant 8 : i32
      %eq3A_1043 = vector.broadcast %eq3A_1042 : i32 to vector<16xi32>
      %eq3A_1044 = arith.cmpi eq, %iota3A, %eq3A_1043 : vector<16xi32>
      %jit3A_1045 = arith.constant 0 : i32
      %broadcast_in_dim3A_1046 = vector.broadcast %jit3A_1045 : i32 to vector<16xi32>
      %select_n3A_1047 = arith.select %eq3A_1044, %get3A_745, %broadcast_in_dim3A_1046 : vector<16xi1>, vector<16xi32>
      %reduce_sum3A_1048 = arith.constant true
      %reduce_sum3A_1049 = vector.broadcast %reduce_sum3A_1048 : i1 to vector<16xi1>
      %reduce_sum3A_1050 = tpu.scan <sum>, %select_n3A_1047 masked %reduce_sum3A_1049 : vector<16xi32>, vector<16xi1> -> vector<16xi32>
      %reduce_sum3A_1051 = vector.extract %reduce_sum3A_1050[15] : i32 from vector<16xi32>
      %eq3A_1052 = arith.constant 8 : i32
      %eq3A_1053 = vector.broadcast %eq3A_1052 : i32 to vector<16xi32>
      %eq3A_1054 = arith.cmpi eq, %iota3A, %eq3A_1053 : vector<16xi32>
      %jit3A_1055 = arith.constant 0 : i32
      %broadcast_in_dim3A_1056 = vector.broadcast %jit3A_1055 : i32 to vector<16xi32>
      %select_n3A_1057 = arith.select %eq3A_1054, %get3A_747, %broadcast_in_dim3A_1056 : vector<16xi1>, vector<16xi32>
      %reduce_sum3A_1058 = arith.constant true
      %reduce_sum3A_1059 = vector.broadcast %reduce_sum3A_1058 : i1 to vector<16xi1>
      %reduce_sum3A_1060 = tpu.scan <sum>, %select_n3A_1057 masked %reduce_sum3A_1059 : vector<16xi32>, vector<16xi1> -> vector<16xi32>
      %reduce_sum3A_1061 = vector.extract %reduce_sum3A_1060[15] : i32 from vector<16xi32>
      %rem3A_1062 = arith.constant 128 : i32
      %rem3A_1063 = arith.remsi %reduce_sum3A_1051, %rem3A_1062 : i32
      %sub3A_1064 = arith.subi %reduce_sum3A_1051, %rem3A_1063 : i32
      %multiple_of3A_1065 = tpu.assume_multiple %sub3A_1064, 128 : i32
      %rem3A_1066 = arith.constant 128 : i32
      %rem3A_1067 = arith.remsi %reduce_sum3A_1061, %rem3A_1066 : i32
      %sub3A_1068 = arith.subi %reduce_sum3A_1061, %rem3A_1067 : i32
      %multiple_of3A_1069 = tpu.assume_multiple %sub3A_1068, 128 : i32
      %dma_start3A_1070 = arith.constant 0 : i32
      %dma_start3A_1071 = arith.constant 0 : i32
      %dma_start3A_1072 = arith.constant 0 : i32
      %dma_start3A_1073 = arith.constant 0 : i32
      %dma_start3A_1074 = tpu.memref_slice %arg9[%dma_start3A_1070, %dma_start3A_1071, %dma_start3A_1072, %dma_start3A_1073] : memref<8x4x8x128xf32, #tpu.memory_space<vmem>> -> memref<1x4x8x128xf32, #tpu.memory_space<vmem>>
      %dma_start3A_1075 = tpu.memref_squeeze %dma_start3A_1074 : memref<1x4x8x128xf32, #tpu.memory_space<vmem>> -> memref<4x8x128xf32, #tpu.memory_space<vmem>>
      %dma_start3A_1076 = arith.constant 0 : i32
      %dma_start3A_1077 = arith.constant 0 : i32
      %dma_start3A_1078 = tpu.memref_slice %arg3[%dma_start3A_1076, %dma_start3A_1077, %multiple_of3A_1065] : memref<4x8x1000000xf32, #tpu.memory_space<hbm>> -> memref<4x8x128xf32, #tpu.memory_space<hbm>>
      %dma_start3A_1079 = arith.constant 0 : i32
      %dma_start3A_1080 = arith.constant 0 : i32
      %dma_start3A_1081 = arith.constant 0 : i32
      %dma_start3A_1082 = tpu.memref_slice %arg9[%dma_start3A_1070, %dma_start3A_1079, %dma_start3A_1080, %dma_start3A_1081] : memref<8x4x8x128xf32, #tpu.memory_space<vmem>> -> memref<1x4x8x128xf32, #tpu.memory_space<vmem>>
      %dma_start3A_1083 = tpu.memref_squeeze %dma_start3A_1082 : memref<1x4x8x128xf32, #tpu.memory_space<vmem>> -> memref<4x8x128xf32, #tpu.memory_space<vmem>>
      %dma_start3A_1084 = arith.constant 0 : i32
      %dma_start3A_1085 = arith.constant 0 : i32
      %dma_start3A_1086 = tpu.memref_slice %arg3[%dma_start3A_1084, %dma_start3A_1085, %multiple_of3A_1065] : memref<4x8x1000000xf32, #tpu.memory_space<hbm>> -> memref<4x8x128xf32, #tpu.memory_space<hbm>>
      tpu.enqueue_dma source(%dma_start3A_1086 : memref<4x8x128xf32, #tpu.memory_space<hbm>>) target(%dma_start3A_1083 : memref<4x8x128xf32, #tpu.memory_space<vmem>>) target_semaphore(%arg14 : memref<!tpu.dma_semaphore, #tpu.memory_space<semaphore_mem>>)
      %dma_start3A_1087 = arith.constant 0 : i32
      %dma_start3A_1088 = arith.constant 0 : i32
      %dma_start3A_1089 = arith.constant 0 : i32
      %dma_start3A_1090 = arith.constant 0 : i32
      %dma_start3A_1091 = tpu.memref_slice %arg10[%dma_start3A_1087, %dma_start3A_1088, %dma_start3A_1089, %dma_start3A_1090] : memref<8x4x8x128xf32, #tpu.memory_space<vmem>> -> memref<1x4x8x128xf32, #tpu.memory_space<vmem>>
      %dma_start3A_1092 = tpu.memref_squeeze %dma_start3A_1091 : memref<1x4x8x128xf32, #tpu.memory_space<vmem>> -> memref<4x8x128xf32, #tpu.memory_space<vmem>>
      %dma_start3A_1093 = arith.constant 0 : i32
      %dma_start3A_1094 = arith.constant 0 : i32
      %dma_start3A_1095 = tpu.memref_slice %arg4[%dma_start3A_1093, %dma_start3A_1094, %multiple_of3A_1069] : memref<4x8x1000000xf32, #tpu.memory_space<hbm>> -> memref<4x8x128xf32, #tpu.memory_space<hbm>>
      %dma_start3A_1096 = arith.constant 0 : i32
      %dma_start3A_1097 = arith.constant 0 : i32
      %dma_start3A_1098 = arith.constant 0 : i32
      %dma_start3A_1099 = tpu.memref_slice %arg10[%dma_start3A_1087, %dma_start3A_1096, %dma_start3A_1097, %dma_start3A_1098] : memref<8x4x8x128xf32, #tpu.memory_space<vmem>> -> memref<1x4x8x128xf32, #tpu.memory_space<vmem>>
      %dma_start3A_1100 = tpu.memref_squeeze %dma_start3A_1099 : memref<1x4x8x128xf32, #tpu.memory_space<vmem>> -> memref<4x8x128xf32, #tpu.memory_space<vmem>>
      %dma_start3A_1101 = arith.constant 0 : i32
      %dma_start3A_1102 = arith.constant 0 : i32
      %dma_start3A_1103 = tpu.memref_slice %arg4[%dma_start3A_1101, %dma_start3A_1102, %multiple_of3A_1069] : memref<4x8x1000000xf32, #tpu.memory_space<hbm>> -> memref<4x8x128xf32, #tpu.memory_space<hbm>>
      tpu.enqueue_dma source(%dma_start3A_1103 : memref<4x8x128xf32, #tpu.memory_space<hbm>>) target(%dma_start3A_1100 : memref<4x8x128xf32, #tpu.memory_space<vmem>>) target_semaphore(%arg14 : memref<!tpu.dma_semaphore, #tpu.memory_space<semaphore_mem>>)
      %dma_wait3A_1104 = arith.constant 1 : i32
      %dma_wait3A_1105 = arith.constant 0 : i32
      %dma_wait3A_1106 = arith.constant 0 : i32
      %dma_wait3A_1107 = arith.constant 0 : i32
      %dma_wait3A_1108 = tpu.memref_slice %arg9[%dma_wait3A_1104, %dma_wait3A_1105, %dma_wait3A_1106, %dma_wait3A_1107] : memref<8x4x8x128xf32, #tpu.memory_space<vmem>> -> memref<1x4x8x128xf32, #tpu.memory_space<vmem>>
      %dma_wait3A_1109 = tpu.memref_squeeze %dma_wait3A_1108 : memref<1x4x8x128xf32, #tpu.memory_space<vmem>> -> memref<4x8x128xf32, #tpu.memory_space<vmem>>
      %dma_wait3A_1110 = arith.constant 0 : i32
      %dma_wait3A_1111 = arith.constant 0 : i32
      %dma_wait3A_1112 = arith.constant 0 : i32
      %dma_wait3A_1113 = tpu.memref_slice %arg3[%dma_wait3A_1110, %dma_wait3A_1111, %dma_wait3A_1112] : memref<4x8x1000000xf32, #tpu.memory_space<hbm>> -> memref<4x8x128xf32, #tpu.memory_space<hbm>>
      %dma_wait3A_1114 = arith.constant 0 : i32
      %dma_wait3A_1115 = arith.constant 0 : i32
      %dma_wait3A_1116 = arith.constant 0 : i32
      %dma_wait3A_1117 = tpu.memref_slice %arg9[%dma_wait3A_1104, %dma_wait3A_1114, %dma_wait3A_1115, %dma_wait3A_1116] : memref<8x4x8x128xf32, #tpu.memory_space<vmem>> -> memref<1x4x8x128xf32, #tpu.memory_space<vmem>>
      %dma_wait3A_1118 = tpu.memref_squeeze %dma_wait3A_1117 : memref<1x4x8x128xf32, #tpu.memory_space<vmem>> -> memref<4x8x128xf32, #tpu.memory_space<vmem>>
      %dma_wait3A_1119 = arith.constant 0 : i32
      %dma_wait3A_1120 = arith.constant 0 : i32
      %dma_wait3A_1121 = arith.constant 0 : i32
      %dma_wait3A_1122 = tpu.memref_slice %arg3[%dma_wait3A_1119, %dma_wait3A_1120, %dma_wait3A_1121] : memref<4x8x1000000xf32, #tpu.memory_space<hbm>> -> memref<4x8x128xf32, #tpu.memory_space<hbm>>
      tpu.wait_dma2 semaphore(%arg15 : memref<!tpu.dma_semaphore, #tpu.memory_space<semaphore_mem>>) src(%dma_wait3A_1122 : memref<4x8x128xf32, #tpu.memory_space<hbm>>) dst(%dma_wait3A_1118 : memref<4x8x128xf32, #tpu.memory_space<vmem>>)
      %dma_wait3A_1123 = arith.constant 1 : i32
      %dma_wait3A_1124 = arith.constant 0 : i32
      %dma_wait3A_1125 = arith.constant 0 : i32
      %dma_wait3A_1126 = arith.constant 0 : i32
      %dma_wait3A_1127 = tpu.memref_slice %arg10[%dma_wait3A_1123, %dma_wait3A_1124, %dma_wait3A_1125, %dma_wait3A_1126] : memref<8x4x8x128xf32, #tpu.memory_space<vmem>> -> memref<1x4x8x128xf32, #tpu.memory_space<vmem>>
      %dma_wait3A_1128 = tpu.memref_squeeze %dma_wait3A_1127 : memref<1x4x8x128xf32, #tpu.memory_space<vmem>> -> memref<4x8x128xf32, #tpu.memory_space<vmem>>
      %dma_wait3A_1129 = arith.constant 0 : i32
      %dma_wait3A_1130 = arith.constant 0 : i32
      %dma_wait3A_1131 = arith.constant 0 : i32
      %dma_wait3A_1132 = tpu.memref_slice %arg4[%dma_wait3A_1129, %dma_wait3A_1130, %dma_wait3A_1131] : memref<4x8x1000000xf32, #tpu.memory_space<hbm>> -> memref<4x8x128xf32, #tpu.memory_space<hbm>>
      %dma_wait3A_1133 = arith.constant 0 : i32
      %dma_wait3A_1134 = arith.constant 0 : i32
      %dma_wait3A_1135 = arith.constant 0 : i32
      %dma_wait3A_1136 = tpu.memref_slice %arg10[%dma_wait3A_1123, %dma_wait3A_1133, %dma_wait3A_1134, %dma_wait3A_1135] : memref<8x4x8x128xf32, #tpu.memory_space<vmem>> -> memref<1x4x8x128xf32, #tpu.memory_space<vmem>>
      %dma_wait3A_1137 = tpu.memref_squeeze %dma_wait3A_1136 : memref<1x4x8x128xf32, #tpu.memory_space<vmem>> -> memref<4x8x128xf32, #tpu.memory_space<vmem>>
      %dma_wait3A_1138 = arith.constant 0 : i32
      %dma_wait3A_1139 = arith.constant 0 : i32
      %dma_wait3A_1140 = arith.constant 0 : i32
      %dma_wait3A_1141 = tpu.memref_slice %arg4[%dma_wait3A_1138, %dma_wait3A_1139, %dma_wait3A_1140] : memref<4x8x1000000xf32, #tpu.memory_space<hbm>> -> memref<4x8x128xf32, #tpu.memory_space<hbm>>
      tpu.wait_dma2 semaphore(%arg15 : memref<!tpu.dma_semaphore, #tpu.memory_space<semaphore_mem>>) src(%dma_wait3A_1141 : memref<4x8x128xf32, #tpu.memory_space<hbm>>) dst(%dma_wait3A_1137 : memref<4x8x128xf32, #tpu.memory_space<vmem>>)
      %rem3A_1142 = arith.constant 128 : i32
      %rem3A_1143 = arith.remsi %reduce_sum3A_776, %rem3A_1142 : i32
      %broadcast_in_dim3A_1144 = vector.broadcast %rem3A_1143 : i32 to vector<16xi32>
      %rem3A_1145 = arith.constant 128 : i32
      %rem3A_1146 = arith.remsi %reduce_sum3A_846, %rem3A_1145 : i32
      %broadcast_in_dim3A_1147 = vector.broadcast %rem3A_1146 : i32 to vector<16xi32>
      %gather3A_1148 = arith.constant 1 : i32
      %gather3A_1149 = arith.constant 0 : i32
      %gather3A_1150 = arith.constant 0 : i32
      %gather3A_1151 = arith.constant 0 : i32
      %gather3A_1152 = tpu.memref_slice %arg9[%gather3A_1148, %gather3A_1149, %gather3A_1150, %gather3A_1151] : memref<8x4x8x128xf32, #tpu.memory_space<vmem>> -> memref<1x4x8x128xf32, #tpu.memory_space<vmem>>
      %gather3A_1153 = tpu.memref_squeeze %gather3A_1152 : memref<1x4x8x128xf32, #tpu.memory_space<vmem>> -> memref<4x8x128xf32, #tpu.memory_space<vmem>>
      %gather3A_1154 = tpu.vector_load_idx %gather3A_1153[%select_n3A, %rem3A_37, %broadcast_in_dim3A_1144] : memref<4x8x128xf32, #tpu.memory_space<vmem>>[vector<16xi32>, vector<16xi32>, vector<16xi32>], vector<16xf32>,
      %gather3A_1155 = arith.constant 1 : i32
      %gather3A_1156 = arith.constant 0 : i32
      %gather3A_1157 = arith.constant 0 : i32
      %gather3A_1158 = arith.constant 0 : i32
      %gather3A_1159 = tpu.memref_slice %arg9[%gather3A_1155, %gather3A_1156, %gather3A_1157, %gather3A_1158] : memref<8x4x8x128xf32, #tpu.memory_space<vmem>> -> memref<1x4x8x128xf32, #tpu.memory_space<vmem>>
      %gather3A_1160 = tpu.memref_squeeze %gather3A_1159 : memref<1x4x8x128xf32, #tpu.memory_space<vmem>> -> memref<4x8x128xf32, #tpu.memory_space<vmem>>
      %gather3A_1161 = tpu.vector_load_idx %gather3A_1160[%add3A_34, %rem3A_37, %broadcast_in_dim3A_1144] : memref<4x8x128xf32, #tpu.memory_space<vmem>>[vector<16xi32>, vector<16xi32>, vector<16xi32>], vector<16xf32>,
      %gather3A_1162 = arith.constant 1 : i32
      %gather3A_1163 = arith.constant 0 : i32
      %gather3A_1164 = arith.constant 0 : i32
      %gather3A_1165 = arith.constant 0 : i32
      %gather3A_1166 = tpu.memref_slice %arg10[%gather3A_1162, %gather3A_1163, %gather3A_1164, %gather3A_1165] : memref<8x4x8x128xf32, #tpu.memory_space<vmem>> -> memref<1x4x8x128xf32, #tpu.memory_space<vmem>>
      %gather3A_1167 = tpu.memref_squeeze %gather3A_1166 : memref<1x4x8x128xf32, #tpu.memory_space<vmem>> -> memref<4x8x128xf32, #tpu.memory_space<vmem>>
      %gather3A_1168 = tpu.vector_load_idx %gather3A_1167[%select_n3A, %rem3A_37, %broadcast_in_dim3A_1147] : memref<4x8x128xf32, #tpu.memory_space<vmem>>[vector<16xi32>, vector<16xi32>, vector<16xi32>], vector<16xf32>,
      %gather3A_1169 = arith.constant 1 : i32
      %gather3A_1170 = arith.constant 0 : i32
      %gather3A_1171 = arith.constant 0 : i32
      %gather3A_1172 = arith.constant 0 : i32
      %gather3A_1173 = tpu.memref_slice %arg10[%gather3A_1169, %gather3A_1170, %gather3A_1171, %gather3A_1172] : memref<8x4x8x128xf32, #tpu.memory_space<vmem>> -> memref<1x4x8x128xf32, #tpu.memory_space<vmem>>
      %gather3A_1174 = tpu.memref_squeeze %gather3A_1173 : memref<1x4x8x128xf32, #tpu.memory_space<vmem>> -> memref<4x8x128xf32, #tpu.memory_space<vmem>>
      %gather3A_1175 = tpu.vector_load_idx %gather3A_1174[%add3A_34, %rem3A_37, %broadcast_in_dim3A_1147] : memref<4x8x128xf32, #tpu.memory_space<vmem>>[vector<16xi32>, vector<16xi32>, vector<16xi32>], vector<16xf32>,
      %mul3A_1176 = arith.mulf %gather3A_1154, %gather3A_1168 : vector<16xf32>
      %mul3A_1177 = arith.mulf %gather3A_1161, %gather3A_1175 : vector<16xf32>
      %add3A_1178 = arith.addf %mul3A_1176, %mul3A_1177 : vector<16xf32>
      %reduce_sum3A_1179 = arith.constant true
      %reduce_sum3A_1180 = vector.broadcast %reduce_sum3A_1179 : i1 to vector<16xi1>
      %reduce_sum3A_1181 = tpu.scan <sum>, %add3A_1178 masked %reduce_sum3A_1180 : vector<16xf32>, vector<16xi1> -> vector<16xf32>
      %reduce_sum3A_1182 = vector.extract %reduce_sum3A_1181[15] : f32 from vector<16xf32>
      %eq3A_1183 = arith.constant 1 : i32
      %eq3A_1184 = vector.broadcast %eq3A_1183 : i32 to vector<16xi32>
      %eq3A_1185 = arith.cmpi eq, %iota3A, %eq3A_1184 : vector<16xi32>
      %broadcast_in_dim3A_1186 = vector.broadcast %reduce_sum3A_1182 : f32 to vector<16xf32>
      %select_n3A_1187 = arith.select %eq3A_1185, %broadcast_in_dim3A_1186, %select_n3A_1041 : vector<16xi1>, vector<16xf32>
      %eq3A_1188 = arith.constant 9 : i32
      %eq3A_1189 = vector.broadcast %eq3A_1188 : i32 to vector<16xi32>
      %eq3A_1190 = arith.cmpi eq, %iota3A, %eq3A_1189 : vector<16xi32>
      %jit3A_1191 = arith.constant 0 : i32
      %broadcast_in_dim3A_1192 = vector.broadcast %jit3A_1191 : i32 to vector<16xi32>
      %select_n3A_1193 = arith.select %eq3A_1190, %get3A_745, %broadcast_in_dim3A_1192 : vector<16xi1>, vector<16xi32>
      %reduce_sum3A_1194 = arith.constant true
      %reduce_sum3A_1195 = vector.broadcast %reduce_sum3A_1194 : i1 to vector<16xi1>
      %reduce_sum3A_1196 = tpu.scan <sum>, %select_n3A_1193 masked %reduce_sum3A_1195 : vector<16xi32>, vector<16xi1> -> vector<16xi32>
      %reduce_sum3A_1197 = vector.extract %reduce_sum3A_1196[15] : i32 from vector<16xi32>
      %eq3A_1198 = arith.constant 9 : i32
      %eq3A_1199 = vector.broadcast %eq3A_1198 : i32 to vector<16xi32>
      %eq3A_1200 = arith.cmpi eq, %iota3A, %eq3A_1199 : vector<16xi32>
      %jit3A_1201 = arith.constant 0 : i32
      %broadcast_in_dim3A_1202 = vector.broadcast %jit3A_1201 : i32 to vector<16xi32>
      %select_n3A_1203 = arith.select %eq3A_1200, %get3A_747, %broadcast_in_dim3A_1202 : vector<16xi1>, vector<16xi32>
      %reduce_sum3A_1204 = arith.constant true
      %reduce_sum3A_1205 = vector.broadcast %reduce_sum3A_1204 : i1 to vector<16xi1>
      %reduce_sum3A_1206 = tpu.scan <sum>, %select_n3A_1203 masked %reduce_sum3A_1205 : vector<16xi32>, vector<16xi1> -> vector<16xi32>
      %reduce_sum3A_1207 = vector.extract %reduce_sum3A_1206[15] : i32 from vector<16xi32>
      %rem3A_1208 = arith.constant 128 : i32
      %rem3A_1209 = arith.remsi %reduce_sum3A_1197, %rem3A_1208 : i32
      %sub3A_1210 = arith.subi %reduce_sum3A_1197, %rem3A_1209 : i32
      %multiple_of3A_1211 = tpu.assume_multiple %sub3A_1210, 128 : i32
      %rem3A_1212 = arith.constant 128 : i32
      %rem3A_1213 = arith.remsi %reduce_sum3A_1207, %rem3A_1212 : i32
      %sub3A_1214 = arith.subi %reduce_sum3A_1207, %rem3A_1213 : i32
      %multiple_of3A_1215 = tpu.assume_multiple %sub3A_1214, 128 : i32
      %dma_start3A_1216 = arith.constant 1 : i32
      %dma_start3A_1217 = arith.constant 0 : i32
      %dma_start3A_1218 = arith.constant 0 : i32
      %dma_start3A_1219 = arith.constant 0 : i32
      %dma_start3A_1220 = tpu.memref_slice %arg9[%dma_start3A_1216, %dma_start3A_1217, %dma_start3A_1218, %dma_start3A_1219] : memref<8x4x8x128xf32, #tpu.memory_space<vmem>> -> memref<1x4x8x128xf32, #tpu.memory_space<vmem>>
      %dma_start3A_1221 = tpu.memref_squeeze %dma_start3A_1220 : memref<1x4x8x128xf32, #tpu.memory_space<vmem>> -> memref<4x8x128xf32, #tpu.memory_space<vmem>>
      %dma_start3A_1222 = arith.constant 0 : i32
      %dma_start3A_1223 = arith.constant 0 : i32
      %dma_start3A_1224 = tpu.memref_slice %arg3[%dma_start3A_1222, %dma_start3A_1223, %multiple_of3A_1211] : memref<4x8x1000000xf32, #tpu.memory_space<hbm>> -> memref<4x8x128xf32, #tpu.memory_space<hbm>>
      %dma_start3A_1225 = arith.constant 0 : i32
      %dma_start3A_1226 = arith.constant 0 : i32
      %dma_start3A_1227 = arith.constant 0 : i32
      %dma_start3A_1228 = tpu.memref_slice %arg9[%dma_start3A_1216, %dma_start3A_1225, %dma_start3A_1226, %dma_start3A_1227] : memref<8x4x8x128xf32, #tpu.memory_space<vmem>> -> memref<1x4x8x128xf32, #tpu.memory_space<vmem>>
      %dma_start3A_1229 = tpu.memref_squeeze %dma_start3A_1228 : memref<1x4x8x128xf32, #tpu.memory_space<vmem>> -> memref<4x8x128xf32, #tpu.memory_space<vmem>>
      %dma_start3A_1230 = arith.constant 0 : i32
      %dma_start3A_1231 = arith.constant 0 : i32
      %dma_start3A_1232 = tpu.memref_slice %arg3[%dma_start3A_1230, %dma_start3A_1231, %multiple_of3A_1211] : memref<4x8x1000000xf32, #tpu.memory_space<hbm>> -> memref<4x8x128xf32, #tpu.memory_space<hbm>>
      tpu.enqueue_dma source(%dma_start3A_1232 : memref<4x8x128xf32, #tpu.memory_space<hbm>>) target(%dma_start3A_1229 : memref<4x8x128xf32, #tpu.memory_space<vmem>>) target_semaphore(%arg15 : memref<!tpu.dma_semaphore, #tpu.memory_space<semaphore_mem>>)
      %dma_start3A_1233 = arith.constant 1 : i32
      %dma_start3A_1234 = arith.constant 0 : i32
      %dma_start3A_1235 = arith.constant 0 : i32
      %dma_start3A_1236 = arith.constant 0 : i32
      %dma_start3A_1237 = tpu.memref_slice %arg10[%dma_start3A_1233, %dma_start3A_1234, %dma_start3A_1235, %dma_start3A_1236] : memref<8x4x8x128xf32, #tpu.memory_space<vmem>> -> memref<1x4x8x128xf32, #tpu.memory_space<vmem>>
      %dma_start3A_1238 = tpu.memref_squeeze %dma_start3A_1237 : memref<1x4x8x128xf32, #tpu.memory_space<vmem>> -> memref<4x8x128xf32, #tpu.memory_space<vmem>>
      %dma_start3A_1239 = arith.constant 0 : i32
      %dma_start3A_1240 = arith.constant 0 : i32
      %dma_start3A_1241 = tpu.memref_slice %arg4[%dma_start3A_1239, %dma_start3A_1240, %multiple_of3A_1215] : memref<4x8x1000000xf32, #tpu.memory_space<hbm>> -> memref<4x8x128xf32, #tpu.memory_space<hbm>>
      %dma_start3A_1242 = arith.constant 0 : i32
      %dma_start3A_1243 = arith.constant 0 : i32
      %dma_start3A_1244 = arith.constant 0 : i32
      %dma_start3A_1245 = tpu.memref_slice %arg10[%dma_start3A_1233, %dma_start3A_1242, %dma_start3A_1243, %dma_start3A_1244] : memref<8x4x8x128xf32, #tpu.memory_space<vmem>> -> memref<1x4x8x128xf32, #tpu.memory_space<vmem>>
      %dma_start3A_1246 = tpu.memref_squeeze %dma_start3A_1245 : memref<1x4x8x128xf32, #tpu.memory_space<vmem>> -> memref<4x8x128xf32, #tpu.memory_space<vmem>>
      %dma_start3A_1247 = arith.constant 0 : i32
      %dma_start3A_1248 = arith.constant 0 : i32
      %dma_start3A_1249 = tpu.memref_slice %arg4[%dma_start3A_1247, %dma_start3A_1248, %multiple_of3A_1215] : memref<4x8x1000000xf32, #tpu.memory_space<hbm>> -> memref<4x8x128xf32, #tpu.memory_space<hbm>>
      tpu.enqueue_dma source(%dma_start3A_1249 : memref<4x8x128xf32, #tpu.memory_space<hbm>>) target(%dma_start3A_1246 : memref<4x8x128xf32, #tpu.memory_space<vmem>>) target_semaphore(%arg15 : memref<!tpu.dma_semaphore, #tpu.memory_space<semaphore_mem>>)
      %dma_wait3A_1250 = arith.constant 2 : i32
      %dma_wait3A_1251 = arith.constant 0 : i32
      %dma_wait3A_1252 = arith.constant 0 : i32
      %dma_wait3A_1253 = arith.constant 0 : i32
      %dma_wait3A_1254 = tpu.memref_slice %arg9[%dma_wait3A_1250, %dma_wait3A_1251, %dma_wait3A_1252, %dma_wait3A_1253] : memref<8x4x8x128xf32, #tpu.memory_space<vmem>> -> memref<1x4x8x128xf32, #tpu.memory_space<vmem>>
      %dma_wait3A_1255 = tpu.memref_squeeze %dma_wait3A_1254 : memref<1x4x8x128xf32, #tpu.memory_space<vmem>> -> memref<4x8x128xf32, #tpu.memory_space<vmem>>
      %dma_wait3A_1256 = arith.constant 0 : i32
      %dma_wait3A_1257 = arith.constant 0 : i32
      %dma_wait3A_1258 = arith.constant 0 : i32
      %dma_wait3A_1259 = tpu.memref_slice %arg3[%dma_wait3A_1256, %dma_wait3A_1257, %dma_wait3A_1258] : memref<4x8x1000000xf32, #tpu.memory_space<hbm>> -> memref<4x8x128xf32, #tpu.memory_space<hbm>>
      %dma_wait3A_1260 = arith.constant 0 : i32
      %dma_wait3A_1261 = arith.constant 0 : i32
      %dma_wait3A_1262 = arith.constant 0 : i32
      %dma_wait3A_1263 = tpu.memref_slice %arg9[%dma_wait3A_1250, %dma_wait3A_1260, %dma_wait3A_1261, %dma_wait3A_1262] : memref<8x4x8x128xf32, #tpu.memory_space<vmem>> -> memref<1x4x8x128xf32, #tpu.memory_space<vmem>>
      %dma_wait3A_1264 = tpu.memref_squeeze %dma_wait3A_1263 : memref<1x4x8x128xf32, #tpu.memory_space<vmem>> -> memref<4x8x128xf32, #tpu.memory_space<vmem>>
      %dma_wait3A_1265 = arith.constant 0 : i32
      %dma_wait3A_1266 = arith.constant 0 : i32
      %dma_wait3A_1267 = arith.constant 0 : i32
      %dma_wait3A_1268 = tpu.memref_slice %arg3[%dma_wait3A_1265, %dma_wait3A_1266, %dma_wait3A_1267] : memref<4x8x1000000xf32, #tpu.memory_space<hbm>> -> memref<4x8x128xf32, #tpu.memory_space<hbm>>
      tpu.wait_dma2 semaphore(%arg16 : memref<!tpu.dma_semaphore, #tpu.memory_space<semaphore_mem>>) src(%dma_wait3A_1268 : memref<4x8x128xf32, #tpu.memory_space<hbm>>) dst(%dma_wait3A_1264 : memref<4x8x128xf32, #tpu.memory_space<vmem>>)
      %dma_wait3A_1269 = arith.constant 2 : i32
      %dma_wait3A_1270 = arith.constant 0 : i32
      %dma_wait3A_1271 = arith.constant 0 : i32
      %dma_wait3A_1272 = arith.constant 0 : i32
      %dma_wait3A_1273 = tpu.memref_slice %arg10[%dma_wait3A_1269, %dma_wait3A_1270, %dma_wait3A_1271, %dma_wait3A_1272] : memref<8x4x8x128xf32, #tpu.memory_space<vmem>> -> memref<1x4x8x128xf32, #tpu.memory_space<vmem>>
      %dma_wait3A_1274 = tpu.memref_squeeze %dma_wait3A_1273 : memref<1x4x8x128xf32, #tpu.memory_space<vmem>> -> memref<4x8x128xf32, #tpu.memory_space<vmem>>
      %dma_wait3A_1275 = arith.constant 0 : i32
      %dma_wait3A_1276 = arith.constant 0 : i32
      %dma_wait3A_1277 = arith.constant 0 : i32
      %dma_wait3A_1278 = tpu.memref_slice %arg4[%dma_wait3A_1275, %dma_wait3A_1276, %dma_wait3A_1277] : memref<4x8x1000000xf32, #tpu.memory_space<hbm>> -> memref<4x8x128xf32, #tpu.memory_space<hbm>>
      %dma_wait3A_1279 = arith.constant 0 : i32
      %dma_wait3A_1280 = arith.constant 0 : i32
      %dma_wait3A_1281 = arith.constant 0 : i32
      %dma_wait3A_1282 = tpu.memref_slice %arg10[%dma_wait3A_1269, %dma_wait3A_1279, %dma_wait3A_1280, %dma_wait3A_1281] : memref<8x4x8x128xf32, #tpu.memory_space<vmem>> -> memref<1x4x8x128xf32, #tpu.memory_space<vmem>>
      %dma_wait3A_1283 = tpu.memref_squeeze %dma_wait3A_1282 : memref<1x4x8x128xf32, #tpu.memory_space<vmem>> -> memref<4x8x128xf32, #tpu.memory_space<vmem>>
      %dma_wait3A_1284 = arith.constant 0 : i32
      %dma_wait3A_1285 = arith.constant 0 : i32
      %dma_wait3A_1286 = arith.constant 0 : i32
      %dma_wait3A_1287 = tpu.memref_slice %arg4[%dma_wait3A_1284, %dma_wait3A_1285, %dma_wait3A_1286] : memref<4x8x1000000xf32, #tpu.memory_space<hbm>> -> memref<4x8x128xf32, #tpu.memory_space<hbm>>
      tpu.wait_dma2 semaphore(%arg16 : memref<!tpu.dma_semaphore, #tpu.memory_space<semaphore_mem>>) src(%dma_wait3A_1287 : memref<4x8x128xf32, #tpu.memory_space<hbm>>) dst(%dma_wait3A_1283 : memref<4x8x128xf32, #tpu.memory_space<vmem>>)
      %rem3A_1288 = arith.constant 128 : i32
      %rem3A_1289 = arith.remsi %reduce_sum3A_786, %rem3A_1288 : i32
      %broadcast_in_dim3A_1290 = vector.broadcast %rem3A_1289 : i32 to vector<16xi32>
      %rem3A_1291 = arith.constant 128 : i32
      %rem3A_1292 = arith.remsi %reduce_sum3A_856, %rem3A_1291 : i32
      %broadcast_in_dim3A_1293 = vector.broadcast %rem3A_1292 : i32 to vector<16xi32>
      %gather3A_1294 = arith.constant 2 : i32
      %gather3A_1295 = arith.constant 0 : i32
      %gather3A_1296 = arith.constant 0 : i32
      %gather3A_1297 = arith.constant 0 : i32
      %gather3A_1298 = tpu.memref_slice %arg9[%gather3A_1294, %gather3A_1295, %gather3A_1296, %gather3A_1297] : memref<8x4x8x128xf32, #tpu.memory_space<vmem>> -> memref<1x4x8x128xf32, #tpu.memory_space<vmem>>
      %gather3A_1299 = tpu.memref_squeeze %gather3A_1298 : memref<1x4x8x128xf32, #tpu.memory_space<vmem>> -> memref<4x8x128xf32, #tpu.memory_space<vmem>>
      %gather3A_1300 = tpu.vector_load_idx %gather3A_1299[%select_n3A, %rem3A_37, %broadcast_in_dim3A_1290] : memref<4x8x128xf32, #tpu.memory_space<vmem>>[vector<16xi32>, vector<16xi32>, vector<16xi32>], vector<16xf32>,
      %gather3A_1301 = arith.constant 2 : i32
      %gather3A_1302 = arith.constant 0 : i32
      %gather3A_1303 = arith.constant 0 : i32
      %gather3A_1304 = arith.constant 0 : i32
      %gather3A_1305 = tpu.memref_slice %arg9[%gather3A_1301, %gather3A_1302, %gather3A_1303, %gather3A_1304] : memref<8x4x8x128xf32, #tpu.memory_space<vmem>> -> memref<1x4x8x128xf32, #tpu.memory_space<vmem>>
      %gather3A_1306 = tpu.memref_squeeze %gather3A_1305 : memref<1x4x8x128xf32, #tpu.memory_space<vmem>> -> memref<4x8x128xf32, #tpu.memory_space<vmem>>
      %gather3A_1307 = tpu.vector_load_idx %gather3A_1306[%add3A_34, %rem3A_37, %broadcast_in_dim3A_1290] : memref<4x8x128xf32, #tpu.memory_space<vmem>>[vector<16xi32>, vector<16xi32>, vector<16xi32>], vector<16xf32>,
      %gather3A_1308 = arith.constant 2 : i32
      %gather3A_1309 = arith.constant 0 : i32
      %gather3A_1310 = arith.constant 0 : i32
      %gather3A_1311 = arith.constant 0 : i32
      %gather3A_1312 = tpu.memref_slice %arg10[%gather3A_1308, %gather3A_1309, %gather3A_1310, %gather3A_1311] : memref<8x4x8x128xf32, #tpu.memory_space<vmem>> -> memref<1x4x8x128xf32, #tpu.memory_space<vmem>>
      %gather3A_1313 = tpu.memref_squeeze %gather3A_1312 : memref<1x4x8x128xf32, #tpu.memory_space<vmem>> -> memref<4x8x128xf32, #tpu.memory_space<vmem>>
      %gather3A_1314 = tpu.vector_load_idx %gather3A_1313[%select_n3A, %rem3A_37, %broadcast_in_dim3A_1293] : memref<4x8x128xf32, #tpu.memory_space<vmem>>[vector<16xi32>, vector<16xi32>, vector<16xi32>], vector<16xf32>,
      %gather3A_1315 = arith.constant 2 : i32
      %gather3A_1316 = arith.constant 0 : i32
      %gather3A_1317 = arith.constant 0 : i32
      %gather3A_1318 = arith.constant 0 : i32
      %gather3A_1319 = tpu.memref_slice %arg10[%gather3A_1315, %gather3A_1316, %gather3A_1317, %gather3A_1318] : memref<8x4x8x128xf32, #tpu.memory_space<vmem>> -> memref<1x4x8x128xf32, #tpu.memory_space<vmem>>
      %gather3A_1320 = tpu.memref_squeeze %gather3A_1319 : memref<1x4x8x128xf32, #tpu.memory_space<vmem>> -> memref<4x8x128xf32, #tpu.memory_space<vmem>>
      %gather3A_1321 = tpu.vector_load_idx %gather3A_1320[%add3A_34, %rem3A_37, %broadcast_in_dim3A_1293] : memref<4x8x128xf32, #tpu.memory_space<vmem>>[vector<16xi32>, vector<16xi32>, vector<16xi32>], vector<16xf32>,
      %mul3A_1322 = arith.mulf %gather3A_1300, %gather3A_1314 : vector<16xf32>
      %mul3A_1323 = arith.mulf %gather3A_1307, %gather3A_1321 : vector<16xf32>
      %add3A_1324 = arith.addf %mul3A_1322, %mul3A_1323 : vector<16xf32>
      %reduce_sum3A_1325 = arith.constant true
      %reduce_sum3A_1326 = vector.broadcast %reduce_sum3A_1325 : i1 to vector<16xi1>
      %reduce_sum3A_1327 = tpu.scan <sum>, %add3A_1324 masked %reduce_sum3A_1326 : vector<16xf32>, vector<16xi1> -> vector<16xf32>
      %reduce_sum3A_1328 = vector.extract %reduce_sum3A_1327[15] : f32 from vector<16xf32>
      %eq3A_1329 = arith.constant 2 : i32
      %eq3A_1330 = vector.broadcast %eq3A_1329 : i32 to vector<16xi32>
      %eq3A_1331 = arith.cmpi eq, %iota3A, %eq3A_1330 : vector<16xi32>
      %broadcast_in_dim3A_1332 = vector.broadcast %reduce_sum3A_1328 : f32 to vector<16xf32>
      %select_n3A_1333 = arith.select %eq3A_1331, %broadcast_in_dim3A_1332, %select_n3A_1187 : vector<16xi1>, vector<16xf32>
      %eq3A_1334 = arith.constant 10 : i32
      %eq3A_1335 = vector.broadcast %eq3A_1334 : i32 to vector<16xi32>
      %eq3A_1336 = arith.cmpi eq, %iota3A, %eq3A_1335 : vector<16xi32>
      %jit3A_1337 = arith.constant 0 : i32
      %broadcast_in_dim3A_1338 = vector.broadcast %jit3A_1337 : i32 to vector<16xi32>
      %select_n3A_1339 = arith.select %eq3A_1336, %get3A_745, %broadcast_in_dim3A_1338 : vector<16xi1>, vector<16xi32>
      %reduce_sum3A_1340 = arith.constant true
      %reduce_sum3A_1341 = vector.broadcast %reduce_sum3A_1340 : i1 to vector<16xi1>
      %reduce_sum3A_1342 = tpu.scan <sum>, %select_n3A_1339 masked %reduce_sum3A_1341 : vector<16xi32>, vector<16xi1> -> vector<16xi32>
      %reduce_sum3A_1343 = vector.extract %reduce_sum3A_1342[15] : i32 from vector<16xi32>
      %eq3A_1344 = arith.constant 10 : i32
      %eq3A_1345 = vector.broadcast %eq3A_1344 : i32 to vector<16xi32>
      %eq3A_1346 = arith.cmpi eq, %iota3A, %eq3A_1345 : vector<16xi32>
      %jit3A_1347 = arith.constant 0 : i32
      %broadcast_in_dim3A_1348 = vector.broadcast %jit3A_1347 : i32 to vector<16xi32>
      %select_n3A_1349 = arith.select %eq3A_1346, %get3A_747, %broadcast_in_dim3A_1348 : vector<16xi1>, vector<16xi32>
      %reduce_sum3A_1350 = arith.constant true
      %reduce_sum3A_1351 = vector.broadcast %reduce_sum3A_1350 : i1 to vector<16xi1>
      %reduce_sum3A_1352 = tpu.scan <sum>, %select_n3A_1349 masked %reduce_sum3A_1351 : vector<16xi32>, vector<16xi1> -> vector<16xi32>
      %reduce_sum3A_1353 = vector.extract %reduce_sum3A_1352[15] : i32 from vector<16xi32>
      %rem3A_1354 = arith.constant 128 : i32
      %rem3A_1355 = arith.remsi %reduce_sum3A_1343, %rem3A_1354 : i32
      %sub3A_1356 = arith.subi %reduce_sum3A_1343, %rem3A_1355 : i32
      %multiple_of3A_1357 = tpu.assume_multiple %sub3A_1356, 128 : i32
      %rem3A_1358 = arith.constant 128 : i32
      %rem3A_1359 = arith.remsi %reduce_sum3A_1353, %rem3A_1358 : i32
      %sub3A_1360 = arith.subi %reduce_sum3A_1353, %rem3A_1359 : i32
      %multiple_of3A_1361 = tpu.assume_multiple %sub3A_1360, 128 : i32
      %dma_start3A_1362 = arith.constant 2 : i32
      %dma_start3A_1363 = arith.constant 0 : i32
      %dma_start3A_1364 = arith.constant 0 : i32
      %dma_start3A_1365 = arith.constant 0 : i32
      %dma_start3A_1366 = tpu.memref_slice %arg9[%dma_start3A_1362, %dma_start3A_1363, %dma_start3A_1364, %dma_start3A_1365] : memref<8x4x8x128xf32, #tpu.memory_space<vmem>> -> memref<1x4x8x128xf32, #tpu.memory_space<vmem>>
      %dma_start3A_1367 = tpu.memref_squeeze %dma_start3A_1366 : memref<1x4x8x128xf32, #tpu.memory_space<vmem>> -> memref<4x8x128xf32, #tpu.memory_space<vmem>>
      %dma_start3A_1368 = arith.constant 0 : i32
      %dma_start3A_1369 = arith.constant 0 : i32
      %dma_start3A_1370 = tpu.memref_slice %arg3[%dma_start3A_1368, %dma_start3A_1369, %multiple_of3A_1357] : memref<4x8x1000000xf32, #tpu.memory_space<hbm>> -> memref<4x8x128xf32, #tpu.memory_space<hbm>>
      %dma_start3A_1371 = arith.constant 0 : i32
      %dma_start3A_1372 = arith.constant 0 : i32
      %dma_start3A_1373 = arith.constant 0 : i32
      %dma_start3A_1374 = tpu.memref_slice %arg9[%dma_start3A_1362, %dma_start3A_1371, %dma_start3A_1372, %dma_start3A_1373] : memref<8x4x8x128xf32, #tpu.memory_space<vmem>> -> memref<1x4x8x128xf32, #tpu.memory_space<vmem>>
      %dma_start3A_1375 = tpu.memref_squeeze %dma_start3A_1374 : memref<1x4x8x128xf32, #tpu.memory_space<vmem>> -> memref<4x8x128xf32, #tpu.memory_space<vmem>>
      %dma_start3A_1376 = arith.constant 0 : i32
      %dma_start3A_1377 = arith.constant 0 : i32
      %dma_start3A_1378 = tpu.memref_slice %arg3[%dma_start3A_1376, %dma_start3A_1377, %multiple_of3A_1357] : memref<4x8x1000000xf32, #tpu.memory_space<hbm>> -> memref<4x8x128xf32, #tpu.memory_space<hbm>>
      tpu.enqueue_dma source(%dma_start3A_1378 : memref<4x8x128xf32, #tpu.memory_space<hbm>>) target(%dma_start3A_1375 : memref<4x8x128xf32, #tpu.memory_space<vmem>>) target_semaphore(%arg16 : memref<!tpu.dma_semaphore, #tpu.memory_space<semaphore_mem>>)
      %dma_start3A_1379 = arith.constant 2 : i32
      %dma_start3A_1380 = arith.constant 0 : i32
      %dma_start3A_1381 = arith.constant 0 : i32
      %dma_start3A_1382 = arith.constant 0 : i32
      %dma_start3A_1383 = tpu.memref_slice %arg10[%dma_start3A_1379, %dma_start3A_1380, %dma_start3A_1381, %dma_start3A_1382] : memref<8x4x8x128xf32, #tpu.memory_space<vmem>> -> memref<1x4x8x128xf32, #tpu.memory_space<vmem>>
      %dma_start3A_1384 = tpu.memref_squeeze %dma_start3A_1383 : memref<1x4x8x128xf32, #tpu.memory_space<vmem>> -> memref<4x8x128xf32, #tpu.memory_space<vmem>>
      %dma_start3A_1385 = arith.constant 0 : i32
      %dma_start3A_1386 = arith.constant 0 : i32
      %dma_start3A_1387 = tpu.memref_slice %arg4[%dma_start3A_1385, %dma_start3A_1386, %multiple_of3A_1361] : memref<4x8x1000000xf32, #tpu.memory_space<hbm>> -> memref<4x8x128xf32, #tpu.memory_space<hbm>>
      %dma_start3A_1388 = arith.constant 0 : i32
      %dma_start3A_1389 = arith.constant 0 : i32
      %dma_start3A_1390 = arith.constant 0 : i32
      %dma_start3A_1391 = tpu.memref_slice %arg10[%dma_start3A_1379, %dma_start3A_1388, %dma_start3A_1389, %dma_start3A_1390] : memref<8x4x8x128xf32, #tpu.memory_space<vmem>> -> memref<1x4x8x128xf32, #tpu.memory_space<vmem>>
      %dma_start3A_1392 = tpu.memref_squeeze %dma_start3A_1391 : memref<1x4x8x128xf32, #tpu.memory_space<vmem>> -> memref<4x8x128xf32, #tpu.memory_space<vmem>>
      %dma_start3A_1393 = arith.constant 0 : i32
      %dma_start3A_1394 = arith.constant 0 : i32
      %dma_start3A_1395 = tpu.memref_slice %arg4[%dma_start3A_1393, %dma_start3A_1394, %multiple_of3A_1361] : memref<4x8x1000000xf32, #tpu.memory_space<hbm>> -> memref<4x8x128xf32, #tpu.memory_space<hbm>>
      tpu.enqueue_dma source(%dma_start3A_1395 : memref<4x8x128xf32, #tpu.memory_space<hbm>>) target(%dma_start3A_1392 : memref<4x8x128xf32, #tpu.memory_space<vmem>>) target_semaphore(%arg16 : memref<!tpu.dma_semaphore, #tpu.memory_space<semaphore_mem>>)
      %dma_wait3A_1396 = arith.constant 3 : i32
      %dma_wait3A_1397 = arith.constant 0 : i32
      %dma_wait3A_1398 = arith.constant 0 : i32
      %dma_wait3A_1399 = arith.constant 0 : i32
      %dma_wait3A_1400 = tpu.memref_slice %arg9[%dma_wait3A_1396, %dma_wait3A_1397, %dma_wait3A_1398, %dma_wait3A_1399] : memref<8x4x8x128xf32, #tpu.memory_space<vmem>> -> memref<1x4x8x128xf32, #tpu.memory_space<vmem>>
      %dma_wait3A_1401 = tpu.memref_squeeze %dma_wait3A_1400 : memref<1x4x8x128xf32, #tpu.memory_space<vmem>> -> memref<4x8x128xf32, #tpu.memory_space<vmem>>
      %dma_wait3A_1402 = arith.constant 0 : i32
      %dma_wait3A_1403 = arith.constant 0 : i32
      %dma_wait3A_1404 = arith.constant 0 : i32
      %dma_wait3A_1405 = tpu.memref_slice %arg3[%dma_wait3A_1402, %dma_wait3A_1403, %dma_wait3A_1404] : memref<4x8x1000000xf32, #tpu.memory_space<hbm>> -> memref<4x8x128xf32, #tpu.memory_space<hbm>>
      %dma_wait3A_1406 = arith.constant 0 : i32
      %dma_wait3A_1407 = arith.constant 0 : i32
      %dma_wait3A_1408 = arith.constant 0 : i32
      %dma_wait3A_1409 = tpu.memref_slice %arg9[%dma_wait3A_1396, %dma_wait3A_1406, %dma_wait3A_1407, %dma_wait3A_1408] : memref<8x4x8x128xf32, #tpu.memory_space<vmem>> -> memref<1x4x8x128xf32, #tpu.memory_space<vmem>>
      %dma_wait3A_1410 = tpu.memref_squeeze %dma_wait3A_1409 : memref<1x4x8x128xf32, #tpu.memory_space<vmem>> -> memref<4x8x128xf32, #tpu.memory_space<vmem>>
      %dma_wait3A_1411 = arith.constant 0 : i32
      %dma_wait3A_1412 = arith.constant 0 : i32
      %dma_wait3A_1413 = arith.constant 0 : i32
      %dma_wait3A_1414 = tpu.memref_slice %arg3[%dma_wait3A_1411, %dma_wait3A_1412, %dma_wait3A_1413] : memref<4x8x1000000xf32, #tpu.memory_space<hbm>> -> memref<4x8x128xf32, #tpu.memory_space<hbm>>
      tpu.wait_dma2 semaphore(%arg17 : memref<!tpu.dma_semaphore, #tpu.memory_space<semaphore_mem>>) src(%dma_wait3A_1414 : memref<4x8x128xf32, #tpu.memory_space<hbm>>) dst(%dma_wait3A_1410 : memref<4x8x128xf32, #tpu.memory_space<vmem>>)
      %dma_wait3A_1415 = arith.constant 3 : i32
      %dma_wait3A_1416 = arith.constant 0 : i32
      %dma_wait3A_1417 = arith.constant 0 : i32
      %dma_wait3A_1418 = arith.constant 0 : i32
      %dma_wait3A_1419 = tpu.memref_slice %arg10[%dma_wait3A_1415, %dma_wait3A_1416, %dma_wait3A_1417, %dma_wait3A_1418] : memref<8x4x8x128xf32, #tpu.memory_space<vmem>> -> memref<1x4x8x128xf32, #tpu.memory_space<vmem>>
      %dma_wait3A_1420 = tpu.memref_squeeze %dma_wait3A_1419 : memref<1x4x8x128xf32, #tpu.memory_space<vmem>> -> memref<4x8x128xf32, #tpu.memory_space<vmem>>
      %dma_wait3A_1421 = arith.constant 0 : i32
      %dma_wait3A_1422 = arith.constant 0 : i32
      %dma_wait3A_1423 = arith.constant 0 : i32
      %dma_wait3A_1424 = tpu.memref_slice %arg4[%dma_wait3A_1421, %dma_wait3A_1422, %dma_wait3A_1423] : memref<4x8x1000000xf32, #tpu.memory_space<hbm>> -> memref<4x8x128xf32, #tpu.memory_space<hbm>>
      %dma_wait3A_1425 = arith.constant 0 : i32
      %dma_wait3A_1426 = arith.constant 0 : i32
      %dma_wait3A_1427 = arith.constant 0 : i32
      %dma_wait3A_1428 = tpu.memref_slice %arg10[%dma_wait3A_1415, %dma_wait3A_1425, %dma_wait3A_1426, %dma_wait3A_1427] : memref<8x4x8x128xf32, #tpu.memory_space<vmem>> -> memref<1x4x8x128xf32, #tpu.memory_space<vmem>>
      %dma_wait3A_1429 = tpu.memref_squeeze %dma_wait3A_1428 : memref<1x4x8x128xf32, #tpu.memory_space<vmem>> -> memref<4x8x128xf32, #tpu.memory_space<vmem>>
      %dma_wait3A_1430 = arith.constant 0 : i32
      %dma_wait3A_1431 = arith.constant 0 : i32
      %dma_wait3A_1432 = arith.constant 0 : i32
      %dma_wait3A_1433 = tpu.memref_slice %arg4[%dma_wait3A_1430, %dma_wait3A_1431, %dma_wait3A_1432] : memref<4x8x1000000xf32, #tpu.memory_space<hbm>> -> memref<4x8x128xf32, #tpu.memory_space<hbm>>
      tpu.wait_dma2 semaphore(%arg17 : memref<!tpu.dma_semaphore, #tpu.memory_space<semaphore_mem>>) src(%dma_wait3A_1433 : memref<4x8x128xf32, #tpu.memory_space<hbm>>) dst(%dma_wait3A_1429 : memref<4x8x128xf32, #tpu.memory_space<vmem>>)
      %rem3A_1434 = arith.constant 128 : i32
      %rem3A_1435 = arith.remsi %reduce_sum3A_796, %rem3A_1434 : i32
      %broadcast_in_dim3A_1436 = vector.broadcast %rem3A_1435 : i32 to vector<16xi32>
      %rem3A_1437 = arith.constant 128 : i32
      %rem3A_1438 = arith.remsi %reduce_sum3A_866, %rem3A_1437 : i32
      %broadcast_in_dim3A_1439 = vector.broadcast %rem3A_1438 : i32 to vector<16xi32>
      %gather3A_1440 = arith.constant 3 : i32
      %gather3A_1441 = arith.constant 0 : i32
      %gather3A_1442 = arith.constant 0 : i32
      %gather3A_1443 = arith.constant 0 : i32
      %gather3A_1444 = tpu.memref_slice %arg9[%gather3A_1440, %gather3A_1441, %gather3A_1442, %gather3A_1443] : memref<8x4x8x128xf32, #tpu.memory_space<vmem>> -> memref<1x4x8x128xf32, #tpu.memory_space<vmem>>
      %gather3A_1445 = tpu.memref_squeeze %gather3A_1444 : memref<1x4x8x128xf32, #tpu.memory_space<vmem>> -> memref<4x8x128xf32, #tpu.memory_space<vmem>>
      %gather3A_1446 = tpu.vector_load_idx %gather3A_1445[%select_n3A, %rem3A_37, %broadcast_in_dim3A_1436] : memref<4x8x128xf32, #tpu.memory_space<vmem>>[vector<16xi32>, vector<16xi32>, vector<16xi32>], vector<16xf32>,
      %gather3A_1447 = arith.constant 3 : i32
      %gather3A_1448 = arith.constant 0 : i32
      %gather3A_1449 = arith.constant 0 : i32
      %gather3A_1450 = arith.constant 0 : i32
      %gather3A_1451 = tpu.memref_slice %arg9[%gather3A_1447, %gather3A_1448, %gather3A_1449, %gather3A_1450] : memref<8x4x8x128xf32, #tpu.memory_space<vmem>> -> memref<1x4x8x128xf32, #tpu.memory_space<vmem>>
      %gather3A_1452 = tpu.memref_squeeze %gather3A_1451 : memref<1x4x8x128xf32, #tpu.memory_space<vmem>> -> memref<4x8x128xf32, #tpu.memory_space<vmem>>
      %gather3A_1453 = tpu.vector_load_idx %gather3A_1452[%add3A_34, %rem3A_37, %broadcast_in_dim3A_1436] : memref<4x8x128xf32, #tpu.memory_space<vmem>>[vector<16xi32>, vector<16xi32>, vector<16xi32>], vector<16xf32>,
      %gather3A_1454 = arith.constant 3 : i32
      %gather3A_1455 = arith.constant 0 : i32
      %gather3A_1456 = arith.constant 0 : i32
      %gather3A_1457 = arith.constant 0 : i32
      %gather3A_1458 = tpu.memref_slice %arg10[%gather3A_1454, %gather3A_1455, %gather3A_1456, %gather3A_1457] : memref<8x4x8x128xf32, #tpu.memory_space<vmem>> -> memref<1x4x8x128xf32, #tpu.memory_space<vmem>>
      %gather3A_1459 = tpu.memref_squeeze %gather3A_1458 : memref<1x4x8x128xf32, #tpu.memory_space<vmem>> -> memref<4x8x128xf32, #tpu.memory_space<vmem>>
      %gather3A_1460 = tpu.vector_load_idx %gather3A_1459[%select_n3A, %rem3A_37, %broadcast_in_dim3A_1439] : memref<4x8x128xf32, #tpu.memory_space<vmem>>[vector<16xi32>, vector<16xi32>, vector<16xi32>], vector<16xf32>,
      %gather3A_1461 = arith.constant 3 : i32
      %gather3A_1462 = arith.constant 0 : i32
      %gather3A_1463 = arith.constant 0 : i32
      %gather3A_1464 = arith.constant 0 : i32
      %gather3A_1465 = tpu.memref_slice %arg10[%gather3A_1461, %gather3A_1462, %gather3A_1463, %gather3A_1464] : memref<8x4x8x128xf32, #tpu.memory_space<vmem>> -> memref<1x4x8x128xf32, #tpu.memory_space<vmem>>
      %gather3A_1466 = tpu.memref_squeeze %gather3A_1465 : memref<1x4x8x128xf32, #tpu.memory_space<vmem>> -> memref<4x8x128xf32, #tpu.memory_space<vmem>>
      %gather3A_1467 = tpu.vector_load_idx %gather3A_1466[%add3A_34, %rem3A_37, %broadcast_in_dim3A_1439] : memref<4x8x128xf32, #tpu.memory_space<vmem>>[vector<16xi32>, vector<16xi32>, vector<16xi32>], vector<16xf32>,
      %mul3A_1468 = arith.mulf %gather3A_1446, %gather3A_1460 : vector<16xf32>
      %mul3A_1469 = arith.mulf %gather3A_1453, %gather3A_1467 : vector<16xf32>
      %add3A_1470 = arith.addf %mul3A_1468, %mul3A_1469 : vector<16xf32>
      %reduce_sum3A_1471 = arith.constant true
      %reduce_sum3A_1472 = vector.broadcast %reduce_sum3A_1471 : i1 to vector<16xi1>
      %reduce_sum3A_1473 = tpu.scan <sum>, %add3A_1470 masked %reduce_sum3A_1472 : vector<16xf32>, vector<16xi1> -> vector<16xf32>
      %reduce_sum3A_1474 = vector.extract %reduce_sum3A_1473[15] : f32 from vector<16xf32>
      %eq3A_1475 = arith.constant 3 : i32
      %eq3A_1476 = vector.broadcast %eq3A_1475 : i32 to vector<16xi32>
      %eq3A_1477 = arith.cmpi eq, %iota3A, %eq3A_1476 : vector<16xi32>
      %broadcast_in_dim3A_1478 = vector.broadcast %reduce_sum3A_1474 : f32 to vector<16xf32>
      %select_n3A_1479 = arith.select %eq3A_1477, %broadcast_in_dim3A_1478, %select_n3A_1333 : vector<16xi1>, vector<16xf32>
      %eq3A_1480 = arith.constant 11 : i32
      %eq3A_1481 = vector.broadcast %eq3A_1480 : i32 to vector<16xi32>
      %eq3A_1482 = arith.cmpi eq, %iota3A, %eq3A_1481 : vector<16xi32>
      %jit3A_1483 = arith.constant 0 : i32
      %broadcast_in_dim3A_1484 = vector.broadcast %jit3A_1483 : i32 to vector<16xi32>
      %select_n3A_1485 = arith.select %eq3A_1482, %get3A_745, %broadcast_in_dim3A_1484 : vector<16xi1>, vector<16xi32>
      %reduce_sum3A_1486 = arith.constant true
      %reduce_sum3A_1487 = vector.broadcast %reduce_sum3A_1486 : i1 to vector<16xi1>
      %reduce_sum3A_1488 = tpu.scan <sum>, %select_n3A_1485 masked %reduce_sum3A_1487 : vector<16xi32>, vector<16xi1> -> vector<16xi32>
      %reduce_sum3A_1489 = vector.extract %reduce_sum3A_1488[15] : i32 from vector<16xi32>
      %eq3A_1490 = arith.constant 11 : i32
      %eq3A_1491 = vector.broadcast %eq3A_1490 : i32 to vector<16xi32>
      %eq3A_1492 = arith.cmpi eq, %iota3A, %eq3A_1491 : vector<16xi32>
      %jit3A_1493 = arith.constant 0 : i32
      %broadcast_in_dim3A_1494 = vector.broadcast %jit3A_1493 : i32 to vector<16xi32>
      %select_n3A_1495 = arith.select %eq3A_1492, %get3A_747, %broadcast_in_dim3A_1494 : vector<16xi1>, vector<16xi32>
      %reduce_sum3A_1496 = arith.constant true
      %reduce_sum3A_1497 = vector.broadcast %reduce_sum3A_1496 : i1 to vector<16xi1>
      %reduce_sum3A_1498 = tpu.scan <sum>, %select_n3A_1495 masked %reduce_sum3A_1497 : vector<16xi32>, vector<16xi1> -> vector<16xi32>
      %reduce_sum3A_1499 = vector.extract %reduce_sum3A_1498[15] : i32 from vector<16xi32>
      %rem3A_1500 = arith.constant 128 : i32
      %rem3A_1501 = arith.remsi %reduce_sum3A_1489, %rem3A_1500 : i32
      %sub3A_1502 = arith.subi %reduce_sum3A_1489, %rem3A_1501 : i32
      %multiple_of3A_1503 = tpu.assume_multiple %sub3A_1502, 128 : i32
      %rem3A_1504 = arith.constant 128 : i32
      %rem3A_1505 = arith.remsi %reduce_sum3A_1499, %rem3A_1504 : i32
      %sub3A_1506 = arith.subi %reduce_sum3A_1499, %rem3A_1505 : i32
      %multiple_of3A_1507 = tpu.assume_multiple %sub3A_1506, 128 : i32
      %dma_start3A_1508 = arith.constant 3 : i32
      %dma_start3A_1509 = arith.constant 0 : i32
      %dma_start3A_1510 = arith.constant 0 : i32
      %dma_start3A_1511 = arith.constant 0 : i32
      %dma_start3A_1512 = tpu.memref_slice %arg9[%dma_start3A_1508, %dma_start3A_1509, %dma_start3A_1510, %dma_start3A_1511] : memref<8x4x8x128xf32, #tpu.memory_space<vmem>> -> memref<1x4x8x128xf32, #tpu.memory_space<vmem>>
      %dma_start3A_1513 = tpu.memref_squeeze %dma_start3A_1512 : memref<1x4x8x128xf32, #tpu.memory_space<vmem>> -> memref<4x8x128xf32, #tpu.memory_space<vmem>>
      %dma_start3A_1514 = arith.constant 0 : i32
      %dma_start3A_1515 = arith.constant 0 : i32
      %dma_start3A_1516 = tpu.memref_slice %arg3[%dma_start3A_1514, %dma_start3A_1515, %multiple_of3A_1503] : memref<4x8x1000000xf32, #tpu.memory_space<hbm>> -> memref<4x8x128xf32, #tpu.memory_space<hbm>>
      %dma_start3A_1517 = arith.constant 0 : i32
      %dma_start3A_1518 = arith.constant 0 : i32
      %dma_start3A_1519 = arith.constant 0 : i32
      %dma_start3A_1520 = tpu.memref_slice %arg9[%dma_start3A_1508, %dma_start3A_1517, %dma_start3A_1518, %dma_start3A_1519] : memref<8x4x8x128xf32, #tpu.memory_space<vmem>> -> memref<1x4x8x128xf32, #tpu.memory_space<vmem>>
      %dma_start3A_1521 = tpu.memref_squeeze %dma_start3A_1520 : memref<1x4x8x128xf32, #tpu.memory_space<vmem>> -> memref<4x8x128xf32, #tpu.memory_space<vmem>>
      %dma_start3A_1522 = arith.constant 0 : i32
      %dma_start3A_1523 = arith.constant 0 : i32
      %dma_start3A_1524 = tpu.memref_slice %arg3[%dma_start3A_1522, %dma_start3A_1523, %multiple_of3A_1503] : memref<4x8x1000000xf32, #tpu.memory_space<hbm>> -> memref<4x8x128xf32, #tpu.memory_space<hbm>>
      tpu.enqueue_dma source(%dma_start3A_1524 : memref<4x8x128xf32, #tpu.memory_space<hbm>>) target(%dma_start3A_1521 : memref<4x8x128xf32, #tpu.memory_space<vmem>>) target_semaphore(%arg17 : memref<!tpu.dma_semaphore, #tpu.memory_space<semaphore_mem>>)
      %dma_start3A_1525 = arith.constant 3 : i32
      %dma_start3A_1526 = arith.constant 0 : i32
      %dma_start3A_1527 = arith.constant 0 : i32
      %dma_start3A_1528 = arith.constant 0 : i32
      %dma_start3A_1529 = tpu.memref_slice %arg10[%dma_start3A_1525, %dma_start3A_1526, %dma_start3A_1527, %dma_start3A_1528] : memref<8x4x8x128xf32, #tpu.memory_space<vmem>> -> memref<1x4x8x128xf32, #tpu.memory_space<vmem>>
      %dma_start3A_1530 = tpu.memref_squeeze %dma_start3A_1529 : memref<1x4x8x128xf32, #tpu.memory_space<vmem>> -> memref<4x8x128xf32, #tpu.memory_space<vmem>>
      %dma_start3A_1531 = arith.constant 0 : i32
      %dma_start3A_1532 = arith.constant 0 : i32
      %dma_start3A_1533 = tpu.memref_slice %arg4[%dma_start3A_1531, %dma_start3A_1532, %multiple_of3A_1507] : memref<4x8x1000000xf32, #tpu.memory_space<hbm>> -> memref<4x8x128xf32, #tpu.memory_space<hbm>>
      %dma_start3A_1534 = arith.constant 0 : i32
      %dma_start3A_1535 = arith.constant 0 : i32
      %dma_start3A_1536 = arith.constant 0 : i32
      %dma_start3A_1537 = tpu.memref_slice %arg10[%dma_start3A_1525, %dma_start3A_1534, %dma_start3A_1535, %dma_start3A_1536] : memref<8x4x8x128xf32, #tpu.memory_space<vmem>> -> memref<1x4x8x128xf32, #tpu.memory_space<vmem>>
      %dma_start3A_1538 = tpu.memref_squeeze %dma_start3A_1537 : memref<1x4x8x128xf32, #tpu.memory_space<vmem>> -> memref<4x8x128xf32, #tpu.memory_space<vmem>>
      %dma_start3A_1539 = arith.constant 0 : i32
      %dma_start3A_1540 = arith.constant 0 : i32
      %dma_start3A_1541 = tpu.memref_slice %arg4[%dma_start3A_1539, %dma_start3A_1540, %multiple_of3A_1507] : memref<4x8x1000000xf32, #tpu.memory_space<hbm>> -> memref<4x8x128xf32, #tpu.memory_space<hbm>>
      tpu.enqueue_dma source(%dma_start3A_1541 : memref<4x8x128xf32, #tpu.memory_space<hbm>>) target(%dma_start3A_1538 : memref<4x8x128xf32, #tpu.memory_space<vmem>>) target_semaphore(%arg17 : memref<!tpu.dma_semaphore, #tpu.memory_space<semaphore_mem>>)
      %dma_wait3A_1542 = arith.constant 4 : i32
      %dma_wait3A_1543 = arith.constant 0 : i32
      %dma_wait3A_1544 = arith.constant 0 : i32
      %dma_wait3A_1545 = arith.constant 0 : i32
      %dma_wait3A_1546 = tpu.memref_slice %arg9[%dma_wait3A_1542, %dma_wait3A_1543, %dma_wait3A_1544, %dma_wait3A_1545] : memref<8x4x8x128xf32, #tpu.memory_space<vmem>> -> memref<1x4x8x128xf32, #tpu.memory_space<vmem>>
      %dma_wait3A_1547 = tpu.memref_squeeze %dma_wait3A_1546 : memref<1x4x8x128xf32, #tpu.memory_space<vmem>> -> memref<4x8x128xf32, #tpu.memory_space<vmem>>
      %dma_wait3A_1548 = arith.constant 0 : i32
      %dma_wait3A_1549 = arith.constant 0 : i32
      %dma_wait3A_1550 = arith.constant 0 : i32
      %dma_wait3A_1551 = tpu.memref_slice %arg3[%dma_wait3A_1548, %dma_wait3A_1549, %dma_wait3A_1550] : memref<4x8x1000000xf32, #tpu.memory_space<hbm>> -> memref<4x8x128xf32, #tpu.memory_space<hbm>>
      %dma_wait3A_1552 = arith.constant 0 : i32
      %dma_wait3A_1553 = arith.constant 0 : i32
      %dma_wait3A_1554 = arith.constant 0 : i32
      %dma_wait3A_1555 = tpu.memref_slice %arg9[%dma_wait3A_1542, %dma_wait3A_1552, %dma_wait3A_1553, %dma_wait3A_1554] : memref<8x4x8x128xf32, #tpu.memory_space<vmem>> -> memref<1x4x8x128xf32, #tpu.memory_space<vmem>>
      %dma_wait3A_1556 = tpu.memref_squeeze %dma_wait3A_1555 : memref<1x4x8x128xf32, #tpu.memory_space<vmem>> -> memref<4x8x128xf32, #tpu.memory_space<vmem>>
      %dma_wait3A_1557 = arith.constant 0 : i32
      %dma_wait3A_1558 = arith.constant 0 : i32
      %dma_wait3A_1559 = arith.constant 0 : i32
      %dma_wait3A_1560 = tpu.memref_slice %arg3[%dma_wait3A_1557, %dma_wait3A_1558, %dma_wait3A_1559] : memref<4x8x1000000xf32, #tpu.memory_space<hbm>> -> memref<4x8x128xf32, #tpu.memory_space<hbm>>
      tpu.wait_dma2 semaphore(%arg18 : memref<!tpu.dma_semaphore, #tpu.memory_space<semaphore_mem>>) src(%dma_wait3A_1560 : memref<4x8x128xf32, #tpu.memory_space<hbm>>) dst(%dma_wait3A_1556 : memref<4x8x128xf32, #tpu.memory_space<vmem>>)
      %dma_wait3A_1561 = arith.constant 4 : i32
      %dma_wait3A_1562 = arith.constant 0 : i32
      %dma_wait3A_1563 = arith.constant 0 : i32
      %dma_wait3A_1564 = arith.constant 0 : i32
      %dma_wait3A_1565 = tpu.memref_slice %arg10[%dma_wait3A_1561, %dma_wait3A_1562, %dma_wait3A_1563, %dma_wait3A_1564] : memref<8x4x8x128xf32, #tpu.memory_space<vmem>> -> memref<1x4x8x128xf32, #tpu.memory_space<vmem>>
      %dma_wait3A_1566 = tpu.memref_squeeze %dma_wait3A_1565 : memref<1x4x8x128xf32, #tpu.memory_space<vmem>> -> memref<4x8x128xf32, #tpu.memory_space<vmem>>
      %dma_wait3A_1567 = arith.constant 0 : i32
      %dma_wait3A_1568 = arith.constant 0 : i32
      %dma_wait3A_1569 = arith.constant 0 : i32
      %dma_wait3A_1570 = tpu.memref_slice %arg4[%dma_wait3A_1567, %dma_wait3A_1568, %dma_wait3A_1569] : memref<4x8x1000000xf32, #tpu.memory_space<hbm>> -> memref<4x8x128xf32, #tpu.memory_space<hbm>>
      %dma_wait3A_1571 = arith.constant 0 : i32
      %dma_wait3A_1572 = arith.constant 0 : i32
      %dma_wait3A_1573 = arith.constant 0 : i32
      %dma_wait3A_1574 = tpu.memref_slice %arg10[%dma_wait3A_1561, %dma_wait3A_1571, %dma_wait3A_1572, %dma_wait3A_1573] : memref<8x4x8x128xf32, #tpu.memory_space<vmem>> -> memref<1x4x8x128xf32, #tpu.memory_space<vmem>>
      %dma_wait3A_1575 = tpu.memref_squeeze %dma_wait3A_1574 : memref<1x4x8x128xf32, #tpu.memory_space<vmem>> -> memref<4x8x128xf32, #tpu.memory_space<vmem>>
      %dma_wait3A_1576 = arith.constant 0 : i32
      %dma_wait3A_1577 = arith.constant 0 : i32
      %dma_wait3A_1578 = arith.constant 0 : i32
      %dma_wait3A_1579 = tpu.memref_slice %arg4[%dma_wait3A_1576, %dma_wait3A_1577, %dma_wait3A_1578] : memref<4x8x1000000xf32, #tpu.memory_space<hbm>> -> memref<4x8x128xf32, #tpu.memory_space<hbm>>
      tpu.wait_dma2 semaphore(%arg18 : memref<!tpu.dma_semaphore, #tpu.memory_space<semaphore_mem>>) src(%dma_wait3A_1579 : memref<4x8x128xf32, #tpu.memory_space<hbm>>) dst(%dma_wait3A_1575 : memref<4x8x128xf32, #tpu.memory_space<vmem>>)
      %rem3A_1580 = arith.constant 128 : i32
      %rem3A_1581 = arith.remsi %reduce_sum3A_806, %rem3A_1580 : i32
      %broadcast_in_dim3A_1582 = vector.broadcast %rem3A_1581 : i32 to vector<16xi32>
      %rem3A_1583 = arith.constant 128 : i32
      %rem3A_1584 = arith.remsi %reduce_sum3A_876, %rem3A_1583 : i32
      %broadcast_in_dim3A_1585 = vector.broadcast %rem3A_1584 : i32 to vector<16xi32>
      %gather3A_1586 = arith.constant 4 : i32
      %gather3A_1587 = arith.constant 0 : i32
      %gather3A_1588 = arith.constant 0 : i32
      %gather3A_1589 = arith.constant 0 : i32
      %gather3A_1590 = tpu.memref_slice %arg9[%gather3A_1586, %gather3A_1587, %gather3A_1588, %gather3A_1589] : memref<8x4x8x128xf32, #tpu.memory_space<vmem>> -> memref<1x4x8x128xf32, #tpu.memory_space<vmem>>
      %gather3A_1591 = tpu.memref_squeeze %gather3A_1590 : memref<1x4x8x128xf32, #tpu.memory_space<vmem>> -> memref<4x8x128xf32, #tpu.memory_space<vmem>>
      %gather3A_1592 = tpu.vector_load_idx %gather3A_1591[%select_n3A, %rem3A_37, %broadcast_in_dim3A_1582] : memref<4x8x128xf32, #tpu.memory_space<vmem>>[vector<16xi32>, vector<16xi32>, vector<16xi32>], vector<16xf32>,
      %gather3A_1593 = arith.constant 4 : i32
      %gather3A_1594 = arith.constant 0 : i32
      %gather3A_1595 = arith.constant 0 : i32
      %gather3A_1596 = arith.constant 0 : i32
      %gather3A_1597 = tpu.memref_slice %arg9[%gather3A_1593, %gather3A_1594, %gather3A_1595, %gather3A_1596] : memref<8x4x8x128xf32, #tpu.memory_space<vmem>> -> memref<1x4x8x128xf32, #tpu.memory_space<vmem>>
      %gather3A_1598 = tpu.memref_squeeze %gather3A_1597 : memref<1x4x8x128xf32, #tpu.memory_space<vmem>> -> memref<4x8x128xf32, #tpu.memory_space<vmem>>
      %gather3A_1599 = tpu.vector_load_idx %gather3A_1598[%add3A_34, %rem3A_37, %broadcast_in_dim3A_1582] : memref<4x8x128xf32, #tpu.memory_space<vmem>>[vector<16xi32>, vector<16xi32>, vector<16xi32>], vector<16xf32>,
      %gather3A_1600 = arith.constant 4 : i32
      %gather3A_1601 = arith.constant 0 : i32
      %gather3A_1602 = arith.constant 0 : i32
      %gather3A_1603 = arith.constant 0 : i32
      %gather3A_1604 = tpu.memref_slice %arg10[%gather3A_1600, %gather3A_1601, %gather3A_1602, %gather3A_1603] : memref<8x4x8x128xf32, #tpu.memory_space<vmem>> -> memref<1x4x8x128xf32, #tpu.memory_space<vmem>>
      %gather3A_1605 = tpu.memref_squeeze %gather3A_1604 : memref<1x4x8x128xf32, #tpu.memory_space<vmem>> -> memref<4x8x128xf32, #tpu.memory_space<vmem>>
      %gather3A_1606 = tpu.vector_load_idx %gather3A_1605[%select_n3A, %rem3A_37, %broadcast_in_dim3A_1585] : memref<4x8x128xf32, #tpu.memory_space<vmem>>[vector<16xi32>, vector<16xi32>, vector<16xi32>], vector<16xf32>,
      %gather3A_1607 = arith.constant 4 : i32
      %gather3A_1608 = arith.constant 0 : i32
      %gather3A_1609 = arith.constant 0 : i32
      %gather3A_1610 = arith.constant 0 : i32
      %gather3A_1611 = tpu.memref_slice %arg10[%gather3A_1607, %gather3A_1608, %gather3A_1609, %gather3A_1610] : memref<8x4x8x128xf32, #tpu.memory_space<vmem>> -> memref<1x4x8x128xf32, #tpu.memory_space<vmem>>
      %gather3A_1612 = tpu.memref_squeeze %gather3A_1611 : memref<1x4x8x128xf32, #tpu.memory_space<vmem>> -> memref<4x8x128xf32, #tpu.memory_space<vmem>>
      %gather3A_1613 = tpu.vector_load_idx %gather3A_1612[%add3A_34, %rem3A_37, %broadcast_in_dim3A_1585] : memref<4x8x128xf32, #tpu.memory_space<vmem>>[vector<16xi32>, vector<16xi32>, vector<16xi32>], vector<16xf32>,
      %mul3A_1614 = arith.mulf %gather3A_1592, %gather3A_1606 : vector<16xf32>
      %mul3A_1615 = arith.mulf %gather3A_1599, %gather3A_1613 : vector<16xf32>
      %add3A_1616 = arith.addf %mul3A_1614, %mul3A_1615 : vector<16xf32>
      %reduce_sum3A_1617 = arith.constant true
      %reduce_sum3A_1618 = vector.broadcast %reduce_sum3A_1617 : i1 to vector<16xi1>
      %reduce_sum3A_1619 = tpu.scan <sum>, %add3A_1616 masked %reduce_sum3A_1618 : vector<16xf32>, vector<16xi1> -> vector<16xf32>
      %reduce_sum3A_1620 = vector.extract %reduce_sum3A_1619[15] : f32 from vector<16xf32>
      %eq3A_1621 = arith.constant 4 : i32
      %eq3A_1622 = vector.broadcast %eq3A_1621 : i32 to vector<16xi32>
      %eq3A_1623 = arith.cmpi eq, %iota3A, %eq3A_1622 : vector<16xi32>
      %broadcast_in_dim3A_1624 = vector.broadcast %reduce_sum3A_1620 : f32 to vector<16xf32>
      %select_n3A_1625 = arith.select %eq3A_1623, %broadcast_in_dim3A_1624, %select_n3A_1479 : vector<16xi1>, vector<16xf32>
      %eq3A_1626 = arith.constant 12 : i32
      %eq3A_1627 = vector.broadcast %eq3A_1626 : i32 to vector<16xi32>
      %eq3A_1628 = arith.cmpi eq, %iota3A, %eq3A_1627 : vector<16xi32>
      %jit3A_1629 = arith.constant 0 : i32
      %broadcast_in_dim3A_1630 = vector.broadcast %jit3A_1629 : i32 to vector<16xi32>
      %select_n3A_1631 = arith.select %eq3A_1628, %get3A_745, %broadcast_in_dim3A_1630 : vector<16xi1>, vector<16xi32>
      %reduce_sum3A_1632 = arith.constant true
      %reduce_sum3A_1633 = vector.broadcast %reduce_sum3A_1632 : i1 to vector<16xi1>
      %reduce_sum3A_1634 = tpu.scan <sum>, %select_n3A_1631 masked %reduce_sum3A_1633 : vector<16xi32>, vector<16xi1> -> vector<16xi32>
      %reduce_sum3A_1635 = vector.extract %reduce_sum3A_1634[15] : i32 from vector<16xi32>
      %eq3A_1636 = arith.constant 12 : i32
      %eq3A_1637 = vector.broadcast %eq3A_1636 : i32 to vector<16xi32>
      %eq3A_1638 = arith.cmpi eq, %iota3A, %eq3A_1637 : vector<16xi32>
      %jit3A_1639 = arith.constant 0 : i32
      %broadcast_in_dim3A_1640 = vector.broadcast %jit3A_1639 : i32 to vector<16xi32>
      %select_n3A_1641 = arith.select %eq3A_1638, %get3A_747, %broadcast_in_dim3A_1640 : vector<16xi1>, vector<16xi32>
      %reduce_sum3A_1642 = arith.constant true
      %reduce_sum3A_1643 = vector.broadcast %reduce_sum3A_1642 : i1 to vector<16xi1>
      %reduce_sum3A_1644 = tpu.scan <sum>, %select_n3A_1641 masked %reduce_sum3A_1643 : vector<16xi32>, vector<16xi1> -> vector<16xi32>
      %reduce_sum3A_1645 = vector.extract %reduce_sum3A_1644[15] : i32 from vector<16xi32>
      %rem3A_1646 = arith.constant 128 : i32
      %rem3A_1647 = arith.remsi %reduce_sum3A_1635, %rem3A_1646 : i32
      %sub3A_1648 = arith.subi %reduce_sum3A_1635, %rem3A_1647 : i32
      %multiple_of3A_1649 = tpu.assume_multiple %sub3A_1648, 128 : i32
      %rem3A_1650 = arith.constant 128 : i32
      %rem3A_1651 = arith.remsi %reduce_sum3A_1645, %rem3A_1650 : i32
      %sub3A_1652 = arith.subi %reduce_sum3A_1645, %rem3A_1651 : i32
      %multiple_of3A_1653 = tpu.assume_multiple %sub3A_1652, 128 : i32
      %dma_start3A_1654 = arith.constant 4 : i32
      %dma_start3A_1655 = arith.constant 0 : i32
      %dma_start3A_1656 = arith.constant 0 : i32
      %dma_start3A_1657 = arith.constant 0 : i32
      %dma_start3A_1658 = tpu.memref_slice %arg9[%dma_start3A_1654, %dma_start3A_1655, %dma_start3A_1656, %dma_start3A_1657] : memref<8x4x8x128xf32, #tpu.memory_space<vmem>> -> memref<1x4x8x128xf32, #tpu.memory_space<vmem>>
      %dma_start3A_1659 = tpu.memref_squeeze %dma_start3A_1658 : memref<1x4x8x128xf32, #tpu.memory_space<vmem>> -> memref<4x8x128xf32, #tpu.memory_space<vmem>>
      %dma_start3A_1660 = arith.constant 0 : i32
      %dma_start3A_1661 = arith.constant 0 : i32
      %dma_start3A_1662 = tpu.memref_slice %arg3[%dma_start3A_1660, %dma_start3A_1661, %multiple_of3A_1649] : memref<4x8x1000000xf32, #tpu.memory_space<hbm>> -> memref<4x8x128xf32, #tpu.memory_space<hbm>>
      %dma_start3A_1663 = arith.constant 0 : i32
      %dma_start3A_1664 = arith.constant 0 : i32
      %dma_start3A_1665 = arith.constant 0 : i32
      %dma_start3A_1666 = tpu.memref_slice %arg9[%dma_start3A_1654, %dma_start3A_1663, %dma_start3A_1664, %dma_start3A_1665] : memref<8x4x8x128xf32, #tpu.memory_space<vmem>> -> memref<1x4x8x128xf32, #tpu.memory_space<vmem>>
      %dma_start3A_1667 = tpu.memref_squeeze %dma_start3A_1666 : memref<1x4x8x128xf32, #tpu.memory_space<vmem>> -> memref<4x8x128xf32, #tpu.memory_space<vmem>>
      %dma_start3A_1668 = arith.constant 0 : i32
      %dma_start3A_1669 = arith.constant 0 : i32
      %dma_start3A_1670 = tpu.memref_slice %arg3[%dma_start3A_1668, %dma_start3A_1669, %multiple_of3A_1649] : memref<4x8x1000000xf32, #tpu.memory_space<hbm>> -> memref<4x8x128xf32, #tpu.memory_space<hbm>>
      tpu.enqueue_dma source(%dma_start3A_1670 : memref<4x8x128xf32, #tpu.memory_space<hbm>>) target(%dma_start3A_1667 : memref<4x8x128xf32, #tpu.memory_space<vmem>>) target_semaphore(%arg18 : memref<!tpu.dma_semaphore, #tpu.memory_space<semaphore_mem>>)
      %dma_start3A_1671 = arith.constant 4 : i32
      %dma_start3A_1672 = arith.constant 0 : i32
      %dma_start3A_1673 = arith.constant 0 : i32
      %dma_start3A_1674 = arith.constant 0 : i32
      %dma_start3A_1675 = tpu.memref_slice %arg10[%dma_start3A_1671, %dma_start3A_1672, %dma_start3A_1673, %dma_start3A_1674] : memref<8x4x8x128xf32, #tpu.memory_space<vmem>> -> memref<1x4x8x128xf32, #tpu.memory_space<vmem>>
      %dma_start3A_1676 = tpu.memref_squeeze %dma_start3A_1675 : memref<1x4x8x128xf32, #tpu.memory_space<vmem>> -> memref<4x8x128xf32, #tpu.memory_space<vmem>>
      %dma_start3A_1677 = arith.constant 0 : i32
      %dma_start3A_1678 = arith.constant 0 : i32
      %dma_start3A_1679 = tpu.memref_slice %arg4[%dma_start3A_1677, %dma_start3A_1678, %multiple_of3A_1653] : memref<4x8x1000000xf32, #tpu.memory_space<hbm>> -> memref<4x8x128xf32, #tpu.memory_space<hbm>>
      %dma_start3A_1680 = arith.constant 0 : i32
      %dma_start3A_1681 = arith.constant 0 : i32
      %dma_start3A_1682 = arith.constant 0 : i32
      %dma_start3A_1683 = tpu.memref_slice %arg10[%dma_start3A_1671, %dma_start3A_1680, %dma_start3A_1681, %dma_start3A_1682] : memref<8x4x8x128xf32, #tpu.memory_space<vmem>> -> memref<1x4x8x128xf32, #tpu.memory_space<vmem>>
      %dma_start3A_1684 = tpu.memref_squeeze %dma_start3A_1683 : memref<1x4x8x128xf32, #tpu.memory_space<vmem>> -> memref<4x8x128xf32, #tpu.memory_space<vmem>>
      %dma_start3A_1685 = arith.constant 0 : i32
      %dma_start3A_1686 = arith.constant 0 : i32
      %dma_start3A_1687 = tpu.memref_slice %arg4[%dma_start3A_1685, %dma_start3A_1686, %multiple_of3A_1653] : memref<4x8x1000000xf32, #tpu.memory_space<hbm>> -> memref<4x8x128xf32, #tpu.memory_space<hbm>>
      tpu.enqueue_dma source(%dma_start3A_1687 : memref<4x8x128xf32, #tpu.memory_space<hbm>>) target(%dma_start3A_1684 : memref<4x8x128xf32, #tpu.memory_space<vmem>>) target_semaphore(%arg18 : memref<!tpu.dma_semaphore, #tpu.memory_space<semaphore_mem>>)
      %dma_wait3A_1688 = arith.constant 5 : i32
      %dma_wait3A_1689 = arith.constant 0 : i32
      %dma_wait3A_1690 = arith.constant 0 : i32
      %dma_wait3A_1691 = arith.constant 0 : i32
      %dma_wait3A_1692 = tpu.memref_slice %arg9[%dma_wait3A_1688, %dma_wait3A_1689, %dma_wait3A_1690, %dma_wait3A_1691] : memref<8x4x8x128xf32, #tpu.memory_space<vmem>> -> memref<1x4x8x128xf32, #tpu.memory_space<vmem>>
      %dma_wait3A_1693 = tpu.memref_squeeze %dma_wait3A_1692 : memref<1x4x8x128xf32, #tpu.memory_space<vmem>> -> memref<4x8x128xf32, #tpu.memory_space<vmem>>
      %dma_wait3A_1694 = arith.constant 0 : i32
      %dma_wait3A_1695 = arith.constant 0 : i32
      %dma_wait3A_1696 = arith.constant 0 : i32
      %dma_wait3A_1697 = tpu.memref_slice %arg3[%dma_wait3A_1694, %dma_wait3A_1695, %dma_wait3A_1696] : memref<4x8x1000000xf32, #tpu.memory_space<hbm>> -> memref<4x8x128xf32, #tpu.memory_space<hbm>>
      %dma_wait3A_1698 = arith.constant 0 : i32
      %dma_wait3A_1699 = arith.constant 0 : i32
      %dma_wait3A_1700 = arith.constant 0 : i32
      %dma_wait3A_1701 = tpu.memref_slice %arg9[%dma_wait3A_1688, %dma_wait3A_1698, %dma_wait3A_1699, %dma_wait3A_1700] : memref<8x4x8x128xf32, #tpu.memory_space<vmem>> -> memref<1x4x8x128xf32, #tpu.memory_space<vmem>>
      %dma_wait3A_1702 = tpu.memref_squeeze %dma_wait3A_1701 : memref<1x4x8x128xf32, #tpu.memory_space<vmem>> -> memref<4x8x128xf32, #tpu.memory_space<vmem>>
      %dma_wait3A_1703 = arith.constant 0 : i32
      %dma_wait3A_1704 = arith.constant 0 : i32
      %dma_wait3A_1705 = arith.constant 0 : i32
      %dma_wait3A_1706 = tpu.memref_slice %arg3[%dma_wait3A_1703, %dma_wait3A_1704, %dma_wait3A_1705] : memref<4x8x1000000xf32, #tpu.memory_space<hbm>> -> memref<4x8x128xf32, #tpu.memory_space<hbm>>
      tpu.wait_dma2 semaphore(%arg19 : memref<!tpu.dma_semaphore, #tpu.memory_space<semaphore_mem>>) src(%dma_wait3A_1706 : memref<4x8x128xf32, #tpu.memory_space<hbm>>) dst(%dma_wait3A_1702 : memref<4x8x128xf32, #tpu.memory_space<vmem>>)
      %dma_wait3A_1707 = arith.constant 5 : i32
      %dma_wait3A_1708 = arith.constant 0 : i32
      %dma_wait3A_1709 = arith.constant 0 : i32
      %dma_wait3A_1710 = arith.constant 0 : i32
      %dma_wait3A_1711 = tpu.memref_slice %arg10[%dma_wait3A_1707, %dma_wait3A_1708, %dma_wait3A_1709, %dma_wait3A_1710] : memref<8x4x8x128xf32, #tpu.memory_space<vmem>> -> memref<1x4x8x128xf32, #tpu.memory_space<vmem>>
      %dma_wait3A_1712 = tpu.memref_squeeze %dma_wait3A_1711 : memref<1x4x8x128xf32, #tpu.memory_space<vmem>> -> memref<4x8x128xf32, #tpu.memory_space<vmem>>
      %dma_wait3A_1713 = arith.constant 0 : i32
      %dma_wait3A_1714 = arith.constant 0 : i32
      %dma_wait3A_1715 = arith.constant 0 : i32
      %dma_wait3A_1716 = tpu.memref_slice %arg4[%dma_wait3A_1713, %dma_wait3A_1714, %dma_wait3A_1715] : memref<4x8x1000000xf32, #tpu.memory_space<hbm>> -> memref<4x8x128xf32, #tpu.memory_space<hbm>>
      %dma_wait3A_1717 = arith.constant 0 : i32
      %dma_wait3A_1718 = arith.constant 0 : i32
      %dma_wait3A_1719 = arith.constant 0 : i32
      %dma_wait3A_1720 = tpu.memref_slice %arg10[%dma_wait3A_1707, %dma_wait3A_1717, %dma_wait3A_1718, %dma_wait3A_1719] : memref<8x4x8x128xf32, #tpu.memory_space<vmem>> -> memref<1x4x8x128xf32, #tpu.memory_space<vmem>>
      %dma_wait3A_1721 = tpu.memref_squeeze %dma_wait3A_1720 : memref<1x4x8x128xf32, #tpu.memory_space<vmem>> -> memref<4x8x128xf32, #tpu.memory_space<vmem>>
      %dma_wait3A_1722 = arith.constant 0 : i32
      %dma_wait3A_1723 = arith.constant 0 : i32
      %dma_wait3A_1724 = arith.constant 0 : i32
      %dma_wait3A_1725 = tpu.memref_slice %arg4[%dma_wait3A_1722, %dma_wait3A_1723, %dma_wait3A_1724] : memref<4x8x1000000xf32, #tpu.memory_space<hbm>> -> memref<4x8x128xf32, #tpu.memory_space<hbm>>
      tpu.wait_dma2 semaphore(%arg19 : memref<!tpu.dma_semaphore, #tpu.memory_space<semaphore_mem>>) src(%dma_wait3A_1725 : memref<4x8x128xf32, #tpu.memory_space<hbm>>) dst(%dma_wait3A_1721 : memref<4x8x128xf32, #tpu.memory_space<vmem>>)
      %rem3A_1726 = arith.constant 128 : i32
      %rem3A_1727 = arith.remsi %reduce_sum3A_816, %rem3A_1726 : i32
      %broadcast_in_dim3A_1728 = vector.broadcast %rem3A_1727 : i32 to vector<16xi32>
      %rem3A_1729 = arith.constant 128 : i32
      %rem3A_1730 = arith.remsi %reduce_sum3A_886, %rem3A_1729 : i32
      %broadcast_in_dim3A_1731 = vector.broadcast %rem3A_1730 : i32 to vector<16xi32>
      %gather3A_1732 = arith.constant 5 : i32
      %gather3A_1733 = arith.constant 0 : i32
      %gather3A_1734 = arith.constant 0 : i32
      %gather3A_1735 = arith.constant 0 : i32
      %gather3A_1736 = tpu.memref_slice %arg9[%gather3A_1732, %gather3A_1733, %gather3A_1734, %gather3A_1735] : memref<8x4x8x128xf32, #tpu.memory_space<vmem>> -> memref<1x4x8x128xf32, #tpu.memory_space<vmem>>
      %gather3A_1737 = tpu.memref_squeeze %gather3A_1736 : memref<1x4x8x128xf32, #tpu.memory_space<vmem>> -> memref<4x8x128xf32, #tpu.memory_space<vmem>>
      %gather3A_1738 = tpu.vector_load_idx %gather3A_1737[%select_n3A, %rem3A_37, %broadcast_in_dim3A_1728] : memref<4x8x128xf32, #tpu.memory_space<vmem>>[vector<16xi32>, vector<16xi32>, vector<16xi32>], vector<16xf32>,
      %gather3A_1739 = arith.constant 5 : i32
      %gather3A_1740 = arith.constant 0 : i32
      %gather3A_1741 = arith.constant 0 : i32
      %gather3A_1742 = arith.constant 0 : i32
      %gather3A_1743 = tpu.memref_slice %arg9[%gather3A_1739, %gather3A_1740, %gather3A_1741, %gather3A_1742] : memref<8x4x8x128xf32, #tpu.memory_space<vmem>> -> memref<1x4x8x128xf32, #tpu.memory_space<vmem>>
      %gather3A_1744 = tpu.memref_squeeze %gather3A_1743 : memref<1x4x8x128xf32, #tpu.memory_space<vmem>> -> memref<4x8x128xf32, #tpu.memory_space<vmem>>
      %gather3A_1745 = tpu.vector_load_idx %gather3A_1744[%add3A_34, %rem3A_37, %broadcast_in_dim3A_1728] : memref<4x8x128xf32, #tpu.memory_space<vmem>>[vector<16xi32>, vector<16xi32>, vector<16xi32>], vector<16xf32>,
      %gather3A_1746 = arith.constant 5 : i32
      %gather3A_1747 = arith.constant 0 : i32
      %gather3A_1748 = arith.constant 0 : i32
      %gather3A_1749 = arith.constant 0 : i32
      %gather3A_1750 = tpu.memref_slice %arg10[%gather3A_1746, %gather3A_1747, %gather3A_1748, %gather3A_1749] : memref<8x4x8x128xf32, #tpu.memory_space<vmem>> -> memref<1x4x8x128xf32, #tpu.memory_space<vmem>>
      %gather3A_1751 = tpu.memref_squeeze %gather3A_1750 : memref<1x4x8x128xf32, #tpu.memory_space<vmem>> -> memref<4x8x128xf32, #tpu.memory_space<vmem>>
      %gather3A_1752 = tpu.vector_load_idx %gather3A_1751[%select_n3A, %rem3A_37, %broadcast_in_dim3A_1731] : memref<4x8x128xf32, #tpu.memory_space<vmem>>[vector<16xi32>, vector<16xi32>, vector<16xi32>], vector<16xf32>,
      %gather3A_1753 = arith.constant 5 : i32
      %gather3A_1754 = arith.constant 0 : i32
      %gather3A_1755 = arith.constant 0 : i32
      %gather3A_1756 = arith.constant 0 : i32
      %gather3A_1757 = tpu.memref_slice %arg10[%gather3A_1753, %gather3A_1754, %gather3A_1755, %gather3A_1756] : memref<8x4x8x128xf32, #tpu.memory_space<vmem>> -> memref<1x4x8x128xf32, #tpu.memory_space<vmem>>
      %gather3A_1758 = tpu.memref_squeeze %gather3A_1757 : memref<1x4x8x128xf32, #tpu.memory_space<vmem>> -> memref<4x8x128xf32, #tpu.memory_space<vmem>>
      %gather3A_1759 = tpu.vector_load_idx %gather3A_1758[%add3A_34, %rem3A_37, %broadcast_in_dim3A_1731] : memref<4x8x128xf32, #tpu.memory_space<vmem>>[vector<16xi32>, vector<16xi32>, vector<16xi32>], vector<16xf32>,
      %mul3A_1760 = arith.mulf %gather3A_1738, %gather3A_1752 : vector<16xf32>
      %mul3A_1761 = arith.mulf %gather3A_1745, %gather3A_1759 : vector<16xf32>
      %add3A_1762 = arith.addf %mul3A_1760, %mul3A_1761 : vector<16xf32>
      %reduce_sum3A_1763 = arith.constant true
      %reduce_sum3A_1764 = vector.broadcast %reduce_sum3A_1763 : i1 to vector<16xi1>
      %reduce_sum3A_1765 = tpu.scan <sum>, %add3A_1762 masked %reduce_sum3A_1764 : vector<16xf32>, vector<16xi1> -> vector<16xf32>
      %reduce_sum3A_1766 = vector.extract %reduce_sum3A_1765[15] : f32 from vector<16xf32>
      %eq3A_1767 = arith.constant 5 : i32
      %eq3A_1768 = vector.broadcast %eq3A_1767 : i32 to vector<16xi32>
      %eq3A_1769 = arith.cmpi eq, %iota3A, %eq3A_1768 : vector<16xi32>
      %broadcast_in_dim3A_1770 = vector.broadcast %reduce_sum3A_1766 : f32 to vector<16xf32>
      %select_n3A_1771 = arith.select %eq3A_1769, %broadcast_in_dim3A_1770, %select_n3A_1625 : vector<16xi1>, vector<16xf32>
      %eq3A_1772 = arith.constant 13 : i32
      %eq3A_1773 = vector.broadcast %eq3A_1772 : i32 to vector<16xi32>
      %eq3A_1774 = arith.cmpi eq, %iota3A, %eq3A_1773 : vector<16xi32>
      %jit3A_1775 = arith.constant 0 : i32
      %broadcast_in_dim3A_1776 = vector.broadcast %jit3A_1775 : i32 to vector<16xi32>
      %select_n3A_1777 = arith.select %eq3A_1774, %get3A_745, %broadcast_in_dim3A_1776 : vector<16xi1>, vector<16xi32>
      %reduce_sum3A_1778 = arith.constant true
      %reduce_sum3A_1779 = vector.broadcast %reduce_sum3A_1778 : i1 to vector<16xi1>
      %reduce_sum3A_1780 = tpu.scan <sum>, %select_n3A_1777 masked %reduce_sum3A_1779 : vector<16xi32>, vector<16xi1> -> vector<16xi32>
      %reduce_sum3A_1781 = vector.extract %reduce_sum3A_1780[15] : i32 from vector<16xi32>
      %eq3A_1782 = arith.constant 13 : i32
      %eq3A_1783 = vector.broadcast %eq3A_1782 : i32 to vector<16xi32>
      %eq3A_1784 = arith.cmpi eq, %iota3A, %eq3A_1783 : vector<16xi32>
      %jit3A_1785 = arith.constant 0 : i32
      %broadcast_in_dim3A_1786 = vector.broadcast %jit3A_1785 : i32 to vector<16xi32>
      %select_n3A_1787 = arith.select %eq3A_1784, %get3A_747, %broadcast_in_dim3A_1786 : vector<16xi1>, vector<16xi32>
      %reduce_sum3A_1788 = arith.constant true
      %reduce_sum3A_1789 = vector.broadcast %reduce_sum3A_1788 : i1 to vector<16xi1>
      %reduce_sum3A_1790 = tpu.scan <sum>, %select_n3A_1787 masked %reduce_sum3A_1789 : vector<16xi32>, vector<16xi1> -> vector<16xi32>
      %reduce_sum3A_1791 = vector.extract %reduce_sum3A_1790[15] : i32 from vector<16xi32>
      %rem3A_1792 = arith.constant 128 : i32
      %rem3A_1793 = arith.remsi %reduce_sum3A_1781, %rem3A_1792 : i32
      %sub3A_1794 = arith.subi %reduce_sum3A_1781, %rem3A_1793 : i32
      %multiple_of3A_1795 = tpu.assume_multiple %sub3A_1794, 128 : i32
      %rem3A_1796 = arith.constant 128 : i32
      %rem3A_1797 = arith.remsi %reduce_sum3A_1791, %rem3A_1796 : i32
      %sub3A_1798 = arith.subi %reduce_sum3A_1791, %rem3A_1797 : i32
      %multiple_of3A_1799 = tpu.assume_multiple %sub3A_1798, 128 : i32
      %dma_start3A_1800 = arith.constant 5 : i32
      %dma_start3A_1801 = arith.constant 0 : i32
      %dma_start3A_1802 = arith.constant 0 : i32
      %dma_start3A_1803 = arith.constant 0 : i32
      %dma_start3A_1804 = tpu.memref_slice %arg9[%dma_start3A_1800, %dma_start3A_1801, %dma_start3A_1802, %dma_start3A_1803] : memref<8x4x8x128xf32, #tpu.memory_space<vmem>> -> memref<1x4x8x128xf32, #tpu.memory_space<vmem>>
      %dma_start3A_1805 = tpu.memref_squeeze %dma_start3A_1804 : memref<1x4x8x128xf32, #tpu.memory_space<vmem>> -> memref<4x8x128xf32, #tpu.memory_space<vmem>>
      %dma_start3A_1806 = arith.constant 0 : i32
      %dma_start3A_1807 = arith.constant 0 : i32
      %dma_start3A_1808 = tpu.memref_slice %arg3[%dma_start3A_1806, %dma_start3A_1807, %multiple_of3A_1795] : memref<4x8x1000000xf32, #tpu.memory_space<hbm>> -> memref<4x8x128xf32, #tpu.memory_space<hbm>>
      %dma_start3A_1809 = arith.constant 0 : i32
      %dma_start3A_1810 = arith.constant 0 : i32
      %dma_start3A_1811 = arith.constant 0 : i32
      %dma_start3A_1812 = tpu.memref_slice %arg9[%dma_start3A_1800, %dma_start3A_1809, %dma_start3A_1810, %dma_start3A_1811] : memref<8x4x8x128xf32, #tpu.memory_space<vmem>> -> memref<1x4x8x128xf32, #tpu.memory_space<vmem>>
      %dma_start3A_1813 = tpu.memref_squeeze %dma_start3A_1812 : memref<1x4x8x128xf32, #tpu.memory_space<vmem>> -> memref<4x8x128xf32, #tpu.memory_space<vmem>>
      %dma_start3A_1814 = arith.constant 0 : i32
      %dma_start3A_1815 = arith.constant 0 : i32
      %dma_start3A_1816 = tpu.memref_slice %arg3[%dma_start3A_1814, %dma_start3A_1815, %multiple_of3A_1795] : memref<4x8x1000000xf32, #tpu.memory_space<hbm>> -> memref<4x8x128xf32, #tpu.memory_space<hbm>>
      tpu.enqueue_dma source(%dma_start3A_1816 : memref<4x8x128xf32, #tpu.memory_space<hbm>>) target(%dma_start3A_1813 : memref<4x8x128xf32, #tpu.memory_space<vmem>>) target_semaphore(%arg19 : memref<!tpu.dma_semaphore, #tpu.memory_space<semaphore_mem>>)
      %dma_start3A_1817 = arith.constant 5 : i32
      %dma_start3A_1818 = arith.constant 0 : i32
      %dma_start3A_1819 = arith.constant 0 : i32
      %dma_start3A_1820 = arith.constant 0 : i32
      %dma_start3A_1821 = tpu.memref_slice %arg10[%dma_start3A_1817, %dma_start3A_1818, %dma_start3A_1819, %dma_start3A_1820] : memref<8x4x8x128xf32, #tpu.memory_space<vmem>> -> memref<1x4x8x128xf32, #tpu.memory_space<vmem>>
      %dma_start3A_1822 = tpu.memref_squeeze %dma_start3A_1821 : memref<1x4x8x128xf32, #tpu.memory_space<vmem>> -> memref<4x8x128xf32, #tpu.memory_space<vmem>>
      %dma_start3A_1823 = arith.constant 0 : i32
      %dma_start3A_1824 = arith.constant 0 : i32
      %dma_start3A_1825 = tpu.memref_slice %arg4[%dma_start3A_1823, %dma_start3A_1824, %multiple_of3A_1799] : memref<4x8x1000000xf32, #tpu.memory_space<hbm>> -> memref<4x8x128xf32, #tpu.memory_space<hbm>>
      %dma_start3A_1826 = arith.constant 0 : i32
      %dma_start3A_1827 = arith.constant 0 : i32
      %dma_start3A_1828 = arith.constant 0 : i32
      %dma_start3A_1829 = tpu.memref_slice %arg10[%dma_start3A_1817, %dma_start3A_1826, %dma_start3A_1827, %dma_start3A_1828] : memref<8x4x8x128xf32, #tpu.memory_space<vmem>> -> memref<1x4x8x128xf32, #tpu.memory_space<vmem>>
      %dma_start3A_1830 = tpu.memref_squeeze %dma_start3A_1829 : memref<1x4x8x128xf32, #tpu.memory_space<vmem>> -> memref<4x8x128xf32, #tpu.memory_space<vmem>>
      %dma_start3A_1831 = arith.constant 0 : i32
      %dma_start3A_1832 = arith.constant 0 : i32
      %dma_start3A_1833 = tpu.memref_slice %arg4[%dma_start3A_1831, %dma_start3A_1832, %multiple_of3A_1799] : memref<4x8x1000000xf32, #tpu.memory_space<hbm>> -> memref<4x8x128xf32, #tpu.memory_space<hbm>>
      tpu.enqueue_dma source(%dma_start3A_1833 : memref<4x8x128xf32, #tpu.memory_space<hbm>>) target(%dma_start3A_1830 : memref<4x8x128xf32, #tpu.memory_space<vmem>>) target_semaphore(%arg19 : memref<!tpu.dma_semaphore, #tpu.memory_space<semaphore_mem>>)
      %dma_wait3A_1834 = arith.constant 6 : i32
      %dma_wait3A_1835 = arith.constant 0 : i32
      %dma_wait3A_1836 = arith.constant 0 : i32
      %dma_wait3A_1837 = arith.constant 0 : i32
      %dma_wait3A_1838 = tpu.memref_slice %arg9[%dma_wait3A_1834, %dma_wait3A_1835, %dma_wait3A_1836, %dma_wait3A_1837] : memref<8x4x8x128xf32, #tpu.memory_space<vmem>> -> memref<1x4x8x128xf32, #tpu.memory_space<vmem>>
      %dma_wait3A_1839 = tpu.memref_squeeze %dma_wait3A_1838 : memref<1x4x8x128xf32, #tpu.memory_space<vmem>> -> memref<4x8x128xf32, #tpu.memory_space<vmem>>
      %dma_wait3A_1840 = arith.constant 0 : i32
      %dma_wait3A_1841 = arith.constant 0 : i32
      %dma_wait3A_1842 = arith.constant 0 : i32
      %dma_wait3A_1843 = tpu.memref_slice %arg3[%dma_wait3A_1840, %dma_wait3A_1841, %dma_wait3A_1842] : memref<4x8x1000000xf32, #tpu.memory_space<hbm>> -> memref<4x8x128xf32, #tpu.memory_space<hbm>>
      %dma_wait3A_1844 = arith.constant 0 : i32
      %dma_wait3A_1845 = arith.constant 0 : i32
      %dma_wait3A_1846 = arith.constant 0 : i32
      %dma_wait3A_1847 = tpu.memref_slice %arg9[%dma_wait3A_1834, %dma_wait3A_1844, %dma_wait3A_1845, %dma_wait3A_1846] : memref<8x4x8x128xf32, #tpu.memory_space<vmem>> -> memref<1x4x8x128xf32, #tpu.memory_space<vmem>>
      %dma_wait3A_1848 = tpu.memref_squeeze %dma_wait3A_1847 : memref<1x4x8x128xf32, #tpu.memory_space<vmem>> -> memref<4x8x128xf32, #tpu.memory_space<vmem>>
      %dma_wait3A_1849 = arith.constant 0 : i32
      %dma_wait3A_1850 = arith.constant 0 : i32
      %dma_wait3A_1851 = arith.constant 0 : i32
      %dma_wait3A_1852 = tpu.memref_slice %arg3[%dma_wait3A_1849, %dma_wait3A_1850, %dma_wait3A_1851] : memref<4x8x1000000xf32, #tpu.memory_space<hbm>> -> memref<4x8x128xf32, #tpu.memory_space<hbm>>
      tpu.wait_dma2 semaphore(%arg20 : memref<!tpu.dma_semaphore, #tpu.memory_space<semaphore_mem>>) src(%dma_wait3A_1852 : memref<4x8x128xf32, #tpu.memory_space<hbm>>) dst(%dma_wait3A_1848 : memref<4x8x128xf32, #tpu.memory_space<vmem>>)
      %dma_wait3A_1853 = arith.constant 6 : i32
      %dma_wait3A_1854 = arith.constant 0 : i32
      %dma_wait3A_1855 = arith.constant 0 : i32
      %dma_wait3A_1856 = arith.constant 0 : i32
      %dma_wait3A_1857 = tpu.memref_slice %arg10[%dma_wait3A_1853, %dma_wait3A_1854, %dma_wait3A_1855, %dma_wait3A_1856] : memref<8x4x8x128xf32, #tpu.memory_space<vmem>> -> memref<1x4x8x128xf32, #tpu.memory_space<vmem>>
      %dma_wait3A_1858 = tpu.memref_squeeze %dma_wait3A_1857 : memref<1x4x8x128xf32, #tpu.memory_space<vmem>> -> memref<4x8x128xf32, #tpu.memory_space<vmem>>
      %dma_wait3A_1859 = arith.constant 0 : i32
      %dma_wait3A_1860 = arith.constant 0 : i32
      %dma_wait3A_1861 = arith.constant 0 : i32
      %dma_wait3A_1862 = tpu.memref_slice %arg4[%dma_wait3A_1859, %dma_wait3A_1860, %dma_wait3A_1861] : memref<4x8x1000000xf32, #tpu.memory_space<hbm>> -> memref<4x8x128xf32, #tpu.memory_space<hbm>>
      %dma_wait3A_1863 = arith.constant 0 : i32
      %dma_wait3A_1864 = arith.constant 0 : i32
      %dma_wait3A_1865 = arith.constant 0 : i32
      %dma_wait3A_1866 = tpu.memref_slice %arg10[%dma_wait3A_1853, %dma_wait3A_1863, %dma_wait3A_1864, %dma_wait3A_1865] : memref<8x4x8x128xf32, #tpu.memory_space<vmem>> -> memref<1x4x8x128xf32, #tpu.memory_space<vmem>>
      %dma_wait3A_1867 = tpu.memref_squeeze %dma_wait3A_1866 : memref<1x4x8x128xf32, #tpu.memory_space<vmem>> -> memref<4x8x128xf32, #tpu.memory_space<vmem>>
      %dma_wait3A_1868 = arith.constant 0 : i32
      %dma_wait3A_1869 = arith.constant 0 : i32
      %dma_wait3A_1870 = arith.constant 0 : i32
      %dma_wait3A_1871 = tpu.memref_slice %arg4[%dma_wait3A_1868, %dma_wait3A_1869, %dma_wait3A_1870] : memref<4x8x1000000xf32, #tpu.memory_space<hbm>> -> memref<4x8x128xf32, #tpu.memory_space<hbm>>
      tpu.wait_dma2 semaphore(%arg20 : memref<!tpu.dma_semaphore, #tpu.memory_space<semaphore_mem>>) src(%dma_wait3A_1871 : memref<4x8x128xf32, #tpu.memory_space<hbm>>) dst(%dma_wait3A_1867 : memref<4x8x128xf32, #tpu.memory_space<vmem>>)
      %rem3A_1872 = arith.constant 128 : i32
      %rem3A_1873 = arith.remsi %reduce_sum3A_826, %rem3A_1872 : i32
      %broadcast_in_dim3A_1874 = vector.broadcast %rem3A_1873 : i32 to vector<16xi32>
      %rem3A_1875 = arith.constant 128 : i32
      %rem3A_1876 = arith.remsi %reduce_sum3A_896, %rem3A_1875 : i32
      %broadcast_in_dim3A_1877 = vector.broadcast %rem3A_1876 : i32 to vector<16xi32>
      %gather3A_1878 = arith.constant 6 : i32
      %gather3A_1879 = arith.constant 0 : i32
      %gather3A_1880 = arith.constant 0 : i32
      %gather3A_1881 = arith.constant 0 : i32
      %gather3A_1882 = tpu.memref_slice %arg9[%gather3A_1878, %gather3A_1879, %gather3A_1880, %gather3A_1881] : memref<8x4x8x128xf32, #tpu.memory_space<vmem>> -> memref<1x4x8x128xf32, #tpu.memory_space<vmem>>
      %gather3A_1883 = tpu.memref_squeeze %gather3A_1882 : memref<1x4x8x128xf32, #tpu.memory_space<vmem>> -> memref<4x8x128xf32, #tpu.memory_space<vmem>>
      %gather3A_1884 = tpu.vector_load_idx %gather3A_1883[%select_n3A, %rem3A_37, %broadcast_in_dim3A_1874] : memref<4x8x128xf32, #tpu.memory_space<vmem>>[vector<16xi32>, vector<16xi32>, vector<16xi32>], vector<16xf32>,
      %gather3A_1885 = arith.constant 6 : i32
      %gather3A_1886 = arith.constant 0 : i32
      %gather3A_1887 = arith.constant 0 : i32
      %gather3A_1888 = arith.constant 0 : i32
      %gather3A_1889 = tpu.memref_slice %arg9[%gather3A_1885, %gather3A_1886, %gather3A_1887, %gather3A_1888] : memref<8x4x8x128xf32, #tpu.memory_space<vmem>> -> memref<1x4x8x128xf32, #tpu.memory_space<vmem>>
      %gather3A_1890 = tpu.memref_squeeze %gather3A_1889 : memref<1x4x8x128xf32, #tpu.memory_space<vmem>> -> memref<4x8x128xf32, #tpu.memory_space<vmem>>
      %gather3A_1891 = tpu.vector_load_idx %gather3A_1890[%add3A_34, %rem3A_37, %broadcast_in_dim3A_1874] : memref<4x8x128xf32, #tpu.memory_space<vmem>>[vector<16xi32>, vector<16xi32>, vector<16xi32>], vector<16xf32>,
      %gather3A_1892 = arith.constant 6 : i32
      %gather3A_1893 = arith.constant 0 : i32
      %gather3A_1894 = arith.constant 0 : i32
      %gather3A_1895 = arith.constant 0 : i32
      %gather3A_1896 = tpu.memref_slice %arg10[%gather3A_1892, %gather3A_1893, %gather3A_1894, %gather3A_1895] : memref<8x4x8x128xf32, #tpu.memory_space<vmem>> -> memref<1x4x8x128xf32, #tpu.memory_space<vmem>>
      %gather3A_1897 = tpu.memref_squeeze %gather3A_1896 : memref<1x4x8x128xf32, #tpu.memory_space<vmem>> -> memref<4x8x128xf32, #tpu.memory_space<vmem>>
      %gather3A_1898 = tpu.vector_load_idx %gather3A_1897[%select_n3A, %rem3A_37, %broadcast_in_dim3A_1877] : memref<4x8x128xf32, #tpu.memory_space<vmem>>[vector<16xi32>, vector<16xi32>, vector<16xi32>], vector<16xf32>,
      %gather3A_1899 = arith.constant 6 : i32
      %gather3A_1900 = arith.constant 0 : i32
      %gather3A_1901 = arith.constant 0 : i32
      %gather3A_1902 = arith.constant 0 : i32
      %gather3A_1903 = tpu.memref_slice %arg10[%gather3A_1899, %gather3A_1900, %gather3A_1901, %gather3A_1902] : memref<8x4x8x128xf32, #tpu.memory_space<vmem>> -> memref<1x4x8x128xf32, #tpu.memory_space<vmem>>
      %gather3A_1904 = tpu.memref_squeeze %gather3A_1903 : memref<1x4x8x128xf32, #tpu.memory_space<vmem>> -> memref<4x8x128xf32, #tpu.memory_space<vmem>>
      %gather3A_1905 = tpu.vector_load_idx %gather3A_1904[%add3A_34, %rem3A_37, %broadcast_in_dim3A_1877] : memref<4x8x128xf32, #tpu.memory_space<vmem>>[vector<16xi32>, vector<16xi32>, vector<16xi32>], vector<16xf32>,
      %mul3A_1906 = arith.mulf %gather3A_1884, %gather3A_1898 : vector<16xf32>
      %mul3A_1907 = arith.mulf %gather3A_1891, %gather3A_1905 : vector<16xf32>
      %add3A_1908 = arith.addf %mul3A_1906, %mul3A_1907 : vector<16xf32>
      %reduce_sum3A_1909 = arith.constant true
      %reduce_sum3A_1910 = vector.broadcast %reduce_sum3A_1909 : i1 to vector<16xi1>
      %reduce_sum3A_1911 = tpu.scan <sum>, %add3A_1908 masked %reduce_sum3A_1910 : vector<16xf32>, vector<16xi1> -> vector<16xf32>
      %reduce_sum3A_1912 = vector.extract %reduce_sum3A_1911[15] : f32 from vector<16xf32>
      %eq3A_1913 = arith.constant 6 : i32
      %eq3A_1914 = vector.broadcast %eq3A_1913 : i32 to vector<16xi32>
      %eq3A_1915 = arith.cmpi eq, %iota3A, %eq3A_1914 : vector<16xi32>
      %broadcast_in_dim3A_1916 = vector.broadcast %reduce_sum3A_1912 : f32 to vector<16xf32>
      %select_n3A_1917 = arith.select %eq3A_1915, %broadcast_in_dim3A_1916, %select_n3A_1771 : vector<16xi1>, vector<16xf32>
      %eq3A_1918 = arith.constant 14 : i32
      %eq3A_1919 = vector.broadcast %eq3A_1918 : i32 to vector<16xi32>
      %eq3A_1920 = arith.cmpi eq, %iota3A, %eq3A_1919 : vector<16xi32>
      %jit3A_1921 = arith.constant 0 : i32
      %broadcast_in_dim3A_1922 = vector.broadcast %jit3A_1921 : i32 to vector<16xi32>
      %select_n3A_1923 = arith.select %eq3A_1920, %get3A_745, %broadcast_in_dim3A_1922 : vector<16xi1>, vector<16xi32>
      %reduce_sum3A_1924 = arith.constant true
      %reduce_sum3A_1925 = vector.broadcast %reduce_sum3A_1924 : i1 to vector<16xi1>
      %reduce_sum3A_1926 = tpu.scan <sum>, %select_n3A_1923 masked %reduce_sum3A_1925 : vector<16xi32>, vector<16xi1> -> vector<16xi32>
      %reduce_sum3A_1927 = vector.extract %reduce_sum3A_1926[15] : i32 from vector<16xi32>
      %eq3A_1928 = arith.constant 14 : i32
      %eq3A_1929 = vector.broadcast %eq3A_1928 : i32 to vector<16xi32>
      %eq3A_1930 = arith.cmpi eq, %iota3A, %eq3A_1929 : vector<16xi32>
      %jit3A_1931 = arith.constant 0 : i32
      %broadcast_in_dim3A_1932 = vector.broadcast %jit3A_1931 : i32 to vector<16xi32>
      %select_n3A_1933 = arith.select %eq3A_1930, %get3A_747, %broadcast_in_dim3A_1932 : vector<16xi1>, vector<16xi32>
      %reduce_sum3A_1934 = arith.constant true
      %reduce_sum3A_1935 = vector.broadcast %reduce_sum3A_1934 : i1 to vector<16xi1>
      %reduce_sum3A_1936 = tpu.scan <sum>, %select_n3A_1933 masked %reduce_sum3A_1935 : vector<16xi32>, vector<16xi1> -> vector<16xi32>
      %reduce_sum3A_1937 = vector.extract %reduce_sum3A_1936[15] : i32 from vector<16xi32>
      %rem3A_1938 = arith.constant 128 : i32
      %rem3A_1939 = arith.remsi %reduce_sum3A_1927, %rem3A_1938 : i32
      %sub3A_1940 = arith.subi %reduce_sum3A_1927, %rem3A_1939 : i32
      %multiple_of3A_1941 = tpu.assume_multiple %sub3A_1940, 128 : i32
      %rem3A_1942 = arith.constant 128 : i32
      %rem3A_1943 = arith.remsi %reduce_sum3A_1937, %rem3A_1942 : i32
      %sub3A_1944 = arith.subi %reduce_sum3A_1937, %rem3A_1943 : i32
      %multiple_of3A_1945 = tpu.assume_multiple %sub3A_1944, 128 : i32
      %dma_start3A_1946 = arith.constant 6 : i32
      %dma_start3A_1947 = arith.constant 0 : i32
      %dma_start3A_1948 = arith.constant 0 : i32
      %dma_start3A_1949 = arith.constant 0 : i32
      %dma_start3A_1950 = tpu.memref_slice %arg9[%dma_start3A_1946, %dma_start3A_1947, %dma_start3A_1948, %dma_start3A_1949] : memref<8x4x8x128xf32, #tpu.memory_space<vmem>> -> memref<1x4x8x128xf32, #tpu.memory_space<vmem>>
      %dma_start3A_1951 = tpu.memref_squeeze %dma_start3A_1950 : memref<1x4x8x128xf32, #tpu.memory_space<vmem>> -> memref<4x8x128xf32, #tpu.memory_space<vmem>>
      %dma_start3A_1952 = arith.constant 0 : i32
      %dma_start3A_1953 = arith.constant 0 : i32
      %dma_start3A_1954 = tpu.memref_slice %arg3[%dma_start3A_1952, %dma_start3A_1953, %multiple_of3A_1941] : memref<4x8x1000000xf32, #tpu.memory_space<hbm>> -> memref<4x8x128xf32, #tpu.memory_space<hbm>>
      %dma_start3A_1955 = arith.constant 0 : i32
      %dma_start3A_1956 = arith.constant 0 : i32
      %dma_start3A_1957 = arith.constant 0 : i32
      %dma_start3A_1958 = tpu.memref_slice %arg9[%dma_start3A_1946, %dma_start3A_1955, %dma_start3A_1956, %dma_start3A_1957] : memref<8x4x8x128xf32, #tpu.memory_space<vmem>> -> memref<1x4x8x128xf32, #tpu.memory_space<vmem>>
      %dma_start3A_1959 = tpu.memref_squeeze %dma_start3A_1958 : memref<1x4x8x128xf32, #tpu.memory_space<vmem>> -> memref<4x8x128xf32, #tpu.memory_space<vmem>>
      %dma_start3A_1960 = arith.constant 0 : i32
      %dma_start3A_1961 = arith.constant 0 : i32
      %dma_start3A_1962 = tpu.memref_slice %arg3[%dma_start3A_1960, %dma_start3A_1961, %multiple_of3A_1941] : memref<4x8x1000000xf32, #tpu.memory_space<hbm>> -> memref<4x8x128xf32, #tpu.memory_space<hbm>>
      tpu.enqueue_dma source(%dma_start3A_1962 : memref<4x8x128xf32, #tpu.memory_space<hbm>>) target(%dma_start3A_1959 : memref<4x8x128xf32, #tpu.memory_space<vmem>>) target_semaphore(%arg20 : memref<!tpu.dma_semaphore, #tpu.memory_space<semaphore_mem>>)
      %dma_start3A_1963 = arith.constant 6 : i32
      %dma_start3A_1964 = arith.constant 0 : i32
      %dma_start3A_1965 = arith.constant 0 : i32
      %dma_start3A_1966 = arith.constant 0 : i32
      %dma_start3A_1967 = tpu.memref_slice %arg10[%dma_start3A_1963, %dma_start3A_1964, %dma_start3A_1965, %dma_start3A_1966] : memref<8x4x8x128xf32, #tpu.memory_space<vmem>> -> memref<1x4x8x128xf32, #tpu.memory_space<vmem>>
      %dma_start3A_1968 = tpu.memref_squeeze %dma_start3A_1967 : memref<1x4x8x128xf32, #tpu.memory_space<vmem>> -> memref<4x8x128xf32, #tpu.memory_space<vmem>>
      %dma_start3A_1969 = arith.constant 0 : i32
      %dma_start3A_1970 = arith.constant 0 : i32
      %dma_start3A_1971 = tpu.memref_slice %arg4[%dma_start3A_1969, %dma_start3A_1970, %multiple_of3A_1945] : memref<4x8x1000000xf32, #tpu.memory_space<hbm>> -> memref<4x8x128xf32, #tpu.memory_space<hbm>>
      %dma_start3A_1972 = arith.constant 0 : i32
      %dma_start3A_1973 = arith.constant 0 : i32
      %dma_start3A_1974 = arith.constant 0 : i32
      %dma_start3A_1975 = tpu.memref_slice %arg10[%dma_start3A_1963, %dma_start3A_1972, %dma_start3A_1973, %dma_start3A_1974] : memref<8x4x8x128xf32, #tpu.memory_space<vmem>> -> memref<1x4x8x128xf32, #tpu.memory_space<vmem>>
      %dma_start3A_1976 = tpu.memref_squeeze %dma_start3A_1975 : memref<1x4x8x128xf32, #tpu.memory_space<vmem>> -> memref<4x8x128xf32, #tpu.memory_space<vmem>>
      %dma_start3A_1977 = arith.constant 0 : i32
      %dma_start3A_1978 = arith.constant 0 : i32
      %dma_start3A_1979 = tpu.memref_slice %arg4[%dma_start3A_1977, %dma_start3A_1978, %multiple_of3A_1945] : memref<4x8x1000000xf32, #tpu.memory_space<hbm>> -> memref<4x8x128xf32, #tpu.memory_space<hbm>>
      tpu.enqueue_dma source(%dma_start3A_1979 : memref<4x8x128xf32, #tpu.memory_space<hbm>>) target(%dma_start3A_1976 : memref<4x8x128xf32, #tpu.memory_space<vmem>>) target_semaphore(%arg20 : memref<!tpu.dma_semaphore, #tpu.memory_space<semaphore_mem>>)
      %dma_wait3A_1980 = arith.constant 7 : i32
      %dma_wait3A_1981 = arith.constant 0 : i32
      %dma_wait3A_1982 = arith.constant 0 : i32
      %dma_wait3A_1983 = arith.constant 0 : i32
      %dma_wait3A_1984 = tpu.memref_slice %arg9[%dma_wait3A_1980, %dma_wait3A_1981, %dma_wait3A_1982, %dma_wait3A_1983] : memref<8x4x8x128xf32, #tpu.memory_space<vmem>> -> memref<1x4x8x128xf32, #tpu.memory_space<vmem>>
      %dma_wait3A_1985 = tpu.memref_squeeze %dma_wait3A_1984 : memref<1x4x8x128xf32, #tpu.memory_space<vmem>> -> memref<4x8x128xf32, #tpu.memory_space<vmem>>
      %dma_wait3A_1986 = arith.constant 0 : i32
      %dma_wait3A_1987 = arith.constant 0 : i32
      %dma_wait3A_1988 = arith.constant 0 : i32
      %dma_wait3A_1989 = tpu.memref_slice %arg3[%dma_wait3A_1986, %dma_wait3A_1987, %dma_wait3A_1988] : memref<4x8x1000000xf32, #tpu.memory_space<hbm>> -> memref<4x8x128xf32, #tpu.memory_space<hbm>>
      %dma_wait3A_1990 = arith.constant 0 : i32
      %dma_wait3A_1991 = arith.constant 0 : i32
      %dma_wait3A_1992 = arith.constant 0 : i32
      %dma_wait3A_1993 = tpu.memref_slice %arg9[%dma_wait3A_1980, %dma_wait3A_1990, %dma_wait3A_1991, %dma_wait3A_1992] : memref<8x4x8x128xf32, #tpu.memory_space<vmem>> -> memref<1x4x8x128xf32, #tpu.memory_space<vmem>>
      %dma_wait3A_1994 = tpu.memref_squeeze %dma_wait3A_1993 : memref<1x4x8x128xf32, #tpu.memory_space<vmem>> -> memref<4x8x128xf32, #tpu.memory_space<vmem>>
      %dma_wait3A_1995 = arith.constant 0 : i32
      %dma_wait3A_1996 = arith.constant 0 : i32
      %dma_wait3A_1997 = arith.constant 0 : i32
      %dma_wait3A_1998 = tpu.memref_slice %arg3[%dma_wait3A_1995, %dma_wait3A_1996, %dma_wait3A_1997] : memref<4x8x1000000xf32, #tpu.memory_space<hbm>> -> memref<4x8x128xf32, #tpu.memory_space<hbm>>
      tpu.wait_dma2 semaphore(%arg21 : memref<!tpu.dma_semaphore, #tpu.memory_space<semaphore_mem>>) src(%dma_wait3A_1998 : memref<4x8x128xf32, #tpu.memory_space<hbm>>) dst(%dma_wait3A_1994 : memref<4x8x128xf32, #tpu.memory_space<vmem>>)
      %dma_wait3A_1999 = arith.constant 7 : i32
      %dma_wait3A_2000 = arith.constant 0 : i32
      %dma_wait3A_2001 = arith.constant 0 : i32
      %dma_wait3A_2002 = arith.constant 0 : i32
      %dma_wait3A_2003 = tpu.memref_slice %arg10[%dma_wait3A_1999, %dma_wait3A_2000, %dma_wait3A_2001, %dma_wait3A_2002] : memref<8x4x8x128xf32, #tpu.memory_space<vmem>> -> memref<1x4x8x128xf32, #tpu.memory_space<vmem>>
      %dma_wait3A_2004 = tpu.memref_squeeze %dma_wait3A_2003 : memref<1x4x8x128xf32, #tpu.memory_space<vmem>> -> memref<4x8x128xf32, #tpu.memory_space<vmem>>
      %dma_wait3A_2005 = arith.constant 0 : i32
      %dma_wait3A_2006 = arith.constant 0 : i32
      %dma_wait3A_2007 = arith.constant 0 : i32
      %dma_wait3A_2008 = tpu.memref_slice %arg4[%dma_wait3A_2005, %dma_wait3A_2006, %dma_wait3A_2007] : memref<4x8x1000000xf32, #tpu.memory_space<hbm>> -> memref<4x8x128xf32, #tpu.memory_space<hbm>>
      %dma_wait3A_2009 = arith.constant 0 : i32
      %dma_wait3A_2010 = arith.constant 0 : i32
      %dma_wait3A_2011 = arith.constant 0 : i32
      %dma_wait3A_2012 = tpu.memref_slice %arg10[%dma_wait3A_1999, %dma_wait3A_2009, %dma_wait3A_2010, %dma_wait3A_2011] : memref<8x4x8x128xf32, #tpu.memory_space<vmem>> -> memref<1x4x8x128xf32, #tpu.memory_space<vmem>>
      %dma_wait3A_2013 = tpu.memref_squeeze %dma_wait3A_2012 : memref<1x4x8x128xf32, #tpu.memory_space<vmem>> -> memref<4x8x128xf32, #tpu.memory_space<vmem>>
      %dma_wait3A_2014 = arith.constant 0 : i32
      %dma_wait3A_2015 = arith.constant 0 : i32
      %dma_wait3A_2016 = arith.constant 0 : i32
      %dma_wait3A_2017 = tpu.memref_slice %arg4[%dma_wait3A_2014, %dma_wait3A_2015, %dma_wait3A_2016] : memref<4x8x1000000xf32, #tpu.memory_space<hbm>> -> memref<4x8x128xf32, #tpu.memory_space<hbm>>
      tpu.wait_dma2 semaphore(%arg21 : memref<!tpu.dma_semaphore, #tpu.memory_space<semaphore_mem>>) src(%dma_wait3A_2017 : memref<4x8x128xf32, #tpu.memory_space<hbm>>) dst(%dma_wait3A_2013 : memref<4x8x128xf32, #tpu.memory_space<vmem>>)
      %rem3A_2018 = arith.constant 128 : i32
      %rem3A_2019 = arith.remsi %reduce_sum3A_906, %rem3A_2018 : i32
      %broadcast_in_dim3A_2020 = vector.broadcast %rem3A_2019 : i32 to vector<16xi32>
      %rem3A_2021 = arith.constant 128 : i32
      %rem3A_2022 = arith.remsi %reduce_sum3A_916, %rem3A_2021 : i32
      %broadcast_in_dim3A_2023 = vector.broadcast %rem3A_2022 : i32 to vector<16xi32>
      %gather3A_2024 = arith.constant 7 : i32
      %gather3A_2025 = arith.constant 0 : i32
      %gather3A_2026 = arith.constant 0 : i32
      %gather3A_2027 = arith.constant 0 : i32
      %gather3A_2028 = tpu.memref_slice %arg9[%gather3A_2024, %gather3A_2025, %gather3A_2026, %gather3A_2027] : memref<8x4x8x128xf32, #tpu.memory_space<vmem>> -> memref<1x4x8x128xf32, #tpu.memory_space<vmem>>
      %gather3A_2029 = tpu.memref_squeeze %gather3A_2028 : memref<1x4x8x128xf32, #tpu.memory_space<vmem>> -> memref<4x8x128xf32, #tpu.memory_space<vmem>>
      %gather3A_2030 = tpu.vector_load_idx %gather3A_2029[%select_n3A, %rem3A_37, %broadcast_in_dim3A_2020] : memref<4x8x128xf32, #tpu.memory_space<vmem>>[vector<16xi32>, vector<16xi32>, vector<16xi32>], vector<16xf32>,
      %gather3A_2031 = arith.constant 7 : i32
      %gather3A_2032 = arith.constant 0 : i32
      %gather3A_2033 = arith.constant 0 : i32
      %gather3A_2034 = arith.constant 0 : i32
      %gather3A_2035 = tpu.memref_slice %arg9[%gather3A_2031, %gather3A_2032, %gather3A_2033, %gather3A_2034] : memref<8x4x8x128xf32, #tpu.memory_space<vmem>> -> memref<1x4x8x128xf32, #tpu.memory_space<vmem>>
      %gather3A_2036 = tpu.memref_squeeze %gather3A_2035 : memref<1x4x8x128xf32, #tpu.memory_space<vmem>> -> memref<4x8x128xf32, #tpu.memory_space<vmem>>
      %gather3A_2037 = tpu.vector_load_idx %gather3A_2036[%add3A_34, %rem3A_37, %broadcast_in_dim3A_2020] : memref<4x8x128xf32, #tpu.memory_space<vmem>>[vector<16xi32>, vector<16xi32>, vector<16xi32>], vector<16xf32>,
      %gather3A_2038 = arith.constant 7 : i32
      %gather3A_2039 = arith.constant 0 : i32
      %gather3A_2040 = arith.constant 0 : i32
      %gather3A_2041 = arith.constant 0 : i32
      %gather3A_2042 = tpu.memref_slice %arg10[%gather3A_2038, %gather3A_2039, %gather3A_2040, %gather3A_2041] : memref<8x4x8x128xf32, #tpu.memory_space<vmem>> -> memref<1x4x8x128xf32, #tpu.memory_space<vmem>>
      %gather3A_2043 = tpu.memref_squeeze %gather3A_2042 : memref<1x4x8x128xf32, #tpu.memory_space<vmem>> -> memref<4x8x128xf32, #tpu.memory_space<vmem>>
      %gather3A_2044 = tpu.vector_load_idx %gather3A_2043[%select_n3A, %rem3A_37, %broadcast_in_dim3A_2023] : memref<4x8x128xf32, #tpu.memory_space<vmem>>[vector<16xi32>, vector<16xi32>, vector<16xi32>], vector<16xf32>,
      %gather3A_2045 = arith.constant 7 : i32
      %gather3A_2046 = arith.constant 0 : i32
      %gather3A_2047 = arith.constant 0 : i32
      %gather3A_2048 = arith.constant 0 : i32
      %gather3A_2049 = tpu.memref_slice %arg10[%gather3A_2045, %gather3A_2046, %gather3A_2047, %gather3A_2048] : memref<8x4x8x128xf32, #tpu.memory_space<vmem>> -> memref<1x4x8x128xf32, #tpu.memory_space<vmem>>
      %gather3A_2050 = tpu.memref_squeeze %gather3A_2049 : memref<1x4x8x128xf32, #tpu.memory_space<vmem>> -> memref<4x8x128xf32, #tpu.memory_space<vmem>>
      %gather3A_2051 = tpu.vector_load_idx %gather3A_2050[%add3A_34, %rem3A_37, %broadcast_in_dim3A_2023] : memref<4x8x128xf32, #tpu.memory_space<vmem>>[vector<16xi32>, vector<16xi32>, vector<16xi32>], vector<16xf32>,
      %mul3A_2052 = arith.mulf %gather3A_2030, %gather3A_2044 : vector<16xf32>
      %mul3A_2053 = arith.mulf %gather3A_2037, %gather3A_2051 : vector<16xf32>
      %add3A_2054 = arith.addf %mul3A_2052, %mul3A_2053 : vector<16xf32>
      %reduce_sum3A_2055 = arith.constant true
      %reduce_sum3A_2056 = vector.broadcast %reduce_sum3A_2055 : i1 to vector<16xi1>
      %reduce_sum3A_2057 = tpu.scan <sum>, %add3A_2054 masked %reduce_sum3A_2056 : vector<16xf32>, vector<16xi1> -> vector<16xf32>
      %reduce_sum3A_2058 = vector.extract %reduce_sum3A_2057[15] : f32 from vector<16xf32>
      %eq3A_2059 = arith.constant 7 : i32
      %eq3A_2060 = vector.broadcast %eq3A_2059 : i32 to vector<16xi32>
      %eq3A_2061 = arith.cmpi eq, %iota3A, %eq3A_2060 : vector<16xi32>
      %broadcast_in_dim3A_2062 = vector.broadcast %reduce_sum3A_2058 : f32 to vector<16xf32>
      %select_n3A_2063 = arith.select %eq3A_2061, %broadcast_in_dim3A_2062, %select_n3A_1917 : vector<16xi1>, vector<16xf32>
      %eq3A_2064 = arith.constant 15 : i32
      %eq3A_2065 = vector.broadcast %eq3A_2064 : i32 to vector<16xi32>
      %eq3A_2066 = arith.cmpi eq, %iota3A, %eq3A_2065 : vector<16xi32>
      %jit3A_2067 = arith.constant 0 : i32
      %broadcast_in_dim3A_2068 = vector.broadcast %jit3A_2067 : i32 to vector<16xi32>
      %select_n3A_2069 = arith.select %eq3A_2066, %get3A_745, %broadcast_in_dim3A_2068 : vector<16xi1>, vector<16xi32>
      %reduce_sum3A_2070 = arith.constant true
      %reduce_sum3A_2071 = vector.broadcast %reduce_sum3A_2070 : i1 to vector<16xi1>
      %reduce_sum3A_2072 = tpu.scan <sum>, %select_n3A_2069 masked %reduce_sum3A_2071 : vector<16xi32>, vector<16xi1> -> vector<16xi32>
      %reduce_sum3A_2073 = vector.extract %reduce_sum3A_2072[15] : i32 from vector<16xi32>
      %eq3A_2074 = arith.constant 15 : i32
      %eq3A_2075 = vector.broadcast %eq3A_2074 : i32 to vector<16xi32>
      %eq3A_2076 = arith.cmpi eq, %iota3A, %eq3A_2075 : vector<16xi32>
      %jit3A_2077 = arith.constant 0 : i32
      %broadcast_in_dim3A_2078 = vector.broadcast %jit3A_2077 : i32 to vector<16xi32>
      %select_n3A_2079 = arith.select %eq3A_2076, %get3A_747, %broadcast_in_dim3A_2078 : vector<16xi1>, vector<16xi32>
      %reduce_sum3A_2080 = arith.constant true
      %reduce_sum3A_2081 = vector.broadcast %reduce_sum3A_2080 : i1 to vector<16xi1>
      %reduce_sum3A_2082 = tpu.scan <sum>, %select_n3A_2079 masked %reduce_sum3A_2081 : vector<16xi32>, vector<16xi1> -> vector<16xi32>
      %reduce_sum3A_2083 = vector.extract %reduce_sum3A_2082[15] : i32 from vector<16xi32>
      %rem3A_2084 = arith.constant 128 : i32
      %rem3A_2085 = arith.remsi %reduce_sum3A_2073, %rem3A_2084 : i32
      %sub3A_2086 = arith.subi %reduce_sum3A_2073, %rem3A_2085 : i32
      %multiple_of3A_2087 = tpu.assume_multiple %sub3A_2086, 128 : i32
      %rem3A_2088 = arith.constant 128 : i32
      %rem3A_2089 = arith.remsi %reduce_sum3A_2083, %rem3A_2088 : i32
      %sub3A_2090 = arith.subi %reduce_sum3A_2083, %rem3A_2089 : i32
      %multiple_of3A_2091 = tpu.assume_multiple %sub3A_2090, 128 : i32
      %dma_start3A_2092 = arith.constant 7 : i32
      %dma_start3A_2093 = arith.constant 0 : i32
      %dma_start3A_2094 = arith.constant 0 : i32
      %dma_start3A_2095 = arith.constant 0 : i32
      %dma_start3A_2096 = tpu.memref_slice %arg9[%dma_start3A_2092, %dma_start3A_2093, %dma_start3A_2094, %dma_start3A_2095] : memref<8x4x8x128xf32, #tpu.memory_space<vmem>> -> memref<1x4x8x128xf32, #tpu.memory_space<vmem>>
      %dma_start3A_2097 = tpu.memref_squeeze %dma_start3A_2096 : memref<1x4x8x128xf32, #tpu.memory_space<vmem>> -> memref<4x8x128xf32, #tpu.memory_space<vmem>>
      %dma_start3A_2098 = arith.constant 0 : i32
      %dma_start3A_2099 = arith.constant 0 : i32
      %dma_start3A_2100 = tpu.memref_slice %arg3[%dma_start3A_2098, %dma_start3A_2099, %multiple_of3A_2087] : memref<4x8x1000000xf32, #tpu.memory_space<hbm>> -> memref<4x8x128xf32, #tpu.memory_space<hbm>>
      %dma_start3A_2101 = arith.constant 0 : i32
      %dma_start3A_2102 = arith.constant 0 : i32
      %dma_start3A_2103 = arith.constant 0 : i32
      %dma_start3A_2104 = tpu.memref_slice %arg9[%dma_start3A_2092, %dma_start3A_2101, %dma_start3A_2102, %dma_start3A_2103] : memref<8x4x8x128xf32, #tpu.memory_space<vmem>> -> memref<1x4x8x128xf32, #tpu.memory_space<vmem>>
      %dma_start3A_2105 = tpu.memref_squeeze %dma_start3A_2104 : memref<1x4x8x128xf32, #tpu.memory_space<vmem>> -> memref<4x8x128xf32, #tpu.memory_space<vmem>>
      %dma_start3A_2106 = arith.constant 0 : i32
      %dma_start3A_2107 = arith.constant 0 : i32
      %dma_start3A_2108 = tpu.memref_slice %arg3[%dma_start3A_2106, %dma_start3A_2107, %multiple_of3A_2087] : memref<4x8x1000000xf32, #tpu.memory_space<hbm>> -> memref<4x8x128xf32, #tpu.memory_space<hbm>>
      tpu.enqueue_dma source(%dma_start3A_2108 : memref<4x8x128xf32, #tpu.memory_space<hbm>>) target(%dma_start3A_2105 : memref<4x8x128xf32, #tpu.memory_space<vmem>>) target_semaphore(%arg21 : memref<!tpu.dma_semaphore, #tpu.memory_space<semaphore_mem>>)
      %dma_start3A_2109 = arith.constant 7 : i32
      %dma_start3A_2110 = arith.constant 0 : i32
      %dma_start3A_2111 = arith.constant 0 : i32
      %dma_start3A_2112 = arith.constant 0 : i32
      %dma_start3A_2113 = tpu.memref_slice %arg10[%dma_start3A_2109, %dma_start3A_2110, %dma_start3A_2111, %dma_start3A_2112] : memref<8x4x8x128xf32, #tpu.memory_space<vmem>> -> memref<1x4x8x128xf32, #tpu.memory_space<vmem>>
      %dma_start3A_2114 = tpu.memref_squeeze %dma_start3A_2113 : memref<1x4x8x128xf32, #tpu.memory_space<vmem>> -> memref<4x8x128xf32, #tpu.memory_space<vmem>>
      %dma_start3A_2115 = arith.constant 0 : i32
      %dma_start3A_2116 = arith.constant 0 : i32
      %dma_start3A_2117 = tpu.memref_slice %arg4[%dma_start3A_2115, %dma_start3A_2116, %multiple_of3A_2091] : memref<4x8x1000000xf32, #tpu.memory_space<hbm>> -> memref<4x8x128xf32, #tpu.memory_space<hbm>>
      %dma_start3A_2118 = arith.constant 0 : i32
      %dma_start3A_2119 = arith.constant 0 : i32
      %dma_start3A_2120 = arith.constant 0 : i32
      %dma_start3A_2121 = tpu.memref_slice %arg10[%dma_start3A_2109, %dma_start3A_2118, %dma_start3A_2119, %dma_start3A_2120] : memref<8x4x8x128xf32, #tpu.memory_space<vmem>> -> memref<1x4x8x128xf32, #tpu.memory_space<vmem>>
      %dma_start3A_2122 = tpu.memref_squeeze %dma_start3A_2121 : memref<1x4x8x128xf32, #tpu.memory_space<vmem>> -> memref<4x8x128xf32, #tpu.memory_space<vmem>>
      %dma_start3A_2123 = arith.constant 0 : i32
      %dma_start3A_2124 = arith.constant 0 : i32
      %dma_start3A_2125 = tpu.memref_slice %arg4[%dma_start3A_2123, %dma_start3A_2124, %multiple_of3A_2091] : memref<4x8x1000000xf32, #tpu.memory_space<hbm>> -> memref<4x8x128xf32, #tpu.memory_space<hbm>>
      tpu.enqueue_dma source(%dma_start3A_2125 : memref<4x8x128xf32, #tpu.memory_space<hbm>>) target(%dma_start3A_2122 : memref<4x8x128xf32, #tpu.memory_space<vmem>>) target_semaphore(%arg21 : memref<!tpu.dma_semaphore, #tpu.memory_space<semaphore_mem>>)
      %dma_wait3A_2126 = arith.constant 0 : i32
      %dma_wait3A_2127 = arith.constant 0 : i32
      %dma_wait3A_2128 = arith.constant 0 : i32
      %dma_wait3A_2129 = arith.constant 0 : i32
      %dma_wait3A_2130 = tpu.memref_slice %arg9[%dma_wait3A_2126, %dma_wait3A_2127, %dma_wait3A_2128, %dma_wait3A_2129] : memref<8x4x8x128xf32, #tpu.memory_space<vmem>> -> memref<1x4x8x128xf32, #tpu.memory_space<vmem>>
      %dma_wait3A_2131 = tpu.memref_squeeze %dma_wait3A_2130 : memref<1x4x8x128xf32, #tpu.memory_space<vmem>> -> memref<4x8x128xf32, #tpu.memory_space<vmem>>
      %dma_wait3A_2132 = arith.constant 0 : i32
      %dma_wait3A_2133 = arith.constant 0 : i32
      %dma_wait3A_2134 = arith.constant 0 : i32
      %dma_wait3A_2135 = tpu.memref_slice %arg3[%dma_wait3A_2132, %dma_wait3A_2133, %dma_wait3A_2134] : memref<4x8x1000000xf32, #tpu.memory_space<hbm>> -> memref<4x8x128xf32, #tpu.memory_space<hbm>>
      %dma_wait3A_2136 = arith.constant 0 : i32
      %dma_wait3A_2137 = arith.constant 0 : i32
      %dma_wait3A_2138 = arith.constant 0 : i32
      %dma_wait3A_2139 = tpu.memref_slice %arg9[%dma_wait3A_2126, %dma_wait3A_2136, %dma_wait3A_2137, %dma_wait3A_2138] : memref<8x4x8x128xf32, #tpu.memory_space<vmem>> -> memref<1x4x8x128xf32, #tpu.memory_space<vmem>>
      %dma_wait3A_2140 = tpu.memref_squeeze %dma_wait3A_2139 : memref<1x4x8x128xf32, #tpu.memory_space<vmem>> -> memref<4x8x128xf32, #tpu.memory_space<vmem>>
      %dma_wait3A_2141 = arith.constant 0 : i32
      %dma_wait3A_2142 = arith.constant 0 : i32
      %dma_wait3A_2143 = arith.constant 0 : i32
      %dma_wait3A_2144 = tpu.memref_slice %arg3[%dma_wait3A_2141, %dma_wait3A_2142, %dma_wait3A_2143] : memref<4x8x1000000xf32, #tpu.memory_space<hbm>> -> memref<4x8x128xf32, #tpu.memory_space<hbm>>
      tpu.wait_dma2 semaphore(%arg14 : memref<!tpu.dma_semaphore, #tpu.memory_space<semaphore_mem>>) src(%dma_wait3A_2144 : memref<4x8x128xf32, #tpu.memory_space<hbm>>) dst(%dma_wait3A_2140 : memref<4x8x128xf32, #tpu.memory_space<vmem>>)
      %dma_wait3A_2145 = arith.constant 0 : i32
      %dma_wait3A_2146 = arith.constant 0 : i32
      %dma_wait3A_2147 = arith.constant 0 : i32
      %dma_wait3A_2148 = arith.constant 0 : i32
      %dma_wait3A_2149 = tpu.memref_slice %arg10[%dma_wait3A_2145, %dma_wait3A_2146, %dma_wait3A_2147, %dma_wait3A_2148] : memref<8x4x8x128xf32, #tpu.memory_space<vmem>> -> memref<1x4x8x128xf32, #tpu.memory_space<vmem>>
      %dma_wait3A_2150 = tpu.memref_squeeze %dma_wait3A_2149 : memref<1x4x8x128xf32, #tpu.memory_space<vmem>> -> memref<4x8x128xf32, #tpu.memory_space<vmem>>
      %dma_wait3A_2151 = arith.constant 0 : i32
      %dma_wait3A_2152 = arith.constant 0 : i32
      %dma_wait3A_2153 = arith.constant 0 : i32
      %dma_wait3A_2154 = tpu.memref_slice %arg4[%dma_wait3A_2151, %dma_wait3A_2152, %dma_wait3A_2153] : memref<4x8x1000000xf32, #tpu.memory_space<hbm>> -> memref<4x8x128xf32, #tpu.memory_space<hbm>>
      %dma_wait3A_2155 = arith.constant 0 : i32
      %dma_wait3A_2156 = arith.constant 0 : i32
      %dma_wait3A_2157 = arith.constant 0 : i32
      %dma_wait3A_2158 = tpu.memref_slice %arg10[%dma_wait3A_2145, %dma_wait3A_2155, %dma_wait3A_2156, %dma_wait3A_2157] : memref<8x4x8x128xf32, #tpu.memory_space<vmem>> -> memref<1x4x8x128xf32, #tpu.memory_space<vmem>>
      %dma_wait3A_2159 = tpu.memref_squeeze %dma_wait3A_2158 : memref<1x4x8x128xf32, #tpu.memory_space<vmem>> -> memref<4x8x128xf32, #tpu.memory_space<vmem>>
      %dma_wait3A_2160 = arith.constant 0 : i32
      %dma_wait3A_2161 = arith.constant 0 : i32
      %dma_wait3A_2162 = arith.constant 0 : i32
      %dma_wait3A_2163 = tpu.memref_slice %arg4[%dma_wait3A_2160, %dma_wait3A_2161, %dma_wait3A_2162] : memref<4x8x1000000xf32, #tpu.memory_space<hbm>> -> memref<4x8x128xf32, #tpu.memory_space<hbm>>
      tpu.wait_dma2 semaphore(%arg14 : memref<!tpu.dma_semaphore, #tpu.memory_space<semaphore_mem>>) src(%dma_wait3A_2163 : memref<4x8x128xf32, #tpu.memory_space<hbm>>) dst(%dma_wait3A_2159 : memref<4x8x128xf32, #tpu.memory_space<vmem>>)
      %rem3A_2164 = arith.constant 128 : i32
      %rem3A_2165 = arith.remsi %reduce_sum3A_1051, %rem3A_2164 : i32
      %broadcast_in_dim3A_2166 = vector.broadcast %rem3A_2165 : i32 to vector<16xi32>
      %rem3A_2167 = arith.constant 128 : i32
      %rem3A_2168 = arith.remsi %reduce_sum3A_1061, %rem3A_2167 : i32
      %broadcast_in_dim3A_2169 = vector.broadcast %rem3A_2168 : i32 to vector<16xi32>
      %gather3A_2170 = arith.constant 0 : i32
      %gather3A_2171 = arith.constant 0 : i32
      %gather3A_2172 = arith.constant 0 : i32
      %gather3A_2173 = arith.constant 0 : i32
      %gather3A_2174 = tpu.memref_slice %arg9[%gather3A_2170, %gather3A_2171, %gather3A_2172, %gather3A_2173] : memref<8x4x8x128xf32, #tpu.memory_space<vmem>> -> memref<1x4x8x128xf32, #tpu.memory_space<vmem>>
      %gather3A_2175 = tpu.memref_squeeze %gather3A_2174 : memref<1x4x8x128xf32, #tpu.memory_space<vmem>> -> memref<4x8x128xf32, #tpu.memory_space<vmem>>
      %gather3A_2176 = tpu.vector_load_idx %gather3A_2175[%select_n3A, %rem3A_37, %broadcast_in_dim3A_2166] : memref<4x8x128xf32, #tpu.memory_space<vmem>>[vector<16xi32>, vector<16xi32>, vector<16xi32>], vector<16xf32>,
      %gather3A_2177 = arith.constant 0 : i32
      %gather3A_2178 = arith.constant 0 : i32
      %gather3A_2179 = arith.constant 0 : i32
      %gather3A_2180 = arith.constant 0 : i32
      %gather3A_2181 = tpu.memref_slice %arg9[%gather3A_2177, %gather3A_2178, %gather3A_2179, %gather3A_2180] : memref<8x4x8x128xf32, #tpu.memory_space<vmem>> -> memref<1x4x8x128xf32, #tpu.memory_space<vmem>>
      %gather3A_2182 = tpu.memref_squeeze %gather3A_2181 : memref<1x4x8x128xf32, #tpu.memory_space<vmem>> -> memref<4x8x128xf32, #tpu.memory_space<vmem>>
      %gather3A_2183 = tpu.vector_load_idx %gather3A_2182[%add3A_34, %rem3A_37, %broadcast_in_dim3A_2166] : memref<4x8x128xf32, #tpu.memory_space<vmem>>[vector<16xi32>, vector<16xi32>, vector<16xi32>], vector<16xf32>,
      %gather3A_2184 = arith.constant 0 : i32
      %gather3A_2185 = arith.constant 0 : i32
      %gather3A_2186 = arith.constant 0 : i32
      %gather3A_2187 = arith.constant 0 : i32
      %gather3A_2188 = tpu.memref_slice %arg10[%gather3A_2184, %gather3A_2185, %gather3A_2186, %gather3A_2187] : memref<8x4x8x128xf32, #tpu.memory_space<vmem>> -> memref<1x4x8x128xf32, #tpu.memory_space<vmem>>
      %gather3A_2189 = tpu.memref_squeeze %gather3A_2188 : memref<1x4x8x128xf32, #tpu.memory_space<vmem>> -> memref<4x8x128xf32, #tpu.memory_space<vmem>>
      %gather3A_2190 = tpu.vector_load_idx %gather3A_2189[%select_n3A, %rem3A_37, %broadcast_in_dim3A_2169] : memref<4x8x128xf32, #tpu.memory_space<vmem>>[vector<16xi32>, vector<16xi32>, vector<16xi32>], vector<16xf32>,
      %gather3A_2191 = arith.constant 0 : i32
      %gather3A_2192 = arith.constant 0 : i32
      %gather3A_2193 = arith.constant 0 : i32
      %gather3A_2194 = arith.constant 0 : i32
      %gather3A_2195 = tpu.memref_slice %arg10[%gather3A_2191, %gather3A_2192, %gather3A_2193, %gather3A_2194] : memref<8x4x8x128xf32, #tpu.memory_space<vmem>> -> memref<1x4x8x128xf32, #tpu.memory_space<vmem>>
      %gather3A_2196 = tpu.memref_squeeze %gather3A_2195 : memref<1x4x8x128xf32, #tpu.memory_space<vmem>> -> memref<4x8x128xf32, #tpu.memory_space<vmem>>
      %gather3A_2197 = tpu.vector_load_idx %gather3A_2196[%add3A_34, %rem3A_37, %broadcast_in_dim3A_2169] : memref<4x8x128xf32, #tpu.memory_space<vmem>>[vector<16xi32>, vector<16xi32>, vector<16xi32>], vector<16xf32>,
      %mul3A_2198 = arith.mulf %gather3A_2176, %gather3A_2190 : vector<16xf32>
      %mul3A_2199 = arith.mulf %gather3A_2183, %gather3A_2197 : vector<16xf32>
      %add3A_2200 = arith.addf %mul3A_2198, %mul3A_2199 : vector<16xf32>
      %reduce_sum3A_2201 = arith.constant true
      %reduce_sum3A_2202 = vector.broadcast %reduce_sum3A_2201 : i1 to vector<16xi1>
      %reduce_sum3A_2203 = tpu.scan <sum>, %add3A_2200 masked %reduce_sum3A_2202 : vector<16xf32>, vector<16xi1> -> vector<16xf32>
      %reduce_sum3A_2204 = vector.extract %reduce_sum3A_2203[15] : f32 from vector<16xf32>
      %eq3A_2205 = arith.constant 8 : i32
      %eq3A_2206 = vector.broadcast %eq3A_2205 : i32 to vector<16xi32>
      %eq3A_2207 = arith.cmpi eq, %iota3A, %eq3A_2206 : vector<16xi32>
      %broadcast_in_dim3A_2208 = vector.broadcast %reduce_sum3A_2204 : f32 to vector<16xf32>
      %select_n3A_2209 = arith.select %eq3A_2207, %broadcast_in_dim3A_2208, %select_n3A_2063 : vector<16xi1>, vector<16xf32>
      %eq3A_2210 = arith.constant 0 : i32
      %eq3A_2211 = vector.broadcast %eq3A_2210 : i32 to vector<16xi32>
      %eq3A_2212 = arith.cmpi eq, %iota3A, %eq3A_2211 : vector<16xi32>
      %jit3A_2213 = arith.constant 0 : i32
      %broadcast_in_dim3A_2214 = vector.broadcast %jit3A_2213 : i32 to vector<16xi32>
      %select_n3A_2215 = arith.select %eq3A_2212, %get3A_752, %broadcast_in_dim3A_2214 : vector<16xi1>, vector<16xi32>
      %reduce_sum3A_2216 = arith.constant true
      %reduce_sum3A_2217 = vector.broadcast %reduce_sum3A_2216 : i1 to vector<16xi1>
      %reduce_sum3A_2218 = tpu.scan <sum>, %select_n3A_2215 masked %reduce_sum3A_2217 : vector<16xi32>, vector<16xi1> -> vector<16xi32>
      %reduce_sum3A_2219 = vector.extract %reduce_sum3A_2218[15] : i32 from vector<16xi32>
      %eq3A_2220 = arith.constant 0 : i32
      %eq3A_2221 = vector.broadcast %eq3A_2220 : i32 to vector<16xi32>
      %eq3A_2222 = arith.cmpi eq, %iota3A, %eq3A_2221 : vector<16xi32>
      %jit3A_2223 = arith.constant 0 : i32
      %broadcast_in_dim3A_2224 = vector.broadcast %jit3A_2223 : i32 to vector<16xi32>
      %select_n3A_2225 = arith.select %eq3A_2222, %get3A_754, %broadcast_in_dim3A_2224 : vector<16xi1>, vector<16xi32>
      %reduce_sum3A_2226 = arith.constant true
      %reduce_sum3A_2227 = vector.broadcast %reduce_sum3A_2226 : i1 to vector<16xi1>
      %reduce_sum3A_2228 = tpu.scan <sum>, %select_n3A_2225 masked %reduce_sum3A_2227 : vector<16xi32>, vector<16xi1> -> vector<16xi32>
      %reduce_sum3A_2229 = vector.extract %reduce_sum3A_2228[15] : i32 from vector<16xi32>
      %rem3A_2230 = arith.constant 128 : i32
      %rem3A_2231 = arith.remsi %reduce_sum3A_2219, %rem3A_2230 : i32
      %sub3A_2232 = arith.subi %reduce_sum3A_2219, %rem3A_2231 : i32
      %multiple_of3A_2233 = tpu.assume_multiple %sub3A_2232, 128 : i32
      %rem3A_2234 = arith.constant 128 : i32
      %rem3A_2235 = arith.remsi %reduce_sum3A_2229, %rem3A_2234 : i32
      %sub3A_2236 = arith.subi %reduce_sum3A_2229, %rem3A_2235 : i32
      %multiple_of3A_2237 = tpu.assume_multiple %sub3A_2236, 128 : i32
      %dma_start3A_2238 = arith.constant 0 : i32
      %dma_start3A_2239 = arith.constant 0 : i32
      %dma_start3A_2240 = arith.constant 0 : i32
      %dma_start3A_2241 = arith.constant 0 : i32
      %dma_start3A_2242 = tpu.memref_slice %arg9[%dma_start3A_2238, %dma_start3A_2239, %dma_start3A_2240, %dma_start3A_2241] : memref<8x4x8x128xf32, #tpu.memory_space<vmem>> -> memref<1x4x8x128xf32, #tpu.memory_space<vmem>>
      %dma_start3A_2243 = tpu.memref_squeeze %dma_start3A_2242 : memref<1x4x8x128xf32, #tpu.memory_space<vmem>> -> memref<4x8x128xf32, #tpu.memory_space<vmem>>
      %dma_start3A_2244 = arith.constant 0 : i32
      %dma_start3A_2245 = arith.constant 0 : i32
      %dma_start3A_2246 = tpu.memref_slice %arg3[%dma_start3A_2244, %dma_start3A_2245, %multiple_of3A_2233] : memref<4x8x1000000xf32, #tpu.memory_space<hbm>> -> memref<4x8x128xf32, #tpu.memory_space<hbm>>
      %dma_start3A_2247 = arith.constant 0 : i32
      %dma_start3A_2248 = arith.constant 0 : i32
      %dma_start3A_2249 = arith.constant 0 : i32
      %dma_start3A_2250 = tpu.memref_slice %arg9[%dma_start3A_2238, %dma_start3A_2247, %dma_start3A_2248, %dma_start3A_2249] : memref<8x4x8x128xf32, #tpu.memory_space<vmem>> -> memref<1x4x8x128xf32, #tpu.memory_space<vmem>>
      %dma_start3A_2251 = tpu.memref_squeeze %dma_start3A_2250 : memref<1x4x8x128xf32, #tpu.memory_space<vmem>> -> memref<4x8x128xf32, #tpu.memory_space<vmem>>
      %dma_start3A_2252 = arith.constant 0 : i32
      %dma_start3A_2253 = arith.constant 0 : i32
      %dma_start3A_2254 = tpu.memref_slice %arg3[%dma_start3A_2252, %dma_start3A_2253, %multiple_of3A_2233] : memref<4x8x1000000xf32, #tpu.memory_space<hbm>> -> memref<4x8x128xf32, #tpu.memory_space<hbm>>
      tpu.enqueue_dma source(%dma_start3A_2254 : memref<4x8x128xf32, #tpu.memory_space<hbm>>) target(%dma_start3A_2251 : memref<4x8x128xf32, #tpu.memory_space<vmem>>) target_semaphore(%arg14 : memref<!tpu.dma_semaphore, #tpu.memory_space<semaphore_mem>>)
      %dma_start3A_2255 = arith.constant 0 : i32
      %dma_start3A_2256 = arith.constant 0 : i32
      %dma_start3A_2257 = arith.constant 0 : i32
      %dma_start3A_2258 = arith.constant 0 : i32
      %dma_start3A_2259 = tpu.memref_slice %arg10[%dma_start3A_2255, %dma_start3A_2256, %dma_start3A_2257, %dma_start3A_2258] : memref<8x4x8x128xf32, #tpu.memory_space<vmem>> -> memref<1x4x8x128xf32, #tpu.memory_space<vmem>>
      %dma_start3A_2260 = tpu.memref_squeeze %dma_start3A_2259 : memref<1x4x8x128xf32, #tpu.memory_space<vmem>> -> memref<4x8x128xf32, #tpu.memory_space<vmem>>
      %dma_start3A_2261 = arith.constant 0 : i32
      %dma_start3A_2262 = arith.constant 0 : i32
      %dma_start3A_2263 = tpu.memref_slice %arg4[%dma_start3A_2261, %dma_start3A_2262, %multiple_of3A_2237] : memref<4x8x1000000xf32, #tpu.memory_space<hbm>> -> memref<4x8x128xf32, #tpu.memory_space<hbm>>
      %dma_start3A_2264 = arith.constant 0 : i32
      %dma_start3A_2265 = arith.constant 0 : i32
      %dma_start3A_2266 = arith.constant 0 : i32
      %dma_start3A_2267 = tpu.memref_slice %arg10[%dma_start3A_2255, %dma_start3A_2264, %dma_start3A_2265, %dma_start3A_2266] : memref<8x4x8x128xf32, #tpu.memory_space<vmem>> -> memref<1x4x8x128xf32, #tpu.memory_space<vmem>>
      %dma_start3A_2268 = tpu.memref_squeeze %dma_start3A_2267 : memref<1x4x8x128xf32, #tpu.memory_space<vmem>> -> memref<4x8x128xf32, #tpu.memory_space<vmem>>
      %dma_start3A_2269 = arith.constant 0 : i32
      %dma_start3A_2270 = arith.constant 0 : i32
      %dma_start3A_2271 = tpu.memref_slice %arg4[%dma_start3A_2269, %dma_start3A_2270, %multiple_of3A_2237] : memref<4x8x1000000xf32, #tpu.memory_space<hbm>> -> memref<4x8x128xf32, #tpu.memory_space<hbm>>
      tpu.enqueue_dma source(%dma_start3A_2271 : memref<4x8x128xf32, #tpu.memory_space<hbm>>) target(%dma_start3A_2268 : memref<4x8x128xf32, #tpu.memory_space<vmem>>) target_semaphore(%arg14 : memref<!tpu.dma_semaphore, #tpu.memory_space<semaphore_mem>>)
      %dma_wait3A_2272 = arith.constant 1 : i32
      %dma_wait3A_2273 = arith.constant 0 : i32
      %dma_wait3A_2274 = arith.constant 0 : i32
      %dma_wait3A_2275 = arith.constant 0 : i32
      %dma_wait3A_2276 = tpu.memref_slice %arg9[%dma_wait3A_2272, %dma_wait3A_2273, %dma_wait3A_2274, %dma_wait3A_2275] : memref<8x4x8x128xf32, #tpu.memory_space<vmem>> -> memref<1x4x8x128xf32, #tpu.memory_space<vmem>>
      %dma_wait3A_2277 = tpu.memref_squeeze %dma_wait3A_2276 : memref<1x4x8x128xf32, #tpu.memory_space<vmem>> -> memref<4x8x128xf32, #tpu.memory_space<vmem>>
      %dma_wait3A_2278 = arith.constant 0 : i32
      %dma_wait3A_2279 = arith.constant 0 : i32
      %dma_wait3A_2280 = arith.constant 0 : i32
      %dma_wait3A_2281 = tpu.memref_slice %arg3[%dma_wait3A_2278, %dma_wait3A_2279, %dma_wait3A_2280] : memref<4x8x1000000xf32, #tpu.memory_space<hbm>> -> memref<4x8x128xf32, #tpu.memory_space<hbm>>
      %dma_wait3A_2282 = arith.constant 0 : i32
      %dma_wait3A_2283 = arith.constant 0 : i32
      %dma_wait3A_2284 = arith.constant 0 : i32
      %dma_wait3A_2285 = tpu.memref_slice %arg9[%dma_wait3A_2272, %dma_wait3A_2282, %dma_wait3A_2283, %dma_wait3A_2284] : memref<8x4x8x128xf32, #tpu.memory_space<vmem>> -> memref<1x4x8x128xf32, #tpu.memory_space<vmem>>
      %dma_wait3A_2286 = tpu.memref_squeeze %dma_wait3A_2285 : memref<1x4x8x128xf32, #tpu.memory_space<vmem>> -> memref<4x8x128xf32, #tpu.memory_space<vmem>>
      %dma_wait3A_2287 = arith.constant 0 : i32
      %dma_wait3A_2288 = arith.constant 0 : i32
      %dma_wait3A_2289 = arith.constant 0 : i32
      %dma_wait3A_2290 = tpu.memref_slice %arg3[%dma_wait3A_2287, %dma_wait3A_2288, %dma_wait3A_2289] : memref<4x8x1000000xf32, #tpu.memory_space<hbm>> -> memref<4x8x128xf32, #tpu.memory_space<hbm>>
      tpu.wait_dma2 semaphore(%arg15 : memref<!tpu.dma_semaphore, #tpu.memory_space<semaphore_mem>>) src(%dma_wait3A_2290 : memref<4x8x128xf32, #tpu.memory_space<hbm>>) dst(%dma_wait3A_2286 : memref<4x8x128xf32, #tpu.memory_space<vmem>>)
      %dma_wait3A_2291 = arith.constant 1 : i32
      %dma_wait3A_2292 = arith.constant 0 : i32
      %dma_wait3A_2293 = arith.constant 0 : i32
      %dma_wait3A_2294 = arith.constant 0 : i32
      %dma_wait3A_2295 = tpu.memref_slice %arg10[%dma_wait3A_2291, %dma_wait3A_2292, %dma_wait3A_2293, %dma_wait3A_2294] : memref<8x4x8x128xf32, #tpu.memory_space<vmem>> -> memref<1x4x8x128xf32, #tpu.memory_space<vmem>>
      %dma_wait3A_2296 = tpu.memref_squeeze %dma_wait3A_2295 : memref<1x4x8x128xf32, #tpu.memory_space<vmem>> -> memref<4x8x128xf32, #tpu.memory_space<vmem>>
      %dma_wait3A_2297 = arith.constant 0 : i32
      %dma_wait3A_2298 = arith.constant 0 : i32
      %dma_wait3A_2299 = arith.constant 0 : i32
      %dma_wait3A_2300 = tpu.memref_slice %arg4[%dma_wait3A_2297, %dma_wait3A_2298, %dma_wait3A_2299] : memref<4x8x1000000xf32, #tpu.memory_space<hbm>> -> memref<4x8x128xf32, #tpu.memory_space<hbm>>
      %dma_wait3A_2301 = arith.constant 0 : i32
      %dma_wait3A_2302 = arith.constant 0 : i32
      %dma_wait3A_2303 = arith.constant 0 : i32
      %dma_wait3A_2304 = tpu.memref_slice %arg10[%dma_wait3A_2291, %dma_wait3A_2301, %dma_wait3A_2302, %dma_wait3A_2303] : memref<8x4x8x128xf32, #tpu.memory_space<vmem>> -> memref<1x4x8x128xf32, #tpu.memory_space<vmem>>
      %dma_wait3A_2305 = tpu.memref_squeeze %dma_wait3A_2304 : memref<1x4x8x128xf32, #tpu.memory_space<vmem>> -> memref<4x8x128xf32, #tpu.memory_space<vmem>>
      %dma_wait3A_2306 = arith.constant 0 : i32
      %dma_wait3A_2307 = arith.constant 0 : i32
      %dma_wait3A_2308 = arith.constant 0 : i32
      %dma_wait3A_2309 = tpu.memref_slice %arg4[%dma_wait3A_2306, %dma_wait3A_2307, %dma_wait3A_2308] : memref<4x8x1000000xf32, #tpu.memory_space<hbm>> -> memref<4x8x128xf32, #tpu.memory_space<hbm>>
      tpu.wait_dma2 semaphore(%arg15 : memref<!tpu.dma_semaphore, #tpu.memory_space<semaphore_mem>>) src(%dma_wait3A_2309 : memref<4x8x128xf32, #tpu.memory_space<hbm>>) dst(%dma_wait3A_2305 : memref<4x8x128xf32, #tpu.memory_space<vmem>>)
      %rem3A_2310 = arith.constant 128 : i32
      %rem3A_2311 = arith.remsi %reduce_sum3A_1197, %rem3A_2310 : i32
      %broadcast_in_dim3A_2312 = vector.broadcast %rem3A_2311 : i32 to vector<16xi32>
      %rem3A_2313 = arith.constant 128 : i32
      %rem3A_2314 = arith.remsi %reduce_sum3A_1207, %rem3A_2313 : i32
      %broadcast_in_dim3A_2315 = vector.broadcast %rem3A_2314 : i32 to vector<16xi32>
      %gather3A_2316 = arith.constant 1 : i32
      %gather3A_2317 = arith.constant 0 : i32
      %gather3A_2318 = arith.constant 0 : i32
      %gather3A_2319 = arith.constant 0 : i32
      %gather3A_2320 = tpu.memref_slice %arg9[%gather3A_2316, %gather3A_2317, %gather3A_2318, %gather3A_2319] : memref<8x4x8x128xf32, #tpu.memory_space<vmem>> -> memref<1x4x8x128xf32, #tpu.memory_space<vmem>>
      %gather3A_2321 = tpu.memref_squeeze %gather3A_2320 : memref<1x4x8x128xf32, #tpu.memory_space<vmem>> -> memref<4x8x128xf32, #tpu.memory_space<vmem>>
      %gather3A_2322 = tpu.vector_load_idx %gather3A_2321[%select_n3A, %rem3A_37, %broadcast_in_dim3A_2312] : memref<4x8x128xf32, #tpu.memory_space<vmem>>[vector<16xi32>, vector<16xi32>, vector<16xi32>], vector<16xf32>,
      %gather3A_2323 = arith.constant 1 : i32
      %gather3A_2324 = arith.constant 0 : i32
      %gather3A_2325 = arith.constant 0 : i32
      %gather3A_2326 = arith.constant 0 : i32
      %gather3A_2327 = tpu.memref_slice %arg9[%gather3A_2323, %gather3A_2324, %gather3A_2325, %gather3A_2326] : memref<8x4x8x128xf32, #tpu.memory_space<vmem>> -> memref<1x4x8x128xf32, #tpu.memory_space<vmem>>
      %gather3A_2328 = tpu.memref_squeeze %gather3A_2327 : memref<1x4x8x128xf32, #tpu.memory_space<vmem>> -> memref<4x8x128xf32, #tpu.memory_space<vmem>>
      %gather3A_2329 = tpu.vector_load_idx %gather3A_2328[%add3A_34, %rem3A_37, %broadcast_in_dim3A_2312] : memref<4x8x128xf32, #tpu.memory_space<vmem>>[vector<16xi32>, vector<16xi32>, vector<16xi32>], vector<16xf32>,
      %gather3A_2330 = arith.constant 1 : i32
      %gather3A_2331 = arith.constant 0 : i32
      %gather3A_2332 = arith.constant 0 : i32
      %gather3A_2333 = arith.constant 0 : i32
      %gather3A_2334 = tpu.memref_slice %arg10[%gather3A_2330, %gather3A_2331, %gather3A_2332, %gather3A_2333] : memref<8x4x8x128xf32, #tpu.memory_space<vmem>> -> memref<1x4x8x128xf32, #tpu.memory_space<vmem>>
      %gather3A_2335 = tpu.memref_squeeze %gather3A_2334 : memref<1x4x8x128xf32, #tpu.memory_space<vmem>> -> memref<4x8x128xf32, #tpu.memory_space<vmem>>
      %gather3A_2336 = tpu.vector_load_idx %gather3A_2335[%select_n3A, %rem3A_37, %broadcast_in_dim3A_2315] : memref<4x8x128xf32, #tpu.memory_space<vmem>>[vector<16xi32>, vector<16xi32>, vector<16xi32>], vector<16xf32>,
      %gather3A_2337 = arith.constant 1 : i32
      %gather3A_2338 = arith.constant 0 : i32
      %gather3A_2339 = arith.constant 0 : i32
      %gather3A_2340 = arith.constant 0 : i32
      %gather3A_2341 = tpu.memref_slice %arg10[%gather3A_2337, %gather3A_2338, %gather3A_2339, %gather3A_2340] : memref<8x4x8x128xf32, #tpu.memory_space<vmem>> -> memref<1x4x8x128xf32, #tpu.memory_space<vmem>>
      %gather3A_2342 = tpu.memref_squeeze %gather3A_2341 : memref<1x4x8x128xf32, #tpu.memory_space<vmem>> -> memref<4x8x128xf32, #tpu.memory_space<vmem>>
      %gather3A_2343 = tpu.vector_load_idx %gather3A_2342[%add3A_34, %rem3A_37, %broadcast_in_dim3A_2315] : memref<4x8x128xf32, #tpu.memory_space<vmem>>[vector<16xi32>, vector<16xi32>, vector<16xi32>], vector<16xf32>,
      %mul3A_2344 = arith.mulf %gather3A_2322, %gather3A_2336 : vector<16xf32>
      %mul3A_2345 = arith.mulf %gather3A_2329, %gather3A_2343 : vector<16xf32>
      %add3A_2346 = arith.addf %mul3A_2344, %mul3A_2345 : vector<16xf32>
      %reduce_sum3A_2347 = arith.constant true
      %reduce_sum3A_2348 = vector.broadcast %reduce_sum3A_2347 : i1 to vector<16xi1>
      %reduce_sum3A_2349 = tpu.scan <sum>, %add3A_2346 masked %reduce_sum3A_2348 : vector<16xf32>, vector<16xi1> -> vector<16xf32>
      %reduce_sum3A_2350 = vector.extract %reduce_sum3A_2349[15] : f32 from vector<16xf32>
      %eq3A_2351 = arith.constant 9 : i32
      %eq3A_2352 = vector.broadcast %eq3A_2351 : i32 to vector<16xi32>
      %eq3A_2353 = arith.cmpi eq, %iota3A, %eq3A_2352 : vector<16xi32>
      %broadcast_in_dim3A_2354 = vector.broadcast %reduce_sum3A_2350 : f32 to vector<16xf32>
      %select_n3A_2355 = arith.select %eq3A_2353, %broadcast_in_dim3A_2354, %select_n3A_2209 : vector<16xi1>, vector<16xf32>
      %eq3A_2356 = arith.constant 1 : i32
      %eq3A_2357 = vector.broadcast %eq3A_2356 : i32 to vector<16xi32>
      %eq3A_2358 = arith.cmpi eq, %iota3A, %eq3A_2357 : vector<16xi32>
      %jit3A_2359 = arith.constant 0 : i32
      %broadcast_in_dim3A_2360 = vector.broadcast %jit3A_2359 : i32 to vector<16xi32>
      %select_n3A_2361 = arith.select %eq3A_2358, %get3A_752, %broadcast_in_dim3A_2360 : vector<16xi1>, vector<16xi32>
      %reduce_sum3A_2362 = arith.constant true
      %reduce_sum3A_2363 = vector.broadcast %reduce_sum3A_2362 : i1 to vector<16xi1>
      %reduce_sum3A_2364 = tpu.scan <sum>, %select_n3A_2361 masked %reduce_sum3A_2363 : vector<16xi32>, vector<16xi1> -> vector<16xi32>
      %reduce_sum3A_2365 = vector.extract %reduce_sum3A_2364[15] : i32 from vector<16xi32>
      %eq3A_2366 = arith.constant 1 : i32
      %eq3A_2367 = vector.broadcast %eq3A_2366 : i32 to vector<16xi32>
      %eq3A_2368 = arith.cmpi eq, %iota3A, %eq3A_2367 : vector<16xi32>
      %jit3A_2369 = arith.constant 0 : i32
      %broadcast_in_dim3A_2370 = vector.broadcast %jit3A_2369 : i32 to vector<16xi32>
      %select_n3A_2371 = arith.select %eq3A_2368, %get3A_754, %broadcast_in_dim3A_2370 : vector<16xi1>, vector<16xi32>
      %reduce_sum3A_2372 = arith.constant true
      %reduce_sum3A_2373 = vector.broadcast %reduce_sum3A_2372 : i1 to vector<16xi1>
      %reduce_sum3A_2374 = tpu.scan <sum>, %select_n3A_2371 masked %reduce_sum3A_2373 : vector<16xi32>, vector<16xi1> -> vector<16xi32>
      %reduce_sum3A_2375 = vector.extract %reduce_sum3A_2374[15] : i32 from vector<16xi32>
      %rem3A_2376 = arith.constant 128 : i32
      %rem3A_2377 = arith.remsi %reduce_sum3A_2365, %rem3A_2376 : i32
      %sub3A_2378 = arith.subi %reduce_sum3A_2365, %rem3A_2377 : i32
      %multiple_of3A_2379 = tpu.assume_multiple %sub3A_2378, 128 : i32
      %rem3A_2380 = arith.constant 128 : i32
      %rem3A_2381 = arith.remsi %reduce_sum3A_2375, %rem3A_2380 : i32
      %sub3A_2382 = arith.subi %reduce_sum3A_2375, %rem3A_2381 : i32
      %multiple_of3A_2383 = tpu.assume_multiple %sub3A_2382, 128 : i32
      %dma_start3A_2384 = arith.constant 1 : i32
      %dma_start3A_2385 = arith.constant 0 : i32
      %dma_start3A_2386 = arith.constant 0 : i32
      %dma_start3A_2387 = arith.constant 0 : i32
      %dma_start3A_2388 = tpu.memref_slice %arg9[%dma_start3A_2384, %dma_start3A_2385, %dma_start3A_2386, %dma_start3A_2387] : memref<8x4x8x128xf32, #tpu.memory_space<vmem>> -> memref<1x4x8x128xf32, #tpu.memory_space<vmem>>
      %dma_start3A_2389 = tpu.memref_squeeze %dma_start3A_2388 : memref<1x4x8x128xf32, #tpu.memory_space<vmem>> -> memref<4x8x128xf32, #tpu.memory_space<vmem>>
      %dma_start3A_2390 = arith.constant 0 : i32
      %dma_start3A_2391 = arith.constant 0 : i32
      %dma_start3A_2392 = tpu.memref_slice %arg3[%dma_start3A_2390, %dma_start3A_2391, %multiple_of3A_2379] : memref<4x8x1000000xf32, #tpu.memory_space<hbm>> -> memref<4x8x128xf32, #tpu.memory_space<hbm>>
      %dma_start3A_2393 = arith.constant 0 : i32
      %dma_start3A_2394 = arith.constant 0 : i32
      %dma_start3A_2395 = arith.constant 0 : i32
      %dma_start3A_2396 = tpu.memref_slice %arg9[%dma_start3A_2384, %dma_start3A_2393, %dma_start3A_2394, %dma_start3A_2395] : memref<8x4x8x128xf32, #tpu.memory_space<vmem>> -> memref<1x4x8x128xf32, #tpu.memory_space<vmem>>
      %dma_start3A_2397 = tpu.memref_squeeze %dma_start3A_2396 : memref<1x4x8x128xf32, #tpu.memory_space<vmem>> -> memref<4x8x128xf32, #tpu.memory_space<vmem>>
      %dma_start3A_2398 = arith.constant 0 : i32
      %dma_start3A_2399 = arith.constant 0 : i32
      %dma_start3A_2400 = tpu.memref_slice %arg3[%dma_start3A_2398, %dma_start3A_2399, %multiple_of3A_2379] : memref<4x8x1000000xf32, #tpu.memory_space<hbm>> -> memref<4x8x128xf32, #tpu.memory_space<hbm>>
      tpu.enqueue_dma source(%dma_start3A_2400 : memref<4x8x128xf32, #tpu.memory_space<hbm>>) target(%dma_start3A_2397 : memref<4x8x128xf32, #tpu.memory_space<vmem>>) target_semaphore(%arg15 : memref<!tpu.dma_semaphore, #tpu.memory_space<semaphore_mem>>)
      %dma_start3A_2401 = arith.constant 1 : i32
      %dma_start3A_2402 = arith.constant 0 : i32
      %dma_start3A_2403 = arith.constant 0 : i32
      %dma_start3A_2404 = arith.constant 0 : i32
      %dma_start3A_2405 = tpu.memref_slice %arg10[%dma_start3A_2401, %dma_start3A_2402, %dma_start3A_2403, %dma_start3A_2404] : memref<8x4x8x128xf32, #tpu.memory_space<vmem>> -> memref<1x4x8x128xf32, #tpu.memory_space<vmem>>
      %dma_start3A_2406 = tpu.memref_squeeze %dma_start3A_2405 : memref<1x4x8x128xf32, #tpu.memory_space<vmem>> -> memref<4x8x128xf32, #tpu.memory_space<vmem>>
      %dma_start3A_2407 = arith.constant 0 : i32
      %dma_start3A_2408 = arith.constant 0 : i32
      %dma_start3A_2409 = tpu.memref_slice %arg4[%dma_start3A_2407, %dma_start3A_2408, %multiple_of3A_2383] : memref<4x8x1000000xf32, #tpu.memory_space<hbm>> -> memref<4x8x128xf32, #tpu.memory_space<hbm>>
      %dma_start3A_2410 = arith.constant 0 : i32
      %dma_start3A_2411 = arith.constant 0 : i32
      %dma_start3A_2412 = arith.constant 0 : i32
      %dma_start3A_2413 = tpu.memref_slice %arg10[%dma_start3A_2401, %dma_start3A_2410, %dma_start3A_2411, %dma_start3A_2412] : memref<8x4x8x128xf32, #tpu.memory_space<vmem>> -> memref<1x4x8x128xf32, #tpu.memory_space<vmem>>
      %dma_start3A_2414 = tpu.memref_squeeze %dma_start3A_2413 : memref<1x4x8x128xf32, #tpu.memory_space<vmem>> -> memref<4x8x128xf32, #tpu.memory_space<vmem>>
      %dma_start3A_2415 = arith.constant 0 : i32
      %dma_start3A_2416 = arith.constant 0 : i32
      %dma_start3A_2417 = tpu.memref_slice %arg4[%dma_start3A_2415, %dma_start3A_2416, %multiple_of3A_2383] : memref<4x8x1000000xf32, #tpu.memory_space<hbm>> -> memref<4x8x128xf32, #tpu.memory_space<hbm>>
      tpu.enqueue_dma source(%dma_start3A_2417 : memref<4x8x128xf32, #tpu.memory_space<hbm>>) target(%dma_start3A_2414 : memref<4x8x128xf32, #tpu.memory_space<vmem>>) target_semaphore(%arg15 : memref<!tpu.dma_semaphore, #tpu.memory_space<semaphore_mem>>)
      %dma_wait3A_2418 = arith.constant 2 : i32
      %dma_wait3A_2419 = arith.constant 0 : i32
      %dma_wait3A_2420 = arith.constant 0 : i32
      %dma_wait3A_2421 = arith.constant 0 : i32
      %dma_wait3A_2422 = tpu.memref_slice %arg9[%dma_wait3A_2418, %dma_wait3A_2419, %dma_wait3A_2420, %dma_wait3A_2421] : memref<8x4x8x128xf32, #tpu.memory_space<vmem>> -> memref<1x4x8x128xf32, #tpu.memory_space<vmem>>
      %dma_wait3A_2423 = tpu.memref_squeeze %dma_wait3A_2422 : memref<1x4x8x128xf32, #tpu.memory_space<vmem>> -> memref<4x8x128xf32, #tpu.memory_space<vmem>>
      %dma_wait3A_2424 = arith.constant 0 : i32
      %dma_wait3A_2425 = arith.constant 0 : i32
      %dma_wait3A_2426 = arith.constant 0 : i32
      %dma_wait3A_2427 = tpu.memref_slice %arg3[%dma_wait3A_2424, %dma_wait3A_2425, %dma_wait3A_2426] : memref<4x8x1000000xf32, #tpu.memory_space<hbm>> -> memref<4x8x128xf32, #tpu.memory_space<hbm>>
      %dma_wait3A_2428 = arith.constant 0 : i32
      %dma_wait3A_2429 = arith.constant 0 : i32
      %dma_wait3A_2430 = arith.constant 0 : i32
      %dma_wait3A_2431 = tpu.memref_slice %arg9[%dma_wait3A_2418, %dma_wait3A_2428, %dma_wait3A_2429, %dma_wait3A_2430] : memref<8x4x8x128xf32, #tpu.memory_space<vmem>> -> memref<1x4x8x128xf32, #tpu.memory_space<vmem>>
      %dma_wait3A_2432 = tpu.memref_squeeze %dma_wait3A_2431 : memref<1x4x8x128xf32, #tpu.memory_space<vmem>> -> memref<4x8x128xf32, #tpu.memory_space<vmem>>
      %dma_wait3A_2433 = arith.constant 0 : i32
      %dma_wait3A_2434 = arith.constant 0 : i32
      %dma_wait3A_2435 = arith.constant 0 : i32
      %dma_wait3A_2436 = tpu.memref_slice %arg3[%dma_wait3A_2433, %dma_wait3A_2434, %dma_wait3A_2435] : memref<4x8x1000000xf32, #tpu.memory_space<hbm>> -> memref<4x8x128xf32, #tpu.memory_space<hbm>>
      tpu.wait_dma2 semaphore(%arg16 : memref<!tpu.dma_semaphore, #tpu.memory_space<semaphore_mem>>) src(%dma_wait3A_2436 : memref<4x8x128xf32, #tpu.memory_space<hbm>>) dst(%dma_wait3A_2432 : memref<4x8x128xf32, #tpu.memory_space<vmem>>)
      %dma_wait3A_2437 = arith.constant 2 : i32
      %dma_wait3A_2438 = arith.constant 0 : i32
      %dma_wait3A_2439 = arith.constant 0 : i32
      %dma_wait3A_2440 = arith.constant 0 : i32
      %dma_wait3A_2441 = tpu.memref_slice %arg10[%dma_wait3A_2437, %dma_wait3A_2438, %dma_wait3A_2439, %dma_wait3A_2440] : memref<8x4x8x128xf32, #tpu.memory_space<vmem>> -> memref<1x4x8x128xf32, #tpu.memory_space<vmem>>
      %dma_wait3A_2442 = tpu.memref_squeeze %dma_wait3A_2441 : memref<1x4x8x128xf32, #tpu.memory_space<vmem>> -> memref<4x8x128xf32, #tpu.memory_space<vmem>>
      %dma_wait3A_2443 = arith.constant 0 : i32
      %dma_wait3A_2444 = arith.constant 0 : i32
      %dma_wait3A_2445 = arith.constant 0 : i32
      %dma_wait3A_2446 = tpu.memref_slice %arg4[%dma_wait3A_2443, %dma_wait3A_2444, %dma_wait3A_2445] : memref<4x8x1000000xf32, #tpu.memory_space<hbm>> -> memref<4x8x128xf32, #tpu.memory_space<hbm>>
      %dma_wait3A_2447 = arith.constant 0 : i32
      %dma_wait3A_2448 = arith.constant 0 : i32
      %dma_wait3A_2449 = arith.constant 0 : i32
      %dma_wait3A_2450 = tpu.memref_slice %arg10[%dma_wait3A_2437, %dma_wait3A_2447, %dma_wait3A_2448, %dma_wait3A_2449] : memref<8x4x8x128xf32, #tpu.memory_space<vmem>> -> memref<1x4x8x128xf32, #tpu.memory_space<vmem>>
      %dma_wait3A_2451 = tpu.memref_squeeze %dma_wait3A_2450 : memref<1x4x8x128xf32, #tpu.memory_space<vmem>> -> memref<4x8x128xf32, #tpu.memory_space<vmem>>
      %dma_wait3A_2452 = arith.constant 0 : i32
      %dma_wait3A_2453 = arith.constant 0 : i32
      %dma_wait3A_2454 = arith.constant 0 : i32
      %dma_wait3A_2455 = tpu.memref_slice %arg4[%dma_wait3A_2452, %dma_wait3A_2453, %dma_wait3A_2454] : memref<4x8x1000000xf32, #tpu.memory_space<hbm>> -> memref<4x8x128xf32, #tpu.memory_space<hbm>>
      tpu.wait_dma2 semaphore(%arg16 : memref<!tpu.dma_semaphore, #tpu.memory_space<semaphore_mem>>) src(%dma_wait3A_2455 : memref<4x8x128xf32, #tpu.memory_space<hbm>>) dst(%dma_wait3A_2451 : memref<4x8x128xf32, #tpu.memory_space<vmem>>)
      %rem3A_2456 = arith.constant 128 : i32
      %rem3A_2457 = arith.remsi %reduce_sum3A_1343, %rem3A_2456 : i32
      %broadcast_in_dim3A_2458 = vector.broadcast %rem3A_2457 : i32 to vector<16xi32>
      %rem3A_2459 = arith.constant 128 : i32
      %rem3A_2460 = arith.remsi %reduce_sum3A_1353, %rem3A_2459 : i32
      %broadcast_in_dim3A_2461 = vector.broadcast %rem3A_2460 : i32 to vector<16xi32>
      %gather3A_2462 = arith.constant 2 : i32
      %gather3A_2463 = arith.constant 0 : i32
      %gather3A_2464 = arith.constant 0 : i32
      %gather3A_2465 = arith.constant 0 : i32
      %gather3A_2466 = tpu.memref_slice %arg9[%gather3A_2462, %gather3A_2463, %gather3A_2464, %gather3A_2465] : memref<8x4x8x128xf32, #tpu.memory_space<vmem>> -> memref<1x4x8x128xf32, #tpu.memory_space<vmem>>
      %gather3A_2467 = tpu.memref_squeeze %gather3A_2466 : memref<1x4x8x128xf32, #tpu.memory_space<vmem>> -> memref<4x8x128xf32, #tpu.memory_space<vmem>>
      %gather3A_2468 = tpu.vector_load_idx %gather3A_2467[%select_n3A, %rem3A_37, %broadcast_in_dim3A_2458] : memref<4x8x128xf32, #tpu.memory_space<vmem>>[vector<16xi32>, vector<16xi32>, vector<16xi32>], vector<16xf32>,
      %gather3A_2469 = arith.constant 2 : i32
      %gather3A_2470 = arith.constant 0 : i32
      %gather3A_2471 = arith.constant 0 : i32
      %gather3A_2472 = arith.constant 0 : i32
      %gather3A_2473 = tpu.memref_slice %arg9[%gather3A_2469, %gather3A_2470, %gather3A_2471, %gather3A_2472] : memref<8x4x8x128xf32, #tpu.memory_space<vmem>> -> memref<1x4x8x128xf32, #tpu.memory_space<vmem>>
      %gather3A_2474 = tpu.memref_squeeze %gather3A_2473 : memref<1x4x8x128xf32, #tpu.memory_space<vmem>> -> memref<4x8x128xf32, #tpu.memory_space<vmem>>
      %gather3A_2475 = tpu.vector_load_idx %gather3A_2474[%add3A_34, %rem3A_37, %broadcast_in_dim3A_2458] : memref<4x8x128xf32, #tpu.memory_space<vmem>>[vector<16xi32>, vector<16xi32>, vector<16xi32>], vector<16xf32>,
      %gather3A_2476 = arith.constant 2 : i32
      %gather3A_2477 = arith.constant 0 : i32
      %gather3A_2478 = arith.constant 0 : i32
      %gather3A_2479 = arith.constant 0 : i32
      %gather3A_2480 = tpu.memref_slice %arg10[%gather3A_2476, %gather3A_2477, %gather3A_2478, %gather3A_2479] : memref<8x4x8x128xf32, #tpu.memory_space<vmem>> -> memref<1x4x8x128xf32, #tpu.memory_space<vmem>>
      %gather3A_2481 = tpu.memref_squeeze %gather3A_2480 : memref<1x4x8x128xf32, #tpu.memory_space<vmem>> -> memref<4x8x128xf32, #tpu.memory_space<vmem>>
      %gather3A_2482 = tpu.vector_load_idx %gather3A_2481[%select_n3A, %rem3A_37, %broadcast_in_dim3A_2461] : memref<4x8x128xf32, #tpu.memory_space<vmem>>[vector<16xi32>, vector<16xi32>, vector<16xi32>], vector<16xf32>,
      %gather3A_2483 = arith.constant 2 : i32
      %gather3A_2484 = arith.constant 0 : i32
      %gather3A_2485 = arith.constant 0 : i32
      %gather3A_2486 = arith.constant 0 : i32
      %gather3A_2487 = tpu.memref_slice %arg10[%gather3A_2483, %gather3A_2484, %gather3A_2485, %gather3A_2486] : memref<8x4x8x128xf32, #tpu.memory_space<vmem>> -> memref<1x4x8x128xf32, #tpu.memory_space<vmem>>
      %gather3A_2488 = tpu.memref_squeeze %gather3A_2487 : memref<1x4x8x128xf32, #tpu.memory_space<vmem>> -> memref<4x8x128xf32, #tpu.memory_space<vmem>>
      %gather3A_2489 = tpu.vector_load_idx %gather3A_2488[%add3A_34, %rem3A_37, %broadcast_in_dim3A_2461] : memref<4x8x128xf32, #tpu.memory_space<vmem>>[vector<16xi32>, vector<16xi32>, vector<16xi32>], vector<16xf32>,
      %mul3A_2490 = arith.mulf %gather3A_2468, %gather3A_2482 : vector<16xf32>
      %mul3A_2491 = arith.mulf %gather3A_2475, %gather3A_2489 : vector<16xf32>
      %add3A_2492 = arith.addf %mul3A_2490, %mul3A_2491 : vector<16xf32>
      %reduce_sum3A_2493 = arith.constant true
      %reduce_sum3A_2494 = vector.broadcast %reduce_sum3A_2493 : i1 to vector<16xi1>
      %reduce_sum3A_2495 = tpu.scan <sum>, %add3A_2492 masked %reduce_sum3A_2494 : vector<16xf32>, vector<16xi1> -> vector<16xf32>
      %reduce_sum3A_2496 = vector.extract %reduce_sum3A_2495[15] : f32 from vector<16xf32>
      %eq3A_2497 = arith.constant 10 : i32
      %eq3A_2498 = vector.broadcast %eq3A_2497 : i32 to vector<16xi32>
      %eq3A_2499 = arith.cmpi eq, %iota3A, %eq3A_2498 : vector<16xi32>
      %broadcast_in_dim3A_2500 = vector.broadcast %reduce_sum3A_2496 : f32 to vector<16xf32>
      %select_n3A_2501 = arith.select %eq3A_2499, %broadcast_in_dim3A_2500, %select_n3A_2355 : vector<16xi1>, vector<16xf32>
      %eq3A_2502 = arith.constant 2 : i32
      %eq3A_2503 = vector.broadcast %eq3A_2502 : i32 to vector<16xi32>
      %eq3A_2504 = arith.cmpi eq, %iota3A, %eq3A_2503 : vector<16xi32>
      %jit3A_2505 = arith.constant 0 : i32
      %broadcast_in_dim3A_2506 = vector.broadcast %jit3A_2505 : i32 to vector<16xi32>
      %select_n3A_2507 = arith.select %eq3A_2504, %get3A_752, %broadcast_in_dim3A_2506 : vector<16xi1>, vector<16xi32>
      %reduce_sum3A_2508 = arith.constant true
      %reduce_sum3A_2509 = vector.broadcast %reduce_sum3A_2508 : i1 to vector<16xi1>
      %reduce_sum3A_2510 = tpu.scan <sum>, %select_n3A_2507 masked %reduce_sum3A_2509 : vector<16xi32>, vector<16xi1> -> vector<16xi32>
      %reduce_sum3A_2511 = vector.extract %reduce_sum3A_2510[15] : i32 from vector<16xi32>
      %eq3A_2512 = arith.constant 2 : i32
      %eq3A_2513 = vector.broadcast %eq3A_2512 : i32 to vector<16xi32>
      %eq3A_2514 = arith.cmpi eq, %iota3A, %eq3A_2513 : vector<16xi32>
      %jit3A_2515 = arith.constant 0 : i32
      %broadcast_in_dim3A_2516 = vector.broadcast %jit3A_2515 : i32 to vector<16xi32>
      %select_n3A_2517 = arith.select %eq3A_2514, %get3A_754, %broadcast_in_dim3A_2516 : vector<16xi1>, vector<16xi32>
      %reduce_sum3A_2518 = arith.constant true
      %reduce_sum3A_2519 = vector.broadcast %reduce_sum3A_2518 : i1 to vector<16xi1>
      %reduce_sum3A_2520 = tpu.scan <sum>, %select_n3A_2517 masked %reduce_sum3A_2519 : vector<16xi32>, vector<16xi1> -> vector<16xi32>
      %reduce_sum3A_2521 = vector.extract %reduce_sum3A_2520[15] : i32 from vector<16xi32>
      %rem3A_2522 = arith.constant 128 : i32
      %rem3A_2523 = arith.remsi %reduce_sum3A_2511, %rem3A_2522 : i32
      %sub3A_2524 = arith.subi %reduce_sum3A_2511, %rem3A_2523 : i32
      %multiple_of3A_2525 = tpu.assume_multiple %sub3A_2524, 128 : i32
      %rem3A_2526 = arith.constant 128 : i32
      %rem3A_2527 = arith.remsi %reduce_sum3A_2521, %rem3A_2526 : i32
      %sub3A_2528 = arith.subi %reduce_sum3A_2521, %rem3A_2527 : i32
      %multiple_of3A_2529 = tpu.assume_multiple %sub3A_2528, 128 : i32
      %dma_start3A_2530 = arith.constant 2 : i32
      %dma_start3A_2531 = arith.constant 0 : i32
      %dma_start3A_2532 = arith.constant 0 : i32
      %dma_start3A_2533 = arith.constant 0 : i32
      %dma_start3A_2534 = tpu.memref_slice %arg9[%dma_start3A_2530, %dma_start3A_2531, %dma_start3A_2532, %dma_start3A_2533] : memref<8x4x8x128xf32, #tpu.memory_space<vmem>> -> memref<1x4x8x128xf32, #tpu.memory_space<vmem>>
      %dma_start3A_2535 = tpu.memref_squeeze %dma_start3A_2534 : memref<1x4x8x128xf32, #tpu.memory_space<vmem>> -> memref<4x8x128xf32, #tpu.memory_space<vmem>>
      %dma_start3A_2536 = arith.constant 0 : i32
      %dma_start3A_2537 = arith.constant 0 : i32
      %dma_start3A_2538 = tpu.memref_slice %arg3[%dma_start3A_2536, %dma_start3A_2537, %multiple_of3A_2525] : memref<4x8x1000000xf32, #tpu.memory_space<hbm>> -> memref<4x8x128xf32, #tpu.memory_space<hbm>>
      %dma_start3A_2539 = arith.constant 0 : i32
      %dma_start3A_2540 = arith.constant 0 : i32
      %dma_start3A_2541 = arith.constant 0 : i32
      %dma_start3A_2542 = tpu.memref_slice %arg9[%dma_start3A_2530, %dma_start3A_2539, %dma_start3A_2540, %dma_start3A_2541] : memref<8x4x8x128xf32, #tpu.memory_space<vmem>> -> memref<1x4x8x128xf32, #tpu.memory_space<vmem>>
      %dma_start3A_2543 = tpu.memref_squeeze %dma_start3A_2542 : memref<1x4x8x128xf32, #tpu.memory_space<vmem>> -> memref<4x8x128xf32, #tpu.memory_space<vmem>>
      %dma_start3A_2544 = arith.constant 0 : i32
      %dma_start3A_2545 = arith.constant 0 : i32
      %dma_start3A_2546 = tpu.memref_slice %arg3[%dma_start3A_2544, %dma_start3A_2545, %multiple_of3A_2525] : memref<4x8x1000000xf32, #tpu.memory_space<hbm>> -> memref<4x8x128xf32, #tpu.memory_space<hbm>>
      tpu.enqueue_dma source(%dma_start3A_2546 : memref<4x8x128xf32, #tpu.memory_space<hbm>>) target(%dma_start3A_2543 : memref<4x8x128xf32, #tpu.memory_space<vmem>>) target_semaphore(%arg16 : memref<!tpu.dma_semaphore, #tpu.memory_space<semaphore_mem>>)
      %dma_start3A_2547 = arith.constant 2 : i32
      %dma_start3A_2548 = arith.constant 0 : i32
      %dma_start3A_2549 = arith.constant 0 : i32
      %dma_start3A_2550 = arith.constant 0 : i32
      %dma_start3A_2551 = tpu.memref_slice %arg10[%dma_start3A_2547, %dma_start3A_2548, %dma_start3A_2549, %dma_start3A_2550] : memref<8x4x8x128xf32, #tpu.memory_space<vmem>> -> memref<1x4x8x128xf32, #tpu.memory_space<vmem>>
      %dma_start3A_2552 = tpu.memref_squeeze %dma_start3A_2551 : memref<1x4x8x128xf32, #tpu.memory_space<vmem>> -> memref<4x8x128xf32, #tpu.memory_space<vmem>>
      %dma_start3A_2553 = arith.constant 0 : i32
      %dma_start3A_2554 = arith.constant 0 : i32
      %dma_start3A_2555 = tpu.memref_slice %arg4[%dma_start3A_2553, %dma_start3A_2554, %multiple_of3A_2529] : memref<4x8x1000000xf32, #tpu.memory_space<hbm>> -> memref<4x8x128xf32, #tpu.memory_space<hbm>>
      %dma_start3A_2556 = arith.constant 0 : i32
      %dma_start3A_2557 = arith.constant 0 : i32
      %dma_start3A_2558 = arith.constant 0 : i32
      %dma_start3A_2559 = tpu.memref_slice %arg10[%dma_start3A_2547, %dma_start3A_2556, %dma_start3A_2557, %dma_start3A_2558] : memref<8x4x8x128xf32, #tpu.memory_space<vmem>> -> memref<1x4x8x128xf32, #tpu.memory_space<vmem>>
      %dma_start3A_2560 = tpu.memref_squeeze %dma_start3A_2559 : memref<1x4x8x128xf32, #tpu.memory_space<vmem>> -> memref<4x8x128xf32, #tpu.memory_space<vmem>>
      %dma_start3A_2561 = arith.constant 0 : i32
      %dma_start3A_2562 = arith.constant 0 : i32
      %dma_start3A_2563 = tpu.memref_slice %arg4[%dma_start3A_2561, %dma_start3A_2562, %multiple_of3A_2529] : memref<4x8x1000000xf32, #tpu.memory_space<hbm>> -> memref<4x8x128xf32, #tpu.memory_space<hbm>>
      tpu.enqueue_dma source(%dma_start3A_2563 : memref<4x8x128xf32, #tpu.memory_space<hbm>>) target(%dma_start3A_2560 : memref<4x8x128xf32, #tpu.memory_space<vmem>>) target_semaphore(%arg16 : memref<!tpu.dma_semaphore, #tpu.memory_space<semaphore_mem>>)
      %dma_wait3A_2564 = arith.constant 3 : i32
      %dma_wait3A_2565 = arith.constant 0 : i32
      %dma_wait3A_2566 = arith.constant 0 : i32
      %dma_wait3A_2567 = arith.constant 0 : i32
      %dma_wait3A_2568 = tpu.memref_slice %arg9[%dma_wait3A_2564, %dma_wait3A_2565, %dma_wait3A_2566, %dma_wait3A_2567] : memref<8x4x8x128xf32, #tpu.memory_space<vmem>> -> memref<1x4x8x128xf32, #tpu.memory_space<vmem>>
      %dma_wait3A_2569 = tpu.memref_squeeze %dma_wait3A_2568 : memref<1x4x8x128xf32, #tpu.memory_space<vmem>> -> memref<4x8x128xf32, #tpu.memory_space<vmem>>
      %dma_wait3A_2570 = arith.constant 0 : i32
      %dma_wait3A_2571 = arith.constant 0 : i32
      %dma_wait3A_2572 = arith.constant 0 : i32
      %dma_wait3A_2573 = tpu.memref_slice %arg3[%dma_wait3A_2570, %dma_wait3A_2571, %dma_wait3A_2572] : memref<4x8x1000000xf32, #tpu.memory_space<hbm>> -> memref<4x8x128xf32, #tpu.memory_space<hbm>>
      %dma_wait3A_2574 = arith.constant 0 : i32
      %dma_wait3A_2575 = arith.constant 0 : i32
      %dma_wait3A_2576 = arith.constant 0 : i32
      %dma_wait3A_2577 = tpu.memref_slice %arg9[%dma_wait3A_2564, %dma_wait3A_2574, %dma_wait3A_2575, %dma_wait3A_2576] : memref<8x4x8x128xf32, #tpu.memory_space<vmem>> -> memref<1x4x8x128xf32, #tpu.memory_space<vmem>>
      %dma_wait3A_2578 = tpu.memref_squeeze %dma_wait3A_2577 : memref<1x4x8x128xf32, #tpu.memory_space<vmem>> -> memref<4x8x128xf32, #tpu.memory_space<vmem>>
      %dma_wait3A_2579 = arith.constant 0 : i32
      %dma_wait3A_2580 = arith.constant 0 : i32
      %dma_wait3A_2581 = arith.constant 0 : i32
      %dma_wait3A_2582 = tpu.memref_slice %arg3[%dma_wait3A_2579, %dma_wait3A_2580, %dma_wait3A_2581] : memref<4x8x1000000xf32, #tpu.memory_space<hbm>> -> memref<4x8x128xf32, #tpu.memory_space<hbm>>
      tpu.wait_dma2 semaphore(%arg17 : memref<!tpu.dma_semaphore, #tpu.memory_space<semaphore_mem>>) src(%dma_wait3A_2582 : memref<4x8x128xf32, #tpu.memory_space<hbm>>) dst(%dma_wait3A_2578 : memref<4x8x128xf32, #tpu.memory_space<vmem>>)
      %dma_wait3A_2583 = arith.constant 3 : i32
      %dma_wait3A_2584 = arith.constant 0 : i32
      %dma_wait3A_2585 = arith.constant 0 : i32
      %dma_wait3A_2586 = arith.constant 0 : i32
      %dma_wait3A_2587 = tpu.memref_slice %arg10[%dma_wait3A_2583, %dma_wait3A_2584, %dma_wait3A_2585, %dma_wait3A_2586] : memref<8x4x8x128xf32, #tpu.memory_space<vmem>> -> memref<1x4x8x128xf32, #tpu.memory_space<vmem>>
      %dma_wait3A_2588 = tpu.memref_squeeze %dma_wait3A_2587 : memref<1x4x8x128xf32, #tpu.memory_space<vmem>> -> memref<4x8x128xf32, #tpu.memory_space<vmem>>
      %dma_wait3A_2589 = arith.constant 0 : i32
      %dma_wait3A_2590 = arith.constant 0 : i32
      %dma_wait3A_2591 = arith.constant 0 : i32
      %dma_wait3A_2592 = tpu.memref_slice %arg4[%dma_wait3A_2589, %dma_wait3A_2590, %dma_wait3A_2591] : memref<4x8x1000000xf32, #tpu.memory_space<hbm>> -> memref<4x8x128xf32, #tpu.memory_space<hbm>>
      %dma_wait3A_2593 = arith.constant 0 : i32
      %dma_wait3A_2594 = arith.constant 0 : i32
      %dma_wait3A_2595 = arith.constant 0 : i32
      %dma_wait3A_2596 = tpu.memref_slice %arg10[%dma_wait3A_2583, %dma_wait3A_2593, %dma_wait3A_2594, %dma_wait3A_2595] : memref<8x4x8x128xf32, #tpu.memory_space<vmem>> -> memref<1x4x8x128xf32, #tpu.memory_space<vmem>>
      %dma_wait3A_2597 = tpu.memref_squeeze %dma_wait3A_2596 : memref<1x4x8x128xf32, #tpu.memory_space<vmem>> -> memref<4x8x128xf32, #tpu.memory_space<vmem>>
      %dma_wait3A_2598 = arith.constant 0 : i32
      %dma_wait3A_2599 = arith.constant 0 : i32
      %dma_wait3A_2600 = arith.constant 0 : i32
      %dma_wait3A_2601 = tpu.memref_slice %arg4[%dma_wait3A_2598, %dma_wait3A_2599, %dma_wait3A_2600] : memref<4x8x1000000xf32, #tpu.memory_space<hbm>> -> memref<4x8x128xf32, #tpu.memory_space<hbm>>
      tpu.wait_dma2 semaphore(%arg17 : memref<!tpu.dma_semaphore, #tpu.memory_space<semaphore_mem>>) src(%dma_wait3A_2601 : memref<4x8x128xf32, #tpu.memory_space<hbm>>) dst(%dma_wait3A_2597 : memref<4x8x128xf32, #tpu.memory_space<vmem>>)
      %rem3A_2602 = arith.constant 128 : i32
      %rem3A_2603 = arith.remsi %reduce_sum3A_1489, %rem3A_2602 : i32
      %broadcast_in_dim3A_2604 = vector.broadcast %rem3A_2603 : i32 to vector<16xi32>
      %rem3A_2605 = arith.constant 128 : i32
      %rem3A_2606 = arith.remsi %reduce_sum3A_1499, %rem3A_2605 : i32
      %broadcast_in_dim3A_2607 = vector.broadcast %rem3A_2606 : i32 to vector<16xi32>
      %gather3A_2608 = arith.constant 3 : i32
      %gather3A_2609 = arith.constant 0 : i32
      %gather3A_2610 = arith.constant 0 : i32
      %gather3A_2611 = arith.constant 0 : i32
      %gather3A_2612 = tpu.memref_slice %arg9[%gather3A_2608, %gather3A_2609, %gather3A_2610, %gather3A_2611] : memref<8x4x8x128xf32, #tpu.memory_space<vmem>> -> memref<1x4x8x128xf32, #tpu.memory_space<vmem>>
      %gather3A_2613 = tpu.memref_squeeze %gather3A_2612 : memref<1x4x8x128xf32, #tpu.memory_space<vmem>> -> memref<4x8x128xf32, #tpu.memory_space<vmem>>
      %gather3A_2614 = tpu.vector_load_idx %gather3A_2613[%select_n3A, %rem3A_37, %broadcast_in_dim3A_2604] : memref<4x8x128xf32, #tpu.memory_space<vmem>>[vector<16xi32>, vector<16xi32>, vector<16xi32>], vector<16xf32>,
      %gather3A_2615 = arith.constant 3 : i32
      %gather3A_2616 = arith.constant 0 : i32
      %gather3A_2617 = arith.constant 0 : i32
      %gather3A_2618 = arith.constant 0 : i32
      %gather3A_2619 = tpu.memref_slice %arg9[%gather3A_2615, %gather3A_2616, %gather3A_2617, %gather3A_2618] : memref<8x4x8x128xf32, #tpu.memory_space<vmem>> -> memref<1x4x8x128xf32, #tpu.memory_space<vmem>>
      %gather3A_2620 = tpu.memref_squeeze %gather3A_2619 : memref<1x4x8x128xf32, #tpu.memory_space<vmem>> -> memref<4x8x128xf32, #tpu.memory_space<vmem>>
      %gather3A_2621 = tpu.vector_load_idx %gather3A_2620[%add3A_34, %rem3A_37, %broadcast_in_dim3A_2604] : memref<4x8x128xf32, #tpu.memory_space<vmem>>[vector<16xi32>, vector<16xi32>, vector<16xi32>], vector<16xf32>,
      %gather3A_2622 = arith.constant 3 : i32
      %gather3A_2623 = arith.constant 0 : i32
      %gather3A_2624 = arith.constant 0 : i32
      %gather3A_2625 = arith.constant 0 : i32
      %gather3A_2626 = tpu.memref_slice %arg10[%gather3A_2622, %gather3A_2623, %gather3A_2624, %gather3A_2625] : memref<8x4x8x128xf32, #tpu.memory_space<vmem>> -> memref<1x4x8x128xf32, #tpu.memory_space<vmem>>
      %gather3A_2627 = tpu.memref_squeeze %gather3A_2626 : memref<1x4x8x128xf32, #tpu.memory_space<vmem>> -> memref<4x8x128xf32, #tpu.memory_space<vmem>>
      %gather3A_2628 = tpu.vector_load_idx %gather3A_2627[%select_n3A, %rem3A_37, %broadcast_in_dim3A_2607] : memref<4x8x128xf32, #tpu.memory_space<vmem>>[vector<16xi32>, vector<16xi32>, vector<16xi32>], vector<16xf32>,
      %gather3A_2629 = arith.constant 3 : i32
      %gather3A_2630 = arith.constant 0 : i32
      %gather3A_2631 = arith.constant 0 : i32
      %gather3A_2632 = arith.constant 0 : i32
      %gather3A_2633 = tpu.memref_slice %arg10[%gather3A_2629, %gather3A_2630, %gather3A_2631, %gather3A_2632] : memref<8x4x8x128xf32, #tpu.memory_space<vmem>> -> memref<1x4x8x128xf32, #tpu.memory_space<vmem>>
      %gather3A_2634 = tpu.memref_squeeze %gather3A_2633 : memref<1x4x8x128xf32, #tpu.memory_space<vmem>> -> memref<4x8x128xf32, #tpu.memory_space<vmem>>
      %gather3A_2635 = tpu.vector_load_idx %gather3A_2634[%add3A_34, %rem3A_37, %broadcast_in_dim3A_2607] : memref<4x8x128xf32, #tpu.memory_space<vmem>>[vector<16xi32>, vector<16xi32>, vector<16xi32>], vector<16xf32>,
      %mul3A_2636 = arith.mulf %gather3A_2614, %gather3A_2628 : vector<16xf32>
      %mul3A_2637 = arith.mulf %gather3A_2621, %gather3A_2635 : vector<16xf32>
      %add3A_2638 = arith.addf %mul3A_2636, %mul3A_2637 : vector<16xf32>
      %reduce_sum3A_2639 = arith.constant true
      %reduce_sum3A_2640 = vector.broadcast %reduce_sum3A_2639 : i1 to vector<16xi1>
      %reduce_sum3A_2641 = tpu.scan <sum>, %add3A_2638 masked %reduce_sum3A_2640 : vector<16xf32>, vector<16xi1> -> vector<16xf32>
      %reduce_sum3A_2642 = vector.extract %reduce_sum3A_2641[15] : f32 from vector<16xf32>
      %eq3A_2643 = arith.constant 11 : i32
      %eq3A_2644 = vector.broadcast %eq3A_2643 : i32 to vector<16xi32>
      %eq3A_2645 = arith.cmpi eq, %iota3A, %eq3A_2644 : vector<16xi32>
      %broadcast_in_dim3A_2646 = vector.broadcast %reduce_sum3A_2642 : f32 to vector<16xf32>
      %select_n3A_2647 = arith.select %eq3A_2645, %broadcast_in_dim3A_2646, %select_n3A_2501 : vector<16xi1>, vector<16xf32>
      %eq3A_2648 = arith.constant 3 : i32
      %eq3A_2649 = vector.broadcast %eq3A_2648 : i32 to vector<16xi32>
      %eq3A_2650 = arith.cmpi eq, %iota3A, %eq3A_2649 : vector<16xi32>
      %jit3A_2651 = arith.constant 0 : i32
      %broadcast_in_dim3A_2652 = vector.broadcast %jit3A_2651 : i32 to vector<16xi32>
      %select_n3A_2653 = arith.select %eq3A_2650, %get3A_752, %broadcast_in_dim3A_2652 : vector<16xi1>, vector<16xi32>
      %reduce_sum3A_2654 = arith.constant true
      %reduce_sum3A_2655 = vector.broadcast %reduce_sum3A_2654 : i1 to vector<16xi1>
      %reduce_sum3A_2656 = tpu.scan <sum>, %select_n3A_2653 masked %reduce_sum3A_2655 : vector<16xi32>, vector<16xi1> -> vector<16xi32>
      %reduce_sum3A_2657 = vector.extract %reduce_sum3A_2656[15] : i32 from vector<16xi32>
      %eq3A_2658 = arith.constant 3 : i32
      %eq3A_2659 = vector.broadcast %eq3A_2658 : i32 to vector<16xi32>
      %eq3A_2660 = arith.cmpi eq, %iota3A, %eq3A_2659 : vector<16xi32>
      %jit3A_2661 = arith.constant 0 : i32
      %broadcast_in_dim3A_2662 = vector.broadcast %jit3A_2661 : i32 to vector<16xi32>
      %select_n3A_2663 = arith.select %eq3A_2660, %get3A_754, %broadcast_in_dim3A_2662 : vector<16xi1>, vector<16xi32>
      %reduce_sum3A_2664 = arith.constant true
      %reduce_sum3A_2665 = vector.broadcast %reduce_sum3A_2664 : i1 to vector<16xi1>
      %reduce_sum3A_2666 = tpu.scan <sum>, %select_n3A_2663 masked %reduce_sum3A_2665 : vector<16xi32>, vector<16xi1> -> vector<16xi32>
      %reduce_sum3A_2667 = vector.extract %reduce_sum3A_2666[15] : i32 from vector<16xi32>
      %rem3A_2668 = arith.constant 128 : i32
      %rem3A_2669 = arith.remsi %reduce_sum3A_2657, %rem3A_2668 : i32
      %sub3A_2670 = arith.subi %reduce_sum3A_2657, %rem3A_2669 : i32
      %multiple_of3A_2671 = tpu.assume_multiple %sub3A_2670, 128 : i32
      %rem3A_2672 = arith.constant 128 : i32
      %rem3A_2673 = arith.remsi %reduce_sum3A_2667, %rem3A_2672 : i32
      %sub3A_2674 = arith.subi %reduce_sum3A_2667, %rem3A_2673 : i32
      %multiple_of3A_2675 = tpu.assume_multiple %sub3A_2674, 128 : i32
      %dma_start3A_2676 = arith.constant 3 : i32
      %dma_start3A_2677 = arith.constant 0 : i32
      %dma_start3A_2678 = arith.constant 0 : i32
      %dma_start3A_2679 = arith.constant 0 : i32
      %dma_start3A_2680 = tpu.memref_slice %arg9[%dma_start3A_2676, %dma_start3A_2677, %dma_start3A_2678, %dma_start3A_2679] : memref<8x4x8x128xf32, #tpu.memory_space<vmem>> -> memref<1x4x8x128xf32, #tpu.memory_space<vmem>>
      %dma_start3A_2681 = tpu.memref_squeeze %dma_start3A_2680 : memref<1x4x8x128xf32, #tpu.memory_space<vmem>> -> memref<4x8x128xf32, #tpu.memory_space<vmem>>
      %dma_start3A_2682 = arith.constant 0 : i32
      %dma_start3A_2683 = arith.constant 0 : i32
      %dma_start3A_2684 = tpu.memref_slice %arg3[%dma_start3A_2682, %dma_start3A_2683, %multiple_of3A_2671] : memref<4x8x1000000xf32, #tpu.memory_space<hbm>> -> memref<4x8x128xf32, #tpu.memory_space<hbm>>
      %dma_start3A_2685 = arith.constant 0 : i32
      %dma_start3A_2686 = arith.constant 0 : i32
      %dma_start3A_2687 = arith.constant 0 : i32
      %dma_start3A_2688 = tpu.memref_slice %arg9[%dma_start3A_2676, %dma_start3A_2685, %dma_start3A_2686, %dma_start3A_2687] : memref<8x4x8x128xf32, #tpu.memory_space<vmem>> -> memref<1x4x8x128xf32, #tpu.memory_space<vmem>>
      %dma_start3A_2689 = tpu.memref_squeeze %dma_start3A_2688 : memref<1x4x8x128xf32, #tpu.memory_space<vmem>> -> memref<4x8x128xf32, #tpu.memory_space<vmem>>
      %dma_start3A_2690 = arith.constant 0 : i32
      %dma_start3A_2691 = arith.constant 0 : i32
      %dma_start3A_2692 = tpu.memref_slice %arg3[%dma_start3A_2690, %dma_start3A_2691, %multiple_of3A_2671] : memref<4x8x1000000xf32, #tpu.memory_space<hbm>> -> memref<4x8x128xf32, #tpu.memory_space<hbm>>
      tpu.enqueue_dma source(%dma_start3A_2692 : memref<4x8x128xf32, #tpu.memory_space<hbm>>) target(%dma_start3A_2689 : memref<4x8x128xf32, #tpu.memory_space<vmem>>) target_semaphore(%arg17 : memref<!tpu.dma_semaphore, #tpu.memory_space<semaphore_mem>>)
      %dma_start3A_2693 = arith.constant 3 : i32
      %dma_start3A_2694 = arith.constant 0 : i32
      %dma_start3A_2695 = arith.constant 0 : i32
      %dma_start3A_2696 = arith.constant 0 : i32
      %dma_start3A_2697 = tpu.memref_slice %arg10[%dma_start3A_2693, %dma_start3A_2694, %dma_start3A_2695, %dma_start3A_2696] : memref<8x4x8x128xf32, #tpu.memory_space<vmem>> -> memref<1x4x8x128xf32, #tpu.memory_space<vmem>>
      %dma_start3A_2698 = tpu.memref_squeeze %dma_start3A_2697 : memref<1x4x8x128xf32, #tpu.memory_space<vmem>> -> memref<4x8x128xf32, #tpu.memory_space<vmem>>
      %dma_start3A_2699 = arith.constant 0 : i32
      %dma_start3A_2700 = arith.constant 0 : i32
      %dma_start3A_2701 = tpu.memref_slice %arg4[%dma_start3A_2699, %dma_start3A_2700, %multiple_of3A_2675] : memref<4x8x1000000xf32, #tpu.memory_space<hbm>> -> memref<4x8x128xf32, #tpu.memory_space<hbm>>
      %dma_start3A_2702 = arith.constant 0 : i32
      %dma_start3A_2703 = arith.constant 0 : i32
      %dma_start3A_2704 = arith.constant 0 : i32
      %dma_start3A_2705 = tpu.memref_slice %arg10[%dma_start3A_2693, %dma_start3A_2702, %dma_start3A_2703, %dma_start3A_2704] : memref<8x4x8x128xf32, #tpu.memory_space<vmem>> -> memref<1x4x8x128xf32, #tpu.memory_space<vmem>>
      %dma_start3A_2706 = tpu.memref_squeeze %dma_start3A_2705 : memref<1x4x8x128xf32, #tpu.memory_space<vmem>> -> memref<4x8x128xf32, #tpu.memory_space<vmem>>
      %dma_start3A_2707 = arith.constant 0 : i32
      %dma_start3A_2708 = arith.constant 0 : i32
      %dma_start3A_2709 = tpu.memref_slice %arg4[%dma_start3A_2707, %dma_start3A_2708, %multiple_of3A_2675] : memref<4x8x1000000xf32, #tpu.memory_space<hbm>> -> memref<4x8x128xf32, #tpu.memory_space<hbm>>
      tpu.enqueue_dma source(%dma_start3A_2709 : memref<4x8x128xf32, #tpu.memory_space<hbm>>) target(%dma_start3A_2706 : memref<4x8x128xf32, #tpu.memory_space<vmem>>) target_semaphore(%arg17 : memref<!tpu.dma_semaphore, #tpu.memory_space<semaphore_mem>>)
      %dma_wait3A_2710 = arith.constant 4 : i32
      %dma_wait3A_2711 = arith.constant 0 : i32
      %dma_wait3A_2712 = arith.constant 0 : i32
      %dma_wait3A_2713 = arith.constant 0 : i32
      %dma_wait3A_2714 = tpu.memref_slice %arg9[%dma_wait3A_2710, %dma_wait3A_2711, %dma_wait3A_2712, %dma_wait3A_2713] : memref<8x4x8x128xf32, #tpu.memory_space<vmem>> -> memref<1x4x8x128xf32, #tpu.memory_space<vmem>>
      %dma_wait3A_2715 = tpu.memref_squeeze %dma_wait3A_2714 : memref<1x4x8x128xf32, #tpu.memory_space<vmem>> -> memref<4x8x128xf32, #tpu.memory_space<vmem>>
      %dma_wait3A_2716 = arith.constant 0 : i32
      %dma_wait3A_2717 = arith.constant 0 : i32
      %dma_wait3A_2718 = arith.constant 0 : i32
      %dma_wait3A_2719 = tpu.memref_slice %arg3[%dma_wait3A_2716, %dma_wait3A_2717, %dma_wait3A_2718] : memref<4x8x1000000xf32, #tpu.memory_space<hbm>> -> memref<4x8x128xf32, #tpu.memory_space<hbm>>
      %dma_wait3A_2720 = arith.constant 0 : i32
      %dma_wait3A_2721 = arith.constant 0 : i32
      %dma_wait3A_2722 = arith.constant 0 : i32
      %dma_wait3A_2723 = tpu.memref_slice %arg9[%dma_wait3A_2710, %dma_wait3A_2720, %dma_wait3A_2721, %dma_wait3A_2722] : memref<8x4x8x128xf32, #tpu.memory_space<vmem>> -> memref<1x4x8x128xf32, #tpu.memory_space<vmem>>
      %dma_wait3A_2724 = tpu.memref_squeeze %dma_wait3A_2723 : memref<1x4x8x128xf32, #tpu.memory_space<vmem>> -> memref<4x8x128xf32, #tpu.memory_space<vmem>>
      %dma_wait3A_2725 = arith.constant 0 : i32
      %dma_wait3A_2726 = arith.constant 0 : i32
      %dma_wait3A_2727 = arith.constant 0 : i32
      %dma_wait3A_2728 = tpu.memref_slice %arg3[%dma_wait3A_2725, %dma_wait3A_2726, %dma_wait3A_2727] : memref<4x8x1000000xf32, #tpu.memory_space<hbm>> -> memref<4x8x128xf32, #tpu.memory_space<hbm>>
      tpu.wait_dma2 semaphore(%arg18 : memref<!tpu.dma_semaphore, #tpu.memory_space<semaphore_mem>>) src(%dma_wait3A_2728 : memref<4x8x128xf32, #tpu.memory_space<hbm>>) dst(%dma_wait3A_2724 : memref<4x8x128xf32, #tpu.memory_space<vmem>>)
      %dma_wait3A_2729 = arith.constant 4 : i32
      %dma_wait3A_2730 = arith.constant 0 : i32
      %dma_wait3A_2731 = arith.constant 0 : i32
      %dma_wait3A_2732 = arith.constant 0 : i32
      %dma_wait3A_2733 = tpu.memref_slice %arg10[%dma_wait3A_2729, %dma_wait3A_2730, %dma_wait3A_2731, %dma_wait3A_2732] : memref<8x4x8x128xf32, #tpu.memory_space<vmem>> -> memref<1x4x8x128xf32, #tpu.memory_space<vmem>>
      %dma_wait3A_2734 = tpu.memref_squeeze %dma_wait3A_2733 : memref<1x4x8x128xf32, #tpu.memory_space<vmem>> -> memref<4x8x128xf32, #tpu.memory_space<vmem>>
      %dma_wait3A_2735 = arith.constant 0 : i32
      %dma_wait3A_2736 = arith.constant 0 : i32
      %dma_wait3A_2737 = arith.constant 0 : i32
      %dma_wait3A_2738 = tpu.memref_slice %arg4[%dma_wait3A_2735, %dma_wait3A_2736, %dma_wait3A_2737] : memref<4x8x1000000xf32, #tpu.memory_space<hbm>> -> memref<4x8x128xf32, #tpu.memory_space<hbm>>
      %dma_wait3A_2739 = arith.constant 0 : i32
      %dma_wait3A_2740 = arith.constant 0 : i32
      %dma_wait3A_2741 = arith.constant 0 : i32
      %dma_wait3A_2742 = tpu.memref_slice %arg10[%dma_wait3A_2729, %dma_wait3A_2739, %dma_wait3A_2740, %dma_wait3A_2741] : memref<8x4x8x128xf32, #tpu.memory_space<vmem>> -> memref<1x4x8x128xf32, #tpu.memory_space<vmem>>
      %dma_wait3A_2743 = tpu.memref_squeeze %dma_wait3A_2742 : memref<1x4x8x128xf32, #tpu.memory_space<vmem>> -> memref<4x8x128xf32, #tpu.memory_space<vmem>>
      %dma_wait3A_2744 = arith.constant 0 : i32
      %dma_wait3A_2745 = arith.constant 0 : i32
      %dma_wait3A_2746 = arith.constant 0 : i32
      %dma_wait3A_2747 = tpu.memref_slice %arg4[%dma_wait3A_2744, %dma_wait3A_2745, %dma_wait3A_2746] : memref<4x8x1000000xf32, #tpu.memory_space<hbm>> -> memref<4x8x128xf32, #tpu.memory_space<hbm>>
      tpu.wait_dma2 semaphore(%arg18 : memref<!tpu.dma_semaphore, #tpu.memory_space<semaphore_mem>>) src(%dma_wait3A_2747 : memref<4x8x128xf32, #tpu.memory_space<hbm>>) dst(%dma_wait3A_2743 : memref<4x8x128xf32, #tpu.memory_space<vmem>>)
      %rem3A_2748 = arith.constant 128 : i32
      %rem3A_2749 = arith.remsi %reduce_sum3A_1635, %rem3A_2748 : i32
      %broadcast_in_dim3A_2750 = vector.broadcast %rem3A_2749 : i32 to vector<16xi32>
      %rem3A_2751 = arith.constant 128 : i32
      %rem3A_2752 = arith.remsi %reduce_sum3A_1645, %rem3A_2751 : i32
      %broadcast_in_dim3A_2753 = vector.broadcast %rem3A_2752 : i32 to vector<16xi32>
      %gather3A_2754 = arith.constant 4 : i32
      %gather3A_2755 = arith.constant 0 : i32
      %gather3A_2756 = arith.constant 0 : i32
      %gather3A_2757 = arith.constant 0 : i32
      %gather3A_2758 = tpu.memref_slice %arg9[%gather3A_2754, %gather3A_2755, %gather3A_2756, %gather3A_2757] : memref<8x4x8x128xf32, #tpu.memory_space<vmem>> -> memref<1x4x8x128xf32, #tpu.memory_space<vmem>>
      %gather3A_2759 = tpu.memref_squeeze %gather3A_2758 : memref<1x4x8x128xf32, #tpu.memory_space<vmem>> -> memref<4x8x128xf32, #tpu.memory_space<vmem>>
      %gather3A_2760 = tpu.vector_load_idx %gather3A_2759[%select_n3A, %rem3A_37, %broadcast_in_dim3A_2750] : memref<4x8x128xf32, #tpu.memory_space<vmem>>[vector<16xi32>, vector<16xi32>, vector<16xi32>], vector<16xf32>,
      %gather3A_2761 = arith.constant 4 : i32
      %gather3A_2762 = arith.constant 0 : i32
      %gather3A_2763 = arith.constant 0 : i32
      %gather3A_2764 = arith.constant 0 : i32
      %gather3A_2765 = tpu.memref_slice %arg9[%gather3A_2761, %gather3A_2762, %gather3A_2763, %gather3A_2764] : memref<8x4x8x128xf32, #tpu.memory_space<vmem>> -> memref<1x4x8x128xf32, #tpu.memory_space<vmem>>
      %gather3A_2766 = tpu.memref_squeeze %gather3A_2765 : memref<1x4x8x128xf32, #tpu.memory_space<vmem>> -> memref<4x8x128xf32, #tpu.memory_space<vmem>>
      %gather3A_2767 = tpu.vector_load_idx %gather3A_2766[%add3A_34, %rem3A_37, %broadcast_in_dim3A_2750] : memref<4x8x128xf32, #tpu.memory_space<vmem>>[vector<16xi32>, vector<16xi32>, vector<16xi32>], vector<16xf32>,
      %gather3A_2768 = arith.constant 4 : i32
      %gather3A_2769 = arith.constant 0 : i32
      %gather3A_2770 = arith.constant 0 : i32
      %gather3A_2771 = arith.constant 0 : i32
      %gather3A_2772 = tpu.memref_slice %arg10[%gather3A_2768, %gather3A_2769, %gather3A_2770, %gather3A_2771] : memref<8x4x8x128xf32, #tpu.memory_space<vmem>> -> memref<1x4x8x128xf32, #tpu.memory_space<vmem>>
      %gather3A_2773 = tpu.memref_squeeze %gather3A_2772 : memref<1x4x8x128xf32, #tpu.memory_space<vmem>> -> memref<4x8x128xf32, #tpu.memory_space<vmem>>
      %gather3A_2774 = tpu.vector_load_idx %gather3A_2773[%select_n3A, %rem3A_37, %broadcast_in_dim3A_2753] : memref<4x8x128xf32, #tpu.memory_space<vmem>>[vector<16xi32>, vector<16xi32>, vector<16xi32>], vector<16xf32>,
      %gather3A_2775 = arith.constant 4 : i32
      %gather3A_2776 = arith.constant 0 : i32
      %gather3A_2777 = arith.constant 0 : i32
      %gather3A_2778 = arith.constant 0 : i32
      %gather3A_2779 = tpu.memref_slice %arg10[%gather3A_2775, %gather3A_2776, %gather3A_2777, %gather3A_2778] : memref<8x4x8x128xf32, #tpu.memory_space<vmem>> -> memref<1x4x8x128xf32, #tpu.memory_space<vmem>>
      %gather3A_2780 = tpu.memref_squeeze %gather3A_2779 : memref<1x4x8x128xf32, #tpu.memory_space<vmem>> -> memref<4x8x128xf32, #tpu.memory_space<vmem>>
      %gather3A_2781 = tpu.vector_load_idx %gather3A_2780[%add3A_34, %rem3A_37, %broadcast_in_dim3A_2753] : memref<4x8x128xf32, #tpu.memory_space<vmem>>[vector<16xi32>, vector<16xi32>, vector<16xi32>], vector<16xf32>,
      %mul3A_2782 = arith.mulf %gather3A_2760, %gather3A_2774 : vector<16xf32>
      %mul3A_2783 = arith.mulf %gather3A_2767, %gather3A_2781 : vector<16xf32>
      %add3A_2784 = arith.addf %mul3A_2782, %mul3A_2783 : vector<16xf32>
      %reduce_sum3A_2785 = arith.constant true
      %reduce_sum3A_2786 = vector.broadcast %reduce_sum3A_2785 : i1 to vector<16xi1>
      %reduce_sum3A_2787 = tpu.scan <sum>, %add3A_2784 masked %reduce_sum3A_2786 : vector<16xf32>, vector<16xi1> -> vector<16xf32>
      %reduce_sum3A_2788 = vector.extract %reduce_sum3A_2787[15] : f32 from vector<16xf32>
      %eq3A_2789 = arith.constant 12 : i32
      %eq3A_2790 = vector.broadcast %eq3A_2789 : i32 to vector<16xi32>
      %eq3A_2791 = arith.cmpi eq, %iota3A, %eq3A_2790 : vector<16xi32>
      %broadcast_in_dim3A_2792 = vector.broadcast %reduce_sum3A_2788 : f32 to vector<16xf32>
      %select_n3A_2793 = arith.select %eq3A_2791, %broadcast_in_dim3A_2792, %select_n3A_2647 : vector<16xi1>, vector<16xf32>
      %eq3A_2794 = arith.constant 4 : i32
      %eq3A_2795 = vector.broadcast %eq3A_2794 : i32 to vector<16xi32>
      %eq3A_2796 = arith.cmpi eq, %iota3A, %eq3A_2795 : vector<16xi32>
      %jit3A_2797 = arith.constant 0 : i32
      %broadcast_in_dim3A_2798 = vector.broadcast %jit3A_2797 : i32 to vector<16xi32>
      %select_n3A_2799 = arith.select %eq3A_2796, %get3A_752, %broadcast_in_dim3A_2798 : vector<16xi1>, vector<16xi32>
      %reduce_sum3A_2800 = arith.constant true
      %reduce_sum3A_2801 = vector.broadcast %reduce_sum3A_2800 : i1 to vector<16xi1>
      %reduce_sum3A_2802 = tpu.scan <sum>, %select_n3A_2799 masked %reduce_sum3A_2801 : vector<16xi32>, vector<16xi1> -> vector<16xi32>
      %reduce_sum3A_2803 = vector.extract %reduce_sum3A_2802[15] : i32 from vector<16xi32>
      %eq3A_2804 = arith.constant 4 : i32
      %eq3A_2805 = vector.broadcast %eq3A_2804 : i32 to vector<16xi32>
      %eq3A_2806 = arith.cmpi eq, %iota3A, %eq3A_2805 : vector<16xi32>
      %jit3A_2807 = arith.constant 0 : i32
      %broadcast_in_dim3A_2808 = vector.broadcast %jit3A_2807 : i32 to vector<16xi32>
      %select_n3A_2809 = arith.select %eq3A_2806, %get3A_754, %broadcast_in_dim3A_2808 : vector<16xi1>, vector<16xi32>
      %reduce_sum3A_2810 = arith.constant true
      %reduce_sum3A_2811 = vector.broadcast %reduce_sum3A_2810 : i1 to vector<16xi1>
      %reduce_sum3A_2812 = tpu.scan <sum>, %select_n3A_2809 masked %reduce_sum3A_2811 : vector<16xi32>, vector<16xi1> -> vector<16xi32>
      %reduce_sum3A_2813 = vector.extract %reduce_sum3A_2812[15] : i32 from vector<16xi32>
      %rem3A_2814 = arith.constant 128 : i32
      %rem3A_2815 = arith.remsi %reduce_sum3A_2803, %rem3A_2814 : i32
      %sub3A_2816 = arith.subi %reduce_sum3A_2803, %rem3A_2815 : i32
      %multiple_of3A_2817 = tpu.assume_multiple %sub3A_2816, 128 : i32
      %rem3A_2818 = arith.constant 128 : i32
      %rem3A_2819 = arith.remsi %reduce_sum3A_2813, %rem3A_2818 : i32
      %sub3A_2820 = arith.subi %reduce_sum3A_2813, %rem3A_2819 : i32
      %multiple_of3A_2821 = tpu.assume_multiple %sub3A_2820, 128 : i32
      %dma_start3A_2822 = arith.constant 4 : i32
      %dma_start3A_2823 = arith.constant 0 : i32
      %dma_start3A_2824 = arith.constant 0 : i32
      %dma_start3A_2825 = arith.constant 0 : i32
      %dma_start3A_2826 = tpu.memref_slice %arg9[%dma_start3A_2822, %dma_start3A_2823, %dma_start3A_2824, %dma_start3A_2825] : memref<8x4x8x128xf32, #tpu.memory_space<vmem>> -> memref<1x4x8x128xf32, #tpu.memory_space<vmem>>
      %dma_start3A_2827 = tpu.memref_squeeze %dma_start3A_2826 : memref<1x4x8x128xf32, #tpu.memory_space<vmem>> -> memref<4x8x128xf32, #tpu.memory_space<vmem>>
      %dma_start3A_2828 = arith.constant 0 : i32
      %dma_start3A_2829 = arith.constant 0 : i32
      %dma_start3A_2830 = tpu.memref_slice %arg3[%dma_start3A_2828, %dma_start3A_2829, %multiple_of3A_2817] : memref<4x8x1000000xf32, #tpu.memory_space<hbm>> -> memref<4x8x128xf32, #tpu.memory_space<hbm>>
      %dma_start3A_2831 = arith.constant 0 : i32
      %dma_start3A_2832 = arith.constant 0 : i32
      %dma_start3A_2833 = arith.constant 0 : i32
      %dma_start3A_2834 = tpu.memref_slice %arg9[%dma_start3A_2822, %dma_start3A_2831, %dma_start3A_2832, %dma_start3A_2833] : memref<8x4x8x128xf32, #tpu.memory_space<vmem>> -> memref<1x4x8x128xf32, #tpu.memory_space<vmem>>
      %dma_start3A_2835 = tpu.memref_squeeze %dma_start3A_2834 : memref<1x4x8x128xf32, #tpu.memory_space<vmem>> -> memref<4x8x128xf32, #tpu.memory_space<vmem>>
      %dma_start3A_2836 = arith.constant 0 : i32
      %dma_start3A_2837 = arith.constant 0 : i32
      %dma_start3A_2838 = tpu.memref_slice %arg3[%dma_start3A_2836, %dma_start3A_2837, %multiple_of3A_2817] : memref<4x8x1000000xf32, #tpu.memory_space<hbm>> -> memref<4x8x128xf32, #tpu.memory_space<hbm>>
      tpu.enqueue_dma source(%dma_start3A_2838 : memref<4x8x128xf32, #tpu.memory_space<hbm>>) target(%dma_start3A_2835 : memref<4x8x128xf32, #tpu.memory_space<vmem>>) target_semaphore(%arg18 : memref<!tpu.dma_semaphore, #tpu.memory_space<semaphore_mem>>)
      %dma_start3A_2839 = arith.constant 4 : i32
      %dma_start3A_2840 = arith.constant 0 : i32
      %dma_start3A_2841 = arith.constant 0 : i32
      %dma_start3A_2842 = arith.constant 0 : i32
      %dma_start3A_2843 = tpu.memref_slice %arg10[%dma_start3A_2839, %dma_start3A_2840, %dma_start3A_2841, %dma_start3A_2842] : memref<8x4x8x128xf32, #tpu.memory_space<vmem>> -> memref<1x4x8x128xf32, #tpu.memory_space<vmem>>
      %dma_start3A_2844 = tpu.memref_squeeze %dma_start3A_2843 : memref<1x4x8x128xf32, #tpu.memory_space<vmem>> -> memref<4x8x128xf32, #tpu.memory_space<vmem>>
      %dma_start3A_2845 = arith.constant 0 : i32
      %dma_start3A_2846 = arith.constant 0 : i32
      %dma_start3A_2847 = tpu.memref_slice %arg4[%dma_start3A_2845, %dma_start3A_2846, %multiple_of3A_2821] : memref<4x8x1000000xf32, #tpu.memory_space<hbm>> -> memref<4x8x128xf32, #tpu.memory_space<hbm>>
      %dma_start3A_2848 = arith.constant 0 : i32
      %dma_start3A_2849 = arith.constant 0 : i32
      %dma_start3A_2850 = arith.constant 0 : i32
      %dma_start3A_2851 = tpu.memref_slice %arg10[%dma_start3A_2839, %dma_start3A_2848, %dma_start3A_2849, %dma_start3A_2850] : memref<8x4x8x128xf32, #tpu.memory_space<vmem>> -> memref<1x4x8x128xf32, #tpu.memory_space<vmem>>
      %dma_start3A_2852 = tpu.memref_squeeze %dma_start3A_2851 : memref<1x4x8x128xf32, #tpu.memory_space<vmem>> -> memref<4x8x128xf32, #tpu.memory_space<vmem>>
      %dma_start3A_2853 = arith.constant 0 : i32
      %dma_start3A_2854 = arith.constant 0 : i32
      %dma_start3A_2855 = tpu.memref_slice %arg4[%dma_start3A_2853, %dma_start3A_2854, %multiple_of3A_2821] : memref<4x8x1000000xf32, #tpu.memory_space<hbm>> -> memref<4x8x128xf32, #tpu.memory_space<hbm>>
      tpu.enqueue_dma source(%dma_start3A_2855 : memref<4x8x128xf32, #tpu.memory_space<hbm>>) target(%dma_start3A_2852 : memref<4x8x128xf32, #tpu.memory_space<vmem>>) target_semaphore(%arg18 : memref<!tpu.dma_semaphore, #tpu.memory_space<semaphore_mem>>)
      %dma_wait3A_2856 = arith.constant 5 : i32
      %dma_wait3A_2857 = arith.constant 0 : i32
      %dma_wait3A_2858 = arith.constant 0 : i32
      %dma_wait3A_2859 = arith.constant 0 : i32
      %dma_wait3A_2860 = tpu.memref_slice %arg9[%dma_wait3A_2856, %dma_wait3A_2857, %dma_wait3A_2858, %dma_wait3A_2859] : memref<8x4x8x128xf32, #tpu.memory_space<vmem>> -> memref<1x4x8x128xf32, #tpu.memory_space<vmem>>
      %dma_wait3A_2861 = tpu.memref_squeeze %dma_wait3A_2860 : memref<1x4x8x128xf32, #tpu.memory_space<vmem>> -> memref<4x8x128xf32, #tpu.memory_space<vmem>>
      %dma_wait3A_2862 = arith.constant 0 : i32
      %dma_wait3A_2863 = arith.constant 0 : i32
      %dma_wait3A_2864 = arith.constant 0 : i32
      %dma_wait3A_2865 = tpu.memref_slice %arg3[%dma_wait3A_2862, %dma_wait3A_2863, %dma_wait3A_2864] : memref<4x8x1000000xf32, #tpu.memory_space<hbm>> -> memref<4x8x128xf32, #tpu.memory_space<hbm>>
      %dma_wait3A_2866 = arith.constant 0 : i32
      %dma_wait3A_2867 = arith.constant 0 : i32
      %dma_wait3A_2868 = arith.constant 0 : i32
      %dma_wait3A_2869 = tpu.memref_slice %arg9[%dma_wait3A_2856, %dma_wait3A_2866, %dma_wait3A_2867, %dma_wait3A_2868] : memref<8x4x8x128xf32, #tpu.memory_space<vmem>> -> memref<1x4x8x128xf32, #tpu.memory_space<vmem>>
      %dma_wait3A_2870 = tpu.memref_squeeze %dma_wait3A_2869 : memref<1x4x8x128xf32, #tpu.memory_space<vmem>> -> memref<4x8x128xf32, #tpu.memory_space<vmem>>
      %dma_wait3A_2871 = arith.constant 0 : i32
      %dma_wait3A_2872 = arith.constant 0 : i32
      %dma_wait3A_2873 = arith.constant 0 : i32
      %dma_wait3A_2874 = tpu.memref_slice %arg3[%dma_wait3A_2871, %dma_wait3A_2872, %dma_wait3A_2873] : memref<4x8x1000000xf32, #tpu.memory_space<hbm>> -> memref<4x8x128xf32, #tpu.memory_space<hbm>>
      tpu.wait_dma2 semaphore(%arg19 : memref<!tpu.dma_semaphore, #tpu.memory_space<semaphore_mem>>) src(%dma_wait3A_2874 : memref<4x8x128xf32, #tpu.memory_space<hbm>>) dst(%dma_wait3A_2870 : memref<4x8x128xf32, #tpu.memory_space<vmem>>)
      %dma_wait3A_2875 = arith.constant 5 : i32
      %dma_wait3A_2876 = arith.constant 0 : i32
      %dma_wait3A_2877 = arith.constant 0 : i32
      %dma_wait3A_2878 = arith.constant 0 : i32
      %dma_wait3A_2879 = tpu.memref_slice %arg10[%dma_wait3A_2875, %dma_wait3A_2876, %dma_wait3A_2877, %dma_wait3A_2878] : memref<8x4x8x128xf32, #tpu.memory_space<vmem>> -> memref<1x4x8x128xf32, #tpu.memory_space<vmem>>
      %dma_wait3A_2880 = tpu.memref_squeeze %dma_wait3A_2879 : memref<1x4x8x128xf32, #tpu.memory_space<vmem>> -> memref<4x8x128xf32, #tpu.memory_space<vmem>>
      %dma_wait3A_2881 = arith.constant 0 : i32
      %dma_wait3A_2882 = arith.constant 0 : i32
      %dma_wait3A_2883 = arith.constant 0 : i32
      %dma_wait3A_2884 = tpu.memref_slice %arg4[%dma_wait3A_2881, %dma_wait3A_2882, %dma_wait3A_2883] : memref<4x8x1000000xf32, #tpu.memory_space<hbm>> -> memref<4x8x128xf32, #tpu.memory_space<hbm>>
      %dma_wait3A_2885 = arith.constant 0 : i32
      %dma_wait3A_2886 = arith.constant 0 : i32
      %dma_wait3A_2887 = arith.constant 0 : i32
      %dma_wait3A_2888 = tpu.memref_slice %arg10[%dma_wait3A_2875, %dma_wait3A_2885, %dma_wait3A_2886, %dma_wait3A_2887] : memref<8x4x8x128xf32, #tpu.memory_space<vmem>> -> memref<1x4x8x128xf32, #tpu.memory_space<vmem>>
      %dma_wait3A_2889 = tpu.memref_squeeze %dma_wait3A_2888 : memref<1x4x8x128xf32, #tpu.memory_space<vmem>> -> memref<4x8x128xf32, #tpu.memory_space<vmem>>
      %dma_wait3A_2890 = arith.constant 0 : i32
      %dma_wait3A_2891 = arith.constant 0 : i32
      %dma_wait3A_2892 = arith.constant 0 : i32
      %dma_wait3A_2893 = tpu.memref_slice %arg4[%dma_wait3A_2890, %dma_wait3A_2891, %dma_wait3A_2892] : memref<4x8x1000000xf32, #tpu.memory_space<hbm>> -> memref<4x8x128xf32, #tpu.memory_space<hbm>>
      tpu.wait_dma2 semaphore(%arg19 : memref<!tpu.dma_semaphore, #tpu.memory_space<semaphore_mem>>) src(%dma_wait3A_2893 : memref<4x8x128xf32, #tpu.memory_space<hbm>>) dst(%dma_wait3A_2889 : memref<4x8x128xf32, #tpu.memory_space<vmem>>)
      %rem3A_2894 = arith.constant 128 : i32
      %rem3A_2895 = arith.remsi %reduce_sum3A_1781, %rem3A_2894 : i32
      %broadcast_in_dim3A_2896 = vector.broadcast %rem3A_2895 : i32 to vector<16xi32>
      %rem3A_2897 = arith.constant 128 : i32
      %rem3A_2898 = arith.remsi %reduce_sum3A_1791, %rem3A_2897 : i32
      %broadcast_in_dim3A_2899 = vector.broadcast %rem3A_2898 : i32 to vector<16xi32>
      %gather3A_2900 = arith.constant 5 : i32
      %gather3A_2901 = arith.constant 0 : i32
      %gather3A_2902 = arith.constant 0 : i32
      %gather3A_2903 = arith.constant 0 : i32
      %gather3A_2904 = tpu.memref_slice %arg9[%gather3A_2900, %gather3A_2901, %gather3A_2902, %gather3A_2903] : memref<8x4x8x128xf32, #tpu.memory_space<vmem>> -> memref<1x4x8x128xf32, #tpu.memory_space<vmem>>
      %gather3A_2905 = tpu.memref_squeeze %gather3A_2904 : memref<1x4x8x128xf32, #tpu.memory_space<vmem>> -> memref<4x8x128xf32, #tpu.memory_space<vmem>>
      %gather3A_2906 = tpu.vector_load_idx %gather3A_2905[%select_n3A, %rem3A_37, %broadcast_in_dim3A_2896] : memref<4x8x128xf32, #tpu.memory_space<vmem>>[vector<16xi32>, vector<16xi32>, vector<16xi32>], vector<16xf32>,
      %gather3A_2907 = arith.constant 5 : i32
      %gather3A_2908 = arith.constant 0 : i32
      %gather3A_2909 = arith.constant 0 : i32
      %gather3A_2910 = arith.constant 0 : i32
      %gather3A_2911 = tpu.memref_slice %arg9[%gather3A_2907, %gather3A_2908, %gather3A_2909, %gather3A_2910] : memref<8x4x8x128xf32, #tpu.memory_space<vmem>> -> memref<1x4x8x128xf32, #tpu.memory_space<vmem>>
      %gather3A_2912 = tpu.memref_squeeze %gather3A_2911 : memref<1x4x8x128xf32, #tpu.memory_space<vmem>> -> memref<4x8x128xf32, #tpu.memory_space<vmem>>
      %gather3A_2913 = tpu.vector_load_idx %gather3A_2912[%add3A_34, %rem3A_37, %broadcast_in_dim3A_2896] : memref<4x8x128xf32, #tpu.memory_space<vmem>>[vector<16xi32>, vector<16xi32>, vector<16xi32>], vector<16xf32>,
      %gather3A_2914 = arith.constant 5 : i32
      %gather3A_2915 = arith.constant 0 : i32
      %gather3A_2916 = arith.constant 0 : i32
      %gather3A_2917 = arith.constant 0 : i32
      %gather3A_2918 = tpu.memref_slice %arg10[%gather3A_2914, %gather3A_2915, %gather3A_2916, %gather3A_2917] : memref<8x4x8x128xf32, #tpu.memory_space<vmem>> -> memref<1x4x8x128xf32, #tpu.memory_space<vmem>>
      %gather3A_2919 = tpu.memref_squeeze %gather3A_2918 : memref<1x4x8x128xf32, #tpu.memory_space<vmem>> -> memref<4x8x128xf32, #tpu.memory_space<vmem>>
      %gather3A_2920 = tpu.vector_load_idx %gather3A_2919[%select_n3A, %rem3A_37, %broadcast_in_dim3A_2899] : memref<4x8x128xf32, #tpu.memory_space<vmem>>[vector<16xi32>, vector<16xi32>, vector<16xi32>], vector<16xf32>,
      %gather3A_2921 = arith.constant 5 : i32
      %gather3A_2922 = arith.constant 0 : i32
      %gather3A_2923 = arith.constant 0 : i32
      %gather3A_2924 = arith.constant 0 : i32
      %gather3A_2925 = tpu.memref_slice %arg10[%gather3A_2921, %gather3A_2922, %gather3A_2923, %gather3A_2924] : memref<8x4x8x128xf32, #tpu.memory_space<vmem>> -> memref<1x4x8x128xf32, #tpu.memory_space<vmem>>
      %gather3A_2926 = tpu.memref_squeeze %gather3A_2925 : memref<1x4x8x128xf32, #tpu.memory_space<vmem>> -> memref<4x8x128xf32, #tpu.memory_space<vmem>>
      %gather3A_2927 = tpu.vector_load_idx %gather3A_2926[%add3A_34, %rem3A_37, %broadcast_in_dim3A_2899] : memref<4x8x128xf32, #tpu.memory_space<vmem>>[vector<16xi32>, vector<16xi32>, vector<16xi32>], vector<16xf32>,
      %mul3A_2928 = arith.mulf %gather3A_2906, %gather3A_2920 : vector<16xf32>
      %mul3A_2929 = arith.mulf %gather3A_2913, %gather3A_2927 : vector<16xf32>
      %add3A_2930 = arith.addf %mul3A_2928, %mul3A_2929 : vector<16xf32>
      %reduce_sum3A_2931 = arith.constant true
      %reduce_sum3A_2932 = vector.broadcast %reduce_sum3A_2931 : i1 to vector<16xi1>
      %reduce_sum3A_2933 = tpu.scan <sum>, %add3A_2930 masked %reduce_sum3A_2932 : vector<16xf32>, vector<16xi1> -> vector<16xf32>
      %reduce_sum3A_2934 = vector.extract %reduce_sum3A_2933[15] : f32 from vector<16xf32>
      %eq3A_2935 = arith.constant 13 : i32
      %eq3A_2936 = vector.broadcast %eq3A_2935 : i32 to vector<16xi32>
      %eq3A_2937 = arith.cmpi eq, %iota3A, %eq3A_2936 : vector<16xi32>
      %broadcast_in_dim3A_2938 = vector.broadcast %reduce_sum3A_2934 : f32 to vector<16xf32>
      %select_n3A_2939 = arith.select %eq3A_2937, %broadcast_in_dim3A_2938, %select_n3A_2793 : vector<16xi1>, vector<16xf32>
      %eq3A_2940 = arith.constant 5 : i32
      %eq3A_2941 = vector.broadcast %eq3A_2940 : i32 to vector<16xi32>
      %eq3A_2942 = arith.cmpi eq, %iota3A, %eq3A_2941 : vector<16xi32>
      %jit3A_2943 = arith.constant 0 : i32
      %broadcast_in_dim3A_2944 = vector.broadcast %jit3A_2943 : i32 to vector<16xi32>
      %select_n3A_2945 = arith.select %eq3A_2942, %get3A_752, %broadcast_in_dim3A_2944 : vector<16xi1>, vector<16xi32>
      %reduce_sum3A_2946 = arith.constant true
      %reduce_sum3A_2947 = vector.broadcast %reduce_sum3A_2946 : i1 to vector<16xi1>
      %reduce_sum3A_2948 = tpu.scan <sum>, %select_n3A_2945 masked %reduce_sum3A_2947 : vector<16xi32>, vector<16xi1> -> vector<16xi32>
      %reduce_sum3A_2949 = vector.extract %reduce_sum3A_2948[15] : i32 from vector<16xi32>
      %eq3A_2950 = arith.constant 5 : i32
      %eq3A_2951 = vector.broadcast %eq3A_2950 : i32 to vector<16xi32>
      %eq3A_2952 = arith.cmpi eq, %iota3A, %eq3A_2951 : vector<16xi32>
      %jit3A_2953 = arith.constant 0 : i32
      %broadcast_in_dim3A_2954 = vector.broadcast %jit3A_2953 : i32 to vector<16xi32>
      %select_n3A_2955 = arith.select %eq3A_2952, %get3A_754, %broadcast_in_dim3A_2954 : vector<16xi1>, vector<16xi32>
      %reduce_sum3A_2956 = arith.constant true
      %reduce_sum3A_2957 = vector.broadcast %reduce_sum3A_2956 : i1 to vector<16xi1>
      %reduce_sum3A_2958 = tpu.scan <sum>, %select_n3A_2955 masked %reduce_sum3A_2957 : vector<16xi32>, vector<16xi1> -> vector<16xi32>
      %reduce_sum3A_2959 = vector.extract %reduce_sum3A_2958[15] : i32 from vector<16xi32>
      %rem3A_2960 = arith.constant 128 : i32
      %rem3A_2961 = arith.remsi %reduce_sum3A_2949, %rem3A_2960 : i32
      %sub3A_2962 = arith.subi %reduce_sum3A_2949, %rem3A_2961 : i32
      %multiple_of3A_2963 = tpu.assume_multiple %sub3A_2962, 128 : i32
      %rem3A_2964 = arith.constant 128 : i32
      %rem3A_2965 = arith.remsi %reduce_sum3A_2959, %rem3A_2964 : i32
      %sub3A_2966 = arith.subi %reduce_sum3A_2959, %rem3A_2965 : i32
      %multiple_of3A_2967 = tpu.assume_multiple %sub3A_2966, 128 : i32
      %dma_start3A_2968 = arith.constant 5 : i32
      %dma_start3A_2969 = arith.constant 0 : i32
      %dma_start3A_2970 = arith.constant 0 : i32
      %dma_start3A_2971 = arith.constant 0 : i32
      %dma_start3A_2972 = tpu.memref_slice %arg9[%dma_start3A_2968, %dma_start3A_2969, %dma_start3A_2970, %dma_start3A_2971] : memref<8x4x8x128xf32, #tpu.memory_space<vmem>> -> memref<1x4x8x128xf32, #tpu.memory_space<vmem>>
      %dma_start3A_2973 = tpu.memref_squeeze %dma_start3A_2972 : memref<1x4x8x128xf32, #tpu.memory_space<vmem>> -> memref<4x8x128xf32, #tpu.memory_space<vmem>>
      %dma_start3A_2974 = arith.constant 0 : i32
      %dma_start3A_2975 = arith.constant 0 : i32
      %dma_start3A_2976 = tpu.memref_slice %arg3[%dma_start3A_2974, %dma_start3A_2975, %multiple_of3A_2963] : memref<4x8x1000000xf32, #tpu.memory_space<hbm>> -> memref<4x8x128xf32, #tpu.memory_space<hbm>>
      %dma_start3A_2977 = arith.constant 0 : i32
      %dma_start3A_2978 = arith.constant 0 : i32
      %dma_start3A_2979 = arith.constant 0 : i32
      %dma_start3A_2980 = tpu.memref_slice %arg9[%dma_start3A_2968, %dma_start3A_2977, %dma_start3A_2978, %dma_start3A_2979] : memref<8x4x8x128xf32, #tpu.memory_space<vmem>> -> memref<1x4x8x128xf32, #tpu.memory_space<vmem>>
      %dma_start3A_2981 = tpu.memref_squeeze %dma_start3A_2980 : memref<1x4x8x128xf32, #tpu.memory_space<vmem>> -> memref<4x8x128xf32, #tpu.memory_space<vmem>>
      %dma_start3A_2982 = arith.constant 0 : i32
      %dma_start3A_2983 = arith.constant 0 : i32
      %dma_start3A_2984 = tpu.memref_slice %arg3[%dma_start3A_2982, %dma_start3A_2983, %multiple_of3A_2963] : memref<4x8x1000000xf32, #tpu.memory_space<hbm>> -> memref<4x8x128xf32, #tpu.memory_space<hbm>>
      tpu.enqueue_dma source(%dma_start3A_2984 : memref<4x8x128xf32, #tpu.memory_space<hbm>>) target(%dma_start3A_2981 : memref<4x8x128xf32, #tpu.memory_space<vmem>>) target_semaphore(%arg19 : memref<!tpu.dma_semaphore, #tpu.memory_space<semaphore_mem>>)
      %dma_start3A_2985 = arith.constant 5 : i32
      %dma_start3A_2986 = arith.constant 0 : i32
      %dma_start3A_2987 = arith.constant 0 : i32
      %dma_start3A_2988 = arith.constant 0 : i32
      %dma_start3A_2989 = tpu.memref_slice %arg10[%dma_start3A_2985, %dma_start3A_2986, %dma_start3A_2987, %dma_start3A_2988] : memref<8x4x8x128xf32, #tpu.memory_space<vmem>> -> memref<1x4x8x128xf32, #tpu.memory_space<vmem>>
      %dma_start3A_2990 = tpu.memref_squeeze %dma_start3A_2989 : memref<1x4x8x128xf32, #tpu.memory_space<vmem>> -> memref<4x8x128xf32, #tpu.memory_space<vmem>>
      %dma_start3A_2991 = arith.constant 0 : i32
      %dma_start3A_2992 = arith.constant 0 : i32
      %dma_start3A_2993 = tpu.memref_slice %arg4[%dma_start3A_2991, %dma_start3A_2992, %multiple_of3A_2967] : memref<4x8x1000000xf32, #tpu.memory_space<hbm>> -> memref<4x8x128xf32, #tpu.memory_space<hbm>>
      %dma_start3A_2994 = arith.constant 0 : i32
      %dma_start3A_2995 = arith.constant 0 : i32
      %dma_start3A_2996 = arith.constant 0 : i32
      %dma_start3A_2997 = tpu.memref_slice %arg10[%dma_start3A_2985, %dma_start3A_2994, %dma_start3A_2995, %dma_start3A_2996] : memref<8x4x8x128xf32, #tpu.memory_space<vmem>> -> memref<1x4x8x128xf32, #tpu.memory_space<vmem>>
      %dma_start3A_2998 = tpu.memref_squeeze %dma_start3A_2997 : memref<1x4x8x128xf32, #tpu.memory_space<vmem>> -> memref<4x8x128xf32, #tpu.memory_space<vmem>>
      %dma_start3A_2999 = arith.constant 0 : i32
      %dma_start3A_3000 = arith.constant 0 : i32
      %dma_start3A_3001 = tpu.memref_slice %arg4[%dma_start3A_2999, %dma_start3A_3000, %multiple_of3A_2967] : memref<4x8x1000000xf32, #tpu.memory_space<hbm>> -> memref<4x8x128xf32, #tpu.memory_space<hbm>>
      tpu.enqueue_dma source(%dma_start3A_3001 : memref<4x8x128xf32, #tpu.memory_space<hbm>>) target(%dma_start3A_2998 : memref<4x8x128xf32, #tpu.memory_space<vmem>>) target_semaphore(%arg19 : memref<!tpu.dma_semaphore, #tpu.memory_space<semaphore_mem>>)
      %dma_wait3A_3002 = arith.constant 6 : i32
      %dma_wait3A_3003 = arith.constant 0 : i32
      %dma_wait3A_3004 = arith.constant 0 : i32
      %dma_wait3A_3005 = arith.constant 0 : i32
      %dma_wait3A_3006 = tpu.memref_slice %arg9[%dma_wait3A_3002, %dma_wait3A_3003, %dma_wait3A_3004, %dma_wait3A_3005] : memref<8x4x8x128xf32, #tpu.memory_space<vmem>> -> memref<1x4x8x128xf32, #tpu.memory_space<vmem>>
      %dma_wait3A_3007 = tpu.memref_squeeze %dma_wait3A_3006 : memref<1x4x8x128xf32, #tpu.memory_space<vmem>> -> memref<4x8x128xf32, #tpu.memory_space<vmem>>
      %dma_wait3A_3008 = arith.constant 0 : i32
      %dma_wait3A_3009 = arith.constant 0 : i32
      %dma_wait3A_3010 = arith.constant 0 : i32
      %dma_wait3A_3011 = tpu.memref_slice %arg3[%dma_wait3A_3008, %dma_wait3A_3009, %dma_wait3A_3010] : memref<4x8x1000000xf32, #tpu.memory_space<hbm>> -> memref<4x8x128xf32, #tpu.memory_space<hbm>>
      %dma_wait3A_3012 = arith.constant 0 : i32
      %dma_wait3A_3013 = arith.constant 0 : i32
      %dma_wait3A_3014 = arith.constant 0 : i32
      %dma_wait3A_3015 = tpu.memref_slice %arg9[%dma_wait3A_3002, %dma_wait3A_3012, %dma_wait3A_3013, %dma_wait3A_3014] : memref<8x4x8x128xf32, #tpu.memory_space<vmem>> -> memref<1x4x8x128xf32, #tpu.memory_space<vmem>>
      %dma_wait3A_3016 = tpu.memref_squeeze %dma_wait3A_3015 : memref<1x4x8x128xf32, #tpu.memory_space<vmem>> -> memref<4x8x128xf32, #tpu.memory_space<vmem>>
      %dma_wait3A_3017 = arith.constant 0 : i32
      %dma_wait3A_3018 = arith.constant 0 : i32
      %dma_wait3A_3019 = arith.constant 0 : i32
      %dma_wait3A_3020 = tpu.memref_slice %arg3[%dma_wait3A_3017, %dma_wait3A_3018, %dma_wait3A_3019] : memref<4x8x1000000xf32, #tpu.memory_space<hbm>> -> memref<4x8x128xf32, #tpu.memory_space<hbm>>
      tpu.wait_dma2 semaphore(%arg20 : memref<!tpu.dma_semaphore, #tpu.memory_space<semaphore_mem>>) src(%dma_wait3A_3020 : memref<4x8x128xf32, #tpu.memory_space<hbm>>) dst(%dma_wait3A_3016 : memref<4x8x128xf32, #tpu.memory_space<vmem>>)
      %dma_wait3A_3021 = arith.constant 6 : i32
      %dma_wait3A_3022 = arith.constant 0 : i32
      %dma_wait3A_3023 = arith.constant 0 : i32
      %dma_wait3A_3024 = arith.constant 0 : i32
      %dma_wait3A_3025 = tpu.memref_slice %arg10[%dma_wait3A_3021, %dma_wait3A_3022, %dma_wait3A_3023, %dma_wait3A_3024] : memref<8x4x8x128xf32, #tpu.memory_space<vmem>> -> memref<1x4x8x128xf32, #tpu.memory_space<vmem>>
      %dma_wait3A_3026 = tpu.memref_squeeze %dma_wait3A_3025 : memref<1x4x8x128xf32, #tpu.memory_space<vmem>> -> memref<4x8x128xf32, #tpu.memory_space<vmem>>
      %dma_wait3A_3027 = arith.constant 0 : i32
      %dma_wait3A_3028 = arith.constant 0 : i32
      %dma_wait3A_3029 = arith.constant 0 : i32
      %dma_wait3A_3030 = tpu.memref_slice %arg4[%dma_wait3A_3027, %dma_wait3A_3028, %dma_wait3A_3029] : memref<4x8x1000000xf32, #tpu.memory_space<hbm>> -> memref<4x8x128xf32, #tpu.memory_space<hbm>>
      %dma_wait3A_3031 = arith.constant 0 : i32
      %dma_wait3A_3032 = arith.constant 0 : i32
      %dma_wait3A_3033 = arith.constant 0 : i32
      %dma_wait3A_3034 = tpu.memref_slice %arg10[%dma_wait3A_3021, %dma_wait3A_3031, %dma_wait3A_3032, %dma_wait3A_3033] : memref<8x4x8x128xf32, #tpu.memory_space<vmem>> -> memref<1x4x8x128xf32, #tpu.memory_space<vmem>>
      %dma_wait3A_3035 = tpu.memref_squeeze %dma_wait3A_3034 : memref<1x4x8x128xf32, #tpu.memory_space<vmem>> -> memref<4x8x128xf32, #tpu.memory_space<vmem>>
      %dma_wait3A_3036 = arith.constant 0 : i32
      %dma_wait3A_3037 = arith.constant 0 : i32
      %dma_wait3A_3038 = arith.constant 0 : i32
      %dma_wait3A_3039 = tpu.memref_slice %arg4[%dma_wait3A_3036, %dma_wait3A_3037, %dma_wait3A_3038] : memref<4x8x1000000xf32, #tpu.memory_space<hbm>> -> memref<4x8x128xf32, #tpu.memory_space<hbm>>
      tpu.wait_dma2 semaphore(%arg20 : memref<!tpu.dma_semaphore, #tpu.memory_space<semaphore_mem>>) src(%dma_wait3A_3039 : memref<4x8x128xf32, #tpu.memory_space<hbm>>) dst(%dma_wait3A_3035 : memref<4x8x128xf32, #tpu.memory_space<vmem>>)
      %rem3A_3040 = arith.constant 128 : i32
      %rem3A_3041 = arith.remsi %reduce_sum3A_1927, %rem3A_3040 : i32
      %broadcast_in_dim3A_3042 = vector.broadcast %rem3A_3041 : i32 to vector<16xi32>
      %rem3A_3043 = arith.constant 128 : i32
      %rem3A_3044 = arith.remsi %reduce_sum3A_1937, %rem3A_3043 : i32
      %broadcast_in_dim3A_3045 = vector.broadcast %rem3A_3044 : i32 to vector<16xi32>
      %gather3A_3046 = arith.constant 6 : i32
      %gather3A_3047 = arith.constant 0 : i32
      %gather3A_3048 = arith.constant 0 : i32
      %gather3A_3049 = arith.constant 0 : i32
      %gather3A_3050 = tpu.memref_slice %arg9[%gather3A_3046, %gather3A_3047, %gather3A_3048, %gather3A_3049] : memref<8x4x8x128xf32, #tpu.memory_space<vmem>> -> memref<1x4x8x128xf32, #tpu.memory_space<vmem>>
      %gather3A_3051 = tpu.memref_squeeze %gather3A_3050 : memref<1x4x8x128xf32, #tpu.memory_space<vmem>> -> memref<4x8x128xf32, #tpu.memory_space<vmem>>
      %gather3A_3052 = tpu.vector_load_idx %gather3A_3051[%select_n3A, %rem3A_37, %broadcast_in_dim3A_3042] : memref<4x8x128xf32, #tpu.memory_space<vmem>>[vector<16xi32>, vector<16xi32>, vector<16xi32>], vector<16xf32>,
      %gather3A_3053 = arith.constant 6 : i32
      %gather3A_3054 = arith.constant 0 : i32
      %gather3A_3055 = arith.constant 0 : i32
      %gather3A_3056 = arith.constant 0 : i32
      %gather3A_3057 = tpu.memref_slice %arg9[%gather3A_3053, %gather3A_3054, %gather3A_3055, %gather3A_3056] : memref<8x4x8x128xf32, #tpu.memory_space<vmem>> -> memref<1x4x8x128xf32, #tpu.memory_space<vmem>>
      %gather3A_3058 = tpu.memref_squeeze %gather3A_3057 : memref<1x4x8x128xf32, #tpu.memory_space<vmem>> -> memref<4x8x128xf32, #tpu.memory_space<vmem>>
      %gather3A_3059 = tpu.vector_load_idx %gather3A_3058[%add3A_34, %rem3A_37, %broadcast_in_dim3A_3042] : memref<4x8x128xf32, #tpu.memory_space<vmem>>[vector<16xi32>, vector<16xi32>, vector<16xi32>], vector<16xf32>,
      %gather3A_3060 = arith.constant 6 : i32
      %gather3A_3061 = arith.constant 0 : i32
      %gather3A_3062 = arith.constant 0 : i32
      %gather3A_3063 = arith.constant 0 : i32
      %gather3A_3064 = tpu.memref_slice %arg10[%gather3A_3060, %gather3A_3061, %gather3A_3062, %gather3A_3063] : memref<8x4x8x128xf32, #tpu.memory_space<vmem>> -> memref<1x4x8x128xf32, #tpu.memory_space<vmem>>
      %gather3A_3065 = tpu.memref_squeeze %gather3A_3064 : memref<1x4x8x128xf32, #tpu.memory_space<vmem>> -> memref<4x8x128xf32, #tpu.memory_space<vmem>>
      %gather3A_3066 = tpu.vector_load_idx %gather3A_3065[%select_n3A, %rem3A_37, %broadcast_in_dim3A_3045] : memref<4x8x128xf32, #tpu.memory_space<vmem>>[vector<16xi32>, vector<16xi32>, vector<16xi32>], vector<16xf32>,
      %gather3A_3067 = arith.constant 6 : i32
      %gather3A_3068 = arith.constant 0 : i32
      %gather3A_3069 = arith.constant 0 : i32
      %gather3A_3070 = arith.constant 0 : i32
      %gather3A_3071 = tpu.memref_slice %arg10[%gather3A_3067, %gather3A_3068, %gather3A_3069, %gather3A_3070] : memref<8x4x8x128xf32, #tpu.memory_space<vmem>> -> memref<1x4x8x128xf32, #tpu.memory_space<vmem>>
      %gather3A_3072 = tpu.memref_squeeze %gather3A_3071 : memref<1x4x8x128xf32, #tpu.memory_space<vmem>> -> memref<4x8x128xf32, #tpu.memory_space<vmem>>
      %gather3A_3073 = tpu.vector_load_idx %gather3A_3072[%add3A_34, %rem3A_37, %broadcast_in_dim3A_3045] : memref<4x8x128xf32, #tpu.memory_space<vmem>>[vector<16xi32>, vector<16xi32>, vector<16xi32>], vector<16xf32>,
      %mul3A_3074 = arith.mulf %gather3A_3052, %gather3A_3066 : vector<16xf32>
      %mul3A_3075 = arith.mulf %gather3A_3059, %gather3A_3073 : vector<16xf32>
      %add3A_3076 = arith.addf %mul3A_3074, %mul3A_3075 : vector<16xf32>
      %reduce_sum3A_3077 = arith.constant true
      %reduce_sum3A_3078 = vector.broadcast %reduce_sum3A_3077 : i1 to vector<16xi1>
      %reduce_sum3A_3079 = tpu.scan <sum>, %add3A_3076 masked %reduce_sum3A_3078 : vector<16xf32>, vector<16xi1> -> vector<16xf32>
      %reduce_sum3A_3080 = vector.extract %reduce_sum3A_3079[15] : f32 from vector<16xf32>
      %eq3A_3081 = arith.constant 14 : i32
      %eq3A_3082 = vector.broadcast %eq3A_3081 : i32 to vector<16xi32>
      %eq3A_3083 = arith.cmpi eq, %iota3A, %eq3A_3082 : vector<16xi32>
      %broadcast_in_dim3A_3084 = vector.broadcast %reduce_sum3A_3080 : f32 to vector<16xf32>
      %select_n3A_3085 = arith.select %eq3A_3083, %broadcast_in_dim3A_3084, %select_n3A_2939 : vector<16xi1>, vector<16xf32>
      %eq3A_3086 = arith.constant 6 : i32
      %eq3A_3087 = vector.broadcast %eq3A_3086 : i32 to vector<16xi32>
      %eq3A_3088 = arith.cmpi eq, %iota3A, %eq3A_3087 : vector<16xi32>
      %jit3A_3089 = arith.constant 0 : i32
      %broadcast_in_dim3A_3090 = vector.broadcast %jit3A_3089 : i32 to vector<16xi32>
      %select_n3A_3091 = arith.select %eq3A_3088, %get3A_752, %broadcast_in_dim3A_3090 : vector<16xi1>, vector<16xi32>
      %reduce_sum3A_3092 = arith.constant true
      %reduce_sum3A_3093 = vector.broadcast %reduce_sum3A_3092 : i1 to vector<16xi1>
      %reduce_sum3A_3094 = tpu.scan <sum>, %select_n3A_3091 masked %reduce_sum3A_3093 : vector<16xi32>, vector<16xi1> -> vector<16xi32>
      %reduce_sum3A_3095 = vector.extract %reduce_sum3A_3094[15] : i32 from vector<16xi32>
      %eq3A_3096 = arith.constant 6 : i32
      %eq3A_3097 = vector.broadcast %eq3A_3096 : i32 to vector<16xi32>
      %eq3A_3098 = arith.cmpi eq, %iota3A, %eq3A_3097 : vector<16xi32>
      %jit3A_3099 = arith.constant 0 : i32
      %broadcast_in_dim3A_3100 = vector.broadcast %jit3A_3099 : i32 to vector<16xi32>
      %select_n3A_3101 = arith.select %eq3A_3098, %get3A_754, %broadcast_in_dim3A_3100 : vector<16xi1>, vector<16xi32>
      %reduce_sum3A_3102 = arith.constant true
      %reduce_sum3A_3103 = vector.broadcast %reduce_sum3A_3102 : i1 to vector<16xi1>
      %reduce_sum3A_3104 = tpu.scan <sum>, %select_n3A_3101 masked %reduce_sum3A_3103 : vector<16xi32>, vector<16xi1> -> vector<16xi32>
      %reduce_sum3A_3105 = vector.extract %reduce_sum3A_3104[15] : i32 from vector<16xi32>
      %rem3A_3106 = arith.constant 128 : i32
      %rem3A_3107 = arith.remsi %reduce_sum3A_3095, %rem3A_3106 : i32
      %sub3A_3108 = arith.subi %reduce_sum3A_3095, %rem3A_3107 : i32
      %multiple_of3A_3109 = tpu.assume_multiple %sub3A_3108, 128 : i32
      %rem3A_3110 = arith.constant 128 : i32
      %rem3A_3111 = arith.remsi %reduce_sum3A_3105, %rem3A_3110 : i32
      %sub3A_3112 = arith.subi %reduce_sum3A_3105, %rem3A_3111 : i32
      %multiple_of3A_3113 = tpu.assume_multiple %sub3A_3112, 128 : i32
      %dma_start3A_3114 = arith.constant 6 : i32
      %dma_start3A_3115 = arith.constant 0 : i32
      %dma_start3A_3116 = arith.constant 0 : i32
      %dma_start3A_3117 = arith.constant 0 : i32
      %dma_start3A_3118 = tpu.memref_slice %arg9[%dma_start3A_3114, %dma_start3A_3115, %dma_start3A_3116, %dma_start3A_3117] : memref<8x4x8x128xf32, #tpu.memory_space<vmem>> -> memref<1x4x8x128xf32, #tpu.memory_space<vmem>>
      %dma_start3A_3119 = tpu.memref_squeeze %dma_start3A_3118 : memref<1x4x8x128xf32, #tpu.memory_space<vmem>> -> memref<4x8x128xf32, #tpu.memory_space<vmem>>
      %dma_start3A_3120 = arith.constant 0 : i32
      %dma_start3A_3121 = arith.constant 0 : i32
      %dma_start3A_3122 = tpu.memref_slice %arg3[%dma_start3A_3120, %dma_start3A_3121, %multiple_of3A_3109] : memref<4x8x1000000xf32, #tpu.memory_space<hbm>> -> memref<4x8x128xf32, #tpu.memory_space<hbm>>
      %dma_start3A_3123 = arith.constant 0 : i32
      %dma_start3A_3124 = arith.constant 0 : i32
      %dma_start3A_3125 = arith.constant 0 : i32
      %dma_start3A_3126 = tpu.memref_slice %arg9[%dma_start3A_3114, %dma_start3A_3123, %dma_start3A_3124, %dma_start3A_3125] : memref<8x4x8x128xf32, #tpu.memory_space<vmem>> -> memref<1x4x8x128xf32, #tpu.memory_space<vmem>>
      %dma_start3A_3127 = tpu.memref_squeeze %dma_start3A_3126 : memref<1x4x8x128xf32, #tpu.memory_space<vmem>> -> memref<4x8x128xf32, #tpu.memory_space<vmem>>
      %dma_start3A_3128 = arith.constant 0 : i32
      %dma_start3A_3129 = arith.constant 0 : i32
      %dma_start3A_3130 = tpu.memref_slice %arg3[%dma_start3A_3128, %dma_start3A_3129, %multiple_of3A_3109] : memref<4x8x1000000xf32, #tpu.memory_space<hbm>> -> memref<4x8x128xf32, #tpu.memory_space<hbm>>
      tpu.enqueue_dma source(%dma_start3A_3130 : memref<4x8x128xf32, #tpu.memory_space<hbm>>) target(%dma_start3A_3127 : memref<4x8x128xf32, #tpu.memory_space<vmem>>) target_semaphore(%arg20 : memref<!tpu.dma_semaphore, #tpu.memory_space<semaphore_mem>>)
      %dma_start3A_3131 = arith.constant 6 : i32
      %dma_start3A_3132 = arith.constant 0 : i32
      %dma_start3A_3133 = arith.constant 0 : i32
      %dma_start3A_3134 = arith.constant 0 : i32
      %dma_start3A_3135 = tpu.memref_slice %arg10[%dma_start3A_3131, %dma_start3A_3132, %dma_start3A_3133, %dma_start3A_3134] : memref<8x4x8x128xf32, #tpu.memory_space<vmem>> -> memref<1x4x8x128xf32, #tpu.memory_space<vmem>>
      %dma_start3A_3136 = tpu.memref_squeeze %dma_start3A_3135 : memref<1x4x8x128xf32, #tpu.memory_space<vmem>> -> memref<4x8x128xf32, #tpu.memory_space<vmem>>
      %dma_start3A_3137 = arith.constant 0 : i32
      %dma_start3A_3138 = arith.constant 0 : i32
      %dma_start3A_3139 = tpu.memref_slice %arg4[%dma_start3A_3137, %dma_start3A_3138, %multiple_of3A_3113] : memref<4x8x1000000xf32, #tpu.memory_space<hbm>> -> memref<4x8x128xf32, #tpu.memory_space<hbm>>
      %dma_start3A_3140 = arith.constant 0 : i32
      %dma_start3A_3141 = arith.constant 0 : i32
      %dma_start3A_3142 = arith.constant 0 : i32
      %dma_start3A_3143 = tpu.memref_slice %arg10[%dma_start3A_3131, %dma_start3A_3140, %dma_start3A_3141, %dma_start3A_3142] : memref<8x4x8x128xf32, #tpu.memory_space<vmem>> -> memref<1x4x8x128xf32, #tpu.memory_space<vmem>>
      %dma_start3A_3144 = tpu.memref_squeeze %dma_start3A_3143 : memref<1x4x8x128xf32, #tpu.memory_space<vmem>> -> memref<4x8x128xf32, #tpu.memory_space<vmem>>
      %dma_start3A_3145 = arith.constant 0 : i32
      %dma_start3A_3146 = arith.constant 0 : i32
      %dma_start3A_3147 = tpu.memref_slice %arg4[%dma_start3A_3145, %dma_start3A_3146, %multiple_of3A_3113] : memref<4x8x1000000xf32, #tpu.memory_space<hbm>> -> memref<4x8x128xf32, #tpu.memory_space<hbm>>
      tpu.enqueue_dma source(%dma_start3A_3147 : memref<4x8x128xf32, #tpu.memory_space<hbm>>) target(%dma_start3A_3144 : memref<4x8x128xf32, #tpu.memory_space<vmem>>) target_semaphore(%arg20 : memref<!tpu.dma_semaphore, #tpu.memory_space<semaphore_mem>>)
      %dma_wait3A_3148 = arith.constant 7 : i32
      %dma_wait3A_3149 = arith.constant 0 : i32
      %dma_wait3A_3150 = arith.constant 0 : i32
      %dma_wait3A_3151 = arith.constant 0 : i32
      %dma_wait3A_3152 = tpu.memref_slice %arg9[%dma_wait3A_3148, %dma_wait3A_3149, %dma_wait3A_3150, %dma_wait3A_3151] : memref<8x4x8x128xf32, #tpu.memory_space<vmem>> -> memref<1x4x8x128xf32, #tpu.memory_space<vmem>>
      %dma_wait3A_3153 = tpu.memref_squeeze %dma_wait3A_3152 : memref<1x4x8x128xf32, #tpu.memory_space<vmem>> -> memref<4x8x128xf32, #tpu.memory_space<vmem>>
      %dma_wait3A_3154 = arith.constant 0 : i32
      %dma_wait3A_3155 = arith.constant 0 : i32
      %dma_wait3A_3156 = arith.constant 0 : i32
      %dma_wait3A_3157 = tpu.memref_slice %arg3[%dma_wait3A_3154, %dma_wait3A_3155, %dma_wait3A_3156] : memref<4x8x1000000xf32, #tpu.memory_space<hbm>> -> memref<4x8x128xf32, #tpu.memory_space<hbm>>
      %dma_wait3A_3158 = arith.constant 0 : i32
      %dma_wait3A_3159 = arith.constant 0 : i32
      %dma_wait3A_3160 = arith.constant 0 : i32
      %dma_wait3A_3161 = tpu.memref_slice %arg9[%dma_wait3A_3148, %dma_wait3A_3158, %dma_wait3A_3159, %dma_wait3A_3160] : memref<8x4x8x128xf32, #tpu.memory_space<vmem>> -> memref<1x4x8x128xf32, #tpu.memory_space<vmem>>
      %dma_wait3A_3162 = tpu.memref_squeeze %dma_wait3A_3161 : memref<1x4x8x128xf32, #tpu.memory_space<vmem>> -> memref<4x8x128xf32, #tpu.memory_space<vmem>>
      %dma_wait3A_3163 = arith.constant 0 : i32
      %dma_wait3A_3164 = arith.constant 0 : i32
      %dma_wait3A_3165 = arith.constant 0 : i32
      %dma_wait3A_3166 = tpu.memref_slice %arg3[%dma_wait3A_3163, %dma_wait3A_3164, %dma_wait3A_3165] : memref<4x8x1000000xf32, #tpu.memory_space<hbm>> -> memref<4x8x128xf32, #tpu.memory_space<hbm>>
      tpu.wait_dma2 semaphore(%arg21 : memref<!tpu.dma_semaphore, #tpu.memory_space<semaphore_mem>>) src(%dma_wait3A_3166 : memref<4x8x128xf32, #tpu.memory_space<hbm>>) dst(%dma_wait3A_3162 : memref<4x8x128xf32, #tpu.memory_space<vmem>>)
      %dma_wait3A_3167 = arith.constant 7 : i32
      %dma_wait3A_3168 = arith.constant 0 : i32
      %dma_wait3A_3169 = arith.constant 0 : i32
      %dma_wait3A_3170 = arith.constant 0 : i32
      %dma_wait3A_3171 = tpu.memref_slice %arg10[%dma_wait3A_3167, %dma_wait3A_3168, %dma_wait3A_3169, %dma_wait3A_3170] : memref<8x4x8x128xf32, #tpu.memory_space<vmem>> -> memref<1x4x8x128xf32, #tpu.memory_space<vmem>>
      %dma_wait3A_3172 = tpu.memref_squeeze %dma_wait3A_3171 : memref<1x4x8x128xf32, #tpu.memory_space<vmem>> -> memref<4x8x128xf32, #tpu.memory_space<vmem>>
      %dma_wait3A_3173 = arith.constant 0 : i32
      %dma_wait3A_3174 = arith.constant 0 : i32
      %dma_wait3A_3175 = arith.constant 0 : i32
      %dma_wait3A_3176 = tpu.memref_slice %arg4[%dma_wait3A_3173, %dma_wait3A_3174, %dma_wait3A_3175] : memref<4x8x1000000xf32, #tpu.memory_space<hbm>> -> memref<4x8x128xf32, #tpu.memory_space<hbm>>
      %dma_wait3A_3177 = arith.constant 0 : i32
      %dma_wait3A_3178 = arith.constant 0 : i32
      %dma_wait3A_3179 = arith.constant 0 : i32
      %dma_wait3A_3180 = tpu.memref_slice %arg10[%dma_wait3A_3167, %dma_wait3A_3177, %dma_wait3A_3178, %dma_wait3A_3179] : memref<8x4x8x128xf32, #tpu.memory_space<vmem>> -> memref<1x4x8x128xf32, #tpu.memory_space<vmem>>
      %dma_wait3A_3181 = tpu.memref_squeeze %dma_wait3A_3180 : memref<1x4x8x128xf32, #tpu.memory_space<vmem>> -> memref<4x8x128xf32, #tpu.memory_space<vmem>>
      %dma_wait3A_3182 = arith.constant 0 : i32
      %dma_wait3A_3183 = arith.constant 0 : i32
      %dma_wait3A_3184 = arith.constant 0 : i32
      %dma_wait3A_3185 = tpu.memref_slice %arg4[%dma_wait3A_3182, %dma_wait3A_3183, %dma_wait3A_3184] : memref<4x8x1000000xf32, #tpu.memory_space<hbm>> -> memref<4x8x128xf32, #tpu.memory_space<hbm>>
      tpu.wait_dma2 semaphore(%arg21 : memref<!tpu.dma_semaphore, #tpu.memory_space<semaphore_mem>>) src(%dma_wait3A_3185 : memref<4x8x128xf32, #tpu.memory_space<hbm>>) dst(%dma_wait3A_3181 : memref<4x8x128xf32, #tpu.memory_space<vmem>>)
      %rem3A_3186 = arith.constant 128 : i32
      %rem3A_3187 = arith.remsi %reduce_sum3A_2073, %rem3A_3186 : i32
      %broadcast_in_dim3A_3188 = vector.broadcast %rem3A_3187 : i32 to vector<16xi32>
      %rem3A_3189 = arith.constant 128 : i32
      %rem3A_3190 = arith.remsi %reduce_sum3A_2083, %rem3A_3189 : i32
      %broadcast_in_dim3A_3191 = vector.broadcast %rem3A_3190 : i32 to vector<16xi32>
      %gather3A_3192 = arith.constant 7 : i32
      %gather3A_3193 = arith.constant 0 : i32
      %gather3A_3194 = arith.constant 0 : i32
      %gather3A_3195 = arith.constant 0 : i32
      %gather3A_3196 = tpu.memref_slice %arg9[%gather3A_3192, %gather3A_3193, %gather3A_3194, %gather3A_3195] : memref<8x4x8x128xf32, #tpu.memory_space<vmem>> -> memref<1x4x8x128xf32, #tpu.memory_space<vmem>>
      %gather3A_3197 = tpu.memref_squeeze %gather3A_3196 : memref<1x4x8x128xf32, #tpu.memory_space<vmem>> -> memref<4x8x128xf32, #tpu.memory_space<vmem>>
      %gather3A_3198 = tpu.vector_load_idx %gather3A_3197[%select_n3A, %rem3A_37, %broadcast_in_dim3A_3188] : memref<4x8x128xf32, #tpu.memory_space<vmem>>[vector<16xi32>, vector<16xi32>, vector<16xi32>], vector<16xf32>,
      %gather3A_3199 = arith.constant 7 : i32
      %gather3A_3200 = arith.constant 0 : i32
      %gather3A_3201 = arith.constant 0 : i32
      %gather3A_3202 = arith.constant 0 : i32
      %gather3A_3203 = tpu.memref_slice %arg9[%gather3A_3199, %gather3A_3200, %gather3A_3201, %gather3A_3202] : memref<8x4x8x128xf32, #tpu.memory_space<vmem>> -> memref<1x4x8x128xf32, #tpu.memory_space<vmem>>
      %gather3A_3204 = tpu.memref_squeeze %gather3A_3203 : memref<1x4x8x128xf32, #tpu.memory_space<vmem>> -> memref<4x8x128xf32, #tpu.memory_space<vmem>>
      %gather3A_3205 = tpu.vector_load_idx %gather3A_3204[%add3A_34, %rem3A_37, %broadcast_in_dim3A_3188] : memref<4x8x128xf32, #tpu.memory_space<vmem>>[vector<16xi32>, vector<16xi32>, vector<16xi32>], vector<16xf32>,
      %gather3A_3206 = arith.constant 7 : i32
      %gather3A_3207 = arith.constant 0 : i32
      %gather3A_3208 = arith.constant 0 : i32
      %gather3A_3209 = arith.constant 0 : i32
      %gather3A_3210 = tpu.memref_slice %arg10[%gather3A_3206, %gather3A_3207, %gather3A_3208, %gather3A_3209] : memref<8x4x8x128xf32, #tpu.memory_space<vmem>> -> memref<1x4x8x128xf32, #tpu.memory_space<vmem>>
      %gather3A_3211 = tpu.memref_squeeze %gather3A_3210 : memref<1x4x8x128xf32, #tpu.memory_space<vmem>> -> memref<4x8x128xf32, #tpu.memory_space<vmem>>
      %gather3A_3212 = tpu.vector_load_idx %gather3A_3211[%select_n3A, %rem3A_37, %broadcast_in_dim3A_3191] : memref<4x8x128xf32, #tpu.memory_space<vmem>>[vector<16xi32>, vector<16xi32>, vector<16xi32>], vector<16xf32>,
      %gather3A_3213 = arith.constant 7 : i32
      %gather3A_3214 = arith.constant 0 : i32
      %gather3A_3215 = arith.constant 0 : i32
      %gather3A_3216 = arith.constant 0 : i32
      %gather3A_3217 = tpu.memref_slice %arg10[%gather3A_3213, %gather3A_3214, %gather3A_3215, %gather3A_3216] : memref<8x4x8x128xf32, #tpu.memory_space<vmem>> -> memref<1x4x8x128xf32, #tpu.memory_space<vmem>>
      %gather3A_3218 = tpu.memref_squeeze %gather3A_3217 : memref<1x4x8x128xf32, #tpu.memory_space<vmem>> -> memref<4x8x128xf32, #tpu.memory_space<vmem>>
      %gather3A_3219 = tpu.vector_load_idx %gather3A_3218[%add3A_34, %rem3A_37, %broadcast_in_dim3A_3191] : memref<4x8x128xf32, #tpu.memory_space<vmem>>[vector<16xi32>, vector<16xi32>, vector<16xi32>], vector<16xf32>,
      %mul3A_3220 = arith.mulf %gather3A_3198, %gather3A_3212 : vector<16xf32>
      %mul3A_3221 = arith.mulf %gather3A_3205, %gather3A_3219 : vector<16xf32>
      %add3A_3222 = arith.addf %mul3A_3220, %mul3A_3221 : vector<16xf32>
      %reduce_sum3A_3223 = arith.constant true
      %reduce_sum3A_3224 = vector.broadcast %reduce_sum3A_3223 : i1 to vector<16xi1>
      %reduce_sum3A_3225 = tpu.scan <sum>, %add3A_3222 masked %reduce_sum3A_3224 : vector<16xf32>, vector<16xi1> -> vector<16xf32>
      %reduce_sum3A_3226 = vector.extract %reduce_sum3A_3225[15] : f32 from vector<16xf32>
      %eq3A_3227 = arith.constant 15 : i32
      %eq3A_3228 = vector.broadcast %eq3A_3227 : i32 to vector<16xi32>
      %eq3A_3229 = arith.cmpi eq, %iota3A, %eq3A_3228 : vector<16xi32>
      %broadcast_in_dim3A_3230 = vector.broadcast %reduce_sum3A_3226 : f32 to vector<16xf32>
      %select_n3A_3231 = arith.select %eq3A_3229, %broadcast_in_dim3A_3230, %select_n3A_3085 : vector<16xi1>, vector<16xf32>
      %mul3A_3232 = arith.mulf %select_n3A_3231, %get3A_6 : vector<16xf32>
      %add3A_3233 = arith.addf %mul3A_3232, %get3A_8 : vector<16xf32>
      %neg3A = arith.constant 0.000000e+00 : f32
      %neg3A_3234 = vector.broadcast %neg3A : f32 to vector<16xf32>
      %neg3A_3235 = arith.subf %neg3A_3234, %add3A_3233 : vector<16xf32>
      %exp3A = math.exp %neg3A_3235 : vector<16xf32>
      %add3A_3236 = arith.constant 1.000000e+00 : f32
      %add3A_3237 = vector.broadcast %add3A_3236 : f32 to vector<16xf32>
      %add3A_3238 = arith.addf %add3A_3237, %exp3A : vector<16xf32>
      %div3A_3239 = arith.constant 1.000000e+00 : f32
      %div3A_3240 = vector.broadcast %div3A_3239 : f32 to vector<16xf32>
      %div3A_3241 = arith.divf %div3A_3240, %add3A_3238 : vector<16xf32>
      %swap3A = arith.index_cast %mul3A_743 : i32 to index
      %swap3A_3242 = tpu.vector_load %arg11[%swap3A] {strides = array<i32>} : memref<512xf32, #tpu.memory_space<vmem>>, vector<16xf32>,
      tpu.vector_store %arg11[%swap3A], %div3A_3241 {strides = array<i32>} : memref<512xf32, #tpu.memory_space<vmem>>, vector<16xf32>,
    }
    %scan3A_475 = arith.constant 32 : i32
    %dma_wait3A = arith.constant 0 : i32
    %dma_wait3A_476 = arith.constant 0 : i32
    %dma_wait3A_477 = arith.constant 0 : i32
    %dma_wait3A_478 = arith.constant 0 : i32
    %dma_wait3A_479 = tpu.memref_slice %arg9[%dma_wait3A, %dma_wait3A_476, %dma_wait3A_477, %dma_wait3A_478] : memref<8x4x8x128xf32, #tpu.memory_space<vmem>> -> memref<1x4x8x128xf32, #tpu.memory_space<vmem>>
    %dma_wait3A_480 = tpu.memref_squeeze %dma_wait3A_479 : memref<1x4x8x128xf32, #tpu.memory_space<vmem>> -> memref<4x8x128xf32, #tpu.memory_space<vmem>>
    %dma_wait3A_481 = arith.constant 0 : i32
    %dma_wait3A_482 = arith.constant 0 : i32
    %dma_wait3A_483 = arith.constant 0 : i32
    %dma_wait3A_484 = tpu.memref_slice %arg3[%dma_wait3A_481, %dma_wait3A_482, %dma_wait3A_483] : memref<4x8x1000000xf32, #tpu.memory_space<hbm>> -> memref<4x8x128xf32, #tpu.memory_space<hbm>>
    %dma_wait3A_485 = arith.constant 0 : i32
    %dma_wait3A_486 = arith.constant 0 : i32
    %dma_wait3A_487 = arith.constant 0 : i32
    %dma_wait3A_488 = tpu.memref_slice %arg9[%dma_wait3A, %dma_wait3A_485, %dma_wait3A_486, %dma_wait3A_487] : memref<8x4x8x128xf32, #tpu.memory_space<vmem>> -> memref<1x4x8x128xf32, #tpu.memory_space<vmem>>
    %dma_wait3A_489 = tpu.memref_squeeze %dma_wait3A_488 : memref<1x4x8x128xf32, #tpu.memory_space<vmem>> -> memref<4x8x128xf32, #tpu.memory_space<vmem>>
    %dma_wait3A_490 = arith.constant 0 : i32
    %dma_wait3A_491 = arith.constant 0 : i32
    %dma_wait3A_492 = arith.constant 0 : i32
    %dma_wait3A_493 = tpu.memref_slice %arg3[%dma_wait3A_490, %dma_wait3A_491, %dma_wait3A_492] : memref<4x8x1000000xf32, #tpu.memory_space<hbm>> -> memref<4x8x128xf32, #tpu.memory_space<hbm>>
    tpu.wait_dma2 semaphore(%arg14 : memref<!tpu.dma_semaphore, #tpu.memory_space<semaphore_mem>>) src(%dma_wait3A_493 : memref<4x8x128xf32, #tpu.memory_space<hbm>>) dst(%dma_wait3A_489 : memref<4x8x128xf32, #tpu.memory_space<vmem>>)
    %dma_wait3A_494 = arith.constant 0 : i32
    %dma_wait3A_495 = arith.constant 0 : i32
    %dma_wait3A_496 = arith.constant 0 : i32
    %dma_wait3A_497 = arith.constant 0 : i32
    %dma_wait3A_498 = tpu.memref_slice %arg10[%dma_wait3A_494, %dma_wait3A_495, %dma_wait3A_496, %dma_wait3A_497] : memref<8x4x8x128xf32, #tpu.memory_space<vmem>> -> memref<1x4x8x128xf32, #tpu.memory_space<vmem>>
    %dma_wait3A_499 = tpu.memref_squeeze %dma_wait3A_498 : memref<1x4x8x128xf32, #tpu.memory_space<vmem>> -> memref<4x8x128xf32, #tpu.memory_space<vmem>>
    %dma_wait3A_500 = arith.constant 0 : i32
    %dma_wait3A_501 = arith.constant 0 : i32
    %dma_wait3A_502 = arith.constant 0 : i32
    %dma_wait3A_503 = tpu.memref_slice %arg4[%dma_wait3A_500, %dma_wait3A_501, %dma_wait3A_502] : memref<4x8x1000000xf32, #tpu.memory_space<hbm>> -> memref<4x8x128xf32, #tpu.memory_space<hbm>>
    %dma_wait3A_504 = arith.constant 0 : i32
    %dma_wait3A_505 = arith.constant 0 : i32
    %dma_wait3A_506 = arith.constant 0 : i32
    %dma_wait3A_507 = tpu.memref_slice %arg10[%dma_wait3A_494, %dma_wait3A_504, %dma_wait3A_505, %dma_wait3A_506] : memref<8x4x8x128xf32, #tpu.memory_space<vmem>> -> memref<1x4x8x128xf32, #tpu.memory_space<vmem>>
    %dma_wait3A_508 = tpu.memref_squeeze %dma_wait3A_507 : memref<1x4x8x128xf32, #tpu.memory_space<vmem>> -> memref<4x8x128xf32, #tpu.memory_space<vmem>>
    %dma_wait3A_509 = arith.constant 0 : i32
    %dma_wait3A_510 = arith.constant 0 : i32
    %dma_wait3A_511 = arith.constant 0 : i32
    %dma_wait3A_512 = tpu.memref_slice %arg4[%dma_wait3A_509, %dma_wait3A_510, %dma_wait3A_511] : memref<4x8x1000000xf32, #tpu.memory_space<hbm>> -> memref<4x8x128xf32, #tpu.memory_space<hbm>>
    tpu.wait_dma2 semaphore(%arg14 : memref<!tpu.dma_semaphore, #tpu.memory_space<semaphore_mem>>) src(%dma_wait3A_512 : memref<4x8x128xf32, #tpu.memory_space<hbm>>) dst(%dma_wait3A_508 : memref<4x8x128xf32, #tpu.memory_space<vmem>>)
    %dma_wait3A_513 = arith.constant 1 : i32
    %dma_wait3A_514 = arith.constant 0 : i32
    %dma_wait3A_515 = arith.constant 0 : i32
    %dma_wait3A_516 = arith.constant 0 : i32
    %dma_wait3A_517 = tpu.memref_slice %arg9[%dma_wait3A_513, %dma_wait3A_514, %dma_wait3A_515, %dma_wait3A_516] : memref<8x4x8x128xf32, #tpu.memory_space<vmem>> -> memref<1x4x8x128xf32, #tpu.memory_space<vmem>>
    %dma_wait3A_518 = tpu.memref_squeeze %dma_wait3A_517 : memref<1x4x8x128xf32, #tpu.memory_space<vmem>> -> memref<4x8x128xf32, #tpu.memory_space<vmem>>
    %dma_wait3A_519 = arith.constant 0 : i32
    %dma_wait3A_520 = arith.constant 0 : i32
    %dma_wait3A_521 = arith.constant 0 : i32
    %dma_wait3A_522 = tpu.memref_slice %arg3[%dma_wait3A_519, %dma_wait3A_520, %dma_wait3A_521] : memref<4x8x1000000xf32, #tpu.memory_space<hbm>> -> memref<4x8x128xf32, #tpu.memory_space<hbm>>
    %dma_wait3A_523 = arith.constant 0 : i32
    %dma_wait3A_524 = arith.constant 0 : i32
    %dma_wait3A_525 = arith.constant 0 : i32
    %dma_wait3A_526 = tpu.memref_slice %arg9[%dma_wait3A_513, %dma_wait3A_523, %dma_wait3A_524, %dma_wait3A_525] : memref<8x4x8x128xf32, #tpu.memory_space<vmem>> -> memref<1x4x8x128xf32, #tpu.memory_space<vmem>>
    %dma_wait3A_527 = tpu.memref_squeeze %dma_wait3A_526 : memref<1x4x8x128xf32, #tpu.memory_space<vmem>> -> memref<4x8x128xf32, #tpu.memory_space<vmem>>
    %dma_wait3A_528 = arith.constant 0 : i32
    %dma_wait3A_529 = arith.constant 0 : i32
    %dma_wait3A_530 = arith.constant 0 : i32
    %dma_wait3A_531 = tpu.memref_slice %arg3[%dma_wait3A_528, %dma_wait3A_529, %dma_wait3A_530] : memref<4x8x1000000xf32, #tpu.memory_space<hbm>> -> memref<4x8x128xf32, #tpu.memory_space<hbm>>
    tpu.wait_dma2 semaphore(%arg15 : memref<!tpu.dma_semaphore, #tpu.memory_space<semaphore_mem>>) src(%dma_wait3A_531 : memref<4x8x128xf32, #tpu.memory_space<hbm>>) dst(%dma_wait3A_527 : memref<4x8x128xf32, #tpu.memory_space<vmem>>)
    %dma_wait3A_532 = arith.constant 1 : i32
    %dma_wait3A_533 = arith.constant 0 : i32
    %dma_wait3A_534 = arith.constant 0 : i32
    %dma_wait3A_535 = arith.constant 0 : i32
    %dma_wait3A_536 = tpu.memref_slice %arg10[%dma_wait3A_532, %dma_wait3A_533, %dma_wait3A_534, %dma_wait3A_535] : memref<8x4x8x128xf32, #tpu.memory_space<vmem>> -> memref<1x4x8x128xf32, #tpu.memory_space<vmem>>
    %dma_wait3A_537 = tpu.memref_squeeze %dma_wait3A_536 : memref<1x4x8x128xf32, #tpu.memory_space<vmem>> -> memref<4x8x128xf32, #tpu.memory_space<vmem>>
    %dma_wait3A_538 = arith.constant 0 : i32
    %dma_wait3A_539 = arith.constant 0 : i32
    %dma_wait3A_540 = arith.constant 0 : i32
    %dma_wait3A_541 = tpu.memref_slice %arg4[%dma_wait3A_538, %dma_wait3A_539, %dma_wait3A_540] : memref<4x8x1000000xf32, #tpu.memory_space<hbm>> -> memref<4x8x128xf32, #tpu.memory_space<hbm>>
    %dma_wait3A_542 = arith.constant 0 : i32
    %dma_wait3A_543 = arith.constant 0 : i32
    %dma_wait3A_544 = arith.constant 0 : i32
    %dma_wait3A_545 = tpu.memref_slice %arg10[%dma_wait3A_532, %dma_wait3A_542, %dma_wait3A_543, %dma_wait3A_544] : memref<8x4x8x128xf32, #tpu.memory_space<vmem>> -> memref<1x4x8x128xf32, #tpu.memory_space<vmem>>
    %dma_wait3A_546 = tpu.memref_squeeze %dma_wait3A_545 : memref<1x4x8x128xf32, #tpu.memory_space<vmem>> -> memref<4x8x128xf32, #tpu.memory_space<vmem>>
    %dma_wait3A_547 = arith.constant 0 : i32
    %dma_wait3A_548 = arith.constant 0 : i32
    %dma_wait3A_549 = arith.constant 0 : i32
    %dma_wait3A_550 = tpu.memref_slice %arg4[%dma_wait3A_547, %dma_wait3A_548, %dma_wait3A_549] : memref<4x8x1000000xf32, #tpu.memory_space<hbm>> -> memref<4x8x128xf32, #tpu.memory_space<hbm>>
    tpu.wait_dma2 semaphore(%arg15 : memref<!tpu.dma_semaphore, #tpu.memory_space<semaphore_mem>>) src(%dma_wait3A_550 : memref<4x8x128xf32, #tpu.memory_space<hbm>>) dst(%dma_wait3A_546 : memref<4x8x128xf32, #tpu.memory_space<vmem>>)
    %dma_wait3A_551 = arith.constant 2 : i32
    %dma_wait3A_552 = arith.constant 0 : i32
    %dma_wait3A_553 = arith.constant 0 : i32
    %dma_wait3A_554 = arith.constant 0 : i32
    %dma_wait3A_555 = tpu.memref_slice %arg9[%dma_wait3A_551, %dma_wait3A_552, %dma_wait3A_553, %dma_wait3A_554] : memref<8x4x8x128xf32, #tpu.memory_space<vmem>> -> memref<1x4x8x128xf32, #tpu.memory_space<vmem>>
    %dma_wait3A_556 = tpu.memref_squeeze %dma_wait3A_555 : memref<1x4x8x128xf32, #tpu.memory_space<vmem>> -> memref<4x8x128xf32, #tpu.memory_space<vmem>>
    %dma_wait3A_557 = arith.constant 0 : i32
    %dma_wait3A_558 = arith.constant 0 : i32
    %dma_wait3A_559 = arith.constant 0 : i32
    %dma_wait3A_560 = tpu.memref_slice %arg3[%dma_wait3A_557, %dma_wait3A_558, %dma_wait3A_559] : memref<4x8x1000000xf32, #tpu.memory_space<hbm>> -> memref<4x8x128xf32, #tpu.memory_space<hbm>>
    %dma_wait3A_561 = arith.constant 0 : i32
    %dma_wait3A_562 = arith.constant 0 : i32
    %dma_wait3A_563 = arith.constant 0 : i32
    %dma_wait3A_564 = tpu.memref_slice %arg9[%dma_wait3A_551, %dma_wait3A_561, %dma_wait3A_562, %dma_wait3A_563] : memref<8x4x8x128xf32, #tpu.memory_space<vmem>> -> memref<1x4x8x128xf32, #tpu.memory_space<vmem>>
    %dma_wait3A_565 = tpu.memref_squeeze %dma_wait3A_564 : memref<1x4x8x128xf32, #tpu.memory_space<vmem>> -> memref<4x8x128xf32, #tpu.memory_space<vmem>>
    %dma_wait3A_566 = arith.constant 0 : i32
    %dma_wait3A_567 = arith.constant 0 : i32
    %dma_wait3A_568 = arith.constant 0 : i32
    %dma_wait3A_569 = tpu.memref_slice %arg3[%dma_wait3A_566, %dma_wait3A_567, %dma_wait3A_568] : memref<4x8x1000000xf32, #tpu.memory_space<hbm>> -> memref<4x8x128xf32, #tpu.memory_space<hbm>>
    tpu.wait_dma2 semaphore(%arg16 : memref<!tpu.dma_semaphore, #tpu.memory_space<semaphore_mem>>) src(%dma_wait3A_569 : memref<4x8x128xf32, #tpu.memory_space<hbm>>) dst(%dma_wait3A_565 : memref<4x8x128xf32, #tpu.memory_space<vmem>>)
    %dma_wait3A_570 = arith.constant 2 : i32
    %dma_wait3A_571 = arith.constant 0 : i32
    %dma_wait3A_572 = arith.constant 0 : i32
    %dma_wait3A_573 = arith.constant 0 : i32
    %dma_wait3A_574 = tpu.memref_slice %arg10[%dma_wait3A_570, %dma_wait3A_571, %dma_wait3A_572, %dma_wait3A_573] : memref<8x4x8x128xf32, #tpu.memory_space<vmem>> -> memref<1x4x8x128xf32, #tpu.memory_space<vmem>>
    %dma_wait3A_575 = tpu.memref_squeeze %dma_wait3A_574 : memref<1x4x8x128xf32, #tpu.memory_space<vmem>> -> memref<4x8x128xf32, #tpu.memory_space<vmem>>
    %dma_wait3A_576 = arith.constant 0 : i32
    %dma_wait3A_577 = arith.constant 0 : i32
    %dma_wait3A_578 = arith.constant 0 : i32
    %dma_wait3A_579 = tpu.memref_slice %arg4[%dma_wait3A_576, %dma_wait3A_577, %dma_wait3A_578] : memref<4x8x1000000xf32, #tpu.memory_space<hbm>> -> memref<4x8x128xf32, #tpu.memory_space<hbm>>
    %dma_wait3A_580 = arith.constant 0 : i32
    %dma_wait3A_581 = arith.constant 0 : i32
    %dma_wait3A_582 = arith.constant 0 : i32
    %dma_wait3A_583 = tpu.memref_slice %arg10[%dma_wait3A_570, %dma_wait3A_580, %dma_wait3A_581, %dma_wait3A_582] : memref<8x4x8x128xf32, #tpu.memory_space<vmem>> -> memref<1x4x8x128xf32, #tpu.memory_space<vmem>>
    %dma_wait3A_584 = tpu.memref_squeeze %dma_wait3A_583 : memref<1x4x8x128xf32, #tpu.memory_space<vmem>> -> memref<4x8x128xf32, #tpu.memory_space<vmem>>
    %dma_wait3A_585 = arith.constant 0 : i32
    %dma_wait3A_586 = arith.constant 0 : i32
    %dma_wait3A_587 = arith.constant 0 : i32
    %dma_wait3A_588 = tpu.memref_slice %arg4[%dma_wait3A_585, %dma_wait3A_586, %dma_wait3A_587] : memref<4x8x1000000xf32, #tpu.memory_space<hbm>> -> memref<4x8x128xf32, #tpu.memory_space<hbm>>
    tpu.wait_dma2 semaphore(%arg16 : memref<!tpu.dma_semaphore, #tpu.memory_space<semaphore_mem>>) src(%dma_wait3A_588 : memref<4x8x128xf32, #tpu.memory_space<hbm>>) dst(%dma_wait3A_584 : memref<4x8x128xf32, #tpu.memory_space<vmem>>)
    %dma_wait3A_589 = arith.constant 3 : i32
    %dma_wait3A_590 = arith.constant 0 : i32
    %dma_wait3A_591 = arith.constant 0 : i32
    %dma_wait3A_592 = arith.constant 0 : i32
    %dma_wait3A_593 = tpu.memref_slice %arg9[%dma_wait3A_589, %dma_wait3A_590, %dma_wait3A_591, %dma_wait3A_592] : memref<8x4x8x128xf32, #tpu.memory_space<vmem>> -> memref<1x4x8x128xf32, #tpu.memory_space<vmem>>
    %dma_wait3A_594 = tpu.memref_squeeze %dma_wait3A_593 : memref<1x4x8x128xf32, #tpu.memory_space<vmem>> -> memref<4x8x128xf32, #tpu.memory_space<vmem>>
    %dma_wait3A_595 = arith.constant 0 : i32
    %dma_wait3A_596 = arith.constant 0 : i32
    %dma_wait3A_597 = arith.constant 0 : i32
    %dma_wait3A_598 = tpu.memref_slice %arg3[%dma_wait3A_595, %dma_wait3A_596, %dma_wait3A_597] : memref<4x8x1000000xf32, #tpu.memory_space<hbm>> -> memref<4x8x128xf32, #tpu.memory_space<hbm>>
    %dma_wait3A_599 = arith.constant 0 : i32
    %dma_wait3A_600 = arith.constant 0 : i32
    %dma_wait3A_601 = arith.constant 0 : i32
    %dma_wait3A_602 = tpu.memref_slice %arg9[%dma_wait3A_589, %dma_wait3A_599, %dma_wait3A_600, %dma_wait3A_601] : memref<8x4x8x128xf32, #tpu.memory_space<vmem>> -> memref<1x4x8x128xf32, #tpu.memory_space<vmem>>
    %dma_wait3A_603 = tpu.memref_squeeze %dma_wait3A_602 : memref<1x4x8x128xf32, #tpu.memory_space<vmem>> -> memref<4x8x128xf32, #tpu.memory_space<vmem>>
    %dma_wait3A_604 = arith.constant 0 : i32
    %dma_wait3A_605 = arith.constant 0 : i32
    %dma_wait3A_606 = arith.constant 0 : i32
    %dma_wait3A_607 = tpu.memref_slice %arg3[%dma_wait3A_604, %dma_wait3A_605, %dma_wait3A_606] : memref<4x8x1000000xf32, #tpu.memory_space<hbm>> -> memref<4x8x128xf32, #tpu.memory_space<hbm>>
    tpu.wait_dma2 semaphore(%arg17 : memref<!tpu.dma_semaphore, #tpu.memory_space<semaphore_mem>>) src(%dma_wait3A_607 : memref<4x8x128xf32, #tpu.memory_space<hbm>>) dst(%dma_wait3A_603 : memref<4x8x128xf32, #tpu.memory_space<vmem>>)
    %dma_wait3A_608 = arith.constant 3 : i32
    %dma_wait3A_609 = arith.constant 0 : i32
    %dma_wait3A_610 = arith.constant 0 : i32
    %dma_wait3A_611 = arith.constant 0 : i32
    %dma_wait3A_612 = tpu.memref_slice %arg10[%dma_wait3A_608, %dma_wait3A_609, %dma_wait3A_610, %dma_wait3A_611] : memref<8x4x8x128xf32, #tpu.memory_space<vmem>> -> memref<1x4x8x128xf32, #tpu.memory_space<vmem>>
    %dma_wait3A_613 = tpu.memref_squeeze %dma_wait3A_612 : memref<1x4x8x128xf32, #tpu.memory_space<vmem>> -> memref<4x8x128xf32, #tpu.memory_space<vmem>>
    %dma_wait3A_614 = arith.constant 0 : i32
    %dma_wait3A_615 = arith.constant 0 : i32
    %dma_wait3A_616 = arith.constant 0 : i32
    %dma_wait3A_617 = tpu.memref_slice %arg4[%dma_wait3A_614, %dma_wait3A_615, %dma_wait3A_616] : memref<4x8x1000000xf32, #tpu.memory_space<hbm>> -> memref<4x8x128xf32, #tpu.memory_space<hbm>>
    %dma_wait3A_618 = arith.constant 0 : i32
    %dma_wait3A_619 = arith.constant 0 : i32
    %dma_wait3A_620 = arith.constant 0 : i32
    %dma_wait3A_621 = tpu.memref_slice %arg10[%dma_wait3A_608, %dma_wait3A_618, %dma_wait3A_619, %dma_wait3A_620] : memref<8x4x8x128xf32, #tpu.memory_space<vmem>> -> memref<1x4x8x128xf32, #tpu.memory_space<vmem>>
    %dma_wait3A_622 = tpu.memref_squeeze %dma_wait3A_621 : memref<1x4x8x128xf32, #tpu.memory_space<vmem>> -> memref<4x8x128xf32, #tpu.memory_space<vmem>>
    %dma_wait3A_623 = arith.constant 0 : i32
    %dma_wait3A_624 = arith.constant 0 : i32
    %dma_wait3A_625 = arith.constant 0 : i32
    %dma_wait3A_626 = tpu.memref_slice %arg4[%dma_wait3A_623, %dma_wait3A_624, %dma_wait3A_625] : memref<4x8x1000000xf32, #tpu.memory_space<hbm>> -> memref<4x8x128xf32, #tpu.memory_space<hbm>>
    tpu.wait_dma2 semaphore(%arg17 : memref<!tpu.dma_semaphore, #tpu.memory_space<semaphore_mem>>) src(%dma_wait3A_626 : memref<4x8x128xf32, #tpu.memory_space<hbm>>) dst(%dma_wait3A_622 : memref<4x8x128xf32, #tpu.memory_space<vmem>>)
    %dma_wait3A_627 = arith.constant 4 : i32
    %dma_wait3A_628 = arith.constant 0 : i32
    %dma_wait3A_629 = arith.constant 0 : i32
    %dma_wait3A_630 = arith.constant 0 : i32
    %dma_wait3A_631 = tpu.memref_slice %arg9[%dma_wait3A_627, %dma_wait3A_628, %dma_wait3A_629, %dma_wait3A_630] : memref<8x4x8x128xf32, #tpu.memory_space<vmem>> -> memref<1x4x8x128xf32, #tpu.memory_space<vmem>>
    %dma_wait3A_632 = tpu.memref_squeeze %dma_wait3A_631 : memref<1x4x8x128xf32, #tpu.memory_space<vmem>> -> memref<4x8x128xf32, #tpu.memory_space<vmem>>
    %dma_wait3A_633 = arith.constant 0 : i32
    %dma_wait3A_634 = arith.constant 0 : i32
    %dma_wait3A_635 = arith.constant 0 : i32
    %dma_wait3A_636 = tpu.memref_slice %arg3[%dma_wait3A_633, %dma_wait3A_634, %dma_wait3A_635] : memref<4x8x1000000xf32, #tpu.memory_space<hbm>> -> memref<4x8x128xf32, #tpu.memory_space<hbm>>
    %dma_wait3A_637 = arith.constant 0 : i32
    %dma_wait3A_638 = arith.constant 0 : i32
    %dma_wait3A_639 = arith.constant 0 : i32
    %dma_wait3A_640 = tpu.memref_slice %arg9[%dma_wait3A_627, %dma_wait3A_637, %dma_wait3A_638, %dma_wait3A_639] : memref<8x4x8x128xf32, #tpu.memory_space<vmem>> -> memref<1x4x8x128xf32, #tpu.memory_space<vmem>>
    %dma_wait3A_641 = tpu.memref_squeeze %dma_wait3A_640 : memref<1x4x8x128xf32, #tpu.memory_space<vmem>> -> memref<4x8x128xf32, #tpu.memory_space<vmem>>
    %dma_wait3A_642 = arith.constant 0 : i32
    %dma_wait3A_643 = arith.constant 0 : i32
    %dma_wait3A_644 = arith.constant 0 : i32
    %dma_wait3A_645 = tpu.memref_slice %arg3[%dma_wait3A_642, %dma_wait3A_643, %dma_wait3A_644] : memref<4x8x1000000xf32, #tpu.memory_space<hbm>> -> memref<4x8x128xf32, #tpu.memory_space<hbm>>
    tpu.wait_dma2 semaphore(%arg18 : memref<!tpu.dma_semaphore, #tpu.memory_space<semaphore_mem>>) src(%dma_wait3A_645 : memref<4x8x128xf32, #tpu.memory_space<hbm>>) dst(%dma_wait3A_641 : memref<4x8x128xf32, #tpu.memory_space<vmem>>)
    %dma_wait3A_646 = arith.constant 4 : i32
    %dma_wait3A_647 = arith.constant 0 : i32
    %dma_wait3A_648 = arith.constant 0 : i32
    %dma_wait3A_649 = arith.constant 0 : i32
    %dma_wait3A_650 = tpu.memref_slice %arg10[%dma_wait3A_646, %dma_wait3A_647, %dma_wait3A_648, %dma_wait3A_649] : memref<8x4x8x128xf32, #tpu.memory_space<vmem>> -> memref<1x4x8x128xf32, #tpu.memory_space<vmem>>
    %dma_wait3A_651 = tpu.memref_squeeze %dma_wait3A_650 : memref<1x4x8x128xf32, #tpu.memory_space<vmem>> -> memref<4x8x128xf32, #tpu.memory_space<vmem>>
    %dma_wait3A_652 = arith.constant 0 : i32
    %dma_wait3A_653 = arith.constant 0 : i32
    %dma_wait3A_654 = arith.constant 0 : i32
    %dma_wait3A_655 = tpu.memref_slice %arg4[%dma_wait3A_652, %dma_wait3A_653, %dma_wait3A_654] : memref<4x8x1000000xf32, #tpu.memory_space<hbm>> -> memref<4x8x128xf32, #tpu.memory_space<hbm>>
    %dma_wait3A_656 = arith.constant 0 : i32
    %dma_wait3A_657 = arith.constant 0 : i32
    %dma_wait3A_658 = arith.constant 0 : i32
    %dma_wait3A_659 = tpu.memref_slice %arg10[%dma_wait3A_646, %dma_wait3A_656, %dma_wait3A_657, %dma_wait3A_658] : memref<8x4x8x128xf32, #tpu.memory_space<vmem>> -> memref<1x4x8x128xf32, #tpu.memory_space<vmem>>
    %dma_wait3A_660 = tpu.memref_squeeze %dma_wait3A_659 : memref<1x4x8x128xf32, #tpu.memory_space<vmem>> -> memref<4x8x128xf32, #tpu.memory_space<vmem>>
    %dma_wait3A_661 = arith.constant 0 : i32
    %dma_wait3A_662 = arith.constant 0 : i32
    %dma_wait3A_663 = arith.constant 0 : i32
    %dma_wait3A_664 = tpu.memref_slice %arg4[%dma_wait3A_661, %dma_wait3A_662, %dma_wait3A_663] : memref<4x8x1000000xf32, #tpu.memory_space<hbm>> -> memref<4x8x128xf32, #tpu.memory_space<hbm>>
    tpu.wait_dma2 semaphore(%arg18 : memref<!tpu.dma_semaphore, #tpu.memory_space<semaphore_mem>>) src(%dma_wait3A_664 : memref<4x8x128xf32, #tpu.memory_space<hbm>>) dst(%dma_wait3A_660 : memref<4x8x128xf32, #tpu.memory_space<vmem>>)
    %dma_wait3A_665 = arith.constant 5 : i32
    %dma_wait3A_666 = arith.constant 0 : i32
    %dma_wait3A_667 = arith.constant 0 : i32
    %dma_wait3A_668 = arith.constant 0 : i32
    %dma_wait3A_669 = tpu.memref_slice %arg9[%dma_wait3A_665, %dma_wait3A_666, %dma_wait3A_667, %dma_wait3A_668] : memref<8x4x8x128xf32, #tpu.memory_space<vmem>> -> memref<1x4x8x128xf32, #tpu.memory_space<vmem>>
    %dma_wait3A_670 = tpu.memref_squeeze %dma_wait3A_669 : memref<1x4x8x128xf32, #tpu.memory_space<vmem>> -> memref<4x8x128xf32, #tpu.memory_space<vmem>>
    %dma_wait3A_671 = arith.constant 0 : i32
    %dma_wait3A_672 = arith.constant 0 : i32
    %dma_wait3A_673 = arith.constant 0 : i32
    %dma_wait3A_674 = tpu.memref_slice %arg3[%dma_wait3A_671, %dma_wait3A_672, %dma_wait3A_673] : memref<4x8x1000000xf32, #tpu.memory_space<hbm>> -> memref<4x8x128xf32, #tpu.memory_space<hbm>>
    %dma_wait3A_675 = arith.constant 0 : i32
    %dma_wait3A_676 = arith.constant 0 : i32
    %dma_wait3A_677 = arith.constant 0 : i32
    %dma_wait3A_678 = tpu.memref_slice %arg9[%dma_wait3A_665, %dma_wait3A_675, %dma_wait3A_676, %dma_wait3A_677] : memref<8x4x8x128xf32, #tpu.memory_space<vmem>> -> memref<1x4x8x128xf32, #tpu.memory_space<vmem>>
    %dma_wait3A_679 = tpu.memref_squeeze %dma_wait3A_678 : memref<1x4x8x128xf32, #tpu.memory_space<vmem>> -> memref<4x8x128xf32, #tpu.memory_space<vmem>>
    %dma_wait3A_680 = arith.constant 0 : i32
    %dma_wait3A_681 = arith.constant 0 : i32
    %dma_wait3A_682 = arith.constant 0 : i32
    %dma_wait3A_683 = tpu.memref_slice %arg3[%dma_wait3A_680, %dma_wait3A_681, %dma_wait3A_682] : memref<4x8x1000000xf32, #tpu.memory_space<hbm>> -> memref<4x8x128xf32, #tpu.memory_space<hbm>>
    tpu.wait_dma2 semaphore(%arg19 : memref<!tpu.dma_semaphore, #tpu.memory_space<semaphore_mem>>) src(%dma_wait3A_683 : memref<4x8x128xf32, #tpu.memory_space<hbm>>) dst(%dma_wait3A_679 : memref<4x8x128xf32, #tpu.memory_space<vmem>>)
    %dma_wait3A_684 = arith.constant 5 : i32
    %dma_wait3A_685 = arith.constant 0 : i32
    %dma_wait3A_686 = arith.constant 0 : i32
    %dma_wait3A_687 = arith.constant 0 : i32
    %dma_wait3A_688 = tpu.memref_slice %arg10[%dma_wait3A_684, %dma_wait3A_685, %dma_wait3A_686, %dma_wait3A_687] : memref<8x4x8x128xf32, #tpu.memory_space<vmem>> -> memref<1x4x8x128xf32, #tpu.memory_space<vmem>>
    %dma_wait3A_689 = tpu.memref_squeeze %dma_wait3A_688 : memref<1x4x8x128xf32, #tpu.memory_space<vmem>> -> memref<4x8x128xf32, #tpu.memory_space<vmem>>
    %dma_wait3A_690 = arith.constant 0 : i32
    %dma_wait3A_691 = arith.constant 0 : i32
    %dma_wait3A_692 = arith.constant 0 : i32
    %dma_wait3A_693 = tpu.memref_slice %arg4[%dma_wait3A_690, %dma_wait3A_691, %dma_wait3A_692] : memref<4x8x1000000xf32, #tpu.memory_space<hbm>> -> memref<4x8x128xf32, #tpu.memory_space<hbm>>
    %dma_wait3A_694 = arith.constant 0 : i32
    %dma_wait3A_695 = arith.constant 0 : i32
    %dma_wait3A_696 = arith.constant 0 : i32
    %dma_wait3A_697 = tpu.memref_slice %arg10[%dma_wait3A_684, %dma_wait3A_694, %dma_wait3A_695, %dma_wait3A_696] : memref<8x4x8x128xf32, #tpu.memory_space<vmem>> -> memref<1x4x8x128xf32, #tpu.memory_space<vmem>>
    %dma_wait3A_698 = tpu.memref_squeeze %dma_wait3A_697 : memref<1x4x8x128xf32, #tpu.memory_space<vmem>> -> memref<4x8x128xf32, #tpu.memory_space<vmem>>
    %dma_wait3A_699 = arith.constant 0 : i32
    %dma_wait3A_700 = arith.constant 0 : i32
    %dma_wait3A_701 = arith.constant 0 : i32
    %dma_wait3A_702 = tpu.memref_slice %arg4[%dma_wait3A_699, %dma_wait3A_700, %dma_wait3A_701] : memref<4x8x1000000xf32, #tpu.memory_space<hbm>> -> memref<4x8x128xf32, #tpu.memory_space<hbm>>
    tpu.wait_dma2 semaphore(%arg19 : memref<!tpu.dma_semaphore, #tpu.memory_space<semaphore_mem>>) src(%dma_wait3A_702 : memref<4x8x128xf32, #tpu.memory_space<hbm>>) dst(%dma_wait3A_698 : memref<4x8x128xf32, #tpu.memory_space<vmem>>)
    %dma_wait3A_703 = arith.constant 6 : i32
    %dma_wait3A_704 = arith.constant 0 : i32
    %dma_wait3A_705 = arith.constant 0 : i32
    %dma_wait3A_706 = arith.constant 0 : i32
    %dma_wait3A_707 = tpu.memref_slice %arg9[%dma_wait3A_703, %dma_wait3A_704, %dma_wait3A_705, %dma_wait3A_706] : memref<8x4x8x128xf32, #tpu.memory_space<vmem>> -> memref<1x4x8x128xf32, #tpu.memory_space<vmem>>
    %dma_wait3A_708 = tpu.memref_squeeze %dma_wait3A_707 : memref<1x4x8x128xf32, #tpu.memory_space<vmem>> -> memref<4x8x128xf32, #tpu.memory_space<vmem>>
    %dma_wait3A_709 = arith.constant 0 : i32
    %dma_wait3A_710 = arith.constant 0 : i32
    %dma_wait3A_711 = arith.constant 0 : i32
    %dma_wait3A_712 = tpu.memref_slice %arg3[%dma_wait3A_709, %dma_wait3A_710, %dma_wait3A_711] : memref<4x8x1000000xf32, #tpu.memory_space<hbm>> -> memref<4x8x128xf32, #tpu.memory_space<hbm>>
    %dma_wait3A_713 = arith.constant 0 : i32
    %dma_wait3A_714 = arith.constant 0 : i32
    %dma_wait3A_715 = arith.constant 0 : i32
    %dma_wait3A_716 = tpu.memref_slice %arg9[%dma_wait3A_703, %dma_wait3A_713, %dma_wait3A_714, %dma_wait3A_715] : memref<8x4x8x128xf32, #tpu.memory_space<vmem>> -> memref<1x4x8x128xf32, #tpu.memory_space<vmem>>
    %dma_wait3A_717 = tpu.memref_squeeze %dma_wait3A_716 : memref<1x4x8x128xf32, #tpu.memory_space<vmem>> -> memref<4x8x128xf32, #tpu.memory_space<vmem>>
    %dma_wait3A_718 = arith.constant 0 : i32
    %dma_wait3A_719 = arith.constant 0 : i32
    %dma_wait3A_720 = arith.constant 0 : i32
    %dma_wait3A_721 = tpu.memref_slice %arg3[%dma_wait3A_718, %dma_wait3A_719, %dma_wait3A_720] : memref<4x8x1000000xf32, #tpu.memory_space<hbm>> -> memref<4x8x128xf32, #tpu.memory_space<hbm>>
    tpu.wait_dma2 semaphore(%arg20 : memref<!tpu.dma_semaphore, #tpu.memory_space<semaphore_mem>>) src(%dma_wait3A_721 : memref<4x8x128xf32, #tpu.memory_space<hbm>>) dst(%dma_wait3A_717 : memref<4x8x128xf32, #tpu.memory_space<vmem>>)
    %dma_wait3A_722 = arith.constant 6 : i32
    %dma_wait3A_723 = arith.constant 0 : i32
    %dma_wait3A_724 = arith.constant 0 : i32
    %dma_wait3A_725 = arith.constant 0 : i32
    %dma_wait3A_726 = tpu.memref_slice %arg10[%dma_wait3A_722, %dma_wait3A_723, %dma_wait3A_724, %dma_wait3A_725] : memref<8x4x8x128xf32, #tpu.memory_space<vmem>> -> memref<1x4x8x128xf32, #tpu.memory_space<vmem>>
    %dma_wait3A_727 = tpu.memref_squeeze %dma_wait3A_726 : memref<1x4x8x128xf32, #tpu.memory_space<vmem>> -> memref<4x8x128xf32, #tpu.memory_space<vmem>>
    %dma_wait3A_728 = arith.constant 0 : i32
    %dma_wait3A_729 = arith.constant 0 : i32
    %dma_wait3A_730 = arith.constant 0 : i32
    %dma_wait3A_731 = tpu.memref_slice %arg4[%dma_wait3A_728, %dma_wait3A_729, %dma_wait3A_730] : memref<4x8x1000000xf32, #tpu.memory_space<hbm>> -> memref<4x8x128xf32, #tpu.memory_space<hbm>>
    %dma_wait3A_732 = arith.constant 0 : i32
    %dma_wait3A_733 = arith.constant 0 : i32
    %dma_wait3A_734 = arith.constant 0 : i32
    %dma_wait3A_735 = tpu.memref_slice %arg10[%dma_wait3A_722, %dma_wait3A_732, %dma_wait3A_733, %dma_wait3A_734] : memref<8x4x8x128xf32, #tpu.memory_space<vmem>> -> memref<1x4x8x128xf32, #tpu.memory_space<vmem>>
    %dma_wait3A_736 = tpu.memref_squeeze %dma_wait3A_735 : memref<1x4x8x128xf32, #tpu.memory_space<vmem>> -> memref<4x8x128xf32, #tpu.memory_space<vmem>>
    %dma_wait3A_737 = arith.constant 0 : i32
    %dma_wait3A_738 = arith.constant 0 : i32
    %dma_wait3A_739 = arith.constant 0 : i32
    %dma_wait3A_740 = tpu.memref_slice %arg4[%dma_wait3A_737, %dma_wait3A_738, %dma_wait3A_739] : memref<4x8x1000000xf32, #tpu.memory_space<hbm>> -> memref<4x8x128xf32, #tpu.memory_space<hbm>>
    tpu.wait_dma2 semaphore(%arg20 : memref<!tpu.dma_semaphore, #tpu.memory_space<semaphore_mem>>) src(%dma_wait3A_740 : memref<4x8x128xf32, #tpu.memory_space<hbm>>) dst(%dma_wait3A_736 : memref<4x8x128xf32, #tpu.memory_space<vmem>>)
    "tpu.region"() ({
      %run_scoped3A_741 = tpu.sem_alloc : memref<!tpu.dma_semaphore, #tpu.memory_space<semaphore_mem>>
      %dma_start3A_742 = tpu.memref_slice %arg6[%mul3A_2] : memref<16384xf32, #tpu.memory_space<hbm>> -> memref<512xf32, #tpu.memory_space<hbm>>
      %dma_start3A_743 = tpu.memref_slice %arg6[%mul3A_2] : memref<16384xf32, #tpu.memory_space<hbm>> -> memref<512xf32, #tpu.memory_space<hbm>>
      tpu.enqueue_dma source(%arg11 : memref<512xf32, #tpu.memory_space<vmem>>) target(%dma_start3A_743 : memref<512xf32, #tpu.memory_space<hbm>>) target_semaphore(%run_scoped3A_741 : memref<!tpu.dma_semaphore, #tpu.memory_space<semaphore_mem>>)
      %dma_wait3A_744 = tpu.memref_slice %arg6[%mul3A_2] : memref<16384xf32, #tpu.memory_space<hbm>> -> memref<512xf32, #tpu.memory_space<hbm>>
      %dma_wait3A_745 = tpu.memref_slice %arg6[%mul3A_2] : memref<16384xf32, #tpu.memory_space<hbm>> -> memref<512xf32, #tpu.memory_space<hbm>>
      tpu.wait_dma2 semaphore(%run_scoped3A_741 : memref<!tpu.dma_semaphore, #tpu.memory_space<semaphore_mem>>) src(%arg11 : memref<512xf32, #tpu.memory_space<vmem>>) dst(%dma_wait3A_745 : memref<512xf32, #tpu.memory_space<hbm>>)
      tpu.yield
    }) : () -> ()
    return
  }
}

</mosaic_0001>

<sc_bundles>
// kernel: kernel.3.cloned.1.call-start
scs
__scs_entry_jumppad:
0x0: {  	(pc) =	sbr.rel $0x88, $3  }
0x1: {  	(tag) =	ssettag $0x0;
	lr =	simm.s32 $0x1  }
0x2: {  	[smem:$0x3F9C] =	sst lr;
	_ =	strace $0xD0000000  }
0x3: {  	_ = 	snop  }
0x4: {  	_ = 	snop  }
0x5: {  	_ = 	snop  }
0x6: {  	_ = 	snop  }
0x7: {  	_ = 	snop  }
__scs_overlays_trampoline_lowered:
0x8: {  	[smem:$0x3FAB] =	sst s0  }
0x9: {  	[smem:$0x3FAC] =	sst s1  }
0xa: {  	[smem:$0x3FAD] =	sst s2  }
0xb: {  	[smem:$0x3FAE] =	sst s3  }
0xc: {  	[smem:$0x3FAF] =	sst s4  }
0xd: {  	[smem:$0x3FB0] =	sst s5  }
0xe: {  	[smem:$0x3FB1] =	sst s6  }
0xf: {  	[smem:$0x3FB2] =	sst s7  }
0x10: {  	[smem:$0x3FB3] =	sst s8  }
0x11: {  	[smem:$0x3FB4] =	sst s9;
	s0 =	simm.s32 @!p0 $0x0  }
0x12: {  	s1 =	sld [smem:$0x3F9A];
	s0 =	simm.s32 @p0 $0x1  }
0x13: {  	[smem:$0x3FB5] =	sst s0;
	s0 =	simm.s32 @!p1 $0x0  }
0x14: {  	s2 =	sld [smem:$0x3F99];
	s0 =	simm.s32 @p1 $0x1  }
0x15: {  	[smem:$0x3FB6] =	sst s0;
	s0 =	simm.s32 @!p2 $0x0  }
0x16: {  	s3 =	sld [smem:$0x3FDB];
	s0 =	simm.s32 @p2 $0x1  }
0x17: {  	s4 =	simm.s32 $0x1BF5;
	[smem:$0x3FB8] =	sst s0  }
0x18: {  	s0 =	sld [smem:$0x3F9B];
	_ =	swait.ge [sflag:s4], $0x0  }
0x19: {  	s7 =	sld [smem:$0x3F9C]  }
0x1a: {  	s8 =	sadd.s32 $0xFFFFE003, lr  }
0x1b: {  	s9 =	sadd.s32 $0xFFFFFEF7, lr;
	s5 =	simm.s32 $0xFFFFFFFF;
	p2 =	slt.u32 s8, $0xFFFFF086  }
0x1c: {  	p1 =	slt.u32 s9, $0xF7A;
	s5 =	simm.s32 @!p2 $0x0  }
0x1d: {  	s5 =	simm.s32 @p1 $0x1;
	p0 =	seq.s32 s7, s2  }
0x1e: {  	s7 =	smul.u32 @!p0 $0xF7A, s2;
	p2 =	seq.s32 @!p0 s5, $0x0  }
0x1f: {  	s9 =	smul.u32 $0xF7A, s1;
	s8 =	simm.s32 @!p0 $0x1BF5;
	p2 =	por !p2, p0  }
0x20: {  	[sflag:s8] =	ssyncset.s32 @!p0 $0xFFFFF086;
	s6 =	sadd.s32 @!p0 s3, s7;
	s7 =	simm.s32 @!p0 $0x108  }
0x21: {  	s3 =	sadd.s32 s3, s9;
	s6 =	sadd.s32 @!p0 $0x88, s6;
	s7 =	simm.s32 @p2 $0x1082  }
0x22: {  	[simem:s7], [sflag:s8] =	dma.local @!p0 [hbm:s6], $0xF7A  }
0x23: {  	s9 =	sor.u32 $0xD0000000, s2;
	s6 =	simm.s32 $0x108;
	_ =	swait.ge @!p0 [sflag:s8], $0x0  }
0x24: {  	s3 =	sadd.s32 $0x88, s3;
	s6 =	simm.s32 @!p1 $0x1082;
	[sflag:s4] =	ssyncset.s32 $0xFFFFF086  }
0x25: {  	[simem:s6], [sflag:s4] =	dma.local [hbm:s3], $0xF7A  }
0x26: {  	[smem:$0x3F9C] =	sst s1;
	(tag) =	ssettag s2;
	_ =	strace s9  }
0x27: {  	s1 =	sld [smem:$0x3FAC]  }
0x28: {  	s2 =	sld [smem:$0x3FAD]  }
0x29: {  	s4 =	sld [smem:$0x3FAF]  }
0x2a: {  	p0 =	seq.s32 s5, $0x0;
	s5 =	sld [smem:$0x3FB0]  }
0x2b: {  	s6 =	sld [smem:$0x3FB1]  }
0x2c: {  	s7 =	sld [smem:$0x3FB2]  }
0x2d: {  	s3 =	simm.s32 $0x108;
	s8 =	sld [smem:$0x3FB3]  }
0x2e: {  	s3 =	simm.s32 @!p0 $0x1082;
	s9 =	sld [smem:$0x3FB4]  }
0x2f: {  	lr =	sadd.s32 s0, s3;
	s0 =	sld [smem:$0x3FAB]  }
0x30: {  	s3 =	sld [smem:$0x3FAE]  }
0x31: {  	[smem:$0x3FB7] =	sst s10  }
0x32: {  	s10 =	sld [smem:$0x3FB5];
	_ =	sdelay $0x3  }
0x33: {  	p0 =	seq.s32 s10, $0x1;
	s10 =	sld [smem:$0x3FB7];
	_ =	sdelay $0x3  }
0x34: {  	[smem:$0x3FB7] =	sst s10  }
0x35: {  	s10 =	sld [smem:$0x3FB6];
	_ =	sdelay $0x3  }
0x36: {  	p1 =	seq.s32 s10, $0x1;
	s10 =	sld [smem:$0x3FB7];
	_ =	sdelay $0x3  }
0x37: {  	[smem:$0x3FB7] =	sst s10  }
0x38: {  	s10 =	sld [smem:$0x3FB8]  }
0x39: {  	_ = 	snop;
	(pc) =	sbr.ind lr, $3  }
0x3a: {  	_ = 	snop  }
0x3b: {  	_ = 	snop  }
0x3c: {  	p2 =	seq.s32 s10, $0x1;
	s10 =	sld [smem:$0x3FB7]  }
0x3d: {  	_ =	shalt  }
0x3e: {  	_ =	shalt  }
0x3f: {  	_ =	shalt  }
0x40: {  	_ =	shalt  }
0x41: {  	_ =	shalt  }
0x42: {  	_ =	shalt  }
0x43: {  	_ =	shalt  }
0x44: {  	_ =	shalt  }
0x45: {  	_ =	shalt  }
0x46: {  	_ =	shalt  }
0x47: {  	_ =	shalt  }
0x48: {  	_ =	shalt  }
0x49: {  	_ =	shalt  }
0x4a: {  	_ =	shalt  }
0x4b: {  	_ =	shalt  }
0x4c: {  	_ =	shalt  }
0x4d: {  	_ =	shalt  }
0x4e: {  	_ =	shalt  }
0x4f: {  	_ =	shalt  }
0x50: {  	_ =	shalt  }
0x51: {  	_ =	shalt  }
0x52: {  	_ =	shalt  }
0x53: {  	_ =	shalt  }
0x54: {  	_ =	shalt  }
0x55: {  	_ =	shalt  }
0x56: {  	_ =	shalt  }
0x57: {  	_ =	shalt  }
0x58: {  	_ =	shalt  }
0x59: {  	_ =	shalt  }
0x5a: {  	_ =	shalt  }
0x5b: {  	_ =	shalt  }
0x5c: {  	_ =	shalt  }
0x5d: {  	_ =	shalt  }
0x5e: {  	_ =	shalt  }
0x5f: {  	_ =	shalt  }
0x60: {  	_ =	shalt  }
0x61: {  	_ =	shalt  }
0x62: {  	_ =	shalt  }
0x63: {  	_ =	shalt  }
0x64: {  	_ =	shalt  }
0x65: {  	_ =	shalt  }
0x66: {  	_ =	shalt  }
0x67: {  	_ =	shalt  }
0x68: {  	_ =	shalt  }
0x69: {  	_ =	shalt  }
0x6a: {  	_ =	shalt  }
0x6b: {  	_ =	shalt  }
0x6c: {  	_ =	shalt  }
0x6d: {  	_ =	shalt  }
0x6e: {  	_ =	shalt  }
0x6f: {  	_ =	shalt  }
0x70: {  	_ =	shalt  }
0x71: {  	_ =	shalt  }
0x72: {  	_ =	shalt  }
0x73: {  	_ =	shalt  }
0x74: {  	_ =	shalt  }
0x75: {  	_ =	shalt  }
0x76: {  	_ =	shalt  }
0x77: {  	_ =	shalt  }
0x78: {  	_ =	shalt  }
0x79: {  	_ =	shalt  }
0x7a: {  	_ =	shalt  }
0x7b: {  	_ =	shalt  }
0x7c: {  	_ =	shalt  }
0x7d: {  	_ =	shalt  }
0x7e: {  	_ =	shalt  }
0x7f: {  	_ =	shalt  }
0x80: {  	_ =	shalt  }
0x81: {  	_ =	shalt  }
0x82: {  	_ =	shalt  }
0x83: {  	_ =	shalt  }
0x84: {  	_ =	shalt  }
0x85: {  	_ =	shalt  }
0x86: {  	_ =	shalt  }
0x87: {  	_ =	shalt  }
.Lfunc_end0:
.L_simem_size_0:
called_computation_lowered:
.L_overlay_start_0:
0x88: {  	s2 =	sld [smem:$0x3FD9]  }
0x89: {  	s3 =	sld [smem:$0x3FFE];
	_ =	sdelay $0x1  }
0x8a: {  	s1 =	srdreg.scid  }
0x8b: {  	s0 =	sand.u32 $0x1, s1  }
0x8c: {  	s17 =	sshll.u32 s0, $0xA;
	s2 =	sadd.s32 s3, s2  }
0x8d: {  	s2 =	sadd.s32 s2, s17  }
0x8e: {  	[smem:$0x3FC3] =	sst s2  }
0x8f: {  	_ = 	snop  }
0x90: {  	s2 =	sld [smem:$0x3FC8]  }
0x91: {  	s18 =	sld [smem:$0x3FC7]  }
0x92: {  	s4 =	sld [smem:$0x3FD0];
	(tm) =	ssettm $0x1  }
0x93: {  	s5 =	sld [smem:$0x3FFB];
	_ =	sdelay $0x3  }
0x94: {  	_ =	strace s5  }
0x95: {  	s5 =	sld [smem:$0x3FFC];
	_ =	sdelay $0x3  }
0x96: {  	_ =	strace s5  }
0x97: {  	s5 =	sld [smem:$0x3FFD];
	_ =	sdelay $0x3  }
0x98: {  	_ =	strace s5  }
0x99: {  	_ =	strace $0x8FFFFFFF  }
0x9a: {  	s19 =	sld [smem:$0x3FDB];
	_ =	sdelay $0x1  }
0x9b: {  	s6 =	simm.s32 $_scs_section_size  }
0x9c: {  	s7 =	simm.s32 $_size__tile_overlayer_lowered;
	s8 =	simm.s32 $_tile_overlayer_lowered  }
0x9d: {  	s22 =	simm.s32 $0x1BFF;
	s21 =	sshll.u32 s8, $0x1;
	s5 =	sadd.s32 s6, s19  }
0x9e: {  	s9 =	simm.s32 $0x0;
	s20 =	sshll.u32 s7, $0x1;
	s7 =	sadd.s32 s21, s5  }
0x9f: {  	[timem:s9], [sflag:s22] =	dma.local [hbm:s7], s20  }
0xa0: {  	_ =	swait.ge [sflag:s22], s20  }
0xa1: {  	s6 =	ssub.s32 $0x0, s20;
	[sflag:s22] =	ssyncset.done $0x0  }
0xa2: {  	[sflag:s22] =	ssyncadd.s32 s6;
	_ =	sdelay $0x1  }
0xa3: {  	s23 =	simm.s32 $0x1B8B  }
0xa4: {  	_ =	swait.ge [sflag:s23], $0x1  }
0xa5: {  	[sflag:s23] =	ssyncset.done $0x0  }
0xa6: {  	s25 =	simm.s32 $0x1B8E;
	s24 =	sld [smem:$0x3FFE];
	[sflag:s23] =	ssyncadd.s32 $0xFFFFFFFF  }
0xa7: {  	s26 =	simm.s32 $execute0_lowered;
	[smem:$0x3FD2] =	sst s25  }
0xa8: {  	s7 =	sshll.u32 s26, $0x1;
	_ =	strace $0x80000046;
	[dreg:$0x1] =	wrdreg $0xFFFFFFFF  }
0xa9: {  	s28 =	simm.s32 $_size_execute0_lowered;
	s5 =	sadd.s32 s5, s7;
	[dreg:$0x0] =	wrdreg $0x0  }
0xaa: {  	s7 =	sshll.u32 s28, $0x1;
	[dreg:$0x2] =	wrdreg s5  }
0xab: {  	[dreg:$0x3] =	wrdreg s7  }
0xac: {  	[dreg:$0x4] =	wrdreg $0xC0  }
0xad: {  	_ =	task [dreg:s9], $0x5FFFF  }
0xae: {  	[dreg:$0x1] =	wrdreg $0xFFFFFFFF  }
0xaf: {  	[dreg:$0x0] =	wrdreg $0x60  }
0xb0: {  	[dreg:$0x2] =	wrdreg s24  }
0xb1: {  	[dreg:$0x3] =	wrdreg s2  }
0xb2: {  	[dreg:$0x4] =	wrdreg s18  }
0xb3: {  	[dreg:$0x5] =	wrdreg s4  }
0xb4: {  	[dreg:$0x6] =	wrdreg $0x9  }
0xb5: {  	_ =	task.clear_ibuf [dreg:s9], $0x7FFFF;
	_ =	strace $0x90000046  }
0xb6: {  	s29 =	simm.s32 $0x9;
	_ =	strace $0x80000048  }
0xb7: {  	_ =	swait.ge [sflag:s29], $0x1  }
0xb8: {  	[sflag:s29] =	ssyncadd.s32 $0xFFFFFFFF  }
0xb9: {  	_ =	strace $0x90000048  }
0xba: {  	_ =	sfence  }
0xbb: {  	s30 =	sld [smem:$0x0];
	_ =	sdelay $0x2  }
0xbc: {  	s31 =	sshll.u32 s1, $0xD;
	s1 =	sshrl.u32 s1, $0x2  }
0xbd: {  	s3 =	sand.u32 $0x4000, s31;
	s1 =	sadd.s32 s1, s30  }
0xbe: {  	s0 =	sor.u32 s3, s0;
	s1 =	sshll.u32 s1, $0x11  }
0xbf: {  	s0 =	sor.u32 s1, s0  }
0xc0: {  	s0 =	sadd.s32 $0x8F2B, s0  }
0xc1: {  	[sflag:s0] =	ssyncadd.remote.s32 $0x1  }
0xc2: {  	_ =	sfence.sel $0xFFFF  }
0xc3: {  	[dreg:$0x0] =	wrdreg $0xFFFFFFFF;
	(pc) =	sbr.abs _section_cstart, $3  }
0xc4: {  	[dreg:$0x1] =	wrdreg $0xFFFFFFFF  }
0xc5: {  	_ =	task.clear_ibuf [dreg:s9], $0x2FFFF;
	_ =	strace $0x9FFFFFFF  }
0xc6: {  	(tm) =	ssettm $0x7FFFFFFF  }
0xc7: {  	_ =	shalt  }
tec
execute0_lowered:
.L_overlay_start_1:
0x0: {  	(tag) =	ssettag $0x1  }
0x1: {  	s0 =	rddreg [dreg:$0x0]  }
0x2: {  	s22 =	rddreg [dreg:$0x1]  }
0x3: {  	s1 =	srdreg.scid;
	s13 =	rddreg [dreg:$0x2]  }
0x4: {  	s4 =	stileid.u32;
	s3 =	rddreg [dreg:$0x3];
	s6 =	simm.s32 $0x0  }
0x5: {  	s12 =	simm.s32 $0x400;
	s30 =	simm.s32 $0x8400;
	s17 =	simm.s32 $0x9400  }
0x6: {  	s31 =	simm.s32 $0x2400;
	s8 =	simm.s32 $0xC400;
	s9 =	simm.s32 $0xD400  }
0x7: {  	s14 =	simm.s32 $0x6400;
	s10 =	simm.s32 $0xE400;
	s29 =	simm.s32 $0x7400  }
0x8: {  	s28 =	simm.s32 $0x7;
	s1 =	sand.u32 $0x1, s1;
	s2 =	sshll.u32 s4, $0x1  }
0x9: {  	s4 =	sshll.u32 s4, $0x7;
	[smem:$0x7FF] =	sst s6;
	s7 =	sadd.s32 $0x1600, s0  }
0xa: {  	s2 =	sor.u32 s1, s2;
	s1 =	ssub.s32 $0x2, s1;
	_ =	strace $0x80000047  }
0xb: {  	vm0 =	vmmov $0x1;
	vm1 =	vcmask $0x308;
	vm2 =	vcmask $0x70C;
	[dreg:$0x5] =	wrdreg s7;
	s7 =	simm.s32 $0x4400;
	s5 =	sshll.u32 s2, $0x4  }
0xc: {  	v0 =	vlaneseq.u32;
	vm3 =	vcmask $0xB10;
	vm4 =	vcmask $0xF14;
	s23 =	sshrl.u32 s1, $0x1;
	s25 =	sshll.u32 s2, $0x6;
	s2 =	simm.s32 $0x9  }
0xd: {  	vm5 =	vcmask $0x1318;
	vm7 =	vmmov $0x3;
	v2 =	vimm.s32 $0x0;
	s4 =	sor.u32 s4, s5;
	s1 =	ssub.s32 s1, s23;
	s5 =	simm.s32 $0xB400  }
0xe: {  	vm6 =	vcmask $0x171C;
	vm10 =	vcmask $0x1B20;
	v2 =	vsel vm7, $0xFFFFFFFF, v2;
	s4 =	sand.u32 $0x670, s4;
	s26 =	smax.u32 s1, $0x1;
	s1 =	simm.s32 $0x0  }
0xf: {  	vm11 =	vcmask $0x1F24;
	vm7 =	vmmov $0x7;
	[tilespmem:$0x1FFD0] =	vst v2;
	v2 =	vimm.s32 $0x0;
	s4 =	sadd.s32 s4, s0;
	s0 =	sadd.s32 $0x1610, s0;
	[dreg:$0xa] =	wrdreg s26  }
0x10: {  	vm12 =	vcmask $0x2328;
	vm14 =	vcmask $0x272C;
	v2 =	vsel vm7, $0xFFFFFFFF, v2;
	s26 =	simm.s32 $0x7A1400;
	s24 =	sadd.s32 $0x600, s4;
	[dreg:$0x8] =	wrdreg s0  }
0x11: {  	vm13 =	vmmov $0x1f;
	v0 =	vmul.u32 $0x80, v0;
	[tilespmem:$0x1FFE0] =	vst v2;
	v2 =	vimm.s32 $0x0;
	s4 =	sadd.s32 $0xE00, s4;
	s0 =	sadd.s32 s3, s25;
	[dreg:$0x6] =	wrdreg s24  }
0x12: {  	vm8 =	vmmov $0xf;
	vm9 =	vcmask $0x2F34;
	v2 =	vsel vm13, $0xFFFFFFFF, v2;
	s25 =	simm.s32 $0x1400;
	s3 =	simm.s32 $0xA400;
	[dreg:$0x7] =	wrdreg s4  }
0x13: {  	v1 =	vor.u32 $0x800, v0;
	vm7 =	vcmask $0x2B30;
	vm13 =	vcmask $0x3338;
	[tilespmem:$0x1FFF0] =	vst v2;
	[dreg:$0x9] =	wrdreg s0;
	s4 =	simm.s32 $0x3400;
	s24 =	simm.s32 $0x5400  }
.LBB2_1:
0x14: {  	[dreg:$0xb] =	wrdreg s1  }
0x15: {  	s0 =	rddreg [dreg:$0x6];
	s21 =	simm.s32 $0x80  }
0x16: {  	[tilespmem:s6], [sflag:$0x9] =	stream.strided.gather [hbm4b:s0+s21], $0x200, s12, s21, $0x38;
	[tilespmem:$0x10700] =	vst v63  }
0x17: {  	_ =	swait.ge [sflag:s2], $0x200  }
0x18: {  	[sflag:s2] =	ssyncset.done $0x0  }
0x19: {  	s11 =	simm.s32 $0x200;
	s23 =	rddreg [dreg:$0x7];
	[sflag:s2] =	ssyncadd.s32 $0xFFFFFE00  }
0x1a: {  	[tilespmem:s11], [sflag:$0x9] =	stream.strided.gather [hbm4b:s23+s21], $0x200, s12, s21, $0x38;
	[tilespmem:$0x10700] =	vst v63  }
0x1b: {  	_ =	swait.ge [sflag:s2], $0x200  }
0x1c: {  	[sflag:s2] =	ssyncset.done $0x0  }
0x1d: {  	s15 =	simm.s32 $0x10600;
	s1 =	rddreg [dreg:$0x5];
	[sflag:s2] =	ssyncadd.s32 $0xFFFFFE00  }
0x1e: {  	[tilespmem:s15], [sflag:$0x9] =	stream.linear.gather [hbm4b:s1+s6], $0x80, $0x38;
	[tilespmem:$0x10700] =	vst v63  }
0x1f: {  	_ =	swait.ge [sflag:s2], $0x80  }
0x20: {  	[sflag:s2] =	ssyncset.done $0x0  }
0x21: {  	s18 =	simm.s32 $0x10680;
	s16 =	rddreg [dreg:$0x8];
	[sflag:s2] =	ssyncadd.s32 $0xFFFFFF80  }
0x22: {  	[tilespmem:s18], [sflag:$0x9] =	stream.linear.gather [hbm4b:s16+s6], $0x80, $0x38;
	[tilespmem:$0x10700] =	vst v63  }
0x23: {  	_ =	swait.ge [sflag:s2], $0x80  }
0x24: {  	[sflag:s2] =	ssyncset.done $0x0  }
0x25: {  	[sflag:s2] =	ssyncadd.s32 $0xFFFFFF80  }
0x26: {  	v4 =	vld [tilespmem:$0x0];
	_ =	sdelay $0x1  }
0x27: {  	v5 =	vld [tilespmem:$0x200];
	_ =	sdelay $0x2  }
0x28: {  	v2 =	vnsel vm0, $0x0, v4  }
0x29: {  	(xrf0) =	vadd.scan.msk.s32 $0xffff, v2  }
0x2a: {  	v3 =	vnsel vm0, $0x0, v5  }
0x2b: {  	(xrf0) =	vadd.scan.msk.s32 $0xffff, v3;
	_ =	sdelay $0x3  }
0x2c: {  	v2, _, _ =	vpop (xrf0)  }
0x2d: {  	v3 =	vsel vm1, $0x0, v4;
	(v2sf) =	vpush v2, $0xF  }
0x2e: {  	v2, _, _ =	vpop (xrf0);
	(xrf0) =	vadd.scan.msk.s32 $0xffff, v3;
	_ =	sdelay $0x1  }
0x2f: {  	(v2sf) =	vpush v2, $0xF;
	_ =	sdelay $0x3  }
0x30: {  	v2, _, _ =	vpop (xrf0)  }
0x31: {  	(v2sf) =	vpush v2, $0xF;
	v2 =	vsel vm1, $0x0, v5  }
0x32: {  	(xrf0) =	vadd.scan.msk.s32 $0xffff, v2;
	_ =	sdelay $0x5  }
0x33: {  	v7 =	vsel vm2, $0x0, v4;
	v6, _, _ =	vpop (xrf0);
	s19 =	spop (v2sf)  }
0x34: {  	(xrf0) =	vadd.scan.msk.s32 $0xffff, v7;
	(v2sf) =	vpush v6, $0xF;
	s20 =	sshra.s32 s19, $0x1F  }
0x35: {  	s1 =	sshrl.u32 s20, $0x19  }
0x36: {  	s21 =	spop (v2sf);
	s0 =	sadd.s32 s1, s19  }
0x37: {  	s23 =	sshra.s32 s21, $0x1F;
	s0 =	sand.u32 $0xFFFFF80, s0  }
0x38: {  	v3 =	vld [tilespmem:$0x10680];
	s1 =	sshrl.u32 s23, $0x19;
	s0 =	sadd.s32 s22, s0  }
0x39: {  	v51 =	vsel vm2, $0x0, v5;
	v2 =	vld [tilespmem:$0x10600];
	[tilespmem:s12], [sflag:$0x1] =	stream.strided.gather [hbm4b:s0+s12], $0x1000, s26, s12, $0x38  }
0x3a: {  	v50, _, _ =	vpop (xrf0);
	(xrf0) =	vadd.scan.msk.s32 $0xffff, v51;
	s0 =	sadd.s32 s1, s21  }
0x3b: {  	(v2sf) =	vpush v50, $0xF;
	s0 =	sand.u32 $0xFFFFF80, s0;
	s2 =	spop (v2sf)  }
0x3c: {  	s0 =	sadd.s32 s13, s0;
	s6 =	sshra.s32 s2, $0x1F  }
0x3d: {  	[tilespmem:s30], [sflag:$0x1] =	stream.strided.gather [hbm4b:s0+s12], $0x1000, s26, s12, $0x38;
	[tilespmem:$0x10700] =	vst v63  }
0x3e: {  	s1 =	sshrl.u32 s6, $0x19  }
0x3f: {  	v53 =	vsel vm3, $0x0, v4;
	s0 =	sadd.s32 s1, s2  }
0x40: {  	s0 =	sand.u32 $0xFFFFF80, s0;
	v52, _, _ =	vpop (xrf0);
	(xrf0) =	vadd.scan.msk.s32 $0xffff, v53  }
0x41: {  	s0 =	sadd.s32 s22, s0  }
0x42: {  	(v2sf) =	vpush v52, $0xF;
	[tilespmem:s25], [sflag:$0x2] =	stream.strided.gather [hbm4b:s0+s12], $0x1000, s26, s12, $0x38;
	[tilespmem:$0x10700] =	vst v63  }
0x43: {  	s15 =	spop (v2sf)  }
0x44: {  	s16 =	sshra.s32 s15, $0x1F  }
0x45: {  	s1 =	sshrl.u32 s16, $0x19  }
0x46: {  	v54, _, _ =	vpop (xrf0);
	s0 =	sadd.s32 s1, s15  }
0x47: {  	v55 =	vsel vm3, $0x0, v5;
	(v2sf) =	vpush v54, $0xF;
	s0 =	sand.u32 $0xFFFFF80, s0  }
0x48: {  	(xrf0) =	vadd.scan.msk.s32 $0xffff, v55;
	s0 =	sadd.s32 s13, s0  }
0x49: {  	[tilespmem:s17], [sflag:$0x2] =	stream.strided.gather [hbm4b:s0+s12], $0x1000, s26, s12, $0x38;
	[tilespmem:$0x10700] =	vst v63  }
0x4a: {  	s17 =	spop (v2sf)  }
0x4b: {  	s18 =	sshra.s32 s17, $0x1F  }
0x4c: {  	s1 =	sshrl.u32 s18, $0x19  }
0x4d: {  	v56 =	vsel vm4, $0x0, v4;
	s0 =	sadd.s32 s1, s17  }
0x4e: {  	v6, _, _ =	vpop (xrf0);
	(xrf0) =	vadd.scan.msk.s32 $0xffff, v56;
	s0 =	sand.u32 $0xFFFFF80, s0  }
0x4f: {  	(v2sf) =	vpush v6, $0xF;
	s0 =	sadd.s32 s22, s0  }
0x50: {  	[tilespmem:s31], [sflag:$0x3] =	stream.strided.gather [hbm4b:s0+s12], $0x1000, s26, s12, $0x38;
	[tilespmem:$0x10700] =	vst v63  }
0x51: {  	s19 =	spop (v2sf)  }
0x52: {  	s20 =	sshra.s32 s19, $0x1F  }
0x53: {  	v58 =	vsel vm4, $0x0, v5;
	s1 =	sshrl.u32 s20, $0x19  }
0x54: {  	v57, _, _ =	vpop (xrf0);
	(xrf0) =	vadd.scan.msk.s32 $0xffff, v58;
	s0 =	sadd.s32 s1, s19  }
0x55: {  	s0 =	sand.u32 $0xFFFFF80, s0  }
0x56: {  	s0 =	sadd.s32 s13, s0;
	s21 =	spop (v2sf);
	(v2sf) =	vpush v57, $0xF  }
0x57: {  	v60 =	vsel vm5, $0x0, v4;
	[tilespmem:s3], [sflag:$0x3] =	stream.strided.gather [hbm4b:s0+s12], $0x1000, s26, s12, $0x38;
	[tilespmem:$0x10700] =	vst v63  }
0x58: {  	(xrf0) =	vadd.scan.msk.s32 $0xffff, v60;
	s23 =	sshra.s32 s21, $0x1F  }
0x59: {  	s1 =	sshrl.u32 s23, $0x19  }
0x5a: {  	v59, _, _ =	vpop (xrf0);
	s0 =	sadd.s32 s1, s21  }
0x5b: {  	(v2sf) =	vpush v59, $0xF;
	s0 =	sand.u32 $0xFFFFF80, s0  }
0x5c: {  	s0 =	sadd.s32 s22, s0  }
0x5d: {  	[tilespmem:s4], [sflag:$0x4] =	stream.strided.gather [hbm4b:s0+s12], $0x1000, s26, s12, $0x38;
	[tilespmem:$0x10700] =	vst v63  }
0x5e: {  	v62, _, _ =	vpop (xrf0);
	s2 =	spop (v2sf)  }
0x5f: {  	v61 =	vsel vm5, $0x0, v5;
	(v2sf) =	vpush v62, $0xF;
	s3 =	sshra.s32 s2, $0x1F  }
0x60: {  	(xrf0) =	vadd.scan.msk.s32 $0xffff, v61;
	s1 =	sshrl.u32 s3, $0x19  }
0x61: {  	s0 =	sadd.s32 s1, s2  }
0x62: {  	v4 =	vsel vm6, $0x0, v4;
	s0 =	sand.u32 $0xFFFFF80, s0  }
0x63: {  	(xrf0) =	vadd.scan.msk.s32 $0xffff, v4;
	s0 =	sadd.s32 s13, s0  }
0x64: {  	[tilespmem:s5], [sflag:$0x4] =	stream.strided.gather [hbm4b:s0+s12], $0x1000, s26, s12, $0x38;
	[tilespmem:$0x10700] =	vst v63  }
0x65: {  	s4 =	spop (v2sf)  }
0x66: {  	v63, _, _ =	vpop (xrf0);
	s5 =	sshra.s32 s4, $0x1F  }
0x67: {  	(v2sf) =	vpush v63, $0xF;
	s1 =	sshrl.u32 s5, $0x19  }
0x68: {  	s0 =	sadd.s32 s1, s4  }
0x69: {  	s0 =	sand.u32 $0xFFFFF80, s0  }
0x6a: {  	v4, _, _ =	vpop (xrf0);
	s6 =	spop (v2sf);
	s0 =	sadd.s32 s22, s0  }
0x6b: {  	(v2sf) =	vpush v4, $0xF;
	v4 =	vsel vm6, $0x0, v5;
	[tilespmem:s7], [sflag:$0x5] =	stream.strided.gather [hbm4b:s0+s12], $0x1000, s26, s12, $0x38;
	[tilespmem:$0x10700] =	vst v63  }
0x6c: {  	(xrf0) =	vadd.scan.msk.s32 $0xffff, v4;
	s7 =	sshra.s32 s6, $0x1F  }
0x6d: {  	s1 =	sshrl.u32 s7, $0x19  }
0x6e: {  	s15 =	spop (v2sf);
	s0 =	sadd.s32 s1, s6  }
0x6f: {  	s16 =	sshra.s32 s15, $0x1F;
	s0 =	sand.u32 $0xFFFFF80, s0  }
0x70: {  	s1 =	sshrl.u32 s16, $0x19;
	s0 =	sadd.s32 s13, s0  }
0x71: {  	[tilespmem:s8], [sflag:$0x5] =	stream.strided.gather [hbm4b:s0+s12], $0x1000, s26, s12, $0x38;
	[tilespmem:$0x10700] =	vst v63  }
0x72: {  	v4, _, _ =	vpop (xrf0);
	s0 =	sadd.s32 s1, s15  }
0x73: {  	(v2sf) =	vpush v4, $0xF;
	s0 =	sand.u32 $0xFFFFF80, s0  }
0x74: {  	s0 =	sadd.s32 s22, s0  }
0x75: {  	[tilespmem:s24], [sflag:$0x6] =	stream.strided.gather [hbm4b:s0+s12], $0x1000, s26, s12, $0x38;
	[tilespmem:$0x10700] =	vst v63  }
0x76: {  	s17 =	spop (v2sf)  }
0x77: {  	s18 =	sshra.s32 s17, $0x1F  }
0x78: {  	s0 =	sshrl.u32 s18, $0x19  }
0x79: {  	s0 =	sadd.s32 s0, s17  }
0x7a: {  	s19 =	spop (v2sf);
	s0 =	sand.u32 $0xFFFFF80, s0  }
0x7b: {  	s20 =	sshra.s32 s19, $0x1F;
	s0 =	sadd.s32 s13, s0  }
0x7c: {  	[tilespmem:s9], [sflag:$0x6] =	stream.strided.gather [hbm4b:s0+s12], $0x1000, s26, s12, $0x38;
	[tilespmem:$0x10700] =	vst v63  }
0x7d: {  	s0 =	sshrl.u32 s20, $0x19  }
0x7e: {  	s0 =	sadd.s32 s0, s19  }
0x7f: {  	s0 =	sand.u32 $0xFFFFF80, s0  }
0x80: {  	s0 =	sadd.s32 s22, s0  }
0x81: {  	[tilespmem:s14], [sflag:$0x7] =	stream.strided.gather [hbm4b:s0+s12], $0x1000, s26, s12, $0x38;
	[tilespmem:$0x10700] =	vst v63  }
0x82: {  	s21 =	spop (v2sf)  }
0x83: {  	s23 =	sshra.s32 s21, $0x1F  }
0x84: {  	s1 =	sshrl.u32 s23, $0x19  }
0x85: {  	s0 =	sadd.s32 s1, s21  }
0x86: {  	s0 =	sand.u32 $0xFFFFF80, s0  }
0x87: {  	s0 =	sadd.s32 s13, s0  }
0x88: {  	[tilespmem:s10], [sflag:$0x7] =	stream.strided.gather [hbm4b:s0+s12], $0x1000, s26, s12, $0x38;
	[tilespmem:$0x10700] =	vst v63  }
0x89: {  	s16 =	simm.s32 $0x0;
	s1 =	simm.s32 $0x0;
	s0 =	simm.s32 $0x10400  }
.LBB2_2:
0x8a: {  	v11 =	vld [tilespmem:s1+$0x0];
	_ =	sdelay $0x4  }
0x8b: {  	v4 =	vnsel vm0, $0x0, v11  }
0x8c: {  	(xrf0) =	vadd.scan.msk.s32 $0xffff, v4;
	v4 =	vsel vm1, $0x0, v11  }
0x8d: {  	v12 =	vld [tilespmem:s11+$0x0];
	(xrf0) =	vadd.scan.msk.s32 $0xffff, v4;
	v4 =	vsel vm2, $0x0, v11  }
0x8e: {  	(xrf0) =	vadd.scan.msk.s32 $0xffff, v4;
	v4 =	vsel vm3, $0x0, v11  }
0x8f: {  	(xrf0) =	vadd.scan.msk.s32 $0xffff, v4;
	v4 =	vsel vm4, $0x0, v11  }
0x90: {  	(xrf0) =	vadd.scan.msk.s32 $0xffff, v4;
	v4 =	vsel vm5, $0x0, v11  }
0x91: {  	(xrf0) =	vadd.scan.msk.s32 $0xffff, v4;
	v4 =	vsel vm6, $0x0, v11  }
0x92: {  	v5, _, _ =	vpop (xrf0);
	(xrf0) =	vadd.scan.msk.s32 $0xffff, v4;
	v4 =	vnsel vm0, $0x0, v12  }
0x93: {  	(v2sf) =	vpush v5, $0xF;
	v5, _, _ =	vpop (xrf0);
	(xrf0) =	vadd.scan.msk.s32 $0xffff, v4;
	v4 =	vsel vm1, $0x0, v12  }
0x94: {  	(v2sf) =	vpush v5, $0xF;
	v5, _, _ =	vpop (xrf0);
	(xrf0) =	vadd.scan.msk.s32 $0xffff, v4;
	v4 =	vsel vm2, $0x0, v12  }
0x95: {  	(v2sf) =	vpush v5, $0xF;
	v5, _, _ =	vpop (xrf0);
	(xrf0) =	vadd.scan.msk.s32 $0xffff, v4;
	v4 =	vsel vm3, $0x0, v12  }
0x96: {  	(v2sf) =	vpush v5, $0xF;
	v5, _, _ =	vpop (xrf0);
	(xrf0) =	vadd.scan.msk.s32 $0xffff, v4;
	v4 =	vsel vm4, $0x0, v12  }
0x97: {  	(v2sf) =	vpush v5, $0xF;
	v5, _, _ =	vpop (xrf0);
	(xrf0) =	vadd.scan.msk.s32 $0xffff, v4;
	v4 =	vsel vm5, $0x0, v12  }
0x98: {  	(v2sf) =	vpush v5, $0xF;
	v5, _, _ =	vpop (xrf0);
	(xrf0) =	vadd.scan.msk.s32 $0xffff, v4;
	v4 =	vsel vm6, $0x0, v12  }
0x99: {  	(v2sf) =	vpush v5, $0xF;
	v5, _, _ =	vpop (xrf0);
	(xrf0) =	vadd.scan.msk.s32 $0xffff, v4;
	v4 =	vsel vm10, $0x0, v11  }
0x9a: {  	(v2sf) =	vpush v5, $0xF;
	v5, _, _ =	vpop (xrf0)  }
0x9b: {  	(xrf0) =	vadd.scan.msk.s32 $0xffff, v4;
	(v2sf) =	vpush v5, $0xF;
	v5 =	vsel vm10, $0x0, v12  }
0x9c: {  	v4, _, _ =	vpop (xrf0);
	(xrf0) =	vadd.scan.msk.s32 $0xffff, v5  }
0x9d: {  	(v2sf) =	vpush v4, $0xF;
	v4, _, _ =	vpop (xrf0)  }
0x9e: {  	v5, _, _ =	vpop (xrf0);
	(v2sf) =	vpush v4, $0xF  }
0x9f: {  	v4, _, _ =	vpop (xrf0);
	(v2sf) =	vpush v5, $0xF  }
0xa0: {  	v5, _, _ =	vpop (xrf0);
	(v2sf) =	vpush v4, $0xF  }
0xa1: {  	(v2sf) =	vpush v5, $0xF;
	v4, _, _ =	vpop (xrf0)  }
0xa2: {  	(v2sf) =	vpush v4, $0xF;
	s14 =	spop (v2sf);
	v4, _, _ =	vpop (xrf0)  }
0xa3: {  	s10 =	spop (v2sf);
	(v2sf) =	vpush v4, $0xF;
	_ =	sdelay $0x1  }
0xa4: {  	s2 =	spop (v2sf)  }
0xa5: {  	[dreg:$0xd] =	wrdreg s0;
	s0 =	spop (v2sf)  }
0xa6: {  	s6 =	spop (v2sf)  }
0xa7: {  	s3 =	spop (v2sf)  }
0xa8: {  	[dreg:$0xe] =	wrdreg s1;
	s1 =	spop (v2sf)  }
0xa9: {  	s15 =	spop (v2sf)  }
0xaa: {  	[dreg:$0xc] =	wrdreg s11;
	s11 =	spop (v2sf)  }
0xab: {  	s9 =	spop (v2sf)  }
0xac: {  	s8 =	spop (v2sf)  }
0xad: {  	s7 =	spop (v2sf)  }
0xae: {  	s5 =	spop (v2sf)  }
0xaf: {  	s4 =	spop (v2sf)  }
0xb0: {  	s18 =	spop (v2sf)  }
0xb1: {  	[dreg:$0xf] =	wrdreg s16;
	s19 =	sshra.s32 s18, $0x1F;
	s17 =	spop (v2sf)  }
0xb2: {  	s20 =	smin.u32 s16, $0x1E0;
	s19 =	sshrl.u32 s19, $0x19;
	s23 =	sshra.s32 s17, $0x1F  }
0xb3: {  	[dreg:$0x10] =	wrdreg s17;
	s21 =	sadd.s32 s19, s18;
	s19 =	sshrl.u32 s23, $0x19  }
0xb4: {  	v6 =	vld [tilespmem:s20+$0x210];
	[dreg:$0x12] =	wrdreg s21;
	s21 =	sand.u32 $0xFFFFF80, s21;
	s17 =	sadd.s32 s19, s17  }
0xb5: {  	v5 =	vld [tilespmem:s20+$0x10];
	s23 =	simm.s32 $0xF400;
	s20 =	sadd.s32 s22, s21;
	s21 =	sand.u32 $0xFFFFF80, s17  }
0xb6: {  	[tilespmem:s29], [sflag:$0x8] =	stream.strided.gather [hbm4b:s20+s12], $0x1000, s26, s12, $0x38;
	[tilespmem:$0x10700] =	vst v63  }
0xb7: {  	[dreg:$0x11] =	wrdreg s17;
	s19 =	sadd.s32 s13, s21;
	s21 =	simm.s32 $0x1  }
0xb8: {  	[tilespmem:s23], [sflag:$0x8] =	stream.strided.gather [hbm4b:s19+s12], $0x1000, s26, s12, $0x38;
	[tilespmem:$0x10700] =	vst v63  }
0xb9: {  	_ =	swait.ge [sflag:s21], $0x1000  }
0xba: {  	[sflag:s21] =	ssyncset.done $0x0  }
0xbb: {  	s16 =	sshra.s32 s14, $0x1F;
	[sflag:s21] =	ssyncadd.s32 $0xFFFFF000  }
0xbc: {  	v4 =	vsel vm11, $0x0, v11;
	s17 =	sshra.s32 s15, $0x1F;
	s19 =	sshrl.u32 s16, $0x19;
	_ =	swait.ge [sflag:s21], $0x1000  }
0xbd: {  	s20 =	sshrl.u32 s17, $0x19;
	s19 =	sadd.s32 s19, s14;
	(xrf0) =	vadd.scan.msk.s32 $0xffff, v4;
	v4 =	vsel vm11, $0x0, v12  }
0xbe: {  	s23 =	sadd.s32 s20, s15;
	s19 =	sand.u32 $0xFFFFFF80, s19;
	(xrf0) =	vadd.scan.msk.s32 $0xffff, v4  }
0xbf: {  	s14 =	ssub.s32 s14, s19;
	s19 =	sand.u32 $0xFFFFFF80, s23  }
0xc0: {  	s15 =	ssub.s32 s15, s19;
	v7 =	vadd.s32 s14, v1  }
0xc1: {  	v8 =	vadd.s32 s15, v0  }
0xc2: {  	v10 =	vadd.s32 s15, v1  }
0xc3: {  	[sflag:s21] =	ssyncset.done $0x0;
	v4 =	vadd.s32 s14, v0;
	v9, _, _ =	vpop (xrf0)  }
0xc4: {  	[sflag:s21] =	ssyncadd.s32 $0xFFFFF000;
	(v2sf) =	vpush v9, $0xF;
	v46, _, _ =	vpop (xrf0)  }
0xc5: {  	v7 =	vld.idx.msk [tilespmem:v7+s12+$0x0], $0xffff;
	(v2sf) =	vpush v46, $0xF  }
0xc6: {  	v8 =	vld.idx.msk [tilespmem:v8+s30+$0x0], $0xffff  }
0xc7: {  	v47 =	vld.idx.msk [tilespmem:v10+s30+$0x0], $0xffff  }
0xc8: {  	v4 =	vld.idx.msk [tilespmem:v4+s12+$0x0], $0xffff;
	_ =	sdelay $0x4  }
0xc9: {  	v7 =	vmul.f32 v47, v7;
	v4 =	vmul.f32 v8, v4;
	_ =	sdelay $0x1  }
0xca: {  	v4 =	vadd.f32 v7, v4;
	_ =	sdelay $0x1  }
0xcb: {  	(xrf2) =	vadd.scan.msk.f32 $0xffff, v4;
	_ =	sdelay $0x1  }
0xcc: {  	s29 =	smov.u32 s13;
	s13 =	smov.u32 s22;
	s22 =	spop (v2sf)  }
0xcd: {  	s15 =	sshra.s32 s22, $0x1F;
	s19 =	spop (v2sf)  }
0xce: {  	s14 =	sshrl.u32 s15, $0x19;
	s17 =	sshra.s32 s19, $0x1F  }
0xcf: {  	s16 =	sadd.s32 s14, s22;
	s14 =	sshrl.u32 s17, $0x19  }
0xd0: {  	s15 =	sand.u32 $0xFFFFF80, s16;
	s20 =	sadd.s32 s14, s19  }
0xd1: {  	[dreg:$0x15] =	wrdreg s16;
	s23 =	sadd.s32 s13, s15;
	s15 =	sand.u32 $0xFFFFF80, s20  }
0xd2: {  	[tilespmem:s12], [sflag:$0x1] =	stream.strided.gather [hbm4b:s23+s12], $0x1000, s26, s12, $0x38;
	[tilespmem:$0x10700] =	vst v63  }
0xd3: {  	s17 =	simm.s32 $0x2;
	[dreg:$0x13] =	wrdreg s20;
	s14 =	sadd.s32 s29, s15  }
0xd4: {  	v4, _, _ =	vpop (xrf2);
	[tilespmem:s30], [sflag:$0x1] =	stream.strided.gather [hbm4b:s14+s12], $0x1000, s26, s12, $0x38;
	[tilespmem:$0x10700] =	vst v63  }
0xd5: {  	_ =	swait.ge [sflag:s17], $0x1000  }
0xd6: {  	[sflag:s17] =	ssyncset.done $0x0  }
0xd7: {  	[sflag:s17] =	ssyncadd.s32 $0xFFFFF000  }
0xd8: {  	v48 =	vsel vm12, $0x0, v11;
	_ =	swait.ge [sflag:s17], $0x1000  }
0xd9: {  	s16 =	sshra.s32 s10, $0x1F;
	(xrf0) =	vadd.scan.msk.s32 $0xffff, v48  }
0xda: {  	v49 =	vsel vm12, $0x0, v12;
	s14 =	sshrl.u32 s16, $0x19  }
0xdb: {  	s20 =	sshra.s32 s11, $0x1F;
	s14 =	sadd.s32 s14, s10;
	(xrf0) =	vadd.scan.msk.s32 $0xffff, v49  }
0xdc: {  	s15 =	sshrl.u32 s20, $0x19;
	s14 =	sand.u32 $0xFFFFFF80, s14  }
0xdd: {  	s23 =	sadd.s32 s15, s11;
	s10 =	ssub.s32 s10, s14  }
0xde: {  	s14 =	sand.u32 $0xFFFFFF80, s23;
	v50 =	vadd.s32 s10, v0  }
0xdf: {  	s11 =	ssub.s32 s11, s14;
	v51 =	vadd.s32 s10, v1;
	v53, _, _ =	vpop (xrf0)  }
0xe0: {  	v52 =	vadd.s32 s11, v0;
	(v2sf) =	vpush v53, $0xF  }
0xe1: {  	[sflag:s17] =	ssyncset.done $0x0;
	v13 =	vadd.s32 s11, v1;
	v54, _, _ =	vpop (xrf0)  }
0xe2: {  	[sflag:s17] =	ssyncadd.s32 $0xFFFFF000;
	(v2sf) =	vpush v54, $0xF  }
0xe3: {  	v7 =	vld.idx.msk [tilespmem:v50+s25+$0x0], $0xffff  }
0xe4: {  	v8 =	vld.idx.msk [tilespmem:v51+s25+$0x0], $0xffff;
	s25 =	simm.s32 $0x9400  }
0xe5: {  	v9 =	vld.idx.msk [tilespmem:v52+s25+$0x0], $0xffff  }
0xe6: {  	v55 =	vld.idx.msk [tilespmem:v13+s25+$0x0], $0xffff;
	_ =	sdelay $0x4  }
0xe7: {  	v7 =	vmul.f32 v9, v7;
	v8 =	vmul.f32 v55, v8;
	_ =	sdelay $0x1  }
0xe8: {  	v7 =	vadd.f32 v8, v7;
	_ =	sdelay $0x1  }
0xe9: {  	(xrf2) =	vadd.scan.msk.f32 $0xffff, v7;
	s25 =	spop (v2sf)  }
0xea: {  	s11 =	sshra.s32 s25, $0x1F  }
0xeb: {  	s16 =	spop (v2sf);
	s10 =	sshrl.u32 s11, $0x19  }
0xec: {  	s23 =	sshra.s32 s16, $0x1F;
	s20 =	sadd.s32 s10, s25  }
0xed: {  	s14 =	simm.s32 $0x1400;
	s10 =	sshrl.u32 s23, $0x19;
	s11 =	sand.u32 $0xFFFFF80, s20  }
0xee: {  	[dreg:$0x14] =	wrdreg s16;
	s16 =	sadd.s32 s10, s16;
	s11 =	sadd.s32 s13, s11  }
0xef: {  	[tilespmem:s14], [sflag:$0x2] =	stream.strided.gather [hbm4b:s11+s12], $0x1000, s26, s12, $0x38;
	[tilespmem:$0x10700] =	vst v63  }
0xf0: {  	s14 =	sand.u32 $0xFFFFF80, s16  }
0xf1: {  	s15 =	simm.s32 $0x9400;
	[dreg:$0x17] =	wrdreg s20;
	s10 =	sadd.s32 s29, s14  }
0xf2: {  	[tilespmem:s15], [sflag:$0x2] =	stream.strided.gather [hbm4b:s10+s12], $0x1000, s26, s12, $0x38;
	[tilespmem:$0x10700] =	vst v63  }
0xf3: {  	v7, _, _ =	vpop (xrf2);
	[dreg:$0x16] =	wrdreg s16;
	s15 =	simm.s32 $0x3  }
0xf4: {  	_ =	swait.ge [sflag:s15], $0x1000  }
0xf5: {  	[sflag:s15] =	ssyncset.done $0x0  }
0xf6: {  	s16 =	sshra.s32 s2, $0x1F;
	[sflag:s15] =	ssyncadd.s32 $0xFFFFF000  }
0xf7: {  	v56 =	vsel vm14, $0x0, v11;
	s10 =	sshrl.u32 s16, $0x19;
	_ =	swait.ge [sflag:s15], $0x1000  }
0xf8: {  	v57 =	vsel vm14, $0x0, v12;
	s20 =	sshra.s32 s9, $0x1F;
	s10 =	sadd.s32 s10, s2;
	(xrf0) =	vadd.scan.msk.s32 $0xffff, v56  }
0xf9: {  	s11 =	sshrl.u32 s20, $0x19;
	s10 =	sand.u32 $0xFFFFFF80, s10;
	(xrf0) =	vadd.scan.msk.s32 $0xffff, v57  }
0xfa: {  	s23 =	sadd.s32 s11, s9;
	s2 =	ssub.s32 s2, s10  }
0xfb: {  	s10 =	sand.u32 $0xFFFFFF80, s23;
	v58 =	vadd.s32 s2, v0  }
0xfc: {  	s9 =	ssub.s32 s9, s10;
	v59 =	vadd.s32 s2, v1  }
0xfd: {  	v60 =	vadd.s32 s9, v0  }
0xfe: {  	[sflag:s15] =	ssyncset.done $0x0;
	v14 =	vadd.s32 s9, v1;
	v61, _, _ =	vpop (xrf0)  }
0xff: {  	[sflag:s15] =	ssyncadd.s32 $0xFFFFF000;
	(v2sf) =	vpush v61, $0xF;
	v62, _, _ =	vpop (xrf0)  }
0x100: {  	v8 =	vld.idx.msk [tilespmem:v58+s31+$0x0], $0xffff;
	(v2sf) =	vpush v62, $0xF  }
0x101: {  	s9 =	simm.s32 $0xA400;
	v9 =	vld.idx.msk [tilespmem:v59+s31+$0x0], $0xffff  }
0x102: {  	v10 =	vld.idx.msk [tilespmem:v60+s9+$0x0], $0xffff  }
0x103: {  	v63 =	vld.idx.msk [tilespmem:v14+s9+$0x0], $0xffff;
	_ =	sdelay $0x4  }
0x104: {  	v8 =	vmul.f32 v10, v8;
	v9 =	vmul.f32 v63, v9;
	_ =	sdelay $0x1  }
0x105: {  	v8 =	vadd.f32 v9, v8;
	_ =	sdelay $0x1  }
0x106: {  	(xrf2) =	vadd.scan.msk.f32 $0xffff, v8;
	_ =	sdelay $0x1  }
0x107: {  	s2 =	spop (v2sf)  }
0x108: {  	s10 =	sshra.s32 s2, $0x1F;
	s31 =	spop (v2sf)  }
0x109: {  	s9 =	sshrl.u32 s10, $0x19;
	s20 =	sshra.s32 s31, $0x1F  }
0x10a: {  	s14 =	simm.s32 $0xA400;
	s16 =	sadd.s32 s9, s2;
	s9 =	sshrl.u32 s20, $0x19  }
0x10b: {  	s11 =	simm.s32 $0x2400;
	s10 =	sand.u32 $0xFFFFF80, s16;
	s23 =	sadd.s32 s9, s31  }
0x10c: {  	[dreg:$0x18] =	wrdreg s23;
	s20 =	sadd.s32 s13, s10;
	s23 =	sand.u32 $0xFFFFF80, s23  }
0x10d: {  	[tilespmem:s11], [sflag:$0x3] =	stream.strided.gather [hbm4b:s20+s12], $0x1000, s26, s12, $0x38;
	[tilespmem:$0x10700] =	vst v63  }
0x10e: {  	[dreg:$0x19] =	wrdreg s16;
	s9 =	sadd.s32 s29, s23;
	s11 =	simm.s32 $0x4  }
0x10f: {  	v8, _, _ =	vpop (xrf2);
	[tilespmem:s14], [sflag:$0x3] =	stream.strided.gather [hbm4b:s9+s12], $0x1000, s26, s12, $0x38;
	[tilespmem:$0x10700] =	vst v63  }
0x110: {  	_ =	swait.ge [sflag:s11], $0x1000  }
0x111: {  	[sflag:s11] =	ssyncset.done $0x0  }
0x112: {  	[sflag:s11] =	ssyncadd.s32 $0xFFFFF000  }
0x113: {  	v15 =	vsel vm7, $0x0, v11;
	_ =	swait.ge [sflag:s11], $0x1000  }
0x114: {  	(xrf0) =	vadd.scan.msk.s32 $0xffff, v15;
	_ =	sdelay $0x1  }
0x115: {  	s10 =	sshra.s32 s0, $0x1F  }
0x116: {  	s9 =	sshrl.u32 s10, $0x19  }
0x117: {  	v16 =	vsel vm7, $0x0, v12;
	s14 =	sshra.s32 s8, $0x1F;
	s9 =	sadd.s32 s9, s0  }
0x118: {  	s10 =	sshrl.u32 s14, $0x19;
	s9 =	sand.u32 $0xFFFFFF80, s9;
	(xrf0) =	vadd.scan.msk.s32 $0xffff, v16  }
0x119: {  	s16 =	sadd.s32 s10, s8;
	s0 =	ssub.s32 s0, s9;
	v17, _, _ =	vpop (xrf0)  }
0x11a: {  	s9 =	sand.u32 $0xFFFFFF80, s16;
	v18 =	vadd.s32 s0, v0;
	(v2sf) =	vpush v17, $0xF  }
0x11b: {  	s8 =	ssub.s32 s8, s9;
	v19 =	vadd.s32 s0, v1  }
0x11c: {  	v20 =	vadd.s32 s8, v0  }
0x11d: {  	[sflag:s11] =	ssyncset.done $0x0;
	v21 =	vadd.s32 s8, v1  }
0x11e: {  	s20 =	simm.s32 $0x3400;
	[sflag:s11] =	ssyncadd.s32 $0xFFFFF000;
	v15, _, _ =	vpop (xrf0)  }
0x11f: {  	v10 =	vld.idx.msk [tilespmem:v18+s20+$0x0], $0xffff;
	(v2sf) =	vpush v15, $0xF  }
0x120: {  	s10 =	simm.s32 $0xB400;
	v9 =	vld.idx.msk [tilespmem:v19+s20+$0x0], $0xffff  }
0x121: {  	v13 =	vld.idx.msk [tilespmem:v20+s10+$0x0], $0xffff  }
0x122: {  	v14 =	vld.idx.msk [tilespmem:v21+s10+$0x0], $0xffff;
	_ =	sdelay $0x4  }
0x123: {  	v10 =	vmul.f32 v13, v10;
	v9 =	vmul.f32 v14, v9;
	_ =	sdelay $0x1  }
0x124: {  	v9 =	vadd.f32 v9, v10;
	s8 =	spop (v2sf)  }
0x125: {  	s16 =	sshra.s32 s8, $0x1F  }
0x126: {  	(xrf2) =	vadd.scan.msk.f32 $0xffff, v9;
	s0 =	sshrl.u32 s16, $0x19  }
0x127: {  	s0 =	sadd.s32 s0, s8  }
0x128: {  	s23 =	simm.s32 $0x3400;
	s20 =	sand.u32 $0xFFFFF80, s0  }
0x129: {  	[dreg:$0x1a] =	wrdreg s0;
	s0 =	spop (v2sf);
	s9 =	sadd.s32 s13, s20  }
0x12a: {  	[tilespmem:s23], [sflag:$0x4] =	stream.strided.gather [hbm4b:s9+s12], $0x1000, s26, s12, $0x38;
	[tilespmem:$0x10700] =	vst v63  }
0x12b: {  	s23 =	sshra.s32 s0, $0x1F  }
0x12c: {  	s9 =	sshrl.u32 s23, $0x19  }
0x12d: {  	s9 =	sadd.s32 s9, s0  }
0x12e: {  	[dreg:$0x1b] =	wrdreg s9;
	s9 =	sand.u32 $0xFFFFF80, s9  }
0x12f: {  	s10 =	simm.s32 $0xB400;
	s16 =	simm.s32 $0x5;
	s9 =	sadd.s32 s29, s9  }
0x130: {  	v9, _, _ =	vpop (xrf2);
	[tilespmem:s10], [sflag:$0x4] =	stream.strided.gather [hbm4b:s9+s12], $0x1000, s26, s12, $0x38;
	[tilespmem:$0x10700] =	vst v63  }
0x131: {  	_ =	swait.ge [sflag:s16], $0x1000  }
0x132: {  	[sflag:s16] =	ssyncset.done $0x0  }
0x133: {  	[sflag:s16] =	ssyncadd.s32 $0xFFFFF000  }
0x134: {  	v22 =	vsel vm9, $0x0, v11;
	_ =	swait.ge [sflag:s16], $0x1000  }
0x135: {  	(xrf0) =	vadd.scan.msk.s32 $0xffff, v22;
	_ =	sdelay $0x2  }
0x136: {  	s14 =	sshra.s32 s6, $0x1F  }
0x137: {  	s20 =	sshra.s32 s7, $0x1F;
	s9 =	sshrl.u32 s14, $0x19  }
0x138: {  	s10 =	sshrl.u32 s20, $0x19;
	s9 =	sadd.s32 s9, s6  }
0x139: {  	v23 =	vsel vm9, $0x0, v12;
	s23 =	sadd.s32 s10, s7;
	s9 =	sand.u32 $0xFFFFFF80, s9;
	v10, _, _ =	vpop (xrf0)  }
0x13a: {  	s6 =	ssub.s32 s6, s9;
	s9 =	sand.u32 $0xFFFFFF80, s23;
	(xrf0) =	vadd.scan.msk.s32 $0xffff, v23;
	(v2sf) =	vpush v10, $0xF  }
0x13b: {  	s7 =	ssub.s32 s7, s9;
	v25 =	vadd.s32 s6, v1  }
0x13c: {  	v26 =	vadd.s32 s7, v0  }
0x13d: {  	v27 =	vadd.s32 s7, v1  }
0x13e: {  	v24 =	vadd.s32 s6, v0;
	[sflag:s16] =	ssyncset.done $0x0  }
0x13f: {  	s7 =	simm.s32 $0x4400;
	[sflag:s16] =	ssyncadd.s32 $0xFFFFF000  }
0x140: {  	s10 =	simm.s32 $0xC400;
	v13 =	vld.idx.msk [tilespmem:v25+s7+$0x0], $0xffff;
	v16, _, _ =	vpop (xrf0)  }
0x141: {  	v14 =	vld.idx.msk [tilespmem:v26+s10+$0x0], $0xffff;
	(v2sf) =	vpush v16, $0xF  }
0x142: {  	v15 =	vld.idx.msk [tilespmem:v27+s10+$0x0], $0xffff  }
0x143: {  	v10 =	vld.idx.msk [tilespmem:v24+s7+$0x0], $0xffff;
	_ =	sdelay $0x4  }
0x144: {  	v13 =	vmul.f32 v15, v13;
	v10 =	vmul.f32 v14, v10  }
0x145: {  	s23 =	spop (v2sf)  }
0x146: {  	v10 =	vadd.f32 v13, v10;
	s20 =	sshra.s32 s23, $0x1F  }
0x147: {  	s6 =	sshrl.u32 s20, $0x19  }
0x148: {  	(xrf2) =	vadd.scan.msk.f32 $0xffff, v10;
	s6 =	sadd.s32 s6, s23  }
0x149: {  	[dreg:$0x1c] =	wrdreg s6;
	s6 =	sand.u32 $0xFFFFF80, s6  }
0x14a: {  	s9 =	simm.s32 $0x4400;
	s6 =	sadd.s32 s13, s6  }
0x14b: {  	[tilespmem:s9], [sflag:$0x5] =	stream.strided.gather [hbm4b:s6+s12], $0x1000, s26, s12, $0x38;
	[tilespmem:$0x10700] =	vst v63  }
0x14c: {  	s10 =	spop (v2sf)  }
0x14d: {  	s6 =	sshra.s32 s10, $0x1F  }
0x14e: {  	s7 =	sshrl.u32 s6, $0x19  }
0x14f: {  	s7 =	sadd.s32 s7, s10  }
0x150: {  	[dreg:$0x1d] =	wrdreg s7;
	s7 =	sand.u32 $0xFFFFF80, s7  }
0x151: {  	s14 =	simm.s32 $0xC400;
	s6 =	simm.s32 $0x6;
	s7 =	sadd.s32 s29, s7  }
0x152: {  	v10, _, _ =	vpop (xrf2);
	[tilespmem:s14], [sflag:$0x5] =	stream.strided.gather [hbm4b:s7+s12], $0x1000, s26, s12, $0x38;
	[tilespmem:$0x10700] =	vst v63  }
0x153: {  	_ =	swait.ge [sflag:s6], $0x1000  }
0x154: {  	[sflag:s6] =	ssyncset.done $0x0  }
0x155: {  	[sflag:s6] =	ssyncadd.s32 $0xFFFFF000  }
0x156: {  	v28 =	vsel vm13, $0x0, v11;
	_ =	swait.ge [sflag:s6], $0x1000  }
0x157: {  	(xrf0) =	vadd.scan.msk.s32 $0xffff, v28;
	_ =	sdelay $0x2  }
0x158: {  	s9 =	sshra.s32 s3, $0x1F  }
0x159: {  	s7 =	sshrl.u32 s9, $0x19;
	s14 =	sshra.s32 s5, $0x1F  }
0x15a: {  	s7 =	sadd.s32 s7, s3;
	s9 =	sshrl.u32 s14, $0x19  }
0x15b: {  	v29 =	vsel vm13, $0x0, v12;
	s7 =	sand.u32 $0xFFFFFF80, s7;
	s20 =	sadd.s32 s9, s5;
	v13, _, _ =	vpop (xrf0)  }
0x15c: {  	s3 =	ssub.s32 s3, s7;
	s7 =	sand.u32 $0xFFFFFF80, s20;
	(xrf0) =	vadd.scan.msk.s32 $0xffff, v29;
	(v2sf) =	vpush v13, $0xF  }
0x15d: {  	s5 =	ssub.s32 s5, s7;
	v31 =	vadd.s32 s3, v1  }
0x15e: {  	v32 =	vadd.s32 s5, v0  }
0x15f: {  	v33 =	vadd.s32 s5, v1  }
0x160: {  	v30 =	vadd.s32 s3, v0;
	[sflag:s6] =	ssyncset.done $0x0  }
0x161: {  	[sflag:s6] =	ssyncadd.s32 $0xFFFFF000  }
0x162: {  	s9 =	simm.s32 $0xD400;
	v14 =	vld.idx.msk [tilespmem:v31+s24+$0x0], $0xffff;
	v17, _, _ =	vpop (xrf0)  }
0x163: {  	v15 =	vld.idx.msk [tilespmem:v32+s9+$0x0], $0xffff;
	(v2sf) =	vpush v17, $0xF  }
0x164: {  	v16 =	vld.idx.msk [tilespmem:v33+s9+$0x0], $0xffff  }
0x165: {  	v13 =	vld.idx.msk [tilespmem:v30+s24+$0x0], $0xffff;
	_ =	sdelay $0x4  }
0x166: {  	v14 =	vmul.f32 v16, v14;
	v13 =	vmul.f32 v15, v13  }
0x167: {  	s9 =	spop (v2sf)  }
0x168: {  	v13 =	vadd.f32 v14, v13;
	s20 =	sshra.s32 s9, $0x1F  }
0x169: {  	s3 =	sshrl.u32 s20, $0x19  }
0x16a: {  	(xrf2) =	vadd.scan.msk.f32 $0xffff, v13;
	s3 =	sadd.s32 s3, s9  }
0x16b: {  	[dreg:$0x1e] =	wrdreg s3;
	s3 =	sand.u32 $0xFFFFF80, s3  }
0x16c: {  	s3 =	sadd.s32 s13, s3  }
0x16d: {  	[tilespmem:s24], [sflag:$0x6] =	stream.strided.gather [hbm4b:s3+s12], $0x1000, s26, s12, $0x38;
	[tilespmem:$0x10700] =	vst v63  }
0x16e: {  	s20 =	spop (v2sf)  }
0x16f: {  	s24 =	sshra.s32 s20, $0x1F  }
0x170: {  	s3 =	sshrl.u32 s24, $0x19  }
0x171: {  	s24 =	sadd.s32 s3, s20  }
0x172: {  	s3 =	sand.u32 $0xFFFFF80, s24  }
0x173: {  	s14 =	simm.s32 $0xD400;
	s3 =	sadd.s32 s29, s3  }
0x174: {  	v13, _, _ =	vpop (xrf2);
	[tilespmem:s14], [sflag:$0x6] =	stream.strided.gather [hbm4b:s3+s12], $0x1000, s26, s12, $0x38;
	[tilespmem:$0x10700] =	vst v63  }
0x175: {  	_ =	swait.ge [sflag:s28], $0x1000  }
0x176: {  	[sflag:s28] =	ssyncset.done $0x0  }
0x177: {  	vm7 =	vcmask $0x373C;
	[sflag:s28] =	ssyncadd.s32 $0xFFFFF000  }
0x178: {  	v34 =	vsel vm7, $0x0, v11;
	_ =	swait.ge [sflag:s28], $0x1000  }
0x179: {  	(xrf0) =	vadd.scan.msk.s32 $0xffff, v34;
	_ =	sdelay $0x2  }
0x17a: {  	s5 =	sshra.s32 s1, $0x1F  }
0x17b: {  	s7 =	sshra.s32 s4, $0x1F;
	s3 =	sshrl.u32 s5, $0x19  }
0x17c: {  	s5 =	sshrl.u32 s7, $0x19;
	s3 =	sadd.s32 s3, s1  }
0x17d: {  	v35 =	vsel vm7, $0x0, v12;
	s14 =	sadd.s32 s5, s4;
	s3 =	sand.u32 $0xFFFFFF80, s3;
	v14, _, _ =	vpop (xrf0)  }
0x17e: {  	s1 =	ssub.s32 s1, s3;
	s3 =	sand.u32 $0xFFFFFF80, s14;
	(xrf0) =	vadd.scan.msk.s32 $0xffff, v35;
	(v2sf) =	vpush v14, $0xF  }
0x17f: {  	s3 =	ssub.s32 s4, s3;
	v37 =	vadd.s32 s1, v1  }
0x180: {  	v38 =	vadd.s32 s3, v0  }
0x181: {  	v39 =	vadd.s32 s3, v1  }
0x182: {  	v36 =	vadd.s32 s1, v0;
	[sflag:s28] =	ssyncset.done $0x0  }
0x183: {  	s4 =	simm.s32 $0x6400;
	[sflag:s28] =	ssyncadd.s32 $0xFFFFF000  }
0x184: {  	s5 =	simm.s32 $0xE400;
	v15 =	vld.idx.msk [tilespmem:v37+s4+$0x0], $0xffff;
	v18, _, _ =	vpop (xrf0)  }
0x185: {  	v16 =	vld.idx.msk [tilespmem:v38+s5+$0x0], $0xffff;
	(v2sf) =	vpush v18, $0xF  }
0x186: {  	v17 =	vld.idx.msk [tilespmem:v39+s5+$0x0], $0xffff  }
0x187: {  	v14 =	vld.idx.msk [tilespmem:v36+s4+$0x0], $0xffff;
	_ =	sdelay $0x4  }
0x188: {  	v15 =	vmul.f32 v17, v15;
	v14 =	vmul.f32 v16, v14  }
0x189: {  	s1 =	spop (v2sf)  }
0x18a: {  	v14 =	vadd.f32 v15, v14;
	s7 =	sshra.s32 s1, $0x1F  }
0x18b: {  	s3 =	sshrl.u32 s7, $0x19  }
0x18c: {  	(xrf2) =	vadd.scan.msk.f32 $0xffff, v14;
	s3 =	sadd.s32 s3, s1  }
0x18d: {  	[dreg:$0x1f] =	wrdreg s3;
	s3 =	sand.u32 $0xFFFFF80, s3  }
0x18e: {  	s14 =	simm.s32 $0x6400;
	s3 =	sadd.s32 s13, s3  }
0x18f: {  	[tilespmem:s14], [sflag:$0x7] =	stream.strided.gather [hbm4b:s3+s12], $0x1000, s26, s12, $0x38;
	[tilespmem:$0x10700] =	vst v63  }
0x190: {  	s7 =	spop (v2sf)  }
0x191: {  	s4 =	sshra.s32 s7, $0x1F  }
0x192: {  	s3 =	sshrl.u32 s4, $0x19  }
0x193: {  	s3 =	sadd.s32 s3, s7  }
0x194: {  	[smem:$0x7FD] =	sst s3;
	s3 =	sand.u32 $0xFFFFF80, s3  }
0x195: {  	s5 =	simm.s32 $0xE400;
	s14 =	simm.s32 $0x8;
	s3 =	sadd.s32 s29, s3  }
0x196: {  	v14, _, _ =	vpop (xrf2);
	[tilespmem:s5], [sflag:$0x7] =	stream.strided.gather [hbm4b:s3+s12], $0x1000, s26, s12, $0x38;
	[tilespmem:$0x10700] =	vst v63  }
0x197: {  	s4 =	simm.s32 $0x8;
	_ =	swait.ge [sflag:s14], $0x1000  }
0x198: {  	vm9 =	vmmov vm14;
	s5 =	simm.s32 $0x8;
	[sflag:s4] =	ssyncset.done $0x0  }
0x199: {  	vm14 =	vmmov vm12;
	vm12 =	vmmov vm10;
	vm10 =	vmmov $0x7fff;
	s14 =	simm.s32 $0x8;
	[sflag:s5] =	ssyncadd.s32 $0xFFFFF000  }
0x19a: {  	v11 =	vsel vm10, $0x0, v11;
	_ =	swait.ge [sflag:s14], $0x1000  }
0x19b: {  	(xrf0) =	vadd.scan.msk.s32 $0xffff, v11;
	_ =	sdelay $0x4  }
0x19c: {  	s3 =	rddreg [dreg:$0x12]  }
0x19d: {  	v12 =	vsel vm10, $0x0, v12;
	s3 =	sand.u32 $0xFFFFFF80, s3;
	v11, _, _ =	vpop (xrf0)  }
0x19e: {  	s3 =	ssub.s32 s18, s3;
	s18 =	rddreg [dreg:$0x11];
	(xrf0) =	vadd.scan.msk.s32 $0xffff, v12;
	(v2sf) =	vpush v11, $0xF  }
0x19f: {  	s14 =	rddreg [dreg:$0x10];
	s4 =	sand.u32 $0xFFFFFF80, s18;
	v40 =	vadd.s32 s3, v0  }
0x1a0: {  	v41 =	vadd.s32 s3, v1;
	s5 =	ssub.s32 s14, s4  }
0x1a1: {  	s18 =	simm.s32 $0x8;
	v42 =	vadd.s32 s5, v0  }
0x1a2: {  	[sflag:s18] =	ssyncset.done $0x0;
	s4 =	simm.s32 $0x8;
	v43 =	vadd.s32 s5, v1  }
0x1a3: {  	[sflag:s4] =	ssyncadd.s32 $0xFFFFF000;
	s5 =	simm.s32 $0x7400  }
0x1a4: {  	s14 =	simm.s32 $0x7400;
	v11 =	vld.idx.msk [tilespmem:v40+s5+$0x0], $0xffff;
	v44, _, _ =	vpop (xrf0)  }
0x1a5: {  	s18 =	simm.s32 $0xF400;
	v12 =	vld.idx.msk [tilespmem:v41+s14+$0x0], $0xffff;
	(v2sf) =	vpush v44, $0xF  }
0x1a6: {  	s4 =	simm.s32 $0xF400;
	v15 =	vld.idx.msk [tilespmem:v42+s18+$0x0], $0xffff  }
0x1a7: {  	v16 =	vld.idx.msk [tilespmem:v43+s4+$0x0], $0xffff;
	_ =	sdelay $0x4  }
0x1a8: {  	v11 =	vmul.f32 v15, v11;
	v12 =	vmul.f32 v16, v12  }
0x1a9: {  	s4 =	spop (v2sf)  }
0x1aa: {  	v11 =	vadd.f32 v12, v11;
	s5 =	sshra.s32 s4, $0x1F  }
0x1ab: {  	s3 =	sshrl.u32 s5, $0x19  }
0x1ac: {  	(xrf2) =	vadd.scan.msk.f32 $0xffff, v11;
	s5 =	sadd.s32 s3, s4  }
0x1ad: {  	s3 =	sand.u32 $0xFFFFF80, s5  }
0x1ae: {  	s14 =	simm.s32 $0x7400;
	s3 =	sadd.s32 s13, s3  }
0x1af: {  	[tilespmem:s14], [sflag:$0x8] =	stream.strided.gather [hbm4b:s3+s12], $0x1000, s26, s12, $0x38;
	[tilespmem:$0x10700] =	vst v63  }
0x1b0: {  	s18 =	spop (v2sf)  }
0x1b1: {  	s14 =	sshra.s32 s18, $0x1F  }
0x1b2: {  	s3 =	sshrl.u32 s14, $0x19  }
0x1b3: {  	s3 =	sadd.s32 s3, s18  }
0x1b4: {  	s30 =	sand.u32 $0xFFFFF80, s3  }
0x1b5: {  	s14 =	simm.s32 $0xF400;
	s30 =	sadd.s32 s29, s30  }
0x1b6: {  	v11, _, _ =	vpop (xrf2);
	[tilespmem:s14], [sflag:$0x8] =	stream.strided.gather [hbm4b:s30+s12], $0x1000, s26, s12, $0x38;
	[tilespmem:$0x10700] =	vst v63  }
0x1b7: {  	_ =	swait.ge [sflag:s21], $0x1000  }
0x1b8: {  	[sflag:s21] =	ssyncset.done $0x0  }
0x1b9: {  	[sflag:s21] =	ssyncadd.s32 $0xFFFFF000  }
0x1ba: {  	v45 =	vnsel vm0, $0x0, v5;
	_ =	swait.ge [sflag:s21], $0x1000  }
0x1bb: {  	(xrf0) =	vadd.scan.msk.s32 $0xffff, v45;
	_ =	sdelay $0x4  }
0x1bc: {  	s14 =	rddreg [dreg:$0x15]  }
0x1bd: {  	v46 =	vnsel vm0, $0x0, v6;
	s30 =	sand.u32 $0xFFFFFF80, s14;
	v12, _, _ =	vpop (xrf0)  }
0x1be: {  	s14 =	rddreg [dreg:$0x13];
	s22 =	ssub.s32 s22, s30;
	(xrf0) =	vadd.scan.msk.s32 $0xffff, v46;
	(v2sf) =	vpush v12, $0xF  }
0x1bf: {  	s30 =	sand.u32 $0xFFFFFF80, s14;
	v47 =	vadd.s32 s22, v0  }
0x1c0: {  	s19 =	ssub.s32 s19, s30;
	v48 =	vadd.s32 s22, v1  }
0x1c1: {  	v49 =	vadd.s32 s19, v0  }
0x1c2: {  	[sflag:s21] =	ssyncset.done $0x0;
	v50 =	vadd.s32 s19, v1  }
0x1c3: {  	[sflag:s21] =	ssyncadd.s32 $0xFFFFF000  }
0x1c4: {  	v12 =	vld.idx.msk [tilespmem:v47+s12+$0x0], $0xffff;
	v51, _, _ =	vpop (xrf0)  }
0x1c5: {  	s30 =	simm.s32 $0x8400;
	v15 =	vld.idx.msk [tilespmem:v48+s12+$0x0], $0xffff;
	(v2sf) =	vpush v51, $0xF  }
0x1c6: {  	v16 =	vld.idx.msk [tilespmem:v49+s30+$0x0], $0xffff  }
0x1c7: {  	v17 =	vld.idx.msk [tilespmem:v50+s30+$0x0], $0xffff;
	_ =	sdelay $0x4  }
0x1c8: {  	v12 =	vmul.f32 v16, v12;
	v15 =	vmul.f32 v17, v15  }
0x1c9: {  	s21 =	spop (v2sf)  }
0x1ca: {  	v12 =	vadd.f32 v15, v12;
	s14 =	sshra.s32 s21, $0x1F  }
0x1cb: {  	s22 =	sshrl.u32 s14, $0x19  }
0x1cc: {  	(xrf2) =	vadd.scan.msk.f32 $0xffff, v12;
	s19 =	sadd.s32 s22, s21  }
0x1cd: {  	s19 =	sand.u32 $0xFFFFF80, s19  }
0x1ce: {  	s19 =	sadd.s32 s13, s19  }
0x1cf: {  	[tilespmem:s12], [sflag:$0x1] =	stream.strided.gather [hbm4b:s19+s12], $0x1000, s26, s12, $0x38;
	[tilespmem:$0x10700] =	vst v63  }
0x1d0: {  	s21 =	spop (v2sf)  }
0x1d1: {  	s14 =	sshra.s32 s21, $0x1F  }
0x1d2: {  	s22 =	sshrl.u32 s14, $0x19  }
0x1d3: {  	s19 =	sadd.s32 s22, s21  }
0x1d4: {  	s19 =	sand.u32 $0xFFFFF80, s19  }
0x1d5: {  	s19 =	sadd.s32 s29, s19  }
0x1d6: {  	v12, _, _ =	vpop (xrf2);
	[tilespmem:s30], [sflag:$0x1] =	stream.strided.gather [hbm4b:s19+s12], $0x1000, s26, s12, $0x38;
	[tilespmem:$0x10700] =	vst v63  }
0x1d7: {  	_ =	swait.ge [sflag:s17], $0x1000  }
0x1d8: {  	[sflag:s17] =	ssyncset.done $0x0  }
0x1d9: {  	[sflag:s17] =	ssyncadd.s32 $0xFFFFF000  }
0x1da: {  	v52 =	vsel vm1, $0x0, v5;
	_ =	swait.ge [sflag:s17], $0x1000  }
0x1db: {  	(xrf0) =	vadd.scan.msk.s32 $0xffff, v52;
	_ =	sdelay $0x4  }
0x1dc: {  	s21 =	rddreg [dreg:$0x17]  }
0x1dd: {  	v53 =	vsel vm1, $0x0, v6;
	s22 =	sand.u32 $0xFFFFFF80, s21;
	v15, _, _ =	vpop (xrf0)  }
0x1de: {  	s19 =	ssub.s32 s25, s22;
	s25 =	rddreg [dreg:$0x16];
	(xrf0) =	vadd.scan.msk.s32 $0xffff, v53;
	(v2sf) =	vpush v15, $0xF  }
0x1df: {  	s21 =	sand.u32 $0xFFFFFF80, s25;
	v54 =	vadd.s32 s19, v0;
	s25 =	rddreg [dreg:$0x14]  }
0x1e0: {  	v55 =	vadd.s32 s19, v1;
	s22 =	ssub.s32 s25, s21  }
0x1e1: {  	v56 =	vadd.s32 s22, v0  }
0x1e2: {  	[sflag:s17] =	ssyncset.done $0x0;
	v57 =	vadd.s32 s22, v1  }
0x1e3: {  	[sflag:s17] =	ssyncadd.s32 $0xFFFFF000;
	s25 =	simm.s32 $0x1400  }
0x1e4: {  	v15 =	vld.idx.msk [tilespmem:v54+s25+$0x0], $0xffff;
	v19, _, _ =	vpop (xrf0)  }
0x1e5: {  	s14 =	simm.s32 $0x9400;
	v16 =	vld.idx.msk [tilespmem:v55+s25+$0x0], $0xffff;
	(v2sf) =	vpush v19, $0xF  }
0x1e6: {  	v17 =	vld.idx.msk [tilespmem:v56+s14+$0x0], $0xffff  }
0x1e7: {  	v18 =	vld.idx.msk [tilespmem:v57+s14+$0x0], $0xffff;
	_ =	sdelay $0x4  }
0x1e8: {  	v15 =	vmul.f32 v17, v15;
	v16 =	vmul.f32 v18, v16  }
0x1e9: {  	s21 =	spop (v2sf)  }
0x1ea: {  	v15 =	vadd.f32 v16, v15;
	s17 =	sshra.s32 s21, $0x1F  }
0x1eb: {  	s22 =	sshrl.u32 s17, $0x19  }
0x1ec: {  	(xrf2) =	vadd.scan.msk.f32 $0xffff, v15;
	s19 =	sadd.s32 s22, s21  }
0x1ed: {  	s19 =	sand.u32 $0xFFFFF80, s19  }
0x1ee: {  	s19 =	sadd.s32 s13, s19  }
0x1ef: {  	[tilespmem:s25], [sflag:$0x2] =	stream.strided.gather [hbm4b:s19+s12], $0x1000, s26, s12, $0x38;
	[tilespmem:$0x10700] =	vst v63  }
0x1f0: {  	s21 =	spop (v2sf)  }
0x1f1: {  	s17 =	sshra.s32 s21, $0x1F  }
0x1f2: {  	s22 =	sshrl.u32 s17, $0x19  }
0x1f3: {  	s19 =	sadd.s32 s22, s21  }
0x1f4: {  	s22 =	smov.u32 s13;
	s13 =	smov.u32 s29;
	s19 =	sand.u32 $0xFFFFF80, s19  }
0x1f5: {  	s19 =	sadd.s32 s13, s19  }
0x1f6: {  	v15, _, _ =	vpop (xrf2);
	[tilespmem:s14], [sflag:$0x2] =	stream.strided.gather [hbm4b:s19+s12], $0x1000, s26, s12, $0x38;
	[tilespmem:$0x10700] =	vst v63  }
0x1f7: {  	_ =	swait.ge [sflag:s15], $0x1000  }
0x1f8: {  	[sflag:s15] =	ssyncset.done $0x0  }
0x1f9: {  	[sflag:s15] =	ssyncadd.s32 $0xFFFFF000  }
0x1fa: {  	v58 =	vsel vm2, $0x0, v5;
	_ =	swait.ge [sflag:s15], $0x1000  }
0x1fb: {  	(xrf0) =	vadd.scan.msk.s32 $0xffff, v58;
	_ =	sdelay $0x4  }
0x1fc: {  	s21 =	rddreg [dreg:$0x19]  }
0x1fd: {  	v59 =	vsel vm2, $0x0, v6;
	s14 =	sand.u32 $0xFFFFFF80, s21;
	v16, _, _ =	vpop (xrf0)  }
0x1fe: {  	s21 =	rddreg [dreg:$0x18];
	s2 =	ssub.s32 s2, s14;
	(xrf0) =	vadd.scan.msk.s32 $0xffff, v59;
	(v2sf) =	vpush v16, $0xF  }
0x1ff: {  	s14 =	sand.u32 $0xFFFFFF80, s21;
	v60 =	vadd.s32 s2, v0  }
0x200: {  	s19 =	ssub.s32 s31, s14;
	v61 =	vadd.s32 s2, v1  }
0x201: {  	v62 =	vadd.s32 s19, v0  }
0x202: {  	[sflag:s15] =	ssyncset.done $0x0;
	v63 =	vadd.s32 s19, v1  }
0x203: {  	[sflag:s15] =	ssyncadd.s32 $0xFFFFF000;
	s31 =	simm.s32 $0x2400  }
0x204: {  	v16 =	vld.idx.msk [tilespmem:v60+s31+$0x0], $0xffff;
	v20, _, _ =	vpop (xrf0)  }
0x205: {  	s19 =	simm.s32 $0xA400;
	v17 =	vld.idx.msk [tilespmem:v61+s31+$0x0], $0xffff;
	(v2sf) =	vpush v20, $0xF  }
0x206: {  	v18 =	vld.idx.msk [tilespmem:v62+s19+$0x0], $0xffff  }
0x207: {  	v19 =	vld.idx.msk [tilespmem:v63+s19+$0x0], $0xffff;
	_ =	sdelay $0x4  }
0x208: {  	v16 =	vmul.f32 v18, v16;
	v17 =	vmul.f32 v19, v17  }
0x209: {  	s21 =	spop (v2sf)  }
0x20a: {  	v16 =	vadd.f32 v17, v16;
	s15 =	sshra.s32 s21, $0x1F  }
0x20b: {  	s19 =	sshrl.u32 s15, $0x19  }
0x20c: {  	(xrf2) =	vadd.scan.msk.f32 $0xffff, v16;
	s2 =	sadd.s32 s19, s21  }
0x20d: {  	s2 =	sand.u32 $0xFFFFF80, s2  }
0x20e: {  	s2 =	sadd.s32 s22, s2  }
0x20f: {  	[tilespmem:s31], [sflag:$0x3] =	stream.strided.gather [hbm4b:s2+s12], $0x1000, s26, s12, $0x38;
	[tilespmem:$0x10700] =	vst v63  }
0x210: {  	s21 =	spop (v2sf)  }
0x211: {  	s15 =	sshra.s32 s21, $0x1F  }
0x212: {  	s19 =	sshrl.u32 s15, $0x19  }
0x213: {  	s2 =	sadd.s32 s19, s21  }
0x214: {  	s2 =	sand.u32 $0xFFFFF80, s2  }
0x215: {  	s14 =	simm.s32 $0xA400;
	s2 =	sadd.s32 s13, s2  }
0x216: {  	v16, _, _ =	vpop (xrf2);
	[tilespmem:s14], [sflag:$0x3] =	stream.strided.gather [hbm4b:s2+s12], $0x1000, s26, s12, $0x38;
	[tilespmem:$0x10700] =	vst v63  }
0x217: {  	_ =	swait.ge [sflag:s11], $0x1000  }
0x218: {  	[sflag:s11] =	ssyncset.done $0x0  }
0x219: {  	[sflag:s11] =	ssyncadd.s32 $0xFFFFF000  }
0x21a: {  	v23 =	vsel vm3, $0x0, v5;
	_ =	swait.ge [sflag:s11], $0x1000  }
0x21b: {  	(xrf0) =	vadd.scan.msk.s32 $0xffff, v23;
	_ =	sdelay $0x4  }
0x21c: {  	s19 =	rddreg [dreg:$0x1a]  }
0x21d: {  	v24 =	vsel vm3, $0x0, v6;
	s2 =	sand.u32 $0xFFFFFF80, s19;
	v17, _, _ =	vpop (xrf0)  }
0x21e: {  	s21 =	rddreg [dreg:$0x1b];
	s2 =	ssub.s32 s8, s2;
	(xrf0) =	vadd.scan.msk.s32 $0xffff, v24;
	(v2sf) =	vpush v17, $0xF  }
0x21f: {  	s8 =	sand.u32 $0xFFFFFF80, s21;
	v25 =	vadd.s32 s2, v0  }
0x220: {  	s0 =	ssub.s32 s0, s8;
	v26 =	vadd.s32 s2, v1  }
0x221: {  	v27 =	vadd.s32 s0, v0  }
0x222: {  	[sflag:s11] =	ssyncset.done $0x0;
	v28 =	vadd.s32 s0, v1  }
0x223: {  	[sflag:s11] =	ssyncadd.s32 $0xFFFFF000;
	s2 =	simm.s32 $0x3400  }
0x224: {  	v17 =	vld.idx.msk [tilespmem:v25+s2+$0x0], $0xffff;
	v21, _, _ =	vpop (xrf0)  }
0x225: {  	s14 =	simm.s32 $0xB400;
	v18 =	vld.idx.msk [tilespmem:v26+s2+$0x0], $0xffff;
	(v2sf) =	vpush v21, $0xF  }
0x226: {  	v19 =	vld.idx.msk [tilespmem:v27+s14+$0x0], $0xffff  }
0x227: {  	v20 =	vld.idx.msk [tilespmem:v28+s14+$0x0], $0xffff;
	_ =	sdelay $0x4  }
0x228: {  	v17 =	vmul.f32 v19, v17;
	v18 =	vmul.f32 v20, v18  }
0x229: {  	s19 =	spop (v2sf)  }
0x22a: {  	v17 =	vadd.f32 v18, v17;
	s21 =	sshra.s32 s19, $0x1F  }
0x22b: {  	s2 =	sshrl.u32 s21, $0x19  }
0x22c: {  	(xrf2) =	vadd.scan.msk.f32 $0xffff, v17;
	s0 =	sadd.s32 s2, s19  }
0x22d: {  	s0 =	sand.u32 $0xFFFFF80, s0  }
0x22e: {  	s8 =	simm.s32 $0x3400;
	s0 =	sadd.s32 s22, s0  }
0x22f: {  	[tilespmem:s8], [sflag:$0x4] =	stream.strided.gather [hbm4b:s0+s12], $0x1000, s26, s12, $0x38;
	[tilespmem:$0x10700] =	vst v63  }
0x230: {  	s11 =	spop (v2sf)  }
0x231: {  	s14 =	sshra.s32 s11, $0x1F  }
0x232: {  	s2 =	sshrl.u32 s14, $0x19  }
0x233: {  	s0 =	sadd.s32 s2, s11  }
0x234: {  	s0 =	sand.u32 $0xFFFFF80, s0  }
0x235: {  	s15 =	simm.s32 $0xB400;
	s0 =	sadd.s32 s13, s0  }
0x236: {  	v17, _, _ =	vpop (xrf2);
	[tilespmem:s15], [sflag:$0x4] =	stream.strided.gather [hbm4b:s0+s12], $0x1000, s26, s12, $0x38;
	[tilespmem:$0x10700] =	vst v63  }
0x237: {  	_ =	swait.ge [sflag:s16], $0x1000  }
0x238: {  	[sflag:s16] =	ssyncset.done $0x0  }
0x239: {  	[sflag:s16] =	ssyncadd.s32 $0xFFFFF000  }
0x23a: {  	v29 =	vsel vm4, $0x0, v5;
	_ =	swait.ge [sflag:s16], $0x1000  }
0x23b: {  	(xrf0) =	vadd.scan.msk.s32 $0xffff, v29;
	_ =	sdelay $0x4  }
0x23c: {  	s15 =	rddreg [dreg:$0x1c]  }
0x23d: {  	v30 =	vsel vm4, $0x0, v6;
	s0 =	sand.u32 $0xFFFFFF80, s15;
	v18, _, _ =	vpop (xrf0)  }
0x23e: {  	s19 =	rddreg [dreg:$0x1d];
	s0 =	ssub.s32 s23, s0;
	(xrf0) =	vadd.scan.msk.s32 $0xffff, v30;
	(v2sf) =	vpush v18, $0xF  }
0x23f: {  	s2 =	sand.u32 $0xFFFFFF80, s19;
	v31 =	vadd.s32 s0, v0  }
0x240: {  	s2 =	ssub.s32 s10, s2;
	v32 =	vadd.s32 s0, v1  }
0x241: {  	v33 =	vadd.s32 s2, v0  }
0x242: {  	[sflag:s16] =	ssyncset.done $0x0;
	v34 =	vadd.s32 s2, v1  }
0x243: {  	s21 =	simm.s32 $0x4400;
	[sflag:s16] =	ssyncadd.s32 $0xFFFFF000  }
0x244: {  	v18 =	vld.idx.msk [tilespmem:v31+s21+$0x0], $0xffff;
	v22, _, _ =	vpop (xrf0)  }
0x245: {  	s10 =	simm.s32 $0xC400;
	v19 =	vld.idx.msk [tilespmem:v32+s21+$0x0], $0xffff;
	(v2sf) =	vpush v22, $0xF  }
0x246: {  	v20 =	vld.idx.msk [tilespmem:v33+s10+$0x0], $0xffff  }
0x247: {  	v21 =	vld.idx.msk [tilespmem:v34+s10+$0x0], $0xffff;
	_ =	sdelay $0x4  }
0x248: {  	v18 =	vmul.f32 v20, v18;
	v19 =	vmul.f32 v21, v19  }
0x249: {  	s15 =	spop (v2sf)  }
0x24a: {  	v18 =	vadd.f32 v19, v18;
	s19 =	sshra.s32 s15, $0x1F  }
0x24b: {  	s2 =	sshrl.u32 s19, $0x19  }
0x24c: {  	(xrf2) =	vadd.scan.msk.f32 $0xffff, v18;
	s0 =	sadd.s32 s2, s15  }
0x24d: {  	s0 =	sand.u32 $0xFFFFF80, s0  }
0x24e: {  	s23 =	simm.s32 $0x4400;
	s0 =	sadd.s32 s22, s0  }
0x24f: {  	[tilespmem:s23], [sflag:$0x5] =	stream.strided.gather [hbm4b:s0+s12], $0x1000, s26, s12, $0x38;
	[tilespmem:$0x10700] =	vst v63  }
0x250: {  	s21 =	spop (v2sf)  }
0x251: {  	s23 =	sshra.s32 s21, $0x1F  }
0x252: {  	s2 =	sshrl.u32 s23, $0x19  }
0x253: {  	s0 =	sadd.s32 s2, s21  }
0x254: {  	s0 =	sand.u32 $0xFFFFF80, s0  }
0x255: {  	s10 =	simm.s32 $0xC400;
	s0 =	sadd.s32 s13, s0  }
0x256: {  	v18, _, _ =	vpop (xrf2);
	[tilespmem:s10], [sflag:$0x5] =	stream.strided.gather [hbm4b:s0+s12], $0x1000, s26, s12, $0x38;
	[tilespmem:$0x10700] =	vst v63  }
0x257: {  	s16 =	rddreg [dreg:$0xf];
	_ =	swait.ge [sflag:s6], $0x1000  }
0x258: {  	[sflag:s6] =	ssyncset.done $0x0  }
0x259: {  	[sflag:s6] =	ssyncadd.s32 $0xFFFFF000  }
0x25a: {  	v35 =	vsel vm5, $0x0, v5;
	_ =	swait.ge [sflag:s6], $0x1000  }
0x25b: {  	(xrf0) =	vadd.scan.msk.s32 $0xffff, v35;
	_ =	sdelay $0x5  }
0x25c: {  	v36 =	vsel vm5, $0x0, v6;
	s15 =	sand.u32 $0xFFFFFF80, s24;
	v19, _, _ =	vpop (xrf0)  }
0x25d: {  	s2 =	ssub.s32 s20, s15;
	s14 =	rddreg [dreg:$0x1e];
	(xrf0) =	vadd.scan.msk.s32 $0xffff, v36;
	(v2sf) =	vpush v19, $0xF  }
0x25e: {  	v39 =	vadd.s32 s2, v0;
	s0 =	sand.u32 $0xFFFFFF80, s14  }
0x25f: {  	v40 =	vadd.s32 s2, v1;
	s0 =	ssub.s32 s9, s0  }
0x260: {  	v37 =	vadd.s32 s0, v0  }
0x261: {  	[sflag:s6] =	ssyncset.done $0x0;
	v38 =	vadd.s32 s0, v1  }
0x262: {  	s19 =	simm.s32 $0xD400;
	[sflag:s6] =	ssyncadd.s32 $0xFFFFF000  }
0x263: {  	v21 =	vld.idx.msk [tilespmem:v39+s19+$0x0], $0xffff;
	v23, _, _ =	vpop (xrf0)  }
0x264: {  	s24 =	simm.s32 $0x5400;
	v22 =	vld.idx.msk [tilespmem:v40+s19+$0x0], $0xffff;
	(v2sf) =	vpush v23, $0xF  }
0x265: {  	v19 =	vld.idx.msk [tilespmem:v37+s24+$0x0], $0xffff  }
0x266: {  	v20 =	vld.idx.msk [tilespmem:v38+s24+$0x0], $0xffff;
	_ =	sdelay $0x4  }
0x267: {  	v19 =	vmul.f32 v21, v19;
	v20 =	vmul.f32 v22, v20  }
0x268: {  	s21 =	spop (v2sf)  }
0x269: {  	v19 =	vadd.f32 v20, v19;
	s23 =	sshra.s32 s21, $0x1F  }
0x26a: {  	s2 =	sshrl.u32 s23, $0x19  }
0x26b: {  	(xrf2) =	vadd.scan.msk.f32 $0xffff, v19;
	s0 =	sadd.s32 s2, s21  }
0x26c: {  	s0 =	sand.u32 $0xFFFFF80, s0  }
0x26d: {  	s0 =	sadd.s32 s22, s0  }
0x26e: {  	[tilespmem:s24], [sflag:$0x6] =	stream.strided.gather [hbm4b:s0+s12], $0x1000, s26, s12, $0x38;
	[tilespmem:$0x10700] =	vst v63  }
0x26f: {  	s9 =	spop (v2sf)  }
0x270: {  	s10 =	sshra.s32 s9, $0x1F  }
0x271: {  	s2 =	sshrl.u32 s10, $0x19  }
0x272: {  	s0 =	sadd.s32 s2, s9  }
0x273: {  	s0 =	sand.u32 $0xFFFFF80, s0  }
0x274: {  	s20 =	simm.s32 $0xD400;
	s0 =	sadd.s32 s13, s0  }
0x275: {  	v19, _, _ =	vpop (xrf2);
	[tilespmem:s20], [sflag:$0x6] =	stream.strided.gather [hbm4b:s0+s12], $0x1000, s26, s12, $0x38;
	[tilespmem:$0x10700] =	vst v63  }
0x276: {  	_ =	swait.ge [sflag:s28], $0x1000  }
0x277: {  	[sflag:s28] =	ssyncset.done $0x0  }
0x278: {  	[sflag:s28] =	ssyncadd.s32 $0xFFFFF000  }
0x279: {  	v5 =	vsel vm6, $0x0, v5;
	_ =	swait.ge [sflag:s28], $0x1000  }
0x27a: {  	(xrf0) =	vadd.scan.msk.s32 $0xffff, v5;
	_ =	sdelay $0x3  }
0x27b: {  	s19 =	sld [smem:$0x7FD]  }
0x27c: {  	s14 =	rddreg [dreg:$0x1f]  }
0x27d: {  	v6 =	vsel vm6, $0x0, v6;
	s0 =	sand.u32 $0xFFFFFF80, s14;
	v5, _, _ =	vpop (xrf0)  }
0x27e: {  	s0 =	ssub.s32 s1, s0;
	s1 =	sand.u32 $0xFFFFFF80, s19;
	(xrf0) =	vadd.scan.msk.s32 $0xffff, v6;
	(v2sf) =	vpush v5, $0xF  }
0x27f: {  	v41 =	vadd.s32 s0, v1;
	s1 =	ssub.s32 s7, s1  }
0x280: {  	v42 =	vadd.s32 s1, v0  }
0x281: {  	v43 =	vadd.s32 s1, v1  }
0x282: {  	[sflag:s28] =	ssyncset.done $0x0;
	v5 =	vadd.s32 s0, v0  }
0x283: {  	s15 =	simm.s32 $0x6400;
	[sflag:s28] =	ssyncadd.s32 $0xFFFFF000  }
0x284: {  	s20 =	simm.s32 $0xE400;
	v6 =	vld.idx.msk [tilespmem:v41+s15+$0x0], $0xffff;
	v44, _, _ =	vpop (xrf0)  }
0x285: {  	v20 =	vld.idx.msk [tilespmem:v42+s20+$0x0], $0xffff;
	(v2sf) =	vpush v44, $0xF  }
0x286: {  	v21 =	vld.idx.msk [tilespmem:v43+s20+$0x0], $0xffff  }
0x287: {  	v5 =	vld.idx.msk [tilespmem:v5+s15+$0x0], $0xffff;
	_ =	sdelay $0x4  }
0x288: {  	v6 =	vmul.f32 v21, v6;
	v5 =	vmul.f32 v20, v5  }
0x289: {  	s23 =	spop (v2sf)  }
0x28a: {  	v5 =	vadd.f32 v6, v5;
	s7 =	sshra.s32 s23, $0x1F  }
0x28b: {  	s1 =	sshrl.u32 s7, $0x19  }
0x28c: {  	(xrf2) =	vadd.scan.msk.f32 $0xffff, v5;
	s0 =	sadd.s32 s1, s23  }
0x28d: {  	s0 =	sand.u32 $0xFFFFF80, s0  }
0x28e: {  	s0 =	sadd.s32 s22, s0  }
0x28f: {  	[tilespmem:s15], [sflag:$0x7] =	stream.strided.gather [hbm4b:s0+s12], $0x1000, s26, s12, $0x38;
	[tilespmem:$0x10700] =	vst v63  }
0x290: {  	s9 =	spop (v2sf)  }
0x291: {  	s10 =	sshra.s32 s9, $0x1F  }
0x292: {  	s1 =	sshrl.u32 s10, $0x19  }
0x293: {  	s0 =	sadd.s32 s1, s9  }
0x294: {  	s11 =	simm.s32 $0x8;
	s0 =	sand.u32 $0xFFFFF80, s0  }
0x295: {  	s21 =	simm.s32 $0xE400;
	s15 =	sand.u32 $0xFFFFFF80, s5;
	s0 =	sadd.s32 s13, s0  }
0x296: {  	v5, _, _ =	vpop (xrf2);
	[tilespmem:s21], [sflag:$0x7] =	stream.strided.gather [hbm4b:s0+s12], $0x1000, s26, s12, $0x38;
	[tilespmem:$0x10700] =	vst v63  }
0x297: {  	s19 =	sand.u32 $0xFFFFFF80, s3;
	s0 =	ssub.s32 s4, s15;
	_ =	swait.ge [sflag:s11], $0x1000  }
0x298: {  	s1 =	ssub.s32 s18, s19;
	v45 =	vadd.s32 s0, v0;
	[sflag:s11] =	ssyncset.done $0x0  }
0x299: {  	v46 =	vadd.s32 s1, v0;
	[sflag:s11] =	ssyncadd.s32 $0xFFFFF000  }
0x29a: {  	v47 =	vadd.s32 s0, v1;
	s20 =	rddreg [dreg:$0xd];
	_ =	swait.ge [sflag:s11], $0x1000  }
0x29b: {  	v48 =	vadd.s32 s1, v1;
	[sflag:s11] =	ssyncset.done $0x0  }
0x29c: {  	s29 =	simm.s32 $0x7400;
	[sflag:s11] =	ssyncadd.s32 $0xFFFFF000  }
0x29d: {  	s8 =	simm.s32 $0xF400;
	v6 =	vld.idx.msk [tilespmem:v45+s29+$0x0], $0xffff  }
0x29e: {  	v20 =	vld.idx.msk [tilespmem:v46+s8+$0x0], $0xffff  }
0x29f: {  	v21 =	vld.idx.msk [tilespmem:v47+s29+$0x0], $0xffff  }
0x2a0: {  	v22 =	vld.idx.msk [tilespmem:v48+s8+$0x0], $0xffff  }
0x2a1: {  	v51 =	vld [tilespmem:$0x1FFD0]  }
0x2a2: {  	v53 =	vld [tilespmem:$0x1FFE0]  }
0x2a3: {  	v4 =	vbroadcast v4, $0xF;
	v7 =	vbroadcast v7, $0xF  }
0x2a4: {  	vm15 =	vmmov vm13;
	vm13 =	vmmov vm11;
	v8 =	vbroadcast v8, $0xF;
	v56 =	vld [tilespmem:$0x1FFF0]  }
0x2a5: {  	v4 =	vsel vm0, v4, v7;
	v6 =	vmul.f32 v20, v6;
	v49 =	vmul.f32 v22, v21  }
0x2a6: {  	v50 =	vbroadcast v9, $0xF;
	v52 =	vbroadcast v10, $0xF;
	vm7 =	vnez.u8 v51  }
0x2a7: {  	v4 =	vsel vm7, v4, v8;
	vm7 =	vnez.u8 v53;
	v6 =	vadd.f32 v49, v6  }
0x2a8: {  	vm11 =	vmmov $0x3f;
	v54 =	vbroadcast v13, $0xF;
	v4 =	vsel vm7, v4, v50  }
0x2a9: {  	v55 =	vbroadcast v14, $0xF;
	vm7 =	vnez.u8 v56;
	v4 =	vsel vm8, v4, v52;
	(xrf2) =	vadd.scan.msk.f32 $0xffff, v6  }
0x2aa: {  	v57 =	vbroadcast v11, $0xF;
	v58 =	vbroadcast v12, $0xF;
	v4 =	vsel vm7, v4, v54  }
0x2ab: {  	v59 =	vbroadcast v15, $0xF;
	v4 =	vsel vm11, v4, v55;
	vm11 =	vmmov $0x7f  }
0x2ac: {  	v60 =	vbroadcast v16, $0xF;
	v4 =	vsel vm11, v4, v57;
	vm11 =	vmmov $0xff  }
0x2ad: {  	v61 =	vbroadcast v17, $0xF;
	v4 =	vsel vm11, v4, v58;
	vm11 =	vmmov $0x1ff  }
0x2ae: {  	v62 =	vbroadcast v18, $0xF;
	v4 =	vsel vm11, v4, v59;
	vm11 =	vmmov $0x3ff  }
0x2af: {  	v5 =	vbroadcast v5, $0xF;
	v4 =	vsel vm11, v4, v60;
	vm11 =	vmmov $0x7ff  }
0x2b0: {  	v63 =	vbroadcast v19, $0xF;
	v4 =	vsel vm11, v4, v61;
	vm11 =	vmmov $0xfff  }
0x2b1: {  	v4 =	vsel vm11, v4, v62;
	vm11 =	vmmov $0x1fff  }
0x2b2: {  	v4 =	vsel vm11, v4, v63;
	vm11 =	vmmov $0x3fff  }
0x2b3: {  	v4 =	vsel vm11, v4, v5;
	v5, _, _ =	vpop (xrf2)  }
0x2b4: {  	v4 =	vsel vm10, v4, v5  }
0x2b5: {  	v4 =	vmul.f32 v4, v2;
	_ =	sdelay $0x1  }
0x2b6: {  	v4 =	vadd.f32 v4, v3;
	_ =	sdelay $0x1  }
0x2b7: {  	v4 =	vsub.f32 $0.0e+00, v4;
	_ =	sdelay $0x1  }
0x2b8: {  	v4 =	vmul.f32 $1.442695020e+00, v4;
	_ =	sdelay $0x1  }
0x2b9: {  	(erf) = vpow2.f32 v4;
	_ =	sdelay $0x8  }
0x2ba: {  	v4 =	vpop (erf)  }
0x2bb: {  	v4 =	vadd.f32 $1.000000000e+00, v4;
	_ =	sdelay $0x1  }
0x2bc: {  	(erf) = vrcp.f32 v4;
	_ =	sdelay $0x3  }
0x2bd: {  	vm7 =	vmmov vm0;
	vm0 =	vmmov vm6;
	vm6 =	vmmov vm5  }
0x2be: {  	p0 =	sne.s32 s16, $0x1F0;
	vm5 =	vmmov vm4;
	vm4 =	vmmov vm3;
	vm3 =	vmmov vm2  }
.Ltmp0:
0x2bf: {  	vm2 =	vmmov vm3;
	(pc) =	sbr.rel @p0 .LBB2_2-.Ltmp0, $4  }
0x2c0: {  	vm3 =	vmmov vm4;
	vm4 =	vmmov vm5;
	vm5 =	vmmov vm6  }
0x2c1: {  	s17 =	simm.s32 $0x9400;
	s21 =	rddreg [dreg:$0xe];
	vm6 =	vmmov vm0;
	vm0 =	vmmov vm7;
	vm7 =	vcmask $0x2B30  }
0x2c2: {  	s16 =	sadd.s32 $0x10, s16;
	s14 =	simm.s32 $0x6400;
	s23 =	rddreg [dreg:$0xc];
	vm11 =	vmmov vm13;
	vm13 =	vmmov vm15;
	vm10 =	vmmov vm12;
	v4 =	vpop (erf)  }
0x2c3: {  	s0 =	sadd.s32 $0x10, s20;
	s1 =	sadd.s32 $0x10, s21;
	s11 =	sadd.s32 $0x10, s23;
	vm12 =	vmmov vm14;
	vm14 =	vmmov vm9;
	vm9 =	vcmask $0x2F34;
	[tilespmem:s20+$0x0] =	vst v4  }
0x2c4: {  	s0 =	simm.s32 $0x1  }
0x2c5: {  	_ =	swait.ge [sflag:s0], $0x1000  }
0x2c6: {  	[sflag:s0] =	ssyncset.done $0x0  }
0x2c7: {  	[sflag:s0] =	ssyncadd.s32 $0xFFFFF000  }
0x2c8: {  	_ =	swait.ge [sflag:s0], $0x1000  }
0x2c9: {  	[sflag:s0] =	ssyncset.done $0x0  }
0x2ca: {  	s10 =	simm.s32 $0x2;
	[sflag:s0] =	ssyncadd.s32 $0xFFFFF000  }
0x2cb: {  	_ =	swait.ge [sflag:s10], $0x1000  }
0x2cc: {  	[sflag:s10] =	ssyncset.done $0x0  }
0x2cd: {  	[sflag:s10] =	ssyncadd.s32 $0xFFFFF000  }
0x2ce: {  	_ =	swait.ge [sflag:s10], $0x1000  }
0x2cf: {  	[sflag:s10] =	ssyncset.done $0x0  }
0x2d0: {  	s11 =	simm.s32 $0x3;
	[sflag:s10] =	ssyncadd.s32 $0xFFFFF000  }
0x2d1: {  	_ =	swait.ge [sflag:s11], $0x1000  }
0x2d2: {  	[sflag:s11] =	ssyncset.done $0x0  }
0x2d3: {  	[sflag:s11] =	ssyncadd.s32 $0xFFFFF000  }
0x2d4: {  	_ =	swait.ge [sflag:s11], $0x1000  }
0x2d5: {  	[sflag:s11] =	ssyncset.done $0x0  }
0x2d6: {  	s15 =	simm.s32 $0x4;
	[sflag:s11] =	ssyncadd.s32 $0xFFFFF000  }
0x2d7: {  	_ =	swait.ge [sflag:s15], $0x1000  }
0x2d8: {  	[sflag:s15] =	ssyncset.done $0x0  }
0x2d9: {  	[sflag:s15] =	ssyncadd.s32 $0xFFFFF000  }
0x2da: {  	_ =	swait.ge [sflag:s15], $0x1000  }
0x2db: {  	[sflag:s15] =	ssyncset.done $0x0  }
0x2dc: {  	s16 =	simm.s32 $0x5;
	[sflag:s15] =	ssyncadd.s32 $0xFFFFF000  }
0x2dd: {  	_ =	swait.ge [sflag:s16], $0x1000  }
0x2de: {  	[sflag:s16] =	ssyncset.done $0x0  }
0x2df: {  	[sflag:s16] =	ssyncadd.s32 $0xFFFFF000  }
0x2e0: {  	_ =	swait.ge [sflag:s16], $0x1000  }
0x2e1: {  	[sflag:s16] =	ssyncset.done $0x0  }
0x2e2: {  	s18 =	simm.s32 $0x6;
	[sflag:s16] =	ssyncadd.s32 $0xFFFFF000  }
0x2e3: {  	_ =	swait.ge [sflag:s18], $0x1000  }
0x2e4: {  	[sflag:s18] =	ssyncset.done $0x0  }
0x2e5: {  	[sflag:s18] =	ssyncadd.s32 $0xFFFFF000  }
0x2e6: {  	_ =	swait.ge [sflag:s18], $0x1000  }
0x2e7: {  	[sflag:s18] =	ssyncset.done $0x0  }
0x2e8: {  	s19 =	simm.s32 $0x7;
	[sflag:s18] =	ssyncadd.s32 $0xFFFFF000  }
0x2e9: {  	_ =	swait.ge [sflag:s19], $0x1000  }
0x2ea: {  	[sflag:s19] =	ssyncset.done $0x0  }
0x2eb: {  	[sflag:s19] =	ssyncadd.s32 $0xFFFFF000  }
0x2ec: {  	_ =	swait.ge [sflag:s19], $0x1000  }
0x2ed: {  	s6 =	simm.s32 $0x0;
	s1 =	simm.s32 $0x10400;
	[sflag:s19] =	ssyncset.done $0x0  }
0x2ee: {  	s2 =	simm.s32 $0x9;
	s20 =	rddreg [dreg:$0x9];
	[sflag:s19] =	ssyncadd.s32 $0xFFFFF000  }
0x2ef: {  	[hbm4b:s20+s6] =	stream.linear.scatter [tilespmem:s1], [sflag:$0x9], $0x200, $0x38;
	[tilespmem:$0x10700] =	vst v63  }
0x2f0: {  	_ =	swait.ge [sflag:s2], $0x200  }
0x2f1: {  	s21 =	rddreg [dreg:$0xb]  }
0x2f2: {  	s23 =	rddreg [dreg:$0xa];
	s1 =	sadd.s32 $0x1, s21  }
0x2f3: {  	p0 =	sne.s32 s1, s23  }
.Ltmp1:
0x2f4: {  	_ = 	snop;
	(pc) =	sbr.rel @p0 .LBB2_1-.Ltmp1, $4  }
0x2f5: {  	_ = 	snop  }
0x2f6: {  	s3 =	simm.s32 $0xA400;
	s4 =	simm.s32 $0x3400;
	s5 =	simm.s32 $0xB400  }
0x2f7: {  	s7 =	simm.s32 $0x4400;
	s8 =	simm.s32 $0xC400;
	[sflag:s2] =	ssyncset.done $0x0  }
0x2f8: {  	s9 =	simm.s32 $0xD400;
	s10 =	simm.s32 $0xE400;
	[sflag:s2] =	ssyncadd.s32 $0xFFFFFE00  }
0x2f9: {  	_ =	sfence.sel $0x180000  }
0x2fa: {  	[bflag:$0x0] =	sbarrier.arrive $0xFFFF  }
0x2fb: {  	_ =	strace $0x90000047  }
0x2fc: {  	s0 =	stileid.u32;
	[bflag:$0x2] =	sbarrier.arrive $0xFFFF  }
0x2fd: {  	p0 =	sne.s32 s0, $0x0;
	s0 =	rddreg [dreg:$0x4]  }
0x2fe: {  	s0 =	sadd.s32 @!p0 $0x100000, s0  }
0x2ff: {  	[sflag:s0] =	ssyncadd.tile.s32 @!p0 $0x1;
	_ =	shalt  }
.Lfunc_end2:
_tile_overlayer_lowered:
.L_overlay_start_2:
0x300: {  	(tag) =	ssettag $0x2  }
0x301: {  	s0 =	rddreg [dreg:$0x0];
	s2 =	stileid.u32  }
0x302: {  	s1 =	rddreg [dreg:$0x1];
	p0 =	sne.s32 s2, $0x0  }
0x303: {  	s3 =	rddreg [dreg:$0x2];
	[bflag:$0x3] =	sbarrier.arrive $0xFFFF;
	s2 =	simm.s32 @!p0 $0x1C09  }
0x304: {  	[timem:s3], [sflag:s2] =	dma.local @!p0 [hbm:s0], s1  }
0x305: {  	s0 =	simm.s32 @!p0 $0x9  }
0x306: {  	_ =	swait.ge @!p0 [sflag:s0], s1  }
0x307: {  	s1 =	ssub.s32 @!p0 $0x0, s1;
	[sflag:s0] =	ssyncset.done @!p0 $0x0  }
0x308: {  	[sflag:s0] =	ssyncadd.s32 @!p0 s1  }
0x309: {  	[bflag:$0x3] =	sbarrier.arrive $0xFFFF  }
0x30a: {  	_ =	shalt  }

</sc_bundles>
